<compile_context>
chip_gen: v7x
topology: tpu7x:2x2x1
jax: 0.10.2.dev20260603
libtpu: 0.0.44.dev20260713+nightly
codegen_flags: <defaults>
</compile_context>

<pallas_src>
import functools

import jax
import jax.numpy as jnp
from jax import lax
from jax.experimental import pallas as pl
from jax.experimental.pallas import tpu as pltpu
from jax.experimental.pallas import tpu_sc as plsc

N_VOCAB = 49408
N_EMBD = 768
N_TOKENS = 77
BATCH = 1024

_LANES = 16
_NW = 32
_B = BATCH // _NW
_VECS = N_EMBD // _LANES
_NB = 4
_NGRP = 19


def _sc_kernel(table_hbm, tok_hbm, pos_hbm, out_hbm,
               idxT_v, pos_sh, b0, b1, b2, b3, p0, p1, p2, p3,
               sg0, sg1, sg2, sg3, sc0, sc1, sc2, sc3,
               sp0, sp1, sp2, sp3):
    bufs = (b0, b1, b2, b3)
    prs = (p0, p1, p2, p3)
    sgs = (sg0, sg1, sg2, sg3)
    scs = (sc0, sc1, sc2, sc3)
    sps = (sp0, sp1, sp2, sp3)

    sid = lax.axis_index("s")
    wid = sid * 2 + lax.axis_index("c")
    bat0 = wid * _B

    pltpu.sync_copy(tok_hbm.at[pl.ds(wid * _B * N_TOKENS, _B * N_TOKENS)],
                    idxT_v)

    @pl.when(sid == 0)
    def _():
        pltpu.sync_copy(pos_hbm, pos_sh)
    plsc.subcore_barrier()

    def g_desc(t, beta):
        return pltpu.make_async_copy(
            table_hbm.at[idxT_v.at[pl.ds(t * _B, _B)]], bufs[beta],
            sgs[beta])

    def p_desc(t, beta):
        return pltpu.make_async_copy(
            pos_sh.at[pl.ds(t * N_EMBD, N_EMBD)], prs[beta], sps[beta])

    def co_desc(t, beta):
        return pltpu.make_async_copy(
            bufs[beta], out_hbm.at[t, pl.ds(bat0, _B), :], scs[beta])

    def issue(t, beta):
        g_desc(t, beta).start()
        p_desc(t, beta).start()

    def consume(t, beta):
        g_desc(t, beta).wait()
        p_desc(t, beta).wait()
        buf, pr = bufs[beta], prs[beta]

        def addvec(j, carry):
            pvec = pr[pl.ds(j * _LANES, _LANES)]
            for i in range(_B):
                plsc.addupdate(buf.at[i, pl.ds(j * _LANES, _LANES)], pvec)
            return carry
        lax.fori_loop(0, _VECS, addvec, 0, unroll=2)
        co_desc(t, beta).start()

    issue(0, 0)
    issue(1, 1)

    def grp(g, carry):
        for beta in range(_NB):
            m = g * _NB + beta
            nb = (beta + 2) % _NB
            if beta < 2:
                @pl.when(g > 0)
                def _():
                    co_desc(m - 2, nb).wait()
                issue(m + 2, nb)
            elif beta == 2:
                co_desc(m - 2, nb).wait()
                issue(m + 2, nb)
            else:
                co_desc(m - 2, nb).wait()
                @pl.when(g < _NGRP - 1)
                def _():
                    issue(m + 2, nb)
            consume(m, beta)
        return carry

    lax.fori_loop(0, _NGRP, grp, 0)

    co_desc(74, 2).wait()
    consume(76, 0)
    co_desc(75, 3).wait()
    co_desc(76, 0).wait()


def kernel(tokens, token_embedding, position_embedding):
    mesh = plsc.VectorSubcoreMesh(core_axis_name="c", subcore_axis_name="s")
    run = functools.partial(
        pl.kernel,
        mesh=mesh,
        out_type=jax.ShapeDtypeStruct((N_TOKENS, BATCH, N_EMBD),
                                      jnp.float32),
        scratch_types=[
            pltpu.VMEM((_B * N_TOKENS,), jnp.int32),
            pltpu.VMEM_SHARED((N_TOKENS * N_EMBD,), jnp.float32),
        ] + [pltpu.VMEM((_B, N_EMBD), jnp.float32)] * _NB
          + [pltpu.VMEM((N_EMBD,), jnp.float32)] * _NB
          + [pltpu.SemaphoreType.DMA] * (3 * _NB),
    )(_sc_kernel)
    tokT = jnp.transpose(tokens.reshape(_NW, _B, N_TOKENS),
                         (0, 2, 1)).reshape(-1)
    out3 = run(token_embedding, tokT, position_embedding.reshape(-1))
    return jnp.transpose(out3, (1, 0, 2))

# --- scband reference (transcript-rebuilt; emitter-appended) ---
"""Pipeline reference for scband-clipembedding-23038204576369 (READ-ONLY COPY).

The authoritative reference and input builder live on the scoring server;
editing this copy changes nothing except your own understanding.
"""

import jax, jax.numpy as jnp
import numpy as np

N_VOCAB = 49408
N_EMBD = 768
N_TOKENS = 77
BATCH = 1024

def setup_inputs(seed: int = 0) -> dict:
    key = jax.random.key(seed)
    k_tok, k_tab, k_pos = jax.random.split(key, 3)
    tokens = jax.random.randint(k_tok, (BATCH, N_TOKENS), 0, N_VOCAB, dtype=jnp.int64 if jax.config.jax_enable_x64 else jnp.int32).astype(jnp.int32)
    token_embedding = jax.random.normal(k_tab, (N_VOCAB, N_EMBD), dtype=jnp.float32) * 0.02
    position_embedding = jnp.zeros((N_TOKENS, N_EMBD), dtype=jnp.float32)
    return {"tokens": tokens, "token_embedding": token_embedding, "position_embedding": position_embedding}

def reference(tokens, token_embedding, position_embedding):
    # x = self.token_embedding(tokens)
    x = jnp.take(token_embedding, tokens, axis=0)
    # x += self.position_embedding (broadcast over batch)
    x = x + position_embedding
    return x

if __name__ == "__main__":
    import jax
    _d = setup_inputs()
    print(jax.jit(kernel)(*tuple(_d.values())))

</pallas_src>

<mosaic_0001>
#map = affine_map<(d0, d1) -> (0, 0)>
#map1 = affine_map<(d0, d1) -> (0)>
#map2 = affine_map<(d0, d1) -> (0, 0, 0)>
module attributes {stable_mosaic.version = 14 : i64} {
  func.func @_sc_kernel(%arg0: i32, %arg1: i32, %arg2: memref<49408x768xf32, #tpu.memory_space<hbm>>, %arg3: memref<78848xi32, #tpu.memory_space<hbm>>, %arg4: memref<59136xf32, #tpu.memory_space<hbm>>, %arg5: memref<77x1024x768xf32, #tpu.memory_space<hbm>>, %arg6: memref<2464xi32, #tpu.memory_space<vmem>>, %arg7: memref<59136xf32, #tpu.memory_space<vmem_shared>>, %arg8: memref<32x768xf32, #tpu.memory_space<vmem>>, %arg9: memref<32x768xf32, #tpu.memory_space<vmem>>, %arg10: memref<32x768xf32, #tpu.memory_space<vmem>>, %arg11: memref<32x768xf32, #tpu.memory_space<vmem>>, %arg12: memref<768xf32, #tpu.memory_space<vmem>>, %arg13: memref<768xf32, #tpu.memory_space<vmem>>, %arg14: memref<768xf32, #tpu.memory_space<vmem>>, %arg15: memref<768xf32, #tpu.memory_space<vmem>>, %arg16: memref<!tpu.dma_semaphore, #tpu.memory_space<semaphore_mem>>, %arg17: memref<!tpu.dma_semaphore, #tpu.memory_space<semaphore_mem>>, %arg18: memref<!tpu.dma_semaphore, #tpu.memory_space<semaphore_mem>>, %arg19: memref<!tpu.dma_semaphore, #tpu.memory_space<semaphore_mem>>, %arg20: memref<!tpu.dma_semaphore, #tpu.memory_space<semaphore_mem>>, %arg21: memref<!tpu.dma_semaphore, #tpu.memory_space<semaphore_mem>>, %arg22: memref<!tpu.dma_semaphore, #tpu.memory_space<semaphore_mem>>, %arg23: memref<!tpu.dma_semaphore, #tpu.memory_space<semaphore_mem>>, %arg24: memref<!tpu.dma_semaphore, #tpu.memory_space<semaphore_mem>>, %arg25: memref<!tpu.dma_semaphore, #tpu.memory_space<semaphore_mem>>, %arg26: memref<!tpu.dma_semaphore, #tpu.memory_space<semaphore_mem>>, %arg27: memref<!tpu.dma_semaphore, #tpu.memory_space<semaphore_mem>>) attributes {dimension_semantics = [#tpu.dimension_semantics<core_parallel>, #tpu.dimension_semantics<subcore_parallel>], iteration_bounds = array<i64: 2, 16>, scalar_prefetch = 0 : i64, scratch_operands = 22 : i64, tpu.core_type = #tpu.core_type<sc_vector_subcore>, window_params = [{transform_indices = #map}, {transform_indices = #map1}, {transform_indices = #map1}, {transform_indices = #map2}]} {
    %mul3A = arith.constant 2 : i32
    %mul3A_0 = arith.muli %arg1, %mul3A : i32
    %add3A = arith.addi %mul3A_0, %arg0 : i32
    %mul3A_1 = arith.constant 32 : i32
    %mul3A_2 = arith.muli %add3A, %mul3A_1 : i32
    %mul3A_3 = arith.constant 32 : i32
    %mul3A_4 = arith.muli %add3A, %mul3A_3 : i32
    %mul3A_5 = arith.constant 77 : i32
    %mul3A_6 = arith.muli %mul3A_4, %mul3A_5 : i32
    "tpu.region"() ({
      %run_scoped3A = tpu.sem_alloc : memref<!tpu.dma_semaphore, #tpu.memory_space<semaphore_mem>>
      %dma_start3A_73 = tpu.memref_slice %arg3[%mul3A_6] : memref<78848xi32, #tpu.memory_space<hbm>> -> memref<2464xi32, #tpu.memory_space<hbm>>
      %dma_start3A_74 = tpu.memref_slice %arg3[%mul3A_6] : memref<78848xi32, #tpu.memory_space<hbm>> -> memref<2464xi32, #tpu.memory_space<hbm>>
      tpu.enqueue_dma source(%dma_start3A_74 : memref<2464xi32, #tpu.memory_space<hbm>>) target(%arg6 : memref<2464xi32, #tpu.memory_space<vmem>>) target_semaphore(%run_scoped3A : memref<!tpu.dma_semaphore, #tpu.memory_space<semaphore_mem>>)
      %dma_wait3A_75 = tpu.memref_slice %arg3[%mul3A_6] : memref<78848xi32, #tpu.memory_space<hbm>> -> memref<2464xi32, #tpu.memory_space<hbm>>
      %dma_wait3A_76 = tpu.memref_slice %arg3[%mul3A_6] : memref<78848xi32, #tpu.memory_space<hbm>> -> memref<2464xi32, #tpu.memory_space<hbm>>
      tpu.wait_dma2 semaphore(%run_scoped3A : memref<!tpu.dma_semaphore, #tpu.memory_space<semaphore_mem>>) src(%dma_wait3A_76 : memref<2464xi32, #tpu.memory_space<hbm>>) dst(%arg6 : memref<2464xi32, #tpu.memory_space<vmem>>)
      tpu.yield
    }) : () -> ()
    %eq3A = arith.constant 0 : i32
    %eq3A_7 = arith.cmpi eq, %arg1, %eq3A : i32
    %convert_element_type3A = arith.extui %eq3A_7 : i1 to i32
    %cond3A = arith.constant 0 : i32
    %cond3A_8 = arith.cmpi ne, %convert_element_type3A, %cond3A : i32
    scf.if %cond3A_8 {
      "tpu.region"() ({
        %run_scoped3A = tpu.sem_alloc : memref<!tpu.dma_semaphore, #tpu.memory_space<semaphore_mem>>
        tpu.enqueue_dma source(%arg4 : memref<59136xf32, #tpu.memory_space<hbm>>) target(%arg7 : memref<59136xf32, #tpu.memory_space<vmem_shared>>) target_semaphore(%run_scoped3A : memref<!tpu.dma_semaphore, #tpu.memory_space<semaphore_mem>>)
        tpu.wait_dma2 semaphore(%run_scoped3A : memref<!tpu.dma_semaphore, #tpu.memory_space<semaphore_mem>>) src(%arg4 : memref<59136xf32, #tpu.memory_space<hbm>>) dst(%arg7 : memref<59136xf32, #tpu.memory_space<vmem_shared>>)
        tpu.yield
      }) : () -> ()
    } else {
    }
    %barrier3A = arith.constant 0 : index
    tpu.barrier barrier_id(%barrier3A)
    %dma_start3A = arith.constant 0 : i32
    %dma_start3A_9 = tpu.memref_slice %arg6[%dma_start3A] : memref<2464xi32, #tpu.memory_space<vmem>> -> memref<32xi32, #tpu.memory_space<vmem>>
    %dma_start3A_10 = arith.constant 0 : i32
    %dma_start3A_11 = arith.constant 0 : i32
    %dma_start3A_12 = tpu.memref_slice %arg2[%dma_start3A_10, %dma_start3A_11] : memref<49408x768xf32, #tpu.memory_space<hbm>> -> memref<49408x768xf32, #tpu.memory_space<hbm>>
    tpu.enqueue_indirect_dma source(%dma_start3A_12 : memref<49408x768xf32, #tpu.memory_space<hbm>>) target(%arg8 : memref<32x768xf32, #tpu.memory_space<vmem>>) offsets(%dma_start3A_9 : memref<32xi32, #tpu.memory_space<vmem>>) semaphore(%arg16 : memref<!tpu.dma_semaphore, #tpu.memory_space<semaphore_mem>>)
    %dma_start3A_13 = arith.constant 0 : i32
    %dma_start3A_14 = tpu.memref_slice %arg7[%dma_start3A_13] : memref<59136xf32, #tpu.memory_space<vmem_shared>> -> memref<768xf32, #tpu.memory_space<vmem_shared>>
    %dma_start3A_15 = arith.constant 0 : i32
    %dma_start3A_16 = tpu.memref_slice %arg7[%dma_start3A_15] : memref<59136xf32, #tpu.memory_space<vmem_shared>> -> memref<768xf32, #tpu.memory_space<vmem_shared>>
    tpu.enqueue_dma source(%dma_start3A_16 : memref<768xf32, #tpu.memory_space<vmem_shared>>) target(%arg12 : memref<768xf32, #tpu.memory_space<vmem>>) target_semaphore(%arg24 : memref<!tpu.dma_semaphore, #tpu.memory_space<semaphore_mem>>)
    %dma_start3A_17 = arith.constant 32 : i32
    %dma_start3A_18 = tpu.memref_slice %arg6[%dma_start3A_17] : memref<2464xi32, #tpu.memory_space<vmem>> -> memref<32xi32, #tpu.memory_space<vmem>>
    %dma_start3A_19 = arith.constant 0 : i32
    %dma_start3A_20 = arith.constant 0 : i32
    %dma_start3A_21 = tpu.memref_slice %arg2[%dma_start3A_19, %dma_start3A_20] : memref<49408x768xf32, #tpu.memory_space<hbm>> -> memref<49408x768xf32, #tpu.memory_space<hbm>>
    tpu.enqueue_indirect_dma source(%dma_start3A_21 : memref<49408x768xf32, #tpu.memory_space<hbm>>) target(%arg9 : memref<32x768xf32, #tpu.memory_space<vmem>>) offsets(%dma_start3A_18 : memref<32xi32, #tpu.memory_space<vmem>>) semaphore(%arg17 : memref<!tpu.dma_semaphore, #tpu.memory_space<semaphore_mem>>)
    %dma_start3A_22 = arith.constant 768 : i32
    %dma_start3A_23 = tpu.memref_slice %arg7[%dma_start3A_22] : memref<59136xf32, #tpu.memory_space<vmem_shared>> -> memref<768xf32, #tpu.memory_space<vmem_shared>>
    %dma_start3A_24 = arith.constant 768 : i32
    %dma_start3A_25 = tpu.memref_slice %arg7[%dma_start3A_24] : memref<59136xf32, #tpu.memory_space<vmem_shared>> -> memref<768xf32, #tpu.memory_space<vmem_shared>>
    tpu.enqueue_dma source(%dma_start3A_25 : memref<768xf32, #tpu.memory_space<vmem_shared>>) target(%arg13 : memref<768xf32, #tpu.memory_space<vmem>>) target_semaphore(%arg25 : memref<!tpu.dma_semaphore, #tpu.memory_space<semaphore_mem>>)
    %scan3A = arith.constant 0 : i32
    %scan3A_26 = arith.constant 0 : i32
    %scan3A_27 = arith.constant 19 : i32
    %scan3A_28 = arith.addi %scan3A_26, %scan3A_27 : i32
    %scan3A_29 = arith.constant 1 : i32
    scf.for %scan3A_73 = %scan3A_26 to %scan3A_28 step %scan3A_29  : i32 {
      %mul3A_74 = arith.constant 4 : i32
      %mul3A_75 = arith.muli %scan3A_73, %mul3A_74 : i32
      %add3A_76 = arith.constant 0 : i32
      %add3A_77 = arith.addi %mul3A_75, %add3A_76 : i32
      %gt3A = arith.constant 0 : i32
      %gt3A_78 = arith.cmpi sgt, %scan3A_73, %gt3A : i32
      %convert_element_type3A_79 = arith.extui %gt3A_78 : i1 to i32
      %cond3A_80 = arith.constant 0 : i32
      %cond3A_81 = arith.cmpi ne, %convert_element_type3A_79, %cond3A_80 : i32
      scf.if %cond3A_81 {
        %sub3A_242 = arith.constant 2 : i32
        %sub3A_243 = arith.subi %add3A_77, %sub3A_242 : i32
        %dma_wait3A_244 = arith.constant 0 : i32
        %dma_wait3A_245 = tpu.memref_slice %arg5[%sub3A_243, %mul3A_2, %dma_wait3A_244] : memref<77x1024x768xf32, #tpu.memory_space<hbm>> -> memref<1x32x768xf32, #tpu.memory_space<hbm>>
        %dma_wait3A_246 = tpu.memref_squeeze %dma_wait3A_245 : memref<1x32x768xf32, #tpu.memory_space<hbm>> -> memref<32x768xf32, #tpu.memory_space<hbm>>
        %dma_wait3A_247 = arith.constant 0 : i32
        %dma_wait3A_248 = tpu.memref_slice %arg5[%sub3A_243, %mul3A_2, %dma_wait3A_247] : memref<77x1024x768xf32, #tpu.memory_space<hbm>> -> memref<1x32x768xf32, #tpu.memory_space<hbm>>
        %dma_wait3A_249 = tpu.memref_squeeze %dma_wait3A_248 : memref<1x32x768xf32, #tpu.memory_space<hbm>> -> memref<32x768xf32, #tpu.memory_space<hbm>>
        tpu.wait_dma2 semaphore(%arg22 : memref<!tpu.dma_semaphore, #tpu.memory_space<semaphore_mem>>) src(%arg10 : memref<32x768xf32, #tpu.memory_space<vmem>>) dst(%dma_wait3A_249 : memref<32x768xf32, #tpu.memory_space<hbm>>)
      } else {
      }
      %add3A_82 = arith.constant 2 : i32
      %add3A_83 = arith.addi %add3A_77, %add3A_82 : i32
      %mul3A_84 = arith.constant 32 : i32
      %mul3A_85 = arith.muli %add3A_83, %mul3A_84 : i32
      %dma_start3A_86 = tpu.memref_slice %arg6[%mul3A_85] : memref<2464xi32, #tpu.memory_space<vmem>> -> memref<32xi32, #tpu.memory_space<vmem>>
      %dma_start3A_87 = arith.constant 0 : i32
      %dma_start3A_88 = arith.constant 0 : i32
      %dma_start3A_89 = tpu.memref_slice %arg2[%dma_start3A_87, %dma_start3A_88] : memref<49408x768xf32, #tpu.memory_space<hbm>> -> memref<49408x768xf32, #tpu.memory_space<hbm>>
      tpu.enqueue_indirect_dma source(%dma_start3A_89 : memref<49408x768xf32, #tpu.memory_space<hbm>>) target(%arg10 : memref<32x768xf32, #tpu.memory_space<vmem>>) offsets(%dma_start3A_86 : memref<32xi32, #tpu.memory_space<vmem>>) semaphore(%arg18 : memref<!tpu.dma_semaphore, #tpu.memory_space<semaphore_mem>>)
      %mul3A_90 = arith.constant 768 : i32
      %mul3A_91 = arith.muli %add3A_83, %mul3A_90 : i32
      %dma_start3A_92 = tpu.memref_slice %arg7[%mul3A_91] : memref<59136xf32, #tpu.memory_space<vmem_shared>> -> memref<768xf32, #tpu.memory_space<vmem_shared>>
      %dma_start3A_93 = tpu.memref_slice %arg7[%mul3A_91] : memref<59136xf32, #tpu.memory_space<vmem_shared>> -> memref<768xf32, #tpu.memory_space<vmem_shared>>
      tpu.enqueue_dma source(%dma_start3A_93 : memref<768xf32, #tpu.memory_space<vmem_shared>>) target(%arg14 : memref<768xf32, #tpu.memory_space<vmem>>) target_semaphore(%arg26 : memref<!tpu.dma_semaphore, #tpu.memory_space<semaphore_mem>>)
      %mul3A_94 = arith.constant 32 : i32
      %mul3A_95 = arith.muli %add3A_77, %mul3A_94 : i32
      %dma_wait3A_96 = tpu.memref_slice %arg6[%mul3A_95] : memref<2464xi32, #tpu.memory_space<vmem>> -> memref<32xi32, #tpu.memory_space<vmem>>
      %dma_wait3A_97 = arith.constant 0 : i32
      %dma_wait3A_98 = arith.constant 0 : i32
      %dma_wait3A_99 = tpu.memref_slice %arg2[%dma_wait3A_97, %dma_wait3A_98] : memref<49408x768xf32, #tpu.memory_space<hbm>> -> memref<49408x768xf32, #tpu.memory_space<hbm>>
      tpu.wait_indirect_dma semaphore(%arg16 : memref<!tpu.dma_semaphore, #tpu.memory_space<semaphore_mem>>) src(%dma_wait3A_99 : memref<49408x768xf32, #tpu.memory_space<hbm>>) dst(%arg8 : memref<32x768xf32, #tpu.memory_space<vmem>>)
      %mul3A_100 = arith.constant 768 : i32
      %mul3A_101 = arith.muli %add3A_77, %mul3A_100 : i32
      %dma_wait3A_102 = tpu.memref_slice %arg7[%mul3A_101] : memref<59136xf32, #tpu.memory_space<vmem_shared>> -> memref<768xf32, #tpu.memory_space<vmem_shared>>
      %dma_wait3A_103 = tpu.memref_slice %arg7[%mul3A_101] : memref<59136xf32, #tpu.memory_space<vmem_shared>> -> memref<768xf32, #tpu.memory_space<vmem_shared>>
      tpu.wait_dma2 semaphore(%arg24 : memref<!tpu.dma_semaphore, #tpu.memory_space<semaphore_mem>>) src(%dma_wait3A_103 : memref<768xf32, #tpu.memory_space<vmem_shared>>) dst(%arg12 : memref<768xf32, #tpu.memory_space<vmem>>)
      %scan3A_104 = arith.constant 0 : i32
      %scan3A_105 = arith.constant 0 : i32
      %scan3A_106 = arith.constant 48 : i32
      %scan3A_107 = arith.addi %scan3A_105, %scan3A_106 : i32
      %scan3A_108 = arith.constant 2 : i32
      scf.for %scan3A_242 = %scan3A_105 to %scan3A_107 step %scan3A_108  : i32 {
        %mul3A_243 = arith.constant 16 : i32
        %mul3A_244 = arith.muli %scan3A_242, %mul3A_243 : i32
        %get3A = arith.index_cast %mul3A_244 : i32 to index
        %get3A_245 = tpu.vector_load %arg12[%get3A] {strides = array<i32>} : memref<768xf32, #tpu.memory_space<vmem>>, vector<16xf32>,
        %get3A_246 = vector.shape_cast %get3A_245 : vector<16xf32> to vector<16xf32>
        %mul3A_247 = arith.constant 16 : i32
        %mul3A_248 = arith.muli %scan3A_242, %mul3A_247 : i32
        %swap3A = arith.constant 0 : i32
        %swap3A_249 = arith.index_cast %swap3A : i32 to index
        %swap3A_250 = arith.index_cast %mul3A_248 : i32 to index
        %swap3A_251 = tpu.vector_load %arg8[%swap3A_249, %swap3A_250] {strides = array<i32>} : memref<32x768xf32, #tpu.memory_space<vmem>>, vector<1x16xf32>,
        %swap3A_252 = vector.shape_cast %swap3A_251 : vector<1x16xf32> to vector<16xf32>
        %swap3A_253 = vector.shape_cast %get3A_246 : vector<16xf32> to vector<1x16xf32>
        tpu.vector_store %arg8[%swap3A_249, %swap3A_250], %swap3A_253 {add = true, strides = array<i32>} : memref<32x768xf32, #tpu.memory_space<vmem>>, vector<1x16xf32>,
        %mul3A_254 = arith.constant 16 : i32
        %mul3A_255 = arith.muli %scan3A_242, %mul3A_254 : i32
        %swap3A_256 = arith.constant 1 : i32
        %swap3A_257 = arith.index_cast %swap3A_256 : i32 to index
        %swap3A_258 = arith.index_cast %mul3A_255 : i32 to index
        %swap3A_259 = tpu.vector_load %arg8[%swap3A_257, %swap3A_258] {strides = array<i32>} : memref<32x768xf32, #tpu.memory_space<vmem>>, vector<1x16xf32>,
        %swap3A_260 = vector.shape_cast %swap3A_259 : vector<1x16xf32> to vector<16xf32>
        %swap3A_261 = vector.shape_cast %get3A_246 : vector<16xf32> to vector<1x16xf32>
        tpu.vector_store %arg8[%swap3A_257, %swap3A_258], %swap3A_261 {add = true, strides = array<i32>} : memref<32x768xf32, #tpu.memory_space<vmem>>, vector<1x16xf32>,
        %mul3A_262 = arith.constant 16 : i32
        %mul3A_263 = arith.muli %scan3A_242, %mul3A_262 : i32
        %swap3A_264 = arith.constant 2 : i32
        %swap3A_265 = arith.index_cast %swap3A_264 : i32 to index
        %swap3A_266 = arith.index_cast %mul3A_263 : i32 to index
        %swap3A_267 = tpu.vector_load %arg8[%swap3A_265, %swap3A_266] {strides = array<i32>} : memref<32x768xf32, #tpu.memory_space<vmem>>, vector<1x16xf32>,
        %swap3A_268 = vector.shape_cast %swap3A_267 : vector<1x16xf32> to vector<16xf32>
        %swap3A_269 = vector.shape_cast %get3A_246 : vector<16xf32> to vector<1x16xf32>
        tpu.vector_store %arg8[%swap3A_265, %swap3A_266], %swap3A_269 {add = true, strides = array<i32>} : memref<32x768xf32, #tpu.memory_space<vmem>>, vector<1x16xf32>,
        %mul3A_270 = arith.constant 16 : i32
        %mul3A_271 = arith.muli %scan3A_242, %mul3A_270 : i32
        %swap3A_272 = arith.constant 3 : i32
        %swap3A_273 = arith.index_cast %swap3A_272 : i32 to index
        %swap3A_274 = arith.index_cast %mul3A_271 : i32 to index
        %swap3A_275 = tpu.vector_load %arg8[%swap3A_273, %swap3A_274] {strides = array<i32>} : memref<32x768xf32, #tpu.memory_space<vmem>>, vector<1x16xf32>,
        %swap3A_276 = vector.shape_cast %swap3A_275 : vector<1x16xf32> to vector<16xf32>
        %swap3A_277 = vector.shape_cast %get3A_246 : vector<16xf32> to vector<1x16xf32>
        tpu.vector_store %arg8[%swap3A_273, %swap3A_274], %swap3A_277 {add = true, strides = array<i32>} : memref<32x768xf32, #tpu.memory_space<vmem>>, vector<1x16xf32>,
        %mul3A_278 = arith.constant 16 : i32
        %mul3A_279 = arith.muli %scan3A_242, %mul3A_278 : i32
        %swap3A_280 = arith.constant 4 : i32
        %swap3A_281 = arith.index_cast %swap3A_280 : i32 to index
        %swap3A_282 = arith.index_cast %mul3A_279 : i32 to index
        %swap3A_283 = tpu.vector_load %arg8[%swap3A_281, %swap3A_282] {strides = array<i32>} : memref<32x768xf32, #tpu.memory_space<vmem>>, vector<1x16xf32>,
        %swap3A_284 = vector.shape_cast %swap3A_283 : vector<1x16xf32> to vector<16xf32>
        %swap3A_285 = vector.shape_cast %get3A_246 : vector<16xf32> to vector<1x16xf32>
        tpu.vector_store %arg8[%swap3A_281, %swap3A_282], %swap3A_285 {add = true, strides = array<i32>} : memref<32x768xf32, #tpu.memory_space<vmem>>, vector<1x16xf32>,
        %mul3A_286 = arith.constant 16 : i32
        %mul3A_287 = arith.muli %scan3A_242, %mul3A_286 : i32
        %swap3A_288 = arith.constant 5 : i32
        %swap3A_289 = arith.index_cast %swap3A_288 : i32 to index
        %swap3A_290 = arith.index_cast %mul3A_287 : i32 to index
        %swap3A_291 = tpu.vector_load %arg8[%swap3A_289, %swap3A_290] {strides = array<i32>} : memref<32x768xf32, #tpu.memory_space<vmem>>, vector<1x16xf32>,
        %swap3A_292 = vector.shape_cast %swap3A_291 : vector<1x16xf32> to vector<16xf32>
        %swap3A_293 = vector.shape_cast %get3A_246 : vector<16xf32> to vector<1x16xf32>
        tpu.vector_store %arg8[%swap3A_289, %swap3A_290], %swap3A_293 {add = true, strides = array<i32>} : memref<32x768xf32, #tpu.memory_space<vmem>>, vector<1x16xf32>,
        %mul3A_294 = arith.constant 16 : i32
        %mul3A_295 = arith.muli %scan3A_242, %mul3A_294 : i32
        %swap3A_296 = arith.constant 6 : i32
        %swap3A_297 = arith.index_cast %swap3A_296 : i32 to index
        %swap3A_298 = arith.index_cast %mul3A_295 : i32 to index
        %swap3A_299 = tpu.vector_load %arg8[%swap3A_297, %swap3A_298] {strides = array<i32>} : memref<32x768xf32, #tpu.memory_space<vmem>>, vector<1x16xf32>,
        %swap3A_300 = vector.shape_cast %swap3A_299 : vector<1x16xf32> to vector<16xf32>
        %swap3A_301 = vector.shape_cast %get3A_246 : vector<16xf32> to vector<1x16xf32>
        tpu.vector_store %arg8[%swap3A_297, %swap3A_298], %swap3A_301 {add = true, strides = array<i32>} : memref<32x768xf32, #tpu.memory_space<vmem>>, vector<1x16xf32>,
        %mul3A_302 = arith.constant 16 : i32
        %mul3A_303 = arith.muli %scan3A_242, %mul3A_302 : i32
        %swap3A_304 = arith.constant 7 : i32
        %swap3A_305 = arith.index_cast %swap3A_304 : i32 to index
        %swap3A_306 = arith.index_cast %mul3A_303 : i32 to index
        %swap3A_307 = tpu.vector_load %arg8[%swap3A_305, %swap3A_306] {strides = array<i32>} : memref<32x768xf32, #tpu.memory_space<vmem>>, vector<1x16xf32>,
        %swap3A_308 = vector.shape_cast %swap3A_307 : vector<1x16xf32> to vector<16xf32>
        %swap3A_309 = vector.shape_cast %get3A_246 : vector<16xf32> to vector<1x16xf32>
        tpu.vector_store %arg8[%swap3A_305, %swap3A_306], %swap3A_309 {add = true, strides = array<i32>} : memref<32x768xf32, #tpu.memory_space<vmem>>, vector<1x16xf32>,
        %mul3A_310 = arith.constant 16 : i32
        %mul3A_311 = arith.muli %scan3A_242, %mul3A_310 : i32
        %swap3A_312 = arith.constant 8 : i32
        %swap3A_313 = arith.index_cast %swap3A_312 : i32 to index
        %swap3A_314 = arith.index_cast %mul3A_311 : i32 to index
        %swap3A_315 = tpu.vector_load %arg8[%swap3A_313, %swap3A_314] {strides = array<i32>} : memref<32x768xf32, #tpu.memory_space<vmem>>, vector<1x16xf32>,
        %swap3A_316 = vector.shape_cast %swap3A_315 : vector<1x16xf32> to vector<16xf32>
        %swap3A_317 = vector.shape_cast %get3A_246 : vector<16xf32> to vector<1x16xf32>
        tpu.vector_store %arg8[%swap3A_313, %swap3A_314], %swap3A_317 {add = true, strides = array<i32>} : memref<32x768xf32, #tpu.memory_space<vmem>>, vector<1x16xf32>,
        %mul3A_318 = arith.constant 16 : i32
        %mul3A_319 = arith.muli %scan3A_242, %mul3A_318 : i32
        %swap3A_320 = arith.constant 9 : i32
        %swap3A_321 = arith.index_cast %swap3A_320 : i32 to index
        %swap3A_322 = arith.index_cast %mul3A_319 : i32 to index
        %swap3A_323 = tpu.vector_load %arg8[%swap3A_321, %swap3A_322] {strides = array<i32>} : memref<32x768xf32, #tpu.memory_space<vmem>>, vector<1x16xf32>,
        %swap3A_324 = vector.shape_cast %swap3A_323 : vector<1x16xf32> to vector<16xf32>
        %swap3A_325 = vector.shape_cast %get3A_246 : vector<16xf32> to vector<1x16xf32>
        tpu.vector_store %arg8[%swap3A_321, %swap3A_322], %swap3A_325 {add = true, strides = array<i32>} : memref<32x768xf32, #tpu.memory_space<vmem>>, vector<1x16xf32>,
        %mul3A_326 = arith.constant 16 : i32
        %mul3A_327 = arith.muli %scan3A_242, %mul3A_326 : i32
        %swap3A_328 = arith.constant 10 : i32
        %swap3A_329 = arith.index_cast %swap3A_328 : i32 to index
        %swap3A_330 = arith.index_cast %mul3A_327 : i32 to index
        %swap3A_331 = tpu.vector_load %arg8[%swap3A_329, %swap3A_330] {strides = array<i32>} : memref<32x768xf32, #tpu.memory_space<vmem>>, vector<1x16xf32>,
        %swap3A_332 = vector.shape_cast %swap3A_331 : vector<1x16xf32> to vector<16xf32>
        %swap3A_333 = vector.shape_cast %get3A_246 : vector<16xf32> to vector<1x16xf32>
        tpu.vector_store %arg8[%swap3A_329, %swap3A_330], %swap3A_333 {add = true, strides = array<i32>} : memref<32x768xf32, #tpu.memory_space<vmem>>, vector<1x16xf32>,
        %mul3A_334 = arith.constant 16 : i32
        %mul3A_335 = arith.muli %scan3A_242, %mul3A_334 : i32
        %swap3A_336 = arith.constant 11 : i32
        %swap3A_337 = arith.index_cast %swap3A_336 : i32 to index
        %swap3A_338 = arith.index_cast %mul3A_335 : i32 to index
        %swap3A_339 = tpu.vector_load %arg8[%swap3A_337, %swap3A_338] {strides = array<i32>} : memref<32x768xf32, #tpu.memory_space<vmem>>, vector<1x16xf32>,
        %swap3A_340 = vector.shape_cast %swap3A_339 : vector<1x16xf32> to vector<16xf32>
        %swap3A_341 = vector.shape_cast %get3A_246 : vector<16xf32> to vector<1x16xf32>
        tpu.vector_store %arg8[%swap3A_337, %swap3A_338], %swap3A_341 {add = true, strides = array<i32>} : memref<32x768xf32, #tpu.memory_space<vmem>>, vector<1x16xf32>,
        %mul3A_342 = arith.constant 16 : i32
        %mul3A_343 = arith.muli %scan3A_242, %mul3A_342 : i32
        %swap3A_344 = arith.constant 12 : i32
        %swap3A_345 = arith.index_cast %swap3A_344 : i32 to index
        %swap3A_346 = arith.index_cast %mul3A_343 : i32 to index
        %swap3A_347 = tpu.vector_load %arg8[%swap3A_345, %swap3A_346] {strides = array<i32>} : memref<32x768xf32, #tpu.memory_space<vmem>>, vector<1x16xf32>,
        %swap3A_348 = vector.shape_cast %swap3A_347 : vector<1x16xf32> to vector<16xf32>
        %swap3A_349 = vector.shape_cast %get3A_246 : vector<16xf32> to vector<1x16xf32>
        tpu.vector_store %arg8[%swap3A_345, %swap3A_346], %swap3A_349 {add = true, strides = array<i32>} : memref<32x768xf32, #tpu.memory_space<vmem>>, vector<1x16xf32>,
        %mul3A_350 = arith.constant 16 : i32
        %mul3A_351 = arith.muli %scan3A_242, %mul3A_350 : i32
        %swap3A_352 = arith.constant 13 : i32
        %swap3A_353 = arith.index_cast %swap3A_352 : i32 to index
        %swap3A_354 = arith.index_cast %mul3A_351 : i32 to index
        %swap3A_355 = tpu.vector_load %arg8[%swap3A_353, %swap3A_354] {strides = array<i32>} : memref<32x768xf32, #tpu.memory_space<vmem>>, vector<1x16xf32>,
        %swap3A_356 = vector.shape_cast %swap3A_355 : vector<1x16xf32> to vector<16xf32>
        %swap3A_357 = vector.shape_cast %get3A_246 : vector<16xf32> to vector<1x16xf32>
        tpu.vector_store %arg8[%swap3A_353, %swap3A_354], %swap3A_357 {add = true, strides = array<i32>} : memref<32x768xf32, #tpu.memory_space<vmem>>, vector<1x16xf32>,
        %mul3A_358 = arith.constant 16 : i32
        %mul3A_359 = arith.muli %scan3A_242, %mul3A_358 : i32
        %swap3A_360 = arith.constant 14 : i32
        %swap3A_361 = arith.index_cast %swap3A_360 : i32 to index
        %swap3A_362 = arith.index_cast %mul3A_359 : i32 to index
        %swap3A_363 = tpu.vector_load %arg8[%swap3A_361, %swap3A_362] {strides = array<i32>} : memref<32x768xf32, #tpu.memory_space<vmem>>, vector<1x16xf32>,
        %swap3A_364 = vector.shape_cast %swap3A_363 : vector<1x16xf32> to vector<16xf32>
        %swap3A_365 = vector.shape_cast %get3A_246 : vector<16xf32> to vector<1x16xf32>
        tpu.vector_store %arg8[%swap3A_361, %swap3A_362], %swap3A_365 {add = true, strides = array<i32>} : memref<32x768xf32, #tpu.memory_space<vmem>>, vector<1x16xf32>,
        %mul3A_366 = arith.constant 16 : i32
        %mul3A_367 = arith.muli %scan3A_242, %mul3A_366 : i32
        %swap3A_368 = arith.constant 15 : i32
        %swap3A_369 = arith.index_cast %swap3A_368 : i32 to index
        %swap3A_370 = arith.index_cast %mul3A_367 : i32 to index
        %swap3A_371 = tpu.vector_load %arg8[%swap3A_369, %swap3A_370] {strides = array<i32>} : memref<32x768xf32, #tpu.memory_space<vmem>>, vector<1x16xf32>,
        %swap3A_372 = vector.shape_cast %swap3A_371 : vector<1x16xf32> to vector<16xf32>
        %swap3A_373 = vector.shape_cast %get3A_246 : vector<16xf32> to vector<1x16xf32>
        tpu.vector_store %arg8[%swap3A_369, %swap3A_370], %swap3A_373 {add = true, strides = array<i32>} : memref<32x768xf32, #tpu.memory_space<vmem>>, vector<1x16xf32>,
        %mul3A_374 = arith.constant 16 : i32
        %mul3A_375 = arith.muli %scan3A_242, %mul3A_374 : i32
        %swap3A_376 = arith.constant 16 : i32
        %swap3A_377 = arith.index_cast %swap3A_376 : i32 to index
        %swap3A_378 = arith.index_cast %mul3A_375 : i32 to index
        %swap3A_379 = tpu.vector_load %arg8[%swap3A_377, %swap3A_378] {strides = array<i32>} : memref<32x768xf32, #tpu.memory_space<vmem>>, vector<1x16xf32>,
        %swap3A_380 = vector.shape_cast %swap3A_379 : vector<1x16xf32> to vector<16xf32>
        %swap3A_381 = vector.shape_cast %get3A_246 : vector<16xf32> to vector<1x16xf32>
        tpu.vector_store %arg8[%swap3A_377, %swap3A_378], %swap3A_381 {add = true, strides = array<i32>} : memref<32x768xf32, #tpu.memory_space<vmem>>, vector<1x16xf32>,
        %mul3A_382 = arith.constant 16 : i32
        %mul3A_383 = arith.muli %scan3A_242, %mul3A_382 : i32
        %swap3A_384 = arith.constant 17 : i32
        %swap3A_385 = arith.index_cast %swap3A_384 : i32 to index
        %swap3A_386 = arith.index_cast %mul3A_383 : i32 to index
        %swap3A_387 = tpu.vector_load %arg8[%swap3A_385, %swap3A_386] {strides = array<i32>} : memref<32x768xf32, #tpu.memory_space<vmem>>, vector<1x16xf32>,
        %swap3A_388 = vector.shape_cast %swap3A_387 : vector<1x16xf32> to vector<16xf32>
        %swap3A_389 = vector.shape_cast %get3A_246 : vector<16xf32> to vector<1x16xf32>
        tpu.vector_store %arg8[%swap3A_385, %swap3A_386], %swap3A_389 {add = true, strides = array<i32>} : memref<32x768xf32, #tpu.memory_space<vmem>>, vector<1x16xf32>,
        %mul3A_390 = arith.constant 16 : i32
        %mul3A_391 = arith.muli %scan3A_242, %mul3A_390 : i32
        %swap3A_392 = arith.constant 18 : i32
        %swap3A_393 = arith.index_cast %swap3A_392 : i32 to index
        %swap3A_394 = arith.index_cast %mul3A_391 : i32 to index
        %swap3A_395 = tpu.vector_load %arg8[%swap3A_393, %swap3A_394] {strides = array<i32>} : memref<32x768xf32, #tpu.memory_space<vmem>>, vector<1x16xf32>,
        %swap3A_396 = vector.shape_cast %swap3A_395 : vector<1x16xf32> to vector<16xf32>
        %swap3A_397 = vector.shape_cast %get3A_246 : vector<16xf32> to vector<1x16xf32>
        tpu.vector_store %arg8[%swap3A_393, %swap3A_394], %swap3A_397 {add = true, strides = array<i32>} : memref<32x768xf32, #tpu.memory_space<vmem>>, vector<1x16xf32>,
        %mul3A_398 = arith.constant 16 : i32
        %mul3A_399 = arith.muli %scan3A_242, %mul3A_398 : i32
        %swap3A_400 = arith.constant 19 : i32
        %swap3A_401 = arith.index_cast %swap3A_400 : i32 to index
        %swap3A_402 = arith.index_cast %mul3A_399 : i32 to index
        %swap3A_403 = tpu.vector_load %arg8[%swap3A_401, %swap3A_402] {strides = array<i32>} : memref<32x768xf32, #tpu.memory_space<vmem>>, vector<1x16xf32>,
        %swap3A_404 = vector.shape_cast %swap3A_403 : vector<1x16xf32> to vector<16xf32>
        %swap3A_405 = vector.shape_cast %get3A_246 : vector<16xf32> to vector<1x16xf32>
        tpu.vector_store %arg8[%swap3A_401, %swap3A_402], %swap3A_405 {add = true, strides = array<i32>} : memref<32x768xf32, #tpu.memory_space<vmem>>, vector<1x16xf32>,
        %mul3A_406 = arith.constant 16 : i32
        %mul3A_407 = arith.muli %scan3A_242, %mul3A_406 : i32
        %swap3A_408 = arith.constant 20 : i32
        %swap3A_409 = arith.index_cast %swap3A_408 : i32 to index
        %swap3A_410 = arith.index_cast %mul3A_407 : i32 to index
        %swap3A_411 = tpu.vector_load %arg8[%swap3A_409, %swap3A_410] {strides = array<i32>} : memref<32x768xf32, #tpu.memory_space<vmem>>, vector<1x16xf32>,
        %swap3A_412 = vector.shape_cast %swap3A_411 : vector<1x16xf32> to vector<16xf32>
        %swap3A_413 = vector.shape_cast %get3A_246 : vector<16xf32> to vector<1x16xf32>
        tpu.vector_store %arg8[%swap3A_409, %swap3A_410], %swap3A_413 {add = true, strides = array<i32>} : memref<32x768xf32, #tpu.memory_space<vmem>>, vector<1x16xf32>,
        %mul3A_414 = arith.constant 16 : i32
        %mul3A_415 = arith.muli %scan3A_242, %mul3A_414 : i32
        %swap3A_416 = arith.constant 21 : i32
        %swap3A_417 = arith.index_cast %swap3A_416 : i32 to index
        %swap3A_418 = arith.index_cast %mul3A_415 : i32 to index
        %swap3A_419 = tpu.vector_load %arg8[%swap3A_417, %swap3A_418] {strides = array<i32>} : memref<32x768xf32, #tpu.memory_space<vmem>>, vector<1x16xf32>,
        %swap3A_420 = vector.shape_cast %swap3A_419 : vector<1x16xf32> to vector<16xf32>
        %swap3A_421 = vector.shape_cast %get3A_246 : vector<16xf32> to vector<1x16xf32>
        tpu.vector_store %arg8[%swap3A_417, %swap3A_418], %swap3A_421 {add = true, strides = array<i32>} : memref<32x768xf32, #tpu.memory_space<vmem>>, vector<1x16xf32>,
        %mul3A_422 = arith.constant 16 : i32
        %mul3A_423 = arith.muli %scan3A_242, %mul3A_422 : i32
        %swap3A_424 = arith.constant 22 : i32
        %swap3A_425 = arith.index_cast %swap3A_424 : i32 to index
        %swap3A_426 = arith.index_cast %mul3A_423 : i32 to index
        %swap3A_427 = tpu.vector_load %arg8[%swap3A_425, %swap3A_426] {strides = array<i32>} : memref<32x768xf32, #tpu.memory_space<vmem>>, vector<1x16xf32>,
        %swap3A_428 = vector.shape_cast %swap3A_427 : vector<1x16xf32> to vector<16xf32>
        %swap3A_429 = vector.shape_cast %get3A_246 : vector<16xf32> to vector<1x16xf32>
        tpu.vector_store %arg8[%swap3A_425, %swap3A_426], %swap3A_429 {add = true, strides = array<i32>} : memref<32x768xf32, #tpu.memory_space<vmem>>, vector<1x16xf32>,
        %mul3A_430 = arith.constant 16 : i32
        %mul3A_431 = arith.muli %scan3A_242, %mul3A_430 : i32
        %swap3A_432 = arith.constant 23 : i32
        %swap3A_433 = arith.index_cast %swap3A_432 : i32 to index
        %swap3A_434 = arith.index_cast %mul3A_431 : i32 to index
        %swap3A_435 = tpu.vector_load %arg8[%swap3A_433, %swap3A_434] {strides = array<i32>} : memref<32x768xf32, #tpu.memory_space<vmem>>, vector<1x16xf32>,
        %swap3A_436 = vector.shape_cast %swap3A_435 : vector<1x16xf32> to vector<16xf32>
        %swap3A_437 = vector.shape_cast %get3A_246 : vector<16xf32> to vector<1x16xf32>
        tpu.vector_store %arg8[%swap3A_433, %swap3A_434], %swap3A_437 {add = true, strides = array<i32>} : memref<32x768xf32, #tpu.memory_space<vmem>>, vector<1x16xf32>,
        %mul3A_438 = arith.constant 16 : i32
        %mul3A_439 = arith.muli %scan3A_242, %mul3A_438 : i32
        %swap3A_440 = arith.constant 24 : i32
        %swap3A_441 = arith.index_cast %swap3A_440 : i32 to index
        %swap3A_442 = arith.index_cast %mul3A_439 : i32 to index
        %swap3A_443 = tpu.vector_load %arg8[%swap3A_441, %swap3A_442] {strides = array<i32>} : memref<32x768xf32, #tpu.memory_space<vmem>>, vector<1x16xf32>,
        %swap3A_444 = vector.shape_cast %swap3A_443 : vector<1x16xf32> to vector<16xf32>
        %swap3A_445 = vector.shape_cast %get3A_246 : vector<16xf32> to vector<1x16xf32>
        tpu.vector_store %arg8[%swap3A_441, %swap3A_442], %swap3A_445 {add = true, strides = array<i32>} : memref<32x768xf32, #tpu.memory_space<vmem>>, vector<1x16xf32>,
        %mul3A_446 = arith.constant 16 : i32
        %mul3A_447 = arith.muli %scan3A_242, %mul3A_446 : i32
        %swap3A_448 = arith.constant 25 : i32
        %swap3A_449 = arith.index_cast %swap3A_448 : i32 to index
        %swap3A_450 = arith.index_cast %mul3A_447 : i32 to index
        %swap3A_451 = tpu.vector_load %arg8[%swap3A_449, %swap3A_450] {strides = array<i32>} : memref<32x768xf32, #tpu.memory_space<vmem>>, vector<1x16xf32>,
        %swap3A_452 = vector.shape_cast %swap3A_451 : vector<1x16xf32> to vector<16xf32>
        %swap3A_453 = vector.shape_cast %get3A_246 : vector<16xf32> to vector<1x16xf32>
        tpu.vector_store %arg8[%swap3A_449, %swap3A_450], %swap3A_453 {add = true, strides = array<i32>} : memref<32x768xf32, #tpu.memory_space<vmem>>, vector<1x16xf32>,
        %mul3A_454 = arith.constant 16 : i32
        %mul3A_455 = arith.muli %scan3A_242, %mul3A_454 : i32
        %swap3A_456 = arith.constant 26 : i32
        %swap3A_457 = arith.index_cast %swap3A_456 : i32 to index
        %swap3A_458 = arith.index_cast %mul3A_455 : i32 to index
        %swap3A_459 = tpu.vector_load %arg8[%swap3A_457, %swap3A_458] {strides = array<i32>} : memref<32x768xf32, #tpu.memory_space<vmem>>, vector<1x16xf32>,
        %swap3A_460 = vector.shape_cast %swap3A_459 : vector<1x16xf32> to vector<16xf32>
        %swap3A_461 = vector.shape_cast %get3A_246 : vector<16xf32> to vector<1x16xf32>
        tpu.vector_store %arg8[%swap3A_457, %swap3A_458], %swap3A_461 {add = true, strides = array<i32>} : memref<32x768xf32, #tpu.memory_space<vmem>>, vector<1x16xf32>,
        %mul3A_462 = arith.constant 16 : i32
        %mul3A_463 = arith.muli %scan3A_242, %mul3A_462 : i32
        %swap3A_464 = arith.constant 27 : i32
        %swap3A_465 = arith.index_cast %swap3A_464 : i32 to index
        %swap3A_466 = arith.index_cast %mul3A_463 : i32 to index
        %swap3A_467 = tpu.vector_load %arg8[%swap3A_465, %swap3A_466] {strides = array<i32>} : memref<32x768xf32, #tpu.memory_space<vmem>>, vector<1x16xf32>,
        %swap3A_468 = vector.shape_cast %swap3A_467 : vector<1x16xf32> to vector<16xf32>
        %swap3A_469 = vector.shape_cast %get3A_246 : vector<16xf32> to vector<1x16xf32>
        tpu.vector_store %arg8[%swap3A_465, %swap3A_466], %swap3A_469 {add = true, strides = array<i32>} : memref<32x768xf32, #tpu.memory_space<vmem>>, vector<1x16xf32>,
        %mul3A_470 = arith.constant 16 : i32
        %mul3A_471 = arith.muli %scan3A_242, %mul3A_470 : i32
        %swap3A_472 = arith.constant 28 : i32
        %swap3A_473 = arith.index_cast %swap3A_472 : i32 to index
        %swap3A_474 = arith.index_cast %mul3A_471 : i32 to index
        %swap3A_475 = tpu.vector_load %arg8[%swap3A_473, %swap3A_474] {strides = array<i32>} : memref<32x768xf32, #tpu.memory_space<vmem>>, vector<1x16xf32>,
        %swap3A_476 = vector.shape_cast %swap3A_475 : vector<1x16xf32> to vector<16xf32>
        %swap3A_477 = vector.shape_cast %get3A_246 : vector<16xf32> to vector<1x16xf32>
        tpu.vector_store %arg8[%swap3A_473, %swap3A_474], %swap3A_477 {add = true, strides = array<i32>} : memref<32x768xf32, #tpu.memory_space<vmem>>, vector<1x16xf32>,
        %mul3A_478 = arith.constant 16 : i32
        %mul3A_479 = arith.muli %scan3A_242, %mul3A_478 : i32
        %swap3A_480 = arith.constant 29 : i32
        %swap3A_481 = arith.index_cast %swap3A_480 : i32 to index
        %swap3A_482 = arith.index_cast %mul3A_479 : i32 to index
        %swap3A_483 = tpu.vector_load %arg8[%swap3A_481, %swap3A_482] {strides = array<i32>} : memref<32x768xf32, #tpu.memory_space<vmem>>, vector<1x16xf32>,
        %swap3A_484 = vector.shape_cast %swap3A_483 : vector<1x16xf32> to vector<16xf32>
        %swap3A_485 = vector.shape_cast %get3A_246 : vector<16xf32> to vector<1x16xf32>
        tpu.vector_store %arg8[%swap3A_481, %swap3A_482], %swap3A_485 {add = true, strides = array<i32>} : memref<32x768xf32, #tpu.memory_space<vmem>>, vector<1x16xf32>,
        %mul3A_486 = arith.constant 16 : i32
        %mul3A_487 = arith.muli %scan3A_242, %mul3A_486 : i32
        %swap3A_488 = arith.constant 30 : i32
        %swap3A_489 = arith.index_cast %swap3A_488 : i32 to index
        %swap3A_490 = arith.index_cast %mul3A_487 : i32 to index
        %swap3A_491 = tpu.vector_load %arg8[%swap3A_489, %swap3A_490] {strides = array<i32>} : memref<32x768xf32, #tpu.memory_space<vmem>>, vector<1x16xf32>,
        %swap3A_492 = vector.shape_cast %swap3A_491 : vector<1x16xf32> to vector<16xf32>
        %swap3A_493 = vector.shape_cast %get3A_246 : vector<16xf32> to vector<1x16xf32>
        tpu.vector_store %arg8[%swap3A_489, %swap3A_490], %swap3A_493 {add = true, strides = array<i32>} : memref<32x768xf32, #tpu.memory_space<vmem>>, vector<1x16xf32>,
        %mul3A_494 = arith.constant 16 : i32
        %mul3A_495 = arith.muli %scan3A_242, %mul3A_494 : i32
        %swap3A_496 = arith.constant 31 : i32
        %swap3A_497 = arith.index_cast %swap3A_496 : i32 to index
        %swap3A_498 = arith.index_cast %mul3A_495 : i32 to index
        %swap3A_499 = tpu.vector_load %arg8[%swap3A_497, %swap3A_498] {strides = array<i32>} : memref<32x768xf32, #tpu.memory_space<vmem>>, vector<1x16xf32>,
        %swap3A_500 = vector.shape_cast %swap3A_499 : vector<1x16xf32> to vector<16xf32>
        %swap3A_501 = vector.shape_cast %get3A_246 : vector<16xf32> to vector<1x16xf32>
        tpu.vector_store %arg8[%swap3A_497, %swap3A_498], %swap3A_501 {add = true, strides = array<i32>} : memref<32x768xf32, #tpu.memory_space<vmem>>, vector<1x16xf32>,
        %scan3A_502 = arith.constant 1 : i32
        %scan3A_503 = arith.addi %scan3A_242, %scan3A_502 : i32
        %mul3A_504 = arith.constant 16 : i32
        %mul3A_505 = arith.muli %scan3A_503, %mul3A_504 : i32
        %get3A_506 = arith.index_cast %mul3A_505 : i32 to index
        %get3A_507 = tpu.vector_load %arg12[%get3A_506] {strides = array<i32>} : memref<768xf32, #tpu.memory_space<vmem>>, vector<16xf32>,
        %get3A_508 = vector.shape_cast %get3A_507 : vector<16xf32> to vector<16xf32>
        %mul3A_509 = arith.constant 16 : i32
        %mul3A_510 = arith.muli %scan3A_503, %mul3A_509 : i32
        %swap3A_511 = arith.constant 0 : i32
        %swap3A_512 = arith.index_cast %swap3A_511 : i32 to index
        %swap3A_513 = arith.index_cast %mul3A_510 : i32 to index
        %swap3A_514 = tpu.vector_load %arg8[%swap3A_512, %swap3A_513] {strides = array<i32>} : memref<32x768xf32, #tpu.memory_space<vmem>>, vector<1x16xf32>,
        %swap3A_515 = vector.shape_cast %swap3A_514 : vector<1x16xf32> to vector<16xf32>
        %swap3A_516 = vector.shape_cast %get3A_508 : vector<16xf32> to vector<1x16xf32>
        tpu.vector_store %arg8[%swap3A_512, %swap3A_513], %swap3A_516 {add = true, strides = array<i32>} : memref<32x768xf32, #tpu.memory_space<vmem>>, vector<1x16xf32>,
        %mul3A_517 = arith.constant 16 : i32
        %mul3A_518 = arith.muli %scan3A_503, %mul3A_517 : i32
        %swap3A_519 = arith.constant 1 : i32
        %swap3A_520 = arith.index_cast %swap3A_519 : i32 to index
        %swap3A_521 = arith.index_cast %mul3A_518 : i32 to index
        %swap3A_522 = tpu.vector_load %arg8[%swap3A_520, %swap3A_521] {strides = array<i32>} : memref<32x768xf32, #tpu.memory_space<vmem>>, vector<1x16xf32>,
        %swap3A_523 = vector.shape_cast %swap3A_522 : vector<1x16xf32> to vector<16xf32>
        %swap3A_524 = vector.shape_cast %get3A_508 : vector<16xf32> to vector<1x16xf32>
        tpu.vector_store %arg8[%swap3A_520, %swap3A_521], %swap3A_524 {add = true, strides = array<i32>} : memref<32x768xf32, #tpu.memory_space<vmem>>, vector<1x16xf32>,
        %mul3A_525 = arith.constant 16 : i32
        %mul3A_526 = arith.muli %scan3A_503, %mul3A_525 : i32
        %swap3A_527 = arith.constant 2 : i32
        %swap3A_528 = arith.index_cast %swap3A_527 : i32 to index
        %swap3A_529 = arith.index_cast %mul3A_526 : i32 to index
        %swap3A_530 = tpu.vector_load %arg8[%swap3A_528, %swap3A_529] {strides = array<i32>} : memref<32x768xf32, #tpu.memory_space<vmem>>, vector<1x16xf32>,
        %swap3A_531 = vector.shape_cast %swap3A_530 : vector<1x16xf32> to vector<16xf32>
        %swap3A_532 = vector.shape_cast %get3A_508 : vector<16xf32> to vector<1x16xf32>
        tpu.vector_store %arg8[%swap3A_528, %swap3A_529], %swap3A_532 {add = true, strides = array<i32>} : memref<32x768xf32, #tpu.memory_space<vmem>>, vector<1x16xf32>,
        %mul3A_533 = arith.constant 16 : i32
        %mul3A_534 = arith.muli %scan3A_503, %mul3A_533 : i32
        %swap3A_535 = arith.constant 3 : i32
        %swap3A_536 = arith.index_cast %swap3A_535 : i32 to index
        %swap3A_537 = arith.index_cast %mul3A_534 : i32 to index
        %swap3A_538 = tpu.vector_load %arg8[%swap3A_536, %swap3A_537] {strides = array<i32>} : memref<32x768xf32, #tpu.memory_space<vmem>>, vector<1x16xf32>,
        %swap3A_539 = vector.shape_cast %swap3A_538 : vector<1x16xf32> to vector<16xf32>
        %swap3A_540 = vector.shape_cast %get3A_508 : vector<16xf32> to vector<1x16xf32>
        tpu.vector_store %arg8[%swap3A_536, %swap3A_537], %swap3A_540 {add = true, strides = array<i32>} : memref<32x768xf32, #tpu.memory_space<vmem>>, vector<1x16xf32>,
        %mul3A_541 = arith.constant 16 : i32
        %mul3A_542 = arith.muli %scan3A_503, %mul3A_541 : i32
        %swap3A_543 = arith.constant 4 : i32
        %swap3A_544 = arith.index_cast %swap3A_543 : i32 to index
        %swap3A_545 = arith.index_cast %mul3A_542 : i32 to index
        %swap3A_546 = tpu.vector_load %arg8[%swap3A_544, %swap3A_545] {strides = array<i32>} : memref<32x768xf32, #tpu.memory_space<vmem>>, vector<1x16xf32>,
        %swap3A_547 = vector.shape_cast %swap3A_546 : vector<1x16xf32> to vector<16xf32>
        %swap3A_548 = vector.shape_cast %get3A_508 : vector<16xf32> to vector<1x16xf32>
        tpu.vector_store %arg8[%swap3A_544, %swap3A_545], %swap3A_548 {add = true, strides = array<i32>} : memref<32x768xf32, #tpu.memory_space<vmem>>, vector<1x16xf32>,
        %mul3A_549 = arith.constant 16 : i32
        %mul3A_550 = arith.muli %scan3A_503, %mul3A_549 : i32
        %swap3A_551 = arith.constant 5 : i32
        %swap3A_552 = arith.index_cast %swap3A_551 : i32 to index
        %swap3A_553 = arith.index_cast %mul3A_550 : i32 to index
        %swap3A_554 = tpu.vector_load %arg8[%swap3A_552, %swap3A_553] {strides = array<i32>} : memref<32x768xf32, #tpu.memory_space<vmem>>, vector<1x16xf32>,
        %swap3A_555 = vector.shape_cast %swap3A_554 : vector<1x16xf32> to vector<16xf32>
        %swap3A_556 = vector.shape_cast %get3A_508 : vector<16xf32> to vector<1x16xf32>
        tpu.vector_store %arg8[%swap3A_552, %swap3A_553], %swap3A_556 {add = true, strides = array<i32>} : memref<32x768xf32, #tpu.memory_space<vmem>>, vector<1x16xf32>,
        %mul3A_557 = arith.constant 16 : i32
        %mul3A_558 = arith.muli %scan3A_503, %mul3A_557 : i32
        %swap3A_559 = arith.constant 6 : i32
        %swap3A_560 = arith.index_cast %swap3A_559 : i32 to index
        %swap3A_561 = arith.index_cast %mul3A_558 : i32 to index
        %swap3A_562 = tpu.vector_load %arg8[%swap3A_560, %swap3A_561] {strides = array<i32>} : memref<32x768xf32, #tpu.memory_space<vmem>>, vector<1x16xf32>,
        %swap3A_563 = vector.shape_cast %swap3A_562 : vector<1x16xf32> to vector<16xf32>
        %swap3A_564 = vector.shape_cast %get3A_508 : vector<16xf32> to vector<1x16xf32>
        tpu.vector_store %arg8[%swap3A_560, %swap3A_561], %swap3A_564 {add = true, strides = array<i32>} : memref<32x768xf32, #tpu.memory_space<vmem>>, vector<1x16xf32>,
        %mul3A_565 = arith.constant 16 : i32
        %mul3A_566 = arith.muli %scan3A_503, %mul3A_565 : i32
        %swap3A_567 = arith.constant 7 : i32
        %swap3A_568 = arith.index_cast %swap3A_567 : i32 to index
        %swap3A_569 = arith.index_cast %mul3A_566 : i32 to index
        %swap3A_570 = tpu.vector_load %arg8[%swap3A_568, %swap3A_569] {strides = array<i32>} : memref<32x768xf32, #tpu.memory_space<vmem>>, vector<1x16xf32>,
        %swap3A_571 = vector.shape_cast %swap3A_570 : vector<1x16xf32> to vector<16xf32>
        %swap3A_572 = vector.shape_cast %get3A_508 : vector<16xf32> to vector<1x16xf32>
        tpu.vector_store %arg8[%swap3A_568, %swap3A_569], %swap3A_572 {add = true, strides = array<i32>} : memref<32x768xf32, #tpu.memory_space<vmem>>, vector<1x16xf32>,
        %mul3A_573 = arith.constant 16 : i32
        %mul3A_574 = arith.muli %scan3A_503, %mul3A_573 : i32
        %swap3A_575 = arith.constant 8 : i32
        %swap3A_576 = arith.index_cast %swap3A_575 : i32 to index
        %swap3A_577 = arith.index_cast %mul3A_574 : i32 to index
        %swap3A_578 = tpu.vector_load %arg8[%swap3A_576, %swap3A_577] {strides = array<i32>} : memref<32x768xf32, #tpu.memory_space<vmem>>, vector<1x16xf32>,
        %swap3A_579 = vector.shape_cast %swap3A_578 : vector<1x16xf32> to vector<16xf32>
        %swap3A_580 = vector.shape_cast %get3A_508 : vector<16xf32> to vector<1x16xf32>
        tpu.vector_store %arg8[%swap3A_576, %swap3A_577], %swap3A_580 {add = true, strides = array<i32>} : memref<32x768xf32, #tpu.memory_space<vmem>>, vector<1x16xf32>,
        %mul3A_581 = arith.constant 16 : i32
        %mul3A_582 = arith.muli %scan3A_503, %mul3A_581 : i32
        %swap3A_583 = arith.constant 9 : i32
        %swap3A_584 = arith.index_cast %swap3A_583 : i32 to index
        %swap3A_585 = arith.index_cast %mul3A_582 : i32 to index
        %swap3A_586 = tpu.vector_load %arg8[%swap3A_584, %swap3A_585] {strides = array<i32>} : memref<32x768xf32, #tpu.memory_space<vmem>>, vector<1x16xf32>,
        %swap3A_587 = vector.shape_cast %swap3A_586 : vector<1x16xf32> to vector<16xf32>
        %swap3A_588 = vector.shape_cast %get3A_508 : vector<16xf32> to vector<1x16xf32>
        tpu.vector_store %arg8[%swap3A_584, %swap3A_585], %swap3A_588 {add = true, strides = array<i32>} : memref<32x768xf32, #tpu.memory_space<vmem>>, vector<1x16xf32>,
        %mul3A_589 = arith.constant 16 : i32
        %mul3A_590 = arith.muli %scan3A_503, %mul3A_589 : i32
        %swap3A_591 = arith.constant 10 : i32
        %swap3A_592 = arith.index_cast %swap3A_591 : i32 to index
        %swap3A_593 = arith.index_cast %mul3A_590 : i32 to index
        %swap3A_594 = tpu.vector_load %arg8[%swap3A_592, %swap3A_593] {strides = array<i32>} : memref<32x768xf32, #tpu.memory_space<vmem>>, vector<1x16xf32>,
        %swap3A_595 = vector.shape_cast %swap3A_594 : vector<1x16xf32> to vector<16xf32>
        %swap3A_596 = vector.shape_cast %get3A_508 : vector<16xf32> to vector<1x16xf32>
        tpu.vector_store %arg8[%swap3A_592, %swap3A_593], %swap3A_596 {add = true, strides = array<i32>} : memref<32x768xf32, #tpu.memory_space<vmem>>, vector<1x16xf32>,
        %mul3A_597 = arith.constant 16 : i32
        %mul3A_598 = arith.muli %scan3A_503, %mul3A_597 : i32
        %swap3A_599 = arith.constant 11 : i32
        %swap3A_600 = arith.index_cast %swap3A_599 : i32 to index
        %swap3A_601 = arith.index_cast %mul3A_598 : i32 to index
        %swap3A_602 = tpu.vector_load %arg8[%swap3A_600, %swap3A_601] {strides = array<i32>} : memref<32x768xf32, #tpu.memory_space<vmem>>, vector<1x16xf32>,
        %swap3A_603 = vector.shape_cast %swap3A_602 : vector<1x16xf32> to vector<16xf32>
        %swap3A_604 = vector.shape_cast %get3A_508 : vector<16xf32> to vector<1x16xf32>
        tpu.vector_store %arg8[%swap3A_600, %swap3A_601], %swap3A_604 {add = true, strides = array<i32>} : memref<32x768xf32, #tpu.memory_space<vmem>>, vector<1x16xf32>,
        %mul3A_605 = arith.constant 16 : i32
        %mul3A_606 = arith.muli %scan3A_503, %mul3A_605 : i32
        %swap3A_607 = arith.constant 12 : i32
        %swap3A_608 = arith.index_cast %swap3A_607 : i32 to index
        %swap3A_609 = arith.index_cast %mul3A_606 : i32 to index
        %swap3A_610 = tpu.vector_load %arg8[%swap3A_608, %swap3A_609] {strides = array<i32>} : memref<32x768xf32, #tpu.memory_space<vmem>>, vector<1x16xf32>,
        %swap3A_611 = vector.shape_cast %swap3A_610 : vector<1x16xf32> to vector<16xf32>
        %swap3A_612 = vector.shape_cast %get3A_508 : vector<16xf32> to vector<1x16xf32>
        tpu.vector_store %arg8[%swap3A_608, %swap3A_609], %swap3A_612 {add = true, strides = array<i32>} : memref<32x768xf32, #tpu.memory_space<vmem>>, vector<1x16xf32>,
        %mul3A_613 = arith.constant 16 : i32
        %mul3A_614 = arith.muli %scan3A_503, %mul3A_613 : i32
        %swap3A_615 = arith.constant 13 : i32
        %swap3A_616 = arith.index_cast %swap3A_615 : i32 to index
        %swap3A_617 = arith.index_cast %mul3A_614 : i32 to index
        %swap3A_618 = tpu.vector_load %arg8[%swap3A_616, %swap3A_617] {strides = array<i32>} : memref<32x768xf32, #tpu.memory_space<vmem>>, vector<1x16xf32>,
        %swap3A_619 = vector.shape_cast %swap3A_618 : vector<1x16xf32> to vector<16xf32>
        %swap3A_620 = vector.shape_cast %get3A_508 : vector<16xf32> to vector<1x16xf32>
        tpu.vector_store %arg8[%swap3A_616, %swap3A_617], %swap3A_620 {add = true, strides = array<i32>} : memref<32x768xf32, #tpu.memory_space<vmem>>, vector<1x16xf32>,
        %mul3A_621 = arith.constant 16 : i32
        %mul3A_622 = arith.muli %scan3A_503, %mul3A_621 : i32
        %swap3A_623 = arith.constant 14 : i32
        %swap3A_624 = arith.index_cast %swap3A_623 : i32 to index
        %swap3A_625 = arith.index_cast %mul3A_622 : i32 to index
        %swap3A_626 = tpu.vector_load %arg8[%swap3A_624, %swap3A_625] {strides = array<i32>} : memref<32x768xf32, #tpu.memory_space<vmem>>, vector<1x16xf32>,
        %swap3A_627 = vector.shape_cast %swap3A_626 : vector<1x16xf32> to vector<16xf32>
        %swap3A_628 = vector.shape_cast %get3A_508 : vector<16xf32> to vector<1x16xf32>
        tpu.vector_store %arg8[%swap3A_624, %swap3A_625], %swap3A_628 {add = true, strides = array<i32>} : memref<32x768xf32, #tpu.memory_space<vmem>>, vector<1x16xf32>,
        %mul3A_629 = arith.constant 16 : i32
        %mul3A_630 = arith.muli %scan3A_503, %mul3A_629 : i32
        %swap3A_631 = arith.constant 15 : i32
        %swap3A_632 = arith.index_cast %swap3A_631 : i32 to index
        %swap3A_633 = arith.index_cast %mul3A_630 : i32 to index
        %swap3A_634 = tpu.vector_load %arg8[%swap3A_632, %swap3A_633] {strides = array<i32>} : memref<32x768xf32, #tpu.memory_space<vmem>>, vector<1x16xf32>,
        %swap3A_635 = vector.shape_cast %swap3A_634 : vector<1x16xf32> to vector<16xf32>
        %swap3A_636 = vector.shape_cast %get3A_508 : vector<16xf32> to vector<1x16xf32>
        tpu.vector_store %arg8[%swap3A_632, %swap3A_633], %swap3A_636 {add = true, strides = array<i32>} : memref<32x768xf32, #tpu.memory_space<vmem>>, vector<1x16xf32>,
        %mul3A_637 = arith.constant 16 : i32
        %mul3A_638 = arith.muli %scan3A_503, %mul3A_637 : i32
        %swap3A_639 = arith.constant 16 : i32
        %swap3A_640 = arith.index_cast %swap3A_639 : i32 to index
        %swap3A_641 = arith.index_cast %mul3A_638 : i32 to index
        %swap3A_642 = tpu.vector_load %arg8[%swap3A_640, %swap3A_641] {strides = array<i32>} : memref<32x768xf32, #tpu.memory_space<vmem>>, vector<1x16xf32>,
        %swap3A_643 = vector.shape_cast %swap3A_642 : vector<1x16xf32> to vector<16xf32>
        %swap3A_644 = vector.shape_cast %get3A_508 : vector<16xf32> to vector<1x16xf32>
        tpu.vector_store %arg8[%swap3A_640, %swap3A_641], %swap3A_644 {add = true, strides = array<i32>} : memref<32x768xf32, #tpu.memory_space<vmem>>, vector<1x16xf32>,
        %mul3A_645 = arith.constant 16 : i32
        %mul3A_646 = arith.muli %scan3A_503, %mul3A_645 : i32
        %swap3A_647 = arith.constant 17 : i32
        %swap3A_648 = arith.index_cast %swap3A_647 : i32 to index
        %swap3A_649 = arith.index_cast %mul3A_646 : i32 to index
        %swap3A_650 = tpu.vector_load %arg8[%swap3A_648, %swap3A_649] {strides = array<i32>} : memref<32x768xf32, #tpu.memory_space<vmem>>, vector<1x16xf32>,
        %swap3A_651 = vector.shape_cast %swap3A_650 : vector<1x16xf32> to vector<16xf32>
        %swap3A_652 = vector.shape_cast %get3A_508 : vector<16xf32> to vector<1x16xf32>
        tpu.vector_store %arg8[%swap3A_648, %swap3A_649], %swap3A_652 {add = true, strides = array<i32>} : memref<32x768xf32, #tpu.memory_space<vmem>>, vector<1x16xf32>,
        %mul3A_653 = arith.constant 16 : i32
        %mul3A_654 = arith.muli %scan3A_503, %mul3A_653 : i32
        %swap3A_655 = arith.constant 18 : i32
        %swap3A_656 = arith.index_cast %swap3A_655 : i32 to index
        %swap3A_657 = arith.index_cast %mul3A_654 : i32 to index
        %swap3A_658 = tpu.vector_load %arg8[%swap3A_656, %swap3A_657] {strides = array<i32>} : memref<32x768xf32, #tpu.memory_space<vmem>>, vector<1x16xf32>,
        %swap3A_659 = vector.shape_cast %swap3A_658 : vector<1x16xf32> to vector<16xf32>
        %swap3A_660 = vector.shape_cast %get3A_508 : vector<16xf32> to vector<1x16xf32>
        tpu.vector_store %arg8[%swap3A_656, %swap3A_657], %swap3A_660 {add = true, strides = array<i32>} : memref<32x768xf32, #tpu.memory_space<vmem>>, vector<1x16xf32>,
        %mul3A_661 = arith.constant 16 : i32
        %mul3A_662 = arith.muli %scan3A_503, %mul3A_661 : i32
        %swap3A_663 = arith.constant 19 : i32
        %swap3A_664 = arith.index_cast %swap3A_663 : i32 to index
        %swap3A_665 = arith.index_cast %mul3A_662 : i32 to index
        %swap3A_666 = tpu.vector_load %arg8[%swap3A_664, %swap3A_665] {strides = array<i32>} : memref<32x768xf32, #tpu.memory_space<vmem>>, vector<1x16xf32>,
        %swap3A_667 = vector.shape_cast %swap3A_666 : vector<1x16xf32> to vector<16xf32>
        %swap3A_668 = vector.shape_cast %get3A_508 : vector<16xf32> to vector<1x16xf32>
        tpu.vector_store %arg8[%swap3A_664, %swap3A_665], %swap3A_668 {add = true, strides = array<i32>} : memref<32x768xf32, #tpu.memory_space<vmem>>, vector<1x16xf32>,
        %mul3A_669 = arith.constant 16 : i32
        %mul3A_670 = arith.muli %scan3A_503, %mul3A_669 : i32
        %swap3A_671 = arith.constant 20 : i32
        %swap3A_672 = arith.index_cast %swap3A_671 : i32 to index
        %swap3A_673 = arith.index_cast %mul3A_670 : i32 to index
        %swap3A_674 = tpu.vector_load %arg8[%swap3A_672, %swap3A_673] {strides = array<i32>} : memref<32x768xf32, #tpu.memory_space<vmem>>, vector<1x16xf32>,
        %swap3A_675 = vector.shape_cast %swap3A_674 : vector<1x16xf32> to vector<16xf32>
        %swap3A_676 = vector.shape_cast %get3A_508 : vector<16xf32> to vector<1x16xf32>
        tpu.vector_store %arg8[%swap3A_672, %swap3A_673], %swap3A_676 {add = true, strides = array<i32>} : memref<32x768xf32, #tpu.memory_space<vmem>>, vector<1x16xf32>,
        %mul3A_677 = arith.constant 16 : i32
        %mul3A_678 = arith.muli %scan3A_503, %mul3A_677 : i32
        %swap3A_679 = arith.constant 21 : i32
        %swap3A_680 = arith.index_cast %swap3A_679 : i32 to index
        %swap3A_681 = arith.index_cast %mul3A_678 : i32 to index
        %swap3A_682 = tpu.vector_load %arg8[%swap3A_680, %swap3A_681] {strides = array<i32>} : memref<32x768xf32, #tpu.memory_space<vmem>>, vector<1x16xf32>,
        %swap3A_683 = vector.shape_cast %swap3A_682 : vector<1x16xf32> to vector<16xf32>
        %swap3A_684 = vector.shape_cast %get3A_508 : vector<16xf32> to vector<1x16xf32>
        tpu.vector_store %arg8[%swap3A_680, %swap3A_681], %swap3A_684 {add = true, strides = array<i32>} : memref<32x768xf32, #tpu.memory_space<vmem>>, vector<1x16xf32>,
        %mul3A_685 = arith.constant 16 : i32
        %mul3A_686 = arith.muli %scan3A_503, %mul3A_685 : i32
        %swap3A_687 = arith.constant 22 : i32
        %swap3A_688 = arith.index_cast %swap3A_687 : i32 to index
        %swap3A_689 = arith.index_cast %mul3A_686 : i32 to index
        %swap3A_690 = tpu.vector_load %arg8[%swap3A_688, %swap3A_689] {strides = array<i32>} : memref<32x768xf32, #tpu.memory_space<vmem>>, vector<1x16xf32>,
        %swap3A_691 = vector.shape_cast %swap3A_690 : vector<1x16xf32> to vector<16xf32>
        %swap3A_692 = vector.shape_cast %get3A_508 : vector<16xf32> to vector<1x16xf32>
        tpu.vector_store %arg8[%swap3A_688, %swap3A_689], %swap3A_692 {add = true, strides = array<i32>} : memref<32x768xf32, #tpu.memory_space<vmem>>, vector<1x16xf32>,
        %mul3A_693 = arith.constant 16 : i32
        %mul3A_694 = arith.muli %scan3A_503, %mul3A_693 : i32
        %swap3A_695 = arith.constant 23 : i32
        %swap3A_696 = arith.index_cast %swap3A_695 : i32 to index
        %swap3A_697 = arith.index_cast %mul3A_694 : i32 to index
        %swap3A_698 = tpu.vector_load %arg8[%swap3A_696, %swap3A_697] {strides = array<i32>} : memref<32x768xf32, #tpu.memory_space<vmem>>, vector<1x16xf32>,
        %swap3A_699 = vector.shape_cast %swap3A_698 : vector<1x16xf32> to vector<16xf32>
        %swap3A_700 = vector.shape_cast %get3A_508 : vector<16xf32> to vector<1x16xf32>
        tpu.vector_store %arg8[%swap3A_696, %swap3A_697], %swap3A_700 {add = true, strides = array<i32>} : memref<32x768xf32, #tpu.memory_space<vmem>>, vector<1x16xf32>,
        %mul3A_701 = arith.constant 16 : i32
        %mul3A_702 = arith.muli %scan3A_503, %mul3A_701 : i32
        %swap3A_703 = arith.constant 24 : i32
        %swap3A_704 = arith.index_cast %swap3A_703 : i32 to index
        %swap3A_705 = arith.index_cast %mul3A_702 : i32 to index
        %swap3A_706 = tpu.vector_load %arg8[%swap3A_704, %swap3A_705] {strides = array<i32>} : memref<32x768xf32, #tpu.memory_space<vmem>>, vector<1x16xf32>,
        %swap3A_707 = vector.shape_cast %swap3A_706 : vector<1x16xf32> to vector<16xf32>
        %swap3A_708 = vector.shape_cast %get3A_508 : vector<16xf32> to vector<1x16xf32>
        tpu.vector_store %arg8[%swap3A_704, %swap3A_705], %swap3A_708 {add = true, strides = array<i32>} : memref<32x768xf32, #tpu.memory_space<vmem>>, vector<1x16xf32>,
        %mul3A_709 = arith.constant 16 : i32
        %mul3A_710 = arith.muli %scan3A_503, %mul3A_709 : i32
        %swap3A_711 = arith.constant 25 : i32
        %swap3A_712 = arith.index_cast %swap3A_711 : i32 to index
        %swap3A_713 = arith.index_cast %mul3A_710 : i32 to index
        %swap3A_714 = tpu.vector_load %arg8[%swap3A_712, %swap3A_713] {strides = array<i32>} : memref<32x768xf32, #tpu.memory_space<vmem>>, vector<1x16xf32>,
        %swap3A_715 = vector.shape_cast %swap3A_714 : vector<1x16xf32> to vector<16xf32>
        %swap3A_716 = vector.shape_cast %get3A_508 : vector<16xf32> to vector<1x16xf32>
        tpu.vector_store %arg8[%swap3A_712, %swap3A_713], %swap3A_716 {add = true, strides = array<i32>} : memref<32x768xf32, #tpu.memory_space<vmem>>, vector<1x16xf32>,
        %mul3A_717 = arith.constant 16 : i32
        %mul3A_718 = arith.muli %scan3A_503, %mul3A_717 : i32
        %swap3A_719 = arith.constant 26 : i32
        %swap3A_720 = arith.index_cast %swap3A_719 : i32 to index
        %swap3A_721 = arith.index_cast %mul3A_718 : i32 to index
        %swap3A_722 = tpu.vector_load %arg8[%swap3A_720, %swap3A_721] {strides = array<i32>} : memref<32x768xf32, #tpu.memory_space<vmem>>, vector<1x16xf32>,
        %swap3A_723 = vector.shape_cast %swap3A_722 : vector<1x16xf32> to vector<16xf32>
        %swap3A_724 = vector.shape_cast %get3A_508 : vector<16xf32> to vector<1x16xf32>
        tpu.vector_store %arg8[%swap3A_720, %swap3A_721], %swap3A_724 {add = true, strides = array<i32>} : memref<32x768xf32, #tpu.memory_space<vmem>>, vector<1x16xf32>,
        %mul3A_725 = arith.constant 16 : i32
        %mul3A_726 = arith.muli %scan3A_503, %mul3A_725 : i32
        %swap3A_727 = arith.constant 27 : i32
        %swap3A_728 = arith.index_cast %swap3A_727 : i32 to index
        %swap3A_729 = arith.index_cast %mul3A_726 : i32 to index
        %swap3A_730 = tpu.vector_load %arg8[%swap3A_728, %swap3A_729] {strides = array<i32>} : memref<32x768xf32, #tpu.memory_space<vmem>>, vector<1x16xf32>,
        %swap3A_731 = vector.shape_cast %swap3A_730 : vector<1x16xf32> to vector<16xf32>
        %swap3A_732 = vector.shape_cast %get3A_508 : vector<16xf32> to vector<1x16xf32>
        tpu.vector_store %arg8[%swap3A_728, %swap3A_729], %swap3A_732 {add = true, strides = array<i32>} : memref<32x768xf32, #tpu.memory_space<vmem>>, vector<1x16xf32>,
        %mul3A_733 = arith.constant 16 : i32
        %mul3A_734 = arith.muli %scan3A_503, %mul3A_733 : i32
        %swap3A_735 = arith.constant 28 : i32
        %swap3A_736 = arith.index_cast %swap3A_735 : i32 to index
        %swap3A_737 = arith.index_cast %mul3A_734 : i32 to index
        %swap3A_738 = tpu.vector_load %arg8[%swap3A_736, %swap3A_737] {strides = array<i32>} : memref<32x768xf32, #tpu.memory_space<vmem>>, vector<1x16xf32>,
        %swap3A_739 = vector.shape_cast %swap3A_738 : vector<1x16xf32> to vector<16xf32>
        %swap3A_740 = vector.shape_cast %get3A_508 : vector<16xf32> to vector<1x16xf32>
        tpu.vector_store %arg8[%swap3A_736, %swap3A_737], %swap3A_740 {add = true, strides = array<i32>} : memref<32x768xf32, #tpu.memory_space<vmem>>, vector<1x16xf32>,
        %mul3A_741 = arith.constant 16 : i32
        %mul3A_742 = arith.muli %scan3A_503, %mul3A_741 : i32
        %swap3A_743 = arith.constant 29 : i32
        %swap3A_744 = arith.index_cast %swap3A_743 : i32 to index
        %swap3A_745 = arith.index_cast %mul3A_742 : i32 to index
        %swap3A_746 = tpu.vector_load %arg8[%swap3A_744, %swap3A_745] {strides = array<i32>} : memref<32x768xf32, #tpu.memory_space<vmem>>, vector<1x16xf32>,
        %swap3A_747 = vector.shape_cast %swap3A_746 : vector<1x16xf32> to vector<16xf32>
        %swap3A_748 = vector.shape_cast %get3A_508 : vector<16xf32> to vector<1x16xf32>
        tpu.vector_store %arg8[%swap3A_744, %swap3A_745], %swap3A_748 {add = true, strides = array<i32>} : memref<32x768xf32, #tpu.memory_space<vmem>>, vector<1x16xf32>,
        %mul3A_749 = arith.constant 16 : i32
        %mul3A_750 = arith.muli %scan3A_503, %mul3A_749 : i32
        %swap3A_751 = arith.constant 30 : i32
        %swap3A_752 = arith.index_cast %swap3A_751 : i32 to index
        %swap3A_753 = arith.index_cast %mul3A_750 : i32 to index
        %swap3A_754 = tpu.vector_load %arg8[%swap3A_752, %swap3A_753] {strides = array<i32>} : memref<32x768xf32, #tpu.memory_space<vmem>>, vector<1x16xf32>,
        %swap3A_755 = vector.shape_cast %swap3A_754 : vector<1x16xf32> to vector<16xf32>
        %swap3A_756 = vector.shape_cast %get3A_508 : vector<16xf32> to vector<1x16xf32>
        tpu.vector_store %arg8[%swap3A_752, %swap3A_753], %swap3A_756 {add = true, strides = array<i32>} : memref<32x768xf32, #tpu.memory_space<vmem>>, vector<1x16xf32>,
        %mul3A_757 = arith.constant 16 : i32
        %mul3A_758 = arith.muli %scan3A_503, %mul3A_757 : i32
        %swap3A_759 = arith.constant 31 : i32
        %swap3A_760 = arith.index_cast %swap3A_759 : i32 to index
        %swap3A_761 = arith.index_cast %mul3A_758 : i32 to index
        %swap3A_762 = tpu.vector_load %arg8[%swap3A_760, %swap3A_761] {strides = array<i32>} : memref<32x768xf32, #tpu.memory_space<vmem>>, vector<1x16xf32>,
        %swap3A_763 = vector.shape_cast %swap3A_762 : vector<1x16xf32> to vector<16xf32>
        %swap3A_764 = vector.shape_cast %get3A_508 : vector<16xf32> to vector<1x16xf32>
        tpu.vector_store %arg8[%swap3A_760, %swap3A_761], %swap3A_764 {add = true, strides = array<i32>} : memref<32x768xf32, #tpu.memory_space<vmem>>, vector<1x16xf32>,
      }
      %scan3A_109 = arith.constant 48 : i32
      %dma_start3A_110 = arith.constant 0 : i32
      %dma_start3A_111 = tpu.memref_slice %arg5[%add3A_77, %mul3A_2, %dma_start3A_110] : memref<77x1024x768xf32, #tpu.memory_space<hbm>> -> memref<1x32x768xf32, #tpu.memory_space<hbm>>
      %dma_start3A_112 = tpu.memref_squeeze %dma_start3A_111 : memref<1x32x768xf32, #tpu.memory_space<hbm>> -> memref<32x768xf32, #tpu.memory_space<hbm>>
      %dma_start3A_113 = arith.constant 0 : i32
      %dma_start3A_114 = tpu.memref_slice %arg5[%add3A_77, %mul3A_2, %dma_start3A_113] : memref<77x1024x768xf32, #tpu.memory_space<hbm>> -> memref<1x32x768xf32, #tpu.memory_space<hbm>>
      %dma_start3A_115 = tpu.memref_squeeze %dma_start3A_114 : memref<1x32x768xf32, #tpu.memory_space<hbm>> -> memref<32x768xf32, #tpu.memory_space<hbm>>
      tpu.enqueue_dma source(%arg8 : memref<32x768xf32, #tpu.memory_space<vmem>>) target(%dma_start3A_115 : memref<32x768xf32, #tpu.memory_space<hbm>>) target_semaphore(%arg20 : memref<!tpu.dma_semaphore, #tpu.memory_space<semaphore_mem>>)
      %mul3A_116 = arith.constant 4 : i32
      %mul3A_117 = arith.muli %scan3A_73, %mul3A_116 : i32
      %add3A_118 = arith.constant 1 : i32
      %add3A_119 = arith.addi %mul3A_117, %add3A_118 : i32
      %gt3A_120 = arith.constant 0 : i32
      %gt3A_121 = arith.cmpi sgt, %scan3A_73, %gt3A_120 : i32
      %convert_element_type3A_122 = arith.extui %gt3A_121 : i1 to i32
      %cond3A_123 = arith.constant 0 : i32
      %cond3A_124 = arith.cmpi ne, %convert_element_type3A_122, %cond3A_123 : i32
      scf.if %cond3A_124 {
        %sub3A_242 = arith.constant 2 : i32
        %sub3A_243 = arith.subi %add3A_119, %sub3A_242 : i32
        %dma_wait3A_244 = arith.constant 0 : i32
        %dma_wait3A_245 = tpu.memref_slice %arg5[%sub3A_243, %mul3A_2, %dma_wait3A_244] : memref<77x1024x768xf32, #tpu.memory_space<hbm>> -> memref<1x32x768xf32, #tpu.memory_space<hbm>>
        %dma_wait3A_246 = tpu.memref_squeeze %dma_wait3A_245 : memref<1x32x768xf32, #tpu.memory_space<hbm>> -> memref<32x768xf32, #tpu.memory_space<hbm>>
        %dma_wait3A_247 = arith.constant 0 : i32
        %dma_wait3A_248 = tpu.memref_slice %arg5[%sub3A_243, %mul3A_2, %dma_wait3A_247] : memref<77x1024x768xf32, #tpu.memory_space<hbm>> -> memref<1x32x768xf32, #tpu.memory_space<hbm>>
        %dma_wait3A_249 = tpu.memref_squeeze %dma_wait3A_248 : memref<1x32x768xf32, #tpu.memory_space<hbm>> -> memref<32x768xf32, #tpu.memory_space<hbm>>
        tpu.wait_dma2 semaphore(%arg23 : memref<!tpu.dma_semaphore, #tpu.memory_space<semaphore_mem>>) src(%arg11 : memref<32x768xf32, #tpu.memory_space<vmem>>) dst(%dma_wait3A_249 : memref<32x768xf32, #tpu.memory_space<hbm>>)
      } else {
      }
      %add3A_125 = arith.constant 2 : i32
      %add3A_126 = arith.addi %add3A_119, %add3A_125 : i32
      %mul3A_127 = arith.constant 32 : i32
      %mul3A_128 = arith.muli %add3A_126, %mul3A_127 : i32
      %dma_start3A_129 = tpu.memref_slice %arg6[%mul3A_128] : memref<2464xi32, #tpu.memory_space<vmem>> -> memref<32xi32, #tpu.memory_space<vmem>>
      %dma_start3A_130 = arith.constant 0 : i32
      %dma_start3A_131 = arith.constant 0 : i32
      %dma_start3A_132 = tpu.memref_slice %arg2[%dma_start3A_130, %dma_start3A_131] : memref<49408x768xf32, #tpu.memory_space<hbm>> -> memref<49408x768xf32, #tpu.memory_space<hbm>>
      tpu.enqueue_indirect_dma source(%dma_start3A_132 : memref<49408x768xf32, #tpu.memory_space<hbm>>) target(%arg11 : memref<32x768xf32, #tpu.memory_space<vmem>>) offsets(%dma_start3A_129 : memref<32xi32, #tpu.memory_space<vmem>>) semaphore(%arg19 : memref<!tpu.dma_semaphore, #tpu.memory_space<semaphore_mem>>)
      %mul3A_133 = arith.constant 768 : i32
      %mul3A_134 = arith.muli %add3A_126, %mul3A_133 : i32
      %dma_start3A_135 = tpu.memref_slice %arg7[%mul3A_134] : memref<59136xf32, #tpu.memory_space<vmem_shared>> -> memref<768xf32, #tpu.memory_space<vmem_shared>>
      %dma_start3A_136 = tpu.memref_slice %arg7[%mul3A_134] : memref<59136xf32, #tpu.memory_space<vmem_shared>> -> memref<768xf32, #tpu.memory_space<vmem_shared>>
      tpu.enqueue_dma source(%dma_start3A_136 : memref<768xf32, #tpu.memory_space<vmem_shared>>) target(%arg15 : memref<768xf32, #tpu.memory_space<vmem>>) target_semaphore(%arg27 : memref<!tpu.dma_semaphore, #tpu.memory_space<semaphore_mem>>)
      %mul3A_137 = arith.constant 32 : i32
      %mul3A_138 = arith.muli %add3A_119, %mul3A_137 : i32
      %dma_wait3A_139 = tpu.memref_slice %arg6[%mul3A_138] : memref<2464xi32, #tpu.memory_space<vmem>> -> memref<32xi32, #tpu.memory_space<vmem>>
      %dma_wait3A_140 = arith.constant 0 : i32
      %dma_wait3A_141 = arith.constant 0 : i32
      %dma_wait3A_142 = tpu.memref_slice %arg2[%dma_wait3A_140, %dma_wait3A_141] : memref<49408x768xf32, #tpu.memory_space<hbm>> -> memref<49408x768xf32, #tpu.memory_space<hbm>>
      tpu.wait_indirect_dma semaphore(%arg17 : memref<!tpu.dma_semaphore, #tpu.memory_space<semaphore_mem>>) src(%dma_wait3A_142 : memref<49408x768xf32, #tpu.memory_space<hbm>>) dst(%arg9 : memref<32x768xf32, #tpu.memory_space<vmem>>)
      %mul3A_143 = arith.constant 768 : i32
      %mul3A_144 = arith.muli %add3A_119, %mul3A_143 : i32
      %dma_wait3A_145 = tpu.memref_slice %arg7[%mul3A_144] : memref<59136xf32, #tpu.memory_space<vmem_shared>> -> memref<768xf32, #tpu.memory_space<vmem_shared>>
      %dma_wait3A_146 = tpu.memref_slice %arg7[%mul3A_144] : memref<59136xf32, #tpu.memory_space<vmem_shared>> -> memref<768xf32, #tpu.memory_space<vmem_shared>>
      tpu.wait_dma2 semaphore(%arg25 : memref<!tpu.dma_semaphore, #tpu.memory_space<semaphore_mem>>) src(%dma_wait3A_146 : memref<768xf32, #tpu.memory_space<vmem_shared>>) dst(%arg13 : memref<768xf32, #tpu.memory_space<vmem>>)
      %scan3A_147 = arith.constant 0 : i32
      %scan3A_148 = arith.constant 0 : i32
      %scan3A_149 = arith.constant 48 : i32
      %scan3A_150 = arith.addi %scan3A_148, %scan3A_149 : i32
      %scan3A_151 = arith.constant 2 : i32
      scf.for %scan3A_242 = %scan3A_148 to %scan3A_150 step %scan3A_151  : i32 {
        %mul3A_243 = arith.constant 16 : i32
        %mul3A_244 = arith.muli %scan3A_242, %mul3A_243 : i32
        %get3A = arith.index_cast %mul3A_244 : i32 to index
        %get3A_245 = tpu.vector_load %arg13[%get3A] {strides = array<i32>} : memref<768xf32, #tpu.memory_space<vmem>>, vector<16xf32>,
        %get3A_246 = vector.shape_cast %get3A_245 : vector<16xf32> to vector<16xf32>
        %mul3A_247 = arith.constant 16 : i32
        %mul3A_248 = arith.muli %scan3A_242, %mul3A_247 : i32
        %swap3A = arith.constant 0 : i32
        %swap3A_249 = arith.index_cast %swap3A : i32 to index
        %swap3A_250 = arith.index_cast %mul3A_248 : i32 to index
        %swap3A_251 = tpu.vector_load %arg9[%swap3A_249, %swap3A_250] {strides = array<i32>} : memref<32x768xf32, #tpu.memory_space<vmem>>, vector<1x16xf32>,
        %swap3A_252 = vector.shape_cast %swap3A_251 : vector<1x16xf32> to vector<16xf32>
        %swap3A_253 = vector.shape_cast %get3A_246 : vector<16xf32> to vector<1x16xf32>
        tpu.vector_store %arg9[%swap3A_249, %swap3A_250], %swap3A_253 {add = true, strides = array<i32>} : memref<32x768xf32, #tpu.memory_space<vmem>>, vector<1x16xf32>,
        %mul3A_254 = arith.constant 16 : i32
        %mul3A_255 = arith.muli %scan3A_242, %mul3A_254 : i32
        %swap3A_256 = arith.constant 1 : i32
        %swap3A_257 = arith.index_cast %swap3A_256 : i32 to index
        %swap3A_258 = arith.index_cast %mul3A_255 : i32 to index
        %swap3A_259 = tpu.vector_load %arg9[%swap3A_257, %swap3A_258] {strides = array<i32>} : memref<32x768xf32, #tpu.memory_space<vmem>>, vector<1x16xf32>,
        %swap3A_260 = vector.shape_cast %swap3A_259 : vector<1x16xf32> to vector<16xf32>
        %swap3A_261 = vector.shape_cast %get3A_246 : vector<16xf32> to vector<1x16xf32>
        tpu.vector_store %arg9[%swap3A_257, %swap3A_258], %swap3A_261 {add = true, strides = array<i32>} : memref<32x768xf32, #tpu.memory_space<vmem>>, vector<1x16xf32>,
        %mul3A_262 = arith.constant 16 : i32
        %mul3A_263 = arith.muli %scan3A_242, %mul3A_262 : i32
        %swap3A_264 = arith.constant 2 : i32
        %swap3A_265 = arith.index_cast %swap3A_264 : i32 to index
        %swap3A_266 = arith.index_cast %mul3A_263 : i32 to index
        %swap3A_267 = tpu.vector_load %arg9[%swap3A_265, %swap3A_266] {strides = array<i32>} : memref<32x768xf32, #tpu.memory_space<vmem>>, vector<1x16xf32>,
        %swap3A_268 = vector.shape_cast %swap3A_267 : vector<1x16xf32> to vector<16xf32>
        %swap3A_269 = vector.shape_cast %get3A_246 : vector<16xf32> to vector<1x16xf32>
        tpu.vector_store %arg9[%swap3A_265, %swap3A_266], %swap3A_269 {add = true, strides = array<i32>} : memref<32x768xf32, #tpu.memory_space<vmem>>, vector<1x16xf32>,
        %mul3A_270 = arith.constant 16 : i32
        %mul3A_271 = arith.muli %scan3A_242, %mul3A_270 : i32
        %swap3A_272 = arith.constant 3 : i32
        %swap3A_273 = arith.index_cast %swap3A_272 : i32 to index
        %swap3A_274 = arith.index_cast %mul3A_271 : i32 to index
        %swap3A_275 = tpu.vector_load %arg9[%swap3A_273, %swap3A_274] {strides = array<i32>} : memref<32x768xf32, #tpu.memory_space<vmem>>, vector<1x16xf32>,
        %swap3A_276 = vector.shape_cast %swap3A_275 : vector<1x16xf32> to vector<16xf32>
        %swap3A_277 = vector.shape_cast %get3A_246 : vector<16xf32> to vector<1x16xf32>
        tpu.vector_store %arg9[%swap3A_273, %swap3A_274], %swap3A_277 {add = true, strides = array<i32>} : memref<32x768xf32, #tpu.memory_space<vmem>>, vector<1x16xf32>,
        %mul3A_278 = arith.constant 16 : i32
        %mul3A_279 = arith.muli %scan3A_242, %mul3A_278 : i32
        %swap3A_280 = arith.constant 4 : i32
        %swap3A_281 = arith.index_cast %swap3A_280 : i32 to index
        %swap3A_282 = arith.index_cast %mul3A_279 : i32 to index
        %swap3A_283 = tpu.vector_load %arg9[%swap3A_281, %swap3A_282] {strides = array<i32>} : memref<32x768xf32, #tpu.memory_space<vmem>>, vector<1x16xf32>,
        %swap3A_284 = vector.shape_cast %swap3A_283 : vector<1x16xf32> to vector<16xf32>
        %swap3A_285 = vector.shape_cast %get3A_246 : vector<16xf32> to vector<1x16xf32>
        tpu.vector_store %arg9[%swap3A_281, %swap3A_282], %swap3A_285 {add = true, strides = array<i32>} : memref<32x768xf32, #tpu.memory_space<vmem>>, vector<1x16xf32>,
        %mul3A_286 = arith.constant 16 : i32
        %mul3A_287 = arith.muli %scan3A_242, %mul3A_286 : i32
        %swap3A_288 = arith.constant 5 : i32
        %swap3A_289 = arith.index_cast %swap3A_288 : i32 to index
        %swap3A_290 = arith.index_cast %mul3A_287 : i32 to index
        %swap3A_291 = tpu.vector_load %arg9[%swap3A_289, %swap3A_290] {strides = array<i32>} : memref<32x768xf32, #tpu.memory_space<vmem>>, vector<1x16xf32>,
        %swap3A_292 = vector.shape_cast %swap3A_291 : vector<1x16xf32> to vector<16xf32>
        %swap3A_293 = vector.shape_cast %get3A_246 : vector<16xf32> to vector<1x16xf32>
        tpu.vector_store %arg9[%swap3A_289, %swap3A_290], %swap3A_293 {add = true, strides = array<i32>} : memref<32x768xf32, #tpu.memory_space<vmem>>, vector<1x16xf32>,
        %mul3A_294 = arith.constant 16 : i32
        %mul3A_295 = arith.muli %scan3A_242, %mul3A_294 : i32
        %swap3A_296 = arith.constant 6 : i32
        %swap3A_297 = arith.index_cast %swap3A_296 : i32 to index
        %swap3A_298 = arith.index_cast %mul3A_295 : i32 to index
        %swap3A_299 = tpu.vector_load %arg9[%swap3A_297, %swap3A_298] {strides = array<i32>} : memref<32x768xf32, #tpu.memory_space<vmem>>, vector<1x16xf32>,
        %swap3A_300 = vector.shape_cast %swap3A_299 : vector<1x16xf32> to vector<16xf32>
        %swap3A_301 = vector.shape_cast %get3A_246 : vector<16xf32> to vector<1x16xf32>
        tpu.vector_store %arg9[%swap3A_297, %swap3A_298], %swap3A_301 {add = true, strides = array<i32>} : memref<32x768xf32, #tpu.memory_space<vmem>>, vector<1x16xf32>,
        %mul3A_302 = arith.constant 16 : i32
        %mul3A_303 = arith.muli %scan3A_242, %mul3A_302 : i32
        %swap3A_304 = arith.constant 7 : i32
        %swap3A_305 = arith.index_cast %swap3A_304 : i32 to index
        %swap3A_306 = arith.index_cast %mul3A_303 : i32 to index
        %swap3A_307 = tpu.vector_load %arg9[%swap3A_305, %swap3A_306] {strides = array<i32>} : memref<32x768xf32, #tpu.memory_space<vmem>>, vector<1x16xf32>,
        %swap3A_308 = vector.shape_cast %swap3A_307 : vector<1x16xf32> to vector<16xf32>
        %swap3A_309 = vector.shape_cast %get3A_246 : vector<16xf32> to vector<1x16xf32>
        tpu.vector_store %arg9[%swap3A_305, %swap3A_306], %swap3A_309 {add = true, strides = array<i32>} : memref<32x768xf32, #tpu.memory_space<vmem>>, vector<1x16xf32>,
        %mul3A_310 = arith.constant 16 : i32
        %mul3A_311 = arith.muli %scan3A_242, %mul3A_310 : i32
        %swap3A_312 = arith.constant 8 : i32
        %swap3A_313 = arith.index_cast %swap3A_312 : i32 to index
        %swap3A_314 = arith.index_cast %mul3A_311 : i32 to index
        %swap3A_315 = tpu.vector_load %arg9[%swap3A_313, %swap3A_314] {strides = array<i32>} : memref<32x768xf32, #tpu.memory_space<vmem>>, vector<1x16xf32>,
        %swap3A_316 = vector.shape_cast %swap3A_315 : vector<1x16xf32> to vector<16xf32>
        %swap3A_317 = vector.shape_cast %get3A_246 : vector<16xf32> to vector<1x16xf32>
        tpu.vector_store %arg9[%swap3A_313, %swap3A_314], %swap3A_317 {add = true, strides = array<i32>} : memref<32x768xf32, #tpu.memory_space<vmem>>, vector<1x16xf32>,
        %mul3A_318 = arith.constant 16 : i32
        %mul3A_319 = arith.muli %scan3A_242, %mul3A_318 : i32
        %swap3A_320 = arith.constant 9 : i32
        %swap3A_321 = arith.index_cast %swap3A_320 : i32 to index
        %swap3A_322 = arith.index_cast %mul3A_319 : i32 to index
        %swap3A_323 = tpu.vector_load %arg9[%swap3A_321, %swap3A_322] {strides = array<i32>} : memref<32x768xf32, #tpu.memory_space<vmem>>, vector<1x16xf32>,
        %swap3A_324 = vector.shape_cast %swap3A_323 : vector<1x16xf32> to vector<16xf32>
        %swap3A_325 = vector.shape_cast %get3A_246 : vector<16xf32> to vector<1x16xf32>
        tpu.vector_store %arg9[%swap3A_321, %swap3A_322], %swap3A_325 {add = true, strides = array<i32>} : memref<32x768xf32, #tpu.memory_space<vmem>>, vector<1x16xf32>,
        %mul3A_326 = arith.constant 16 : i32
        %mul3A_327 = arith.muli %scan3A_242, %mul3A_326 : i32
        %swap3A_328 = arith.constant 10 : i32
        %swap3A_329 = arith.index_cast %swap3A_328 : i32 to index
        %swap3A_330 = arith.index_cast %mul3A_327 : i32 to index
        %swap3A_331 = tpu.vector_load %arg9[%swap3A_329, %swap3A_330] {strides = array<i32>} : memref<32x768xf32, #tpu.memory_space<vmem>>, vector<1x16xf32>,
        %swap3A_332 = vector.shape_cast %swap3A_331 : vector<1x16xf32> to vector<16xf32>
        %swap3A_333 = vector.shape_cast %get3A_246 : vector<16xf32> to vector<1x16xf32>
        tpu.vector_store %arg9[%swap3A_329, %swap3A_330], %swap3A_333 {add = true, strides = array<i32>} : memref<32x768xf32, #tpu.memory_space<vmem>>, vector<1x16xf32>,
        %mul3A_334 = arith.constant 16 : i32
        %mul3A_335 = arith.muli %scan3A_242, %mul3A_334 : i32
        %swap3A_336 = arith.constant 11 : i32
        %swap3A_337 = arith.index_cast %swap3A_336 : i32 to index
        %swap3A_338 = arith.index_cast %mul3A_335 : i32 to index
        %swap3A_339 = tpu.vector_load %arg9[%swap3A_337, %swap3A_338] {strides = array<i32>} : memref<32x768xf32, #tpu.memory_space<vmem>>, vector<1x16xf32>,
        %swap3A_340 = vector.shape_cast %swap3A_339 : vector<1x16xf32> to vector<16xf32>
        %swap3A_341 = vector.shape_cast %get3A_246 : vector<16xf32> to vector<1x16xf32>
        tpu.vector_store %arg9[%swap3A_337, %swap3A_338], %swap3A_341 {add = true, strides = array<i32>} : memref<32x768xf32, #tpu.memory_space<vmem>>, vector<1x16xf32>,
        %mul3A_342 = arith.constant 16 : i32
        %mul3A_343 = arith.muli %scan3A_242, %mul3A_342 : i32
        %swap3A_344 = arith.constant 12 : i32
        %swap3A_345 = arith.index_cast %swap3A_344 : i32 to index
        %swap3A_346 = arith.index_cast %mul3A_343 : i32 to index
        %swap3A_347 = tpu.vector_load %arg9[%swap3A_345, %swap3A_346] {strides = array<i32>} : memref<32x768xf32, #tpu.memory_space<vmem>>, vector<1x16xf32>,
        %swap3A_348 = vector.shape_cast %swap3A_347 : vector<1x16xf32> to vector<16xf32>
        %swap3A_349 = vector.shape_cast %get3A_246 : vector<16xf32> to vector<1x16xf32>
        tpu.vector_store %arg9[%swap3A_345, %swap3A_346], %swap3A_349 {add = true, strides = array<i32>} : memref<32x768xf32, #tpu.memory_space<vmem>>, vector<1x16xf32>,
        %mul3A_350 = arith.constant 16 : i32
        %mul3A_351 = arith.muli %scan3A_242, %mul3A_350 : i32
        %swap3A_352 = arith.constant 13 : i32
        %swap3A_353 = arith.index_cast %swap3A_352 : i32 to index
        %swap3A_354 = arith.index_cast %mul3A_351 : i32 to index
        %swap3A_355 = tpu.vector_load %arg9[%swap3A_353, %swap3A_354] {strides = array<i32>} : memref<32x768xf32, #tpu.memory_space<vmem>>, vector<1x16xf32>,
        %swap3A_356 = vector.shape_cast %swap3A_355 : vector<1x16xf32> to vector<16xf32>
        %swap3A_357 = vector.shape_cast %get3A_246 : vector<16xf32> to vector<1x16xf32>
        tpu.vector_store %arg9[%swap3A_353, %swap3A_354], %swap3A_357 {add = true, strides = array<i32>} : memref<32x768xf32, #tpu.memory_space<vmem>>, vector<1x16xf32>,
        %mul3A_358 = arith.constant 16 : i32
        %mul3A_359 = arith.muli %scan3A_242, %mul3A_358 : i32
        %swap3A_360 = arith.constant 14 : i32
        %swap3A_361 = arith.index_cast %swap3A_360 : i32 to index
        %swap3A_362 = arith.index_cast %mul3A_359 : i32 to index
        %swap3A_363 = tpu.vector_load %arg9[%swap3A_361, %swap3A_362] {strides = array<i32>} : memref<32x768xf32, #tpu.memory_space<vmem>>, vector<1x16xf32>,
        %swap3A_364 = vector.shape_cast %swap3A_363 : vector<1x16xf32> to vector<16xf32>
        %swap3A_365 = vector.shape_cast %get3A_246 : vector<16xf32> to vector<1x16xf32>
        tpu.vector_store %arg9[%swap3A_361, %swap3A_362], %swap3A_365 {add = true, strides = array<i32>} : memref<32x768xf32, #tpu.memory_space<vmem>>, vector<1x16xf32>,
        %mul3A_366 = arith.constant 16 : i32
        %mul3A_367 = arith.muli %scan3A_242, %mul3A_366 : i32
        %swap3A_368 = arith.constant 15 : i32
        %swap3A_369 = arith.index_cast %swap3A_368 : i32 to index
        %swap3A_370 = arith.index_cast %mul3A_367 : i32 to index
        %swap3A_371 = tpu.vector_load %arg9[%swap3A_369, %swap3A_370] {strides = array<i32>} : memref<32x768xf32, #tpu.memory_space<vmem>>, vector<1x16xf32>,
        %swap3A_372 = vector.shape_cast %swap3A_371 : vector<1x16xf32> to vector<16xf32>
        %swap3A_373 = vector.shape_cast %get3A_246 : vector<16xf32> to vector<1x16xf32>
        tpu.vector_store %arg9[%swap3A_369, %swap3A_370], %swap3A_373 {add = true, strides = array<i32>} : memref<32x768xf32, #tpu.memory_space<vmem>>, vector<1x16xf32>,
        %mul3A_374 = arith.constant 16 : i32
        %mul3A_375 = arith.muli %scan3A_242, %mul3A_374 : i32
        %swap3A_376 = arith.constant 16 : i32
        %swap3A_377 = arith.index_cast %swap3A_376 : i32 to index
        %swap3A_378 = arith.index_cast %mul3A_375 : i32 to index
        %swap3A_379 = tpu.vector_load %arg9[%swap3A_377, %swap3A_378] {strides = array<i32>} : memref<32x768xf32, #tpu.memory_space<vmem>>, vector<1x16xf32>,
        %swap3A_380 = vector.shape_cast %swap3A_379 : vector<1x16xf32> to vector<16xf32>
        %swap3A_381 = vector.shape_cast %get3A_246 : vector<16xf32> to vector<1x16xf32>
        tpu.vector_store %arg9[%swap3A_377, %swap3A_378], %swap3A_381 {add = true, strides = array<i32>} : memref<32x768xf32, #tpu.memory_space<vmem>>, vector<1x16xf32>,
        %mul3A_382 = arith.constant 16 : i32
        %mul3A_383 = arith.muli %scan3A_242, %mul3A_382 : i32
        %swap3A_384 = arith.constant 17 : i32
        %swap3A_385 = arith.index_cast %swap3A_384 : i32 to index
        %swap3A_386 = arith.index_cast %mul3A_383 : i32 to index
        %swap3A_387 = tpu.vector_load %arg9[%swap3A_385, %swap3A_386] {strides = array<i32>} : memref<32x768xf32, #tpu.memory_space<vmem>>, vector<1x16xf32>,
        %swap3A_388 = vector.shape_cast %swap3A_387 : vector<1x16xf32> to vector<16xf32>
        %swap3A_389 = vector.shape_cast %get3A_246 : vector<16xf32> to vector<1x16xf32>
        tpu.vector_store %arg9[%swap3A_385, %swap3A_386], %swap3A_389 {add = true, strides = array<i32>} : memref<32x768xf32, #tpu.memory_space<vmem>>, vector<1x16xf32>,
        %mul3A_390 = arith.constant 16 : i32
        %mul3A_391 = arith.muli %scan3A_242, %mul3A_390 : i32
        %swap3A_392 = arith.constant 18 : i32
        %swap3A_393 = arith.index_cast %swap3A_392 : i32 to index
        %swap3A_394 = arith.index_cast %mul3A_391 : i32 to index
        %swap3A_395 = tpu.vector_load %arg9[%swap3A_393, %swap3A_394] {strides = array<i32>} : memref<32x768xf32, #tpu.memory_space<vmem>>, vector<1x16xf32>,
        %swap3A_396 = vector.shape_cast %swap3A_395 : vector<1x16xf32> to vector<16xf32>
        %swap3A_397 = vector.shape_cast %get3A_246 : vector<16xf32> to vector<1x16xf32>
        tpu.vector_store %arg9[%swap3A_393, %swap3A_394], %swap3A_397 {add = true, strides = array<i32>} : memref<32x768xf32, #tpu.memory_space<vmem>>, vector<1x16xf32>,
        %mul3A_398 = arith.constant 16 : i32
        %mul3A_399 = arith.muli %scan3A_242, %mul3A_398 : i32
        %swap3A_400 = arith.constant 19 : i32
        %swap3A_401 = arith.index_cast %swap3A_400 : i32 to index
        %swap3A_402 = arith.index_cast %mul3A_399 : i32 to index
        %swap3A_403 = tpu.vector_load %arg9[%swap3A_401, %swap3A_402] {strides = array<i32>} : memref<32x768xf32, #tpu.memory_space<vmem>>, vector<1x16xf32>,
        %swap3A_404 = vector.shape_cast %swap3A_403 : vector<1x16xf32> to vector<16xf32>
        %swap3A_405 = vector.shape_cast %get3A_246 : vector<16xf32> to vector<1x16xf32>
        tpu.vector_store %arg9[%swap3A_401, %swap3A_402], %swap3A_405 {add = true, strides = array<i32>} : memref<32x768xf32, #tpu.memory_space<vmem>>, vector<1x16xf32>,
        %mul3A_406 = arith.constant 16 : i32
        %mul3A_407 = arith.muli %scan3A_242, %mul3A_406 : i32
        %swap3A_408 = arith.constant 20 : i32
        %swap3A_409 = arith.index_cast %swap3A_408 : i32 to index
        %swap3A_410 = arith.index_cast %mul3A_407 : i32 to index
        %swap3A_411 = tpu.vector_load %arg9[%swap3A_409, %swap3A_410] {strides = array<i32>} : memref<32x768xf32, #tpu.memory_space<vmem>>, vector<1x16xf32>,
        %swap3A_412 = vector.shape_cast %swap3A_411 : vector<1x16xf32> to vector<16xf32>
        %swap3A_413 = vector.shape_cast %get3A_246 : vector<16xf32> to vector<1x16xf32>
        tpu.vector_store %arg9[%swap3A_409, %swap3A_410], %swap3A_413 {add = true, strides = array<i32>} : memref<32x768xf32, #tpu.memory_space<vmem>>, vector<1x16xf32>,
        %mul3A_414 = arith.constant 16 : i32
        %mul3A_415 = arith.muli %scan3A_242, %mul3A_414 : i32
        %swap3A_416 = arith.constant 21 : i32
        %swap3A_417 = arith.index_cast %swap3A_416 : i32 to index
        %swap3A_418 = arith.index_cast %mul3A_415 : i32 to index
        %swap3A_419 = tpu.vector_load %arg9[%swap3A_417, %swap3A_418] {strides = array<i32>} : memref<32x768xf32, #tpu.memory_space<vmem>>, vector<1x16xf32>,
        %swap3A_420 = vector.shape_cast %swap3A_419 : vector<1x16xf32> to vector<16xf32>
        %swap3A_421 = vector.shape_cast %get3A_246 : vector<16xf32> to vector<1x16xf32>
        tpu.vector_store %arg9[%swap3A_417, %swap3A_418], %swap3A_421 {add = true, strides = array<i32>} : memref<32x768xf32, #tpu.memory_space<vmem>>, vector<1x16xf32>,
        %mul3A_422 = arith.constant 16 : i32
        %mul3A_423 = arith.muli %scan3A_242, %mul3A_422 : i32
        %swap3A_424 = arith.constant 22 : i32
        %swap3A_425 = arith.index_cast %swap3A_424 : i32 to index
        %swap3A_426 = arith.index_cast %mul3A_423 : i32 to index
        %swap3A_427 = tpu.vector_load %arg9[%swap3A_425, %swap3A_426] {strides = array<i32>} : memref<32x768xf32, #tpu.memory_space<vmem>>, vector<1x16xf32>,
        %swap3A_428 = vector.shape_cast %swap3A_427 : vector<1x16xf32> to vector<16xf32>
        %swap3A_429 = vector.shape_cast %get3A_246 : vector<16xf32> to vector<1x16xf32>
        tpu.vector_store %arg9[%swap3A_425, %swap3A_426], %swap3A_429 {add = true, strides = array<i32>} : memref<32x768xf32, #tpu.memory_space<vmem>>, vector<1x16xf32>,
        %mul3A_430 = arith.constant 16 : i32
        %mul3A_431 = arith.muli %scan3A_242, %mul3A_430 : i32
        %swap3A_432 = arith.constant 23 : i32
        %swap3A_433 = arith.index_cast %swap3A_432 : i32 to index
        %swap3A_434 = arith.index_cast %mul3A_431 : i32 to index
        %swap3A_435 = tpu.vector_load %arg9[%swap3A_433, %swap3A_434] {strides = array<i32>} : memref<32x768xf32, #tpu.memory_space<vmem>>, vector<1x16xf32>,
        %swap3A_436 = vector.shape_cast %swap3A_435 : vector<1x16xf32> to vector<16xf32>
        %swap3A_437 = vector.shape_cast %get3A_246 : vector<16xf32> to vector<1x16xf32>
        tpu.vector_store %arg9[%swap3A_433, %swap3A_434], %swap3A_437 {add = true, strides = array<i32>} : memref<32x768xf32, #tpu.memory_space<vmem>>, vector<1x16xf32>,
        %mul3A_438 = arith.constant 16 : i32
        %mul3A_439 = arith.muli %scan3A_242, %mul3A_438 : i32
        %swap3A_440 = arith.constant 24 : i32
        %swap3A_441 = arith.index_cast %swap3A_440 : i32 to index
        %swap3A_442 = arith.index_cast %mul3A_439 : i32 to index
        %swap3A_443 = tpu.vector_load %arg9[%swap3A_441, %swap3A_442] {strides = array<i32>} : memref<32x768xf32, #tpu.memory_space<vmem>>, vector<1x16xf32>,
        %swap3A_444 = vector.shape_cast %swap3A_443 : vector<1x16xf32> to vector<16xf32>
        %swap3A_445 = vector.shape_cast %get3A_246 : vector<16xf32> to vector<1x16xf32>
        tpu.vector_store %arg9[%swap3A_441, %swap3A_442], %swap3A_445 {add = true, strides = array<i32>} : memref<32x768xf32, #tpu.memory_space<vmem>>, vector<1x16xf32>,
        %mul3A_446 = arith.constant 16 : i32
        %mul3A_447 = arith.muli %scan3A_242, %mul3A_446 : i32
        %swap3A_448 = arith.constant 25 : i32
        %swap3A_449 = arith.index_cast %swap3A_448 : i32 to index
        %swap3A_450 = arith.index_cast %mul3A_447 : i32 to index
        %swap3A_451 = tpu.vector_load %arg9[%swap3A_449, %swap3A_450] {strides = array<i32>} : memref<32x768xf32, #tpu.memory_space<vmem>>, vector<1x16xf32>,
        %swap3A_452 = vector.shape_cast %swap3A_451 : vector<1x16xf32> to vector<16xf32>
        %swap3A_453 = vector.shape_cast %get3A_246 : vector<16xf32> to vector<1x16xf32>
        tpu.vector_store %arg9[%swap3A_449, %swap3A_450], %swap3A_453 {add = true, strides = array<i32>} : memref<32x768xf32, #tpu.memory_space<vmem>>, vector<1x16xf32>,
        %mul3A_454 = arith.constant 16 : i32
        %mul3A_455 = arith.muli %scan3A_242, %mul3A_454 : i32
        %swap3A_456 = arith.constant 26 : i32
        %swap3A_457 = arith.index_cast %swap3A_456 : i32 to index
        %swap3A_458 = arith.index_cast %mul3A_455 : i32 to index
        %swap3A_459 = tpu.vector_load %arg9[%swap3A_457, %swap3A_458] {strides = array<i32>} : memref<32x768xf32, #tpu.memory_space<vmem>>, vector<1x16xf32>,
        %swap3A_460 = vector.shape_cast %swap3A_459 : vector<1x16xf32> to vector<16xf32>
        %swap3A_461 = vector.shape_cast %get3A_246 : vector<16xf32> to vector<1x16xf32>
        tpu.vector_store %arg9[%swap3A_457, %swap3A_458], %swap3A_461 {add = true, strides = array<i32>} : memref<32x768xf32, #tpu.memory_space<vmem>>, vector<1x16xf32>,
        %mul3A_462 = arith.constant 16 : i32
        %mul3A_463 = arith.muli %scan3A_242, %mul3A_462 : i32
        %swap3A_464 = arith.constant 27 : i32
        %swap3A_465 = arith.index_cast %swap3A_464 : i32 to index
        %swap3A_466 = arith.index_cast %mul3A_463 : i32 to index
        %swap3A_467 = tpu.vector_load %arg9[%swap3A_465, %swap3A_466] {strides = array<i32>} : memref<32x768xf32, #tpu.memory_space<vmem>>, vector<1x16xf32>,
        %swap3A_468 = vector.shape_cast %swap3A_467 : vector<1x16xf32> to vector<16xf32>
        %swap3A_469 = vector.shape_cast %get3A_246 : vector<16xf32> to vector<1x16xf32>
        tpu.vector_store %arg9[%swap3A_465, %swap3A_466], %swap3A_469 {add = true, strides = array<i32>} : memref<32x768xf32, #tpu.memory_space<vmem>>, vector<1x16xf32>,
        %mul3A_470 = arith.constant 16 : i32
        %mul3A_471 = arith.muli %scan3A_242, %mul3A_470 : i32
        %swap3A_472 = arith.constant 28 : i32
        %swap3A_473 = arith.index_cast %swap3A_472 : i32 to index
        %swap3A_474 = arith.index_cast %mul3A_471 : i32 to index
        %swap3A_475 = tpu.vector_load %arg9[%swap3A_473, %swap3A_474] {strides = array<i32>} : memref<32x768xf32, #tpu.memory_space<vmem>>, vector<1x16xf32>,
        %swap3A_476 = vector.shape_cast %swap3A_475 : vector<1x16xf32> to vector<16xf32>
        %swap3A_477 = vector.shape_cast %get3A_246 : vector<16xf32> to vector<1x16xf32>
        tpu.vector_store %arg9[%swap3A_473, %swap3A_474], %swap3A_477 {add = true, strides = array<i32>} : memref<32x768xf32, #tpu.memory_space<vmem>>, vector<1x16xf32>,
        %mul3A_478 = arith.constant 16 : i32
        %mul3A_479 = arith.muli %scan3A_242, %mul3A_478 : i32
        %swap3A_480 = arith.constant 29 : i32
        %swap3A_481 = arith.index_cast %swap3A_480 : i32 to index
        %swap3A_482 = arith.index_cast %mul3A_479 : i32 to index
        %swap3A_483 = tpu.vector_load %arg9[%swap3A_481, %swap3A_482] {strides = array<i32>} : memref<32x768xf32, #tpu.memory_space<vmem>>, vector<1x16xf32>,
        %swap3A_484 = vector.shape_cast %swap3A_483 : vector<1x16xf32> to vector<16xf32>
        %swap3A_485 = vector.shape_cast %get3A_246 : vector<16xf32> to vector<1x16xf32>
        tpu.vector_store %arg9[%swap3A_481, %swap3A_482], %swap3A_485 {add = true, strides = array<i32>} : memref<32x768xf32, #tpu.memory_space<vmem>>, vector<1x16xf32>,
        %mul3A_486 = arith.constant 16 : i32
        %mul3A_487 = arith.muli %scan3A_242, %mul3A_486 : i32
        %swap3A_488 = arith.constant 30 : i32
        %swap3A_489 = arith.index_cast %swap3A_488 : i32 to index
        %swap3A_490 = arith.index_cast %mul3A_487 : i32 to index
        %swap3A_491 = tpu.vector_load %arg9[%swap3A_489, %swap3A_490] {strides = array<i32>} : memref<32x768xf32, #tpu.memory_space<vmem>>, vector<1x16xf32>,
        %swap3A_492 = vector.shape_cast %swap3A_491 : vector<1x16xf32> to vector<16xf32>
        %swap3A_493 = vector.shape_cast %get3A_246 : vector<16xf32> to vector<1x16xf32>
        tpu.vector_store %arg9[%swap3A_489, %swap3A_490], %swap3A_493 {add = true, strides = array<i32>} : memref<32x768xf32, #tpu.memory_space<vmem>>, vector<1x16xf32>,
        %mul3A_494 = arith.constant 16 : i32
        %mul3A_495 = arith.muli %scan3A_242, %mul3A_494 : i32
        %swap3A_496 = arith.constant 31 : i32
        %swap3A_497 = arith.index_cast %swap3A_496 : i32 to index
        %swap3A_498 = arith.index_cast %mul3A_495 : i32 to index
        %swap3A_499 = tpu.vector_load %arg9[%swap3A_497, %swap3A_498] {strides = array<i32>} : memref<32x768xf32, #tpu.memory_space<vmem>>, vector<1x16xf32>,
        %swap3A_500 = vector.shape_cast %swap3A_499 : vector<1x16xf32> to vector<16xf32>
        %swap3A_501 = vector.shape_cast %get3A_246 : vector<16xf32> to vector<1x16xf32>
        tpu.vector_store %arg9[%swap3A_497, %swap3A_498], %swap3A_501 {add = true, strides = array<i32>} : memref<32x768xf32, #tpu.memory_space<vmem>>, vector<1x16xf32>,
        %scan3A_502 = arith.constant 1 : i32
        %scan3A_503 = arith.addi %scan3A_242, %scan3A_502 : i32
        %mul3A_504 = arith.constant 16 : i32
        %mul3A_505 = arith.muli %scan3A_503, %mul3A_504 : i32
        %get3A_506 = arith.index_cast %mul3A_505 : i32 to index
        %get3A_507 = tpu.vector_load %arg13[%get3A_506] {strides = array<i32>} : memref<768xf32, #tpu.memory_space<vmem>>, vector<16xf32>,
        %get3A_508 = vector.shape_cast %get3A_507 : vector<16xf32> to vector<16xf32>
        %mul3A_509 = arith.constant 16 : i32
        %mul3A_510 = arith.muli %scan3A_503, %mul3A_509 : i32
        %swap3A_511 = arith.constant 0 : i32
        %swap3A_512 = arith.index_cast %swap3A_511 : i32 to index
        %swap3A_513 = arith.index_cast %mul3A_510 : i32 to index
        %swap3A_514 = tpu.vector_load %arg9[%swap3A_512, %swap3A_513] {strides = array<i32>} : memref<32x768xf32, #tpu.memory_space<vmem>>, vector<1x16xf32>,
        %swap3A_515 = vector.shape_cast %swap3A_514 : vector<1x16xf32> to vector<16xf32>
        %swap3A_516 = vector.shape_cast %get3A_508 : vector<16xf32> to vector<1x16xf32>
        tpu.vector_store %arg9[%swap3A_512, %swap3A_513], %swap3A_516 {add = true, strides = array<i32>} : memref<32x768xf32, #tpu.memory_space<vmem>>, vector<1x16xf32>,
        %mul3A_517 = arith.constant 16 : i32
        %mul3A_518 = arith.muli %scan3A_503, %mul3A_517 : i32
        %swap3A_519 = arith.constant 1 : i32
        %swap3A_520 = arith.index_cast %swap3A_519 : i32 to index
        %swap3A_521 = arith.index_cast %mul3A_518 : i32 to index
        %swap3A_522 = tpu.vector_load %arg9[%swap3A_520, %swap3A_521] {strides = array<i32>} : memref<32x768xf32, #tpu.memory_space<vmem>>, vector<1x16xf32>,
        %swap3A_523 = vector.shape_cast %swap3A_522 : vector<1x16xf32> to vector<16xf32>
        %swap3A_524 = vector.shape_cast %get3A_508 : vector<16xf32> to vector<1x16xf32>
        tpu.vector_store %arg9[%swap3A_520, %swap3A_521], %swap3A_524 {add = true, strides = array<i32>} : memref<32x768xf32, #tpu.memory_space<vmem>>, vector<1x16xf32>,
        %mul3A_525 = arith.constant 16 : i32
        %mul3A_526 = arith.muli %scan3A_503, %mul3A_525 : i32
        %swap3A_527 = arith.constant 2 : i32
        %swap3A_528 = arith.index_cast %swap3A_527 : i32 to index
        %swap3A_529 = arith.index_cast %mul3A_526 : i32 to index
        %swap3A_530 = tpu.vector_load %arg9[%swap3A_528, %swap3A_529] {strides = array<i32>} : memref<32x768xf32, #tpu.memory_space<vmem>>, vector<1x16xf32>,
        %swap3A_531 = vector.shape_cast %swap3A_530 : vector<1x16xf32> to vector<16xf32>
        %swap3A_532 = vector.shape_cast %get3A_508 : vector<16xf32> to vector<1x16xf32>
        tpu.vector_store %arg9[%swap3A_528, %swap3A_529], %swap3A_532 {add = true, strides = array<i32>} : memref<32x768xf32, #tpu.memory_space<vmem>>, vector<1x16xf32>,
        %mul3A_533 = arith.constant 16 : i32
        %mul3A_534 = arith.muli %scan3A_503, %mul3A_533 : i32
        %swap3A_535 = arith.constant 3 : i32
        %swap3A_536 = arith.index_cast %swap3A_535 : i32 to index
        %swap3A_537 = arith.index_cast %mul3A_534 : i32 to index
        %swap3A_538 = tpu.vector_load %arg9[%swap3A_536, %swap3A_537] {strides = array<i32>} : memref<32x768xf32, #tpu.memory_space<vmem>>, vector<1x16xf32>,
        %swap3A_539 = vector.shape_cast %swap3A_538 : vector<1x16xf32> to vector<16xf32>
        %swap3A_540 = vector.shape_cast %get3A_508 : vector<16xf32> to vector<1x16xf32>
        tpu.vector_store %arg9[%swap3A_536, %swap3A_537], %swap3A_540 {add = true, strides = array<i32>} : memref<32x768xf32, #tpu.memory_space<vmem>>, vector<1x16xf32>,
        %mul3A_541 = arith.constant 16 : i32
        %mul3A_542 = arith.muli %scan3A_503, %mul3A_541 : i32
        %swap3A_543 = arith.constant 4 : i32
        %swap3A_544 = arith.index_cast %swap3A_543 : i32 to index
        %swap3A_545 = arith.index_cast %mul3A_542 : i32 to index
        %swap3A_546 = tpu.vector_load %arg9[%swap3A_544, %swap3A_545] {strides = array<i32>} : memref<32x768xf32, #tpu.memory_space<vmem>>, vector<1x16xf32>,
        %swap3A_547 = vector.shape_cast %swap3A_546 : vector<1x16xf32> to vector<16xf32>
        %swap3A_548 = vector.shape_cast %get3A_508 : vector<16xf32> to vector<1x16xf32>
        tpu.vector_store %arg9[%swap3A_544, %swap3A_545], %swap3A_548 {add = true, strides = array<i32>} : memref<32x768xf32, #tpu.memory_space<vmem>>, vector<1x16xf32>,
        %mul3A_549 = arith.constant 16 : i32
        %mul3A_550 = arith.muli %scan3A_503, %mul3A_549 : i32
        %swap3A_551 = arith.constant 5 : i32
        %swap3A_552 = arith.index_cast %swap3A_551 : i32 to index
        %swap3A_553 = arith.index_cast %mul3A_550 : i32 to index
        %swap3A_554 = tpu.vector_load %arg9[%swap3A_552, %swap3A_553] {strides = array<i32>} : memref<32x768xf32, #tpu.memory_space<vmem>>, vector<1x16xf32>,
        %swap3A_555 = vector.shape_cast %swap3A_554 : vector<1x16xf32> to vector<16xf32>
        %swap3A_556 = vector.shape_cast %get3A_508 : vector<16xf32> to vector<1x16xf32>
        tpu.vector_store %arg9[%swap3A_552, %swap3A_553], %swap3A_556 {add = true, strides = array<i32>} : memref<32x768xf32, #tpu.memory_space<vmem>>, vector<1x16xf32>,
        %mul3A_557 = arith.constant 16 : i32
        %mul3A_558 = arith.muli %scan3A_503, %mul3A_557 : i32
        %swap3A_559 = arith.constant 6 : i32
        %swap3A_560 = arith.index_cast %swap3A_559 : i32 to index
        %swap3A_561 = arith.index_cast %mul3A_558 : i32 to index
        %swap3A_562 = tpu.vector_load %arg9[%swap3A_560, %swap3A_561] {strides = array<i32>} : memref<32x768xf32, #tpu.memory_space<vmem>>, vector<1x16xf32>,
        %swap3A_563 = vector.shape_cast %swap3A_562 : vector<1x16xf32> to vector<16xf32>
        %swap3A_564 = vector.shape_cast %get3A_508 : vector<16xf32> to vector<1x16xf32>
        tpu.vector_store %arg9[%swap3A_560, %swap3A_561], %swap3A_564 {add = true, strides = array<i32>} : memref<32x768xf32, #tpu.memory_space<vmem>>, vector<1x16xf32>,
        %mul3A_565 = arith.constant 16 : i32
        %mul3A_566 = arith.muli %scan3A_503, %mul3A_565 : i32
        %swap3A_567 = arith.constant 7 : i32
        %swap3A_568 = arith.index_cast %swap3A_567 : i32 to index
        %swap3A_569 = arith.index_cast %mul3A_566 : i32 to index
        %swap3A_570 = tpu.vector_load %arg9[%swap3A_568, %swap3A_569] {strides = array<i32>} : memref<32x768xf32, #tpu.memory_space<vmem>>, vector<1x16xf32>,
        %swap3A_571 = vector.shape_cast %swap3A_570 : vector<1x16xf32> to vector<16xf32>
        %swap3A_572 = vector.shape_cast %get3A_508 : vector<16xf32> to vector<1x16xf32>
        tpu.vector_store %arg9[%swap3A_568, %swap3A_569], %swap3A_572 {add = true, strides = array<i32>} : memref<32x768xf32, #tpu.memory_space<vmem>>, vector<1x16xf32>,
        %mul3A_573 = arith.constant 16 : i32
        %mul3A_574 = arith.muli %scan3A_503, %mul3A_573 : i32
        %swap3A_575 = arith.constant 8 : i32
        %swap3A_576 = arith.index_cast %swap3A_575 : i32 to index
        %swap3A_577 = arith.index_cast %mul3A_574 : i32 to index
        %swap3A_578 = tpu.vector_load %arg9[%swap3A_576, %swap3A_577] {strides = array<i32>} : memref<32x768xf32, #tpu.memory_space<vmem>>, vector<1x16xf32>,
        %swap3A_579 = vector.shape_cast %swap3A_578 : vector<1x16xf32> to vector<16xf32>
        %swap3A_580 = vector.shape_cast %get3A_508 : vector<16xf32> to vector<1x16xf32>
        tpu.vector_store %arg9[%swap3A_576, %swap3A_577], %swap3A_580 {add = true, strides = array<i32>} : memref<32x768xf32, #tpu.memory_space<vmem>>, vector<1x16xf32>,
        %mul3A_581 = arith.constant 16 : i32
        %mul3A_582 = arith.muli %scan3A_503, %mul3A_581 : i32
        %swap3A_583 = arith.constant 9 : i32
        %swap3A_584 = arith.index_cast %swap3A_583 : i32 to index
        %swap3A_585 = arith.index_cast %mul3A_582 : i32 to index
        %swap3A_586 = tpu.vector_load %arg9[%swap3A_584, %swap3A_585] {strides = array<i32>} : memref<32x768xf32, #tpu.memory_space<vmem>>, vector<1x16xf32>,
        %swap3A_587 = vector.shape_cast %swap3A_586 : vector<1x16xf32> to vector<16xf32>
        %swap3A_588 = vector.shape_cast %get3A_508 : vector<16xf32> to vector<1x16xf32>
        tpu.vector_store %arg9[%swap3A_584, %swap3A_585], %swap3A_588 {add = true, strides = array<i32>} : memref<32x768xf32, #tpu.memory_space<vmem>>, vector<1x16xf32>,
        %mul3A_589 = arith.constant 16 : i32
        %mul3A_590 = arith.muli %scan3A_503, %mul3A_589 : i32
        %swap3A_591 = arith.constant 10 : i32
        %swap3A_592 = arith.index_cast %swap3A_591 : i32 to index
        %swap3A_593 = arith.index_cast %mul3A_590 : i32 to index
        %swap3A_594 = tpu.vector_load %arg9[%swap3A_592, %swap3A_593] {strides = array<i32>} : memref<32x768xf32, #tpu.memory_space<vmem>>, vector<1x16xf32>,
        %swap3A_595 = vector.shape_cast %swap3A_594 : vector<1x16xf32> to vector<16xf32>
        %swap3A_596 = vector.shape_cast %get3A_508 : vector<16xf32> to vector<1x16xf32>
        tpu.vector_store %arg9[%swap3A_592, %swap3A_593], %swap3A_596 {add = true, strides = array<i32>} : memref<32x768xf32, #tpu.memory_space<vmem>>, vector<1x16xf32>,
        %mul3A_597 = arith.constant 16 : i32
        %mul3A_598 = arith.muli %scan3A_503, %mul3A_597 : i32
        %swap3A_599 = arith.constant 11 : i32
        %swap3A_600 = arith.index_cast %swap3A_599 : i32 to index
        %swap3A_601 = arith.index_cast %mul3A_598 : i32 to index
        %swap3A_602 = tpu.vector_load %arg9[%swap3A_600, %swap3A_601] {strides = array<i32>} : memref<32x768xf32, #tpu.memory_space<vmem>>, vector<1x16xf32>,
        %swap3A_603 = vector.shape_cast %swap3A_602 : vector<1x16xf32> to vector<16xf32>
        %swap3A_604 = vector.shape_cast %get3A_508 : vector<16xf32> to vector<1x16xf32>
        tpu.vector_store %arg9[%swap3A_600, %swap3A_601], %swap3A_604 {add = true, strides = array<i32>} : memref<32x768xf32, #tpu.memory_space<vmem>>, vector<1x16xf32>,
        %mul3A_605 = arith.constant 16 : i32
        %mul3A_606 = arith.muli %scan3A_503, %mul3A_605 : i32
        %swap3A_607 = arith.constant 12 : i32
        %swap3A_608 = arith.index_cast %swap3A_607 : i32 to index
        %swap3A_609 = arith.index_cast %mul3A_606 : i32 to index
        %swap3A_610 = tpu.vector_load %arg9[%swap3A_608, %swap3A_609] {strides = array<i32>} : memref<32x768xf32, #tpu.memory_space<vmem>>, vector<1x16xf32>,
        %swap3A_611 = vector.shape_cast %swap3A_610 : vector<1x16xf32> to vector<16xf32>
        %swap3A_612 = vector.shape_cast %get3A_508 : vector<16xf32> to vector<1x16xf32>
        tpu.vector_store %arg9[%swap3A_608, %swap3A_609], %swap3A_612 {add = true, strides = array<i32>} : memref<32x768xf32, #tpu.memory_space<vmem>>, vector<1x16xf32>,
        %mul3A_613 = arith.constant 16 : i32
        %mul3A_614 = arith.muli %scan3A_503, %mul3A_613 : i32
        %swap3A_615 = arith.constant 13 : i32
        %swap3A_616 = arith.index_cast %swap3A_615 : i32 to index
        %swap3A_617 = arith.index_cast %mul3A_614 : i32 to index
        %swap3A_618 = tpu.vector_load %arg9[%swap3A_616, %swap3A_617] {strides = array<i32>} : memref<32x768xf32, #tpu.memory_space<vmem>>, vector<1x16xf32>,
        %swap3A_619 = vector.shape_cast %swap3A_618 : vector<1x16xf32> to vector<16xf32>
        %swap3A_620 = vector.shape_cast %get3A_508 : vector<16xf32> to vector<1x16xf32>
        tpu.vector_store %arg9[%swap3A_616, %swap3A_617], %swap3A_620 {add = true, strides = array<i32>} : memref<32x768xf32, #tpu.memory_space<vmem>>, vector<1x16xf32>,
        %mul3A_621 = arith.constant 16 : i32
        %mul3A_622 = arith.muli %scan3A_503, %mul3A_621 : i32
        %swap3A_623 = arith.constant 14 : i32
        %swap3A_624 = arith.index_cast %swap3A_623 : i32 to index
        %swap3A_625 = arith.index_cast %mul3A_622 : i32 to index
        %swap3A_626 = tpu.vector_load %arg9[%swap3A_624, %swap3A_625] {strides = array<i32>} : memref<32x768xf32, #tpu.memory_space<vmem>>, vector<1x16xf32>,
        %swap3A_627 = vector.shape_cast %swap3A_626 : vector<1x16xf32> to vector<16xf32>
        %swap3A_628 = vector.shape_cast %get3A_508 : vector<16xf32> to vector<1x16xf32>
        tpu.vector_store %arg9[%swap3A_624, %swap3A_625], %swap3A_628 {add = true, strides = array<i32>} : memref<32x768xf32, #tpu.memory_space<vmem>>, vector<1x16xf32>,
        %mul3A_629 = arith.constant 16 : i32
        %mul3A_630 = arith.muli %scan3A_503, %mul3A_629 : i32
        %swap3A_631 = arith.constant 15 : i32
        %swap3A_632 = arith.index_cast %swap3A_631 : i32 to index
        %swap3A_633 = arith.index_cast %mul3A_630 : i32 to index
        %swap3A_634 = tpu.vector_load %arg9[%swap3A_632, %swap3A_633] {strides = array<i32>} : memref<32x768xf32, #tpu.memory_space<vmem>>, vector<1x16xf32>,
        %swap3A_635 = vector.shape_cast %swap3A_634 : vector<1x16xf32> to vector<16xf32>
        %swap3A_636 = vector.shape_cast %get3A_508 : vector<16xf32> to vector<1x16xf32>
        tpu.vector_store %arg9[%swap3A_632, %swap3A_633], %swap3A_636 {add = true, strides = array<i32>} : memref<32x768xf32, #tpu.memory_space<vmem>>, vector<1x16xf32>,
        %mul3A_637 = arith.constant 16 : i32
        %mul3A_638 = arith.muli %scan3A_503, %mul3A_637 : i32
        %swap3A_639 = arith.constant 16 : i32
        %swap3A_640 = arith.index_cast %swap3A_639 : i32 to index
        %swap3A_641 = arith.index_cast %mul3A_638 : i32 to index
        %swap3A_642 = tpu.vector_load %arg9[%swap3A_640, %swap3A_641] {strides = array<i32>} : memref<32x768xf32, #tpu.memory_space<vmem>>, vector<1x16xf32>,
        %swap3A_643 = vector.shape_cast %swap3A_642 : vector<1x16xf32> to vector<16xf32>
        %swap3A_644 = vector.shape_cast %get3A_508 : vector<16xf32> to vector<1x16xf32>
        tpu.vector_store %arg9[%swap3A_640, %swap3A_641], %swap3A_644 {add = true, strides = array<i32>} : memref<32x768xf32, #tpu.memory_space<vmem>>, vector<1x16xf32>,
        %mul3A_645 = arith.constant 16 : i32
        %mul3A_646 = arith.muli %scan3A_503, %mul3A_645 : i32
        %swap3A_647 = arith.constant 17 : i32
        %swap3A_648 = arith.index_cast %swap3A_647 : i32 to index
        %swap3A_649 = arith.index_cast %mul3A_646 : i32 to index
        %swap3A_650 = tpu.vector_load %arg9[%swap3A_648, %swap3A_649] {strides = array<i32>} : memref<32x768xf32, #tpu.memory_space<vmem>>, vector<1x16xf32>,
        %swap3A_651 = vector.shape_cast %swap3A_650 : vector<1x16xf32> to vector<16xf32>
        %swap3A_652 = vector.shape_cast %get3A_508 : vector<16xf32> to vector<1x16xf32>
        tpu.vector_store %arg9[%swap3A_648, %swap3A_649], %swap3A_652 {add = true, strides = array<i32>} : memref<32x768xf32, #tpu.memory_space<vmem>>, vector<1x16xf32>,
        %mul3A_653 = arith.constant 16 : i32
        %mul3A_654 = arith.muli %scan3A_503, %mul3A_653 : i32
        %swap3A_655 = arith.constant 18 : i32
        %swap3A_656 = arith.index_cast %swap3A_655 : i32 to index
        %swap3A_657 = arith.index_cast %mul3A_654 : i32 to index
        %swap3A_658 = tpu.vector_load %arg9[%swap3A_656, %swap3A_657] {strides = array<i32>} : memref<32x768xf32, #tpu.memory_space<vmem>>, vector<1x16xf32>,
        %swap3A_659 = vector.shape_cast %swap3A_658 : vector<1x16xf32> to vector<16xf32>
        %swap3A_660 = vector.shape_cast %get3A_508 : vector<16xf32> to vector<1x16xf32>
        tpu.vector_store %arg9[%swap3A_656, %swap3A_657], %swap3A_660 {add = true, strides = array<i32>} : memref<32x768xf32, #tpu.memory_space<vmem>>, vector<1x16xf32>,
        %mul3A_661 = arith.constant 16 : i32
        %mul3A_662 = arith.muli %scan3A_503, %mul3A_661 : i32
        %swap3A_663 = arith.constant 19 : i32
        %swap3A_664 = arith.index_cast %swap3A_663 : i32 to index
        %swap3A_665 = arith.index_cast %mul3A_662 : i32 to index
        %swap3A_666 = tpu.vector_load %arg9[%swap3A_664, %swap3A_665] {strides = array<i32>} : memref<32x768xf32, #tpu.memory_space<vmem>>, vector<1x16xf32>,
        %swap3A_667 = vector.shape_cast %swap3A_666 : vector<1x16xf32> to vector<16xf32>
        %swap3A_668 = vector.shape_cast %get3A_508 : vector<16xf32> to vector<1x16xf32>
        tpu.vector_store %arg9[%swap3A_664, %swap3A_665], %swap3A_668 {add = true, strides = array<i32>} : memref<32x768xf32, #tpu.memory_space<vmem>>, vector<1x16xf32>,
        %mul3A_669 = arith.constant 16 : i32
        %mul3A_670 = arith.muli %scan3A_503, %mul3A_669 : i32
        %swap3A_671 = arith.constant 20 : i32
        %swap3A_672 = arith.index_cast %swap3A_671 : i32 to index
        %swap3A_673 = arith.index_cast %mul3A_670 : i32 to index
        %swap3A_674 = tpu.vector_load %arg9[%swap3A_672, %swap3A_673] {strides = array<i32>} : memref<32x768xf32, #tpu.memory_space<vmem>>, vector<1x16xf32>,
        %swap3A_675 = vector.shape_cast %swap3A_674 : vector<1x16xf32> to vector<16xf32>
        %swap3A_676 = vector.shape_cast %get3A_508 : vector<16xf32> to vector<1x16xf32>
        tpu.vector_store %arg9[%swap3A_672, %swap3A_673], %swap3A_676 {add = true, strides = array<i32>} : memref<32x768xf32, #tpu.memory_space<vmem>>, vector<1x16xf32>,
        %mul3A_677 = arith.constant 16 : i32
        %mul3A_678 = arith.muli %scan3A_503, %mul3A_677 : i32
        %swap3A_679 = arith.constant 21 : i32
        %swap3A_680 = arith.index_cast %swap3A_679 : i32 to index
        %swap3A_681 = arith.index_cast %mul3A_678 : i32 to index
        %swap3A_682 = tpu.vector_load %arg9[%swap3A_680, %swap3A_681] {strides = array<i32>} : memref<32x768xf32, #tpu.memory_space<vmem>>, vector<1x16xf32>,
        %swap3A_683 = vector.shape_cast %swap3A_682 : vector<1x16xf32> to vector<16xf32>
        %swap3A_684 = vector.shape_cast %get3A_508 : vector<16xf32> to vector<1x16xf32>
        tpu.vector_store %arg9[%swap3A_680, %swap3A_681], %swap3A_684 {add = true, strides = array<i32>} : memref<32x768xf32, #tpu.memory_space<vmem>>, vector<1x16xf32>,
        %mul3A_685 = arith.constant 16 : i32
        %mul3A_686 = arith.muli %scan3A_503, %mul3A_685 : i32
        %swap3A_687 = arith.constant 22 : i32
        %swap3A_688 = arith.index_cast %swap3A_687 : i32 to index
        %swap3A_689 = arith.index_cast %mul3A_686 : i32 to index
        %swap3A_690 = tpu.vector_load %arg9[%swap3A_688, %swap3A_689] {strides = array<i32>} : memref<32x768xf32, #tpu.memory_space<vmem>>, vector<1x16xf32>,
        %swap3A_691 = vector.shape_cast %swap3A_690 : vector<1x16xf32> to vector<16xf32>
        %swap3A_692 = vector.shape_cast %get3A_508 : vector<16xf32> to vector<1x16xf32>
        tpu.vector_store %arg9[%swap3A_688, %swap3A_689], %swap3A_692 {add = true, strides = array<i32>} : memref<32x768xf32, #tpu.memory_space<vmem>>, vector<1x16xf32>,
        %mul3A_693 = arith.constant 16 : i32
        %mul3A_694 = arith.muli %scan3A_503, %mul3A_693 : i32
        %swap3A_695 = arith.constant 23 : i32
        %swap3A_696 = arith.index_cast %swap3A_695 : i32 to index
        %swap3A_697 = arith.index_cast %mul3A_694 : i32 to index
        %swap3A_698 = tpu.vector_load %arg9[%swap3A_696, %swap3A_697] {strides = array<i32>} : memref<32x768xf32, #tpu.memory_space<vmem>>, vector<1x16xf32>,
        %swap3A_699 = vector.shape_cast %swap3A_698 : vector<1x16xf32> to vector<16xf32>
        %swap3A_700 = vector.shape_cast %get3A_508 : vector<16xf32> to vector<1x16xf32>
        tpu.vector_store %arg9[%swap3A_696, %swap3A_697], %swap3A_700 {add = true, strides = array<i32>} : memref<32x768xf32, #tpu.memory_space<vmem>>, vector<1x16xf32>,
        %mul3A_701 = arith.constant 16 : i32
        %mul3A_702 = arith.muli %scan3A_503, %mul3A_701 : i32
        %swap3A_703 = arith.constant 24 : i32
        %swap3A_704 = arith.index_cast %swap3A_703 : i32 to index
        %swap3A_705 = arith.index_cast %mul3A_702 : i32 to index
        %swap3A_706 = tpu.vector_load %arg9[%swap3A_704, %swap3A_705] {strides = array<i32>} : memref<32x768xf32, #tpu.memory_space<vmem>>, vector<1x16xf32>,
        %swap3A_707 = vector.shape_cast %swap3A_706 : vector<1x16xf32> to vector<16xf32>
        %swap3A_708 = vector.shape_cast %get3A_508 : vector<16xf32> to vector<1x16xf32>
        tpu.vector_store %arg9[%swap3A_704, %swap3A_705], %swap3A_708 {add = true, strides = array<i32>} : memref<32x768xf32, #tpu.memory_space<vmem>>, vector<1x16xf32>,
        %mul3A_709 = arith.constant 16 : i32
        %mul3A_710 = arith.muli %scan3A_503, %mul3A_709 : i32
        %swap3A_711 = arith.constant 25 : i32
        %swap3A_712 = arith.index_cast %swap3A_711 : i32 to index
        %swap3A_713 = arith.index_cast %mul3A_710 : i32 to index
        %swap3A_714 = tpu.vector_load %arg9[%swap3A_712, %swap3A_713] {strides = array<i32>} : memref<32x768xf32, #tpu.memory_space<vmem>>, vector<1x16xf32>,
        %swap3A_715 = vector.shape_cast %swap3A_714 : vector<1x16xf32> to vector<16xf32>
        %swap3A_716 = vector.shape_cast %get3A_508 : vector<16xf32> to vector<1x16xf32>
        tpu.vector_store %arg9[%swap3A_712, %swap3A_713], %swap3A_716 {add = true, strides = array<i32>} : memref<32x768xf32, #tpu.memory_space<vmem>>, vector<1x16xf32>,
        %mul3A_717 = arith.constant 16 : i32
        %mul3A_718 = arith.muli %scan3A_503, %mul3A_717 : i32
        %swap3A_719 = arith.constant 26 : i32
        %swap3A_720 = arith.index_cast %swap3A_719 : i32 to index
        %swap3A_721 = arith.index_cast %mul3A_718 : i32 to index
        %swap3A_722 = tpu.vector_load %arg9[%swap3A_720, %swap3A_721] {strides = array<i32>} : memref<32x768xf32, #tpu.memory_space<vmem>>, vector<1x16xf32>,
        %swap3A_723 = vector.shape_cast %swap3A_722 : vector<1x16xf32> to vector<16xf32>
        %swap3A_724 = vector.shape_cast %get3A_508 : vector<16xf32> to vector<1x16xf32>
        tpu.vector_store %arg9[%swap3A_720, %swap3A_721], %swap3A_724 {add = true, strides = array<i32>} : memref<32x768xf32, #tpu.memory_space<vmem>>, vector<1x16xf32>,
        %mul3A_725 = arith.constant 16 : i32
        %mul3A_726 = arith.muli %scan3A_503, %mul3A_725 : i32
        %swap3A_727 = arith.constant 27 : i32
        %swap3A_728 = arith.index_cast %swap3A_727 : i32 to index
        %swap3A_729 = arith.index_cast %mul3A_726 : i32 to index
        %swap3A_730 = tpu.vector_load %arg9[%swap3A_728, %swap3A_729] {strides = array<i32>} : memref<32x768xf32, #tpu.memory_space<vmem>>, vector<1x16xf32>,
        %swap3A_731 = vector.shape_cast %swap3A_730 : vector<1x16xf32> to vector<16xf32>
        %swap3A_732 = vector.shape_cast %get3A_508 : vector<16xf32> to vector<1x16xf32>
        tpu.vector_store %arg9[%swap3A_728, %swap3A_729], %swap3A_732 {add = true, strides = array<i32>} : memref<32x768xf32, #tpu.memory_space<vmem>>, vector<1x16xf32>,
        %mul3A_733 = arith.constant 16 : i32
        %mul3A_734 = arith.muli %scan3A_503, %mul3A_733 : i32
        %swap3A_735 = arith.constant 28 : i32
        %swap3A_736 = arith.index_cast %swap3A_735 : i32 to index
        %swap3A_737 = arith.index_cast %mul3A_734 : i32 to index
        %swap3A_738 = tpu.vector_load %arg9[%swap3A_736, %swap3A_737] {strides = array<i32>} : memref<32x768xf32, #tpu.memory_space<vmem>>, vector<1x16xf32>,
        %swap3A_739 = vector.shape_cast %swap3A_738 : vector<1x16xf32> to vector<16xf32>
        %swap3A_740 = vector.shape_cast %get3A_508 : vector<16xf32> to vector<1x16xf32>
        tpu.vector_store %arg9[%swap3A_736, %swap3A_737], %swap3A_740 {add = true, strides = array<i32>} : memref<32x768xf32, #tpu.memory_space<vmem>>, vector<1x16xf32>,
        %mul3A_741 = arith.constant 16 : i32
        %mul3A_742 = arith.muli %scan3A_503, %mul3A_741 : i32
        %swap3A_743 = arith.constant 29 : i32
        %swap3A_744 = arith.index_cast %swap3A_743 : i32 to index
        %swap3A_745 = arith.index_cast %mul3A_742 : i32 to index
        %swap3A_746 = tpu.vector_load %arg9[%swap3A_744, %swap3A_745] {strides = array<i32>} : memref<32x768xf32, #tpu.memory_space<vmem>>, vector<1x16xf32>,
        %swap3A_747 = vector.shape_cast %swap3A_746 : vector<1x16xf32> to vector<16xf32>
        %swap3A_748 = vector.shape_cast %get3A_508 : vector<16xf32> to vector<1x16xf32>
        tpu.vector_store %arg9[%swap3A_744, %swap3A_745], %swap3A_748 {add = true, strides = array<i32>} : memref<32x768xf32, #tpu.memory_space<vmem>>, vector<1x16xf32>,
        %mul3A_749 = arith.constant 16 : i32
        %mul3A_750 = arith.muli %scan3A_503, %mul3A_749 : i32
        %swap3A_751 = arith.constant 30 : i32
        %swap3A_752 = arith.index_cast %swap3A_751 : i32 to index
        %swap3A_753 = arith.index_cast %mul3A_750 : i32 to index
        %swap3A_754 = tpu.vector_load %arg9[%swap3A_752, %swap3A_753] {strides = array<i32>} : memref<32x768xf32, #tpu.memory_space<vmem>>, vector<1x16xf32>,
        %swap3A_755 = vector.shape_cast %swap3A_754 : vector<1x16xf32> to vector<16xf32>
        %swap3A_756 = vector.shape_cast %get3A_508 : vector<16xf32> to vector<1x16xf32>
        tpu.vector_store %arg9[%swap3A_752, %swap3A_753], %swap3A_756 {add = true, strides = array<i32>} : memref<32x768xf32, #tpu.memory_space<vmem>>, vector<1x16xf32>,
        %mul3A_757 = arith.constant 16 : i32
        %mul3A_758 = arith.muli %scan3A_503, %mul3A_757 : i32
        %swap3A_759 = arith.constant 31 : i32
        %swap3A_760 = arith.index_cast %swap3A_759 : i32 to index
        %swap3A_761 = arith.index_cast %mul3A_758 : i32 to index
        %swap3A_762 = tpu.vector_load %arg9[%swap3A_760, %swap3A_761] {strides = array<i32>} : memref<32x768xf32, #tpu.memory_space<vmem>>, vector<1x16xf32>,
        %swap3A_763 = vector.shape_cast %swap3A_762 : vector<1x16xf32> to vector<16xf32>
        %swap3A_764 = vector.shape_cast %get3A_508 : vector<16xf32> to vector<1x16xf32>
        tpu.vector_store %arg9[%swap3A_760, %swap3A_761], %swap3A_764 {add = true, strides = array<i32>} : memref<32x768xf32, #tpu.memory_space<vmem>>, vector<1x16xf32>,
      }
      %scan3A_152 = arith.constant 48 : i32
      %dma_start3A_153 = arith.constant 0 : i32
      %dma_start3A_154 = tpu.memref_slice %arg5[%add3A_119, %mul3A_2, %dma_start3A_153] : memref<77x1024x768xf32, #tpu.memory_space<hbm>> -> memref<1x32x768xf32, #tpu.memory_space<hbm>>
      %dma_start3A_155 = tpu.memref_squeeze %dma_start3A_154 : memref<1x32x768xf32, #tpu.memory_space<hbm>> -> memref<32x768xf32, #tpu.memory_space<hbm>>
      %dma_start3A_156 = arith.constant 0 : i32
      %dma_start3A_157 = tpu.memref_slice %arg5[%add3A_119, %mul3A_2, %dma_start3A_156] : memref<77x1024x768xf32, #tpu.memory_space<hbm>> -> memref<1x32x768xf32, #tpu.memory_space<hbm>>
      %dma_start3A_158 = tpu.memref_squeeze %dma_start3A_157 : memref<1x32x768xf32, #tpu.memory_space<hbm>> -> memref<32x768xf32, #tpu.memory_space<hbm>>
      tpu.enqueue_dma source(%arg9 : memref<32x768xf32, #tpu.memory_space<vmem>>) target(%dma_start3A_158 : memref<32x768xf32, #tpu.memory_space<hbm>>) target_semaphore(%arg21 : memref<!tpu.dma_semaphore, #tpu.memory_space<semaphore_mem>>)
      %mul3A_159 = arith.constant 4 : i32
      %mul3A_160 = arith.muli %scan3A_73, %mul3A_159 : i32
      %add3A_161 = arith.constant 2 : i32
      %add3A_162 = arith.addi %mul3A_160, %add3A_161 : i32
      %sub3A = arith.constant 2 : i32
      %sub3A_163 = arith.subi %add3A_162, %sub3A : i32
      %dma_wait3A_164 = arith.constant 0 : i32
      %dma_wait3A_165 = tpu.memref_slice %arg5[%sub3A_163, %mul3A_2, %dma_wait3A_164] : memref<77x1024x768xf32, #tpu.memory_space<hbm>> -> memref<1x32x768xf32, #tpu.memory_space<hbm>>
      %dma_wait3A_166 = tpu.memref_squeeze %dma_wait3A_165 : memref<1x32x768xf32, #tpu.memory_space<hbm>> -> memref<32x768xf32, #tpu.memory_space<hbm>>
      %dma_wait3A_167 = arith.constant 0 : i32
      %dma_wait3A_168 = tpu.memref_slice %arg5[%sub3A_163, %mul3A_2, %dma_wait3A_167] : memref<77x1024x768xf32, #tpu.memory_space<hbm>> -> memref<1x32x768xf32, #tpu.memory_space<hbm>>
      %dma_wait3A_169 = tpu.memref_squeeze %dma_wait3A_168 : memref<1x32x768xf32, #tpu.memory_space<hbm>> -> memref<32x768xf32, #tpu.memory_space<hbm>>
      tpu.wait_dma2 semaphore(%arg20 : memref<!tpu.dma_semaphore, #tpu.memory_space<semaphore_mem>>) src(%arg8 : memref<32x768xf32, #tpu.memory_space<vmem>>) dst(%dma_wait3A_169 : memref<32x768xf32, #tpu.memory_space<hbm>>)
      %add3A_170 = arith.constant 2 : i32
      %add3A_171 = arith.addi %add3A_162, %add3A_170 : i32
      %mul3A_172 = arith.constant 32 : i32
      %mul3A_173 = arith.muli %add3A_171, %mul3A_172 : i32
      %dma_start3A_174 = tpu.memref_slice %arg6[%mul3A_173] : memref<2464xi32, #tpu.memory_space<vmem>> -> memref<32xi32, #tpu.memory_space<vmem>>
      %dma_start3A_175 = arith.constant 0 : i32
      %dma_start3A_176 = arith.constant 0 : i32
      %dma_start3A_177 = tpu.memref_slice %arg2[%dma_start3A_175, %dma_start3A_176] : memref<49408x768xf32, #tpu.memory_space<hbm>> -> memref<49408x768xf32, #tpu.memory_space<hbm>>
      tpu.enqueue_indirect_dma source(%dma_start3A_177 : memref<49408x768xf32, #tpu.memory_space<hbm>>) target(%arg8 : memref<32x768xf32, #tpu.memory_space<vmem>>) offsets(%dma_start3A_174 : memref<32xi32, #tpu.memory_space<vmem>>) semaphore(%arg16 : memref<!tpu.dma_semaphore, #tpu.memory_space<semaphore_mem>>)
      %mul3A_178 = arith.constant 768 : i32
      %mul3A_179 = arith.muli %add3A_171, %mul3A_178 : i32
      %dma_start3A_180 = tpu.memref_slice %arg7[%mul3A_179] : memref<59136xf32, #tpu.memory_space<vmem_shared>> -> memref<768xf32, #tpu.memory_space<vmem_shared>>
      %dma_start3A_181 = tpu.memref_slice %arg7[%mul3A_179] : memref<59136xf32, #tpu.memory_space<vmem_shared>> -> memref<768xf32, #tpu.memory_space<vmem_shared>>
      tpu.enqueue_dma source(%dma_start3A_181 : memref<768xf32, #tpu.memory_space<vmem_shared>>) target(%arg12 : memref<768xf32, #tpu.memory_space<vmem>>) target_semaphore(%arg24 : memref<!tpu.dma_semaphore, #tpu.memory_space<semaphore_mem>>)
      %mul3A_182 = arith.constant 32 : i32
      %mul3A_183 = arith.muli %add3A_162, %mul3A_182 : i32
      %dma_wait3A_184 = tpu.memref_slice %arg6[%mul3A_183] : memref<2464xi32, #tpu.memory_space<vmem>> -> memref<32xi32, #tpu.memory_space<vmem>>
      %dma_wait3A_185 = arith.constant 0 : i32
      %dma_wait3A_186 = arith.constant 0 : i32
      %dma_wait3A_187 = tpu.memref_slice %arg2[%dma_wait3A_185, %dma_wait3A_186] : memref<49408x768xf32, #tpu.memory_space<hbm>> -> memref<49408x768xf32, #tpu.memory_space<hbm>>
      tpu.wait_indirect_dma semaphore(%arg18 : memref<!tpu.dma_semaphore, #tpu.memory_space<semaphore_mem>>) src(%dma_wait3A_187 : memref<49408x768xf32, #tpu.memory_space<hbm>>) dst(%arg10 : memref<32x768xf32, #tpu.memory_space<vmem>>)
      %mul3A_188 = arith.constant 768 : i32
      %mul3A_189 = arith.muli %add3A_162, %mul3A_188 : i32
      %dma_wait3A_190 = tpu.memref_slice %arg7[%mul3A_189] : memref<59136xf32, #tpu.memory_space<vmem_shared>> -> memref<768xf32, #tpu.memory_space<vmem_shared>>
      %dma_wait3A_191 = tpu.memref_slice %arg7[%mul3A_189] : memref<59136xf32, #tpu.memory_space<vmem_shared>> -> memref<768xf32, #tpu.memory_space<vmem_shared>>
      tpu.wait_dma2 semaphore(%arg26 : memref<!tpu.dma_semaphore, #tpu.memory_space<semaphore_mem>>) src(%dma_wait3A_191 : memref<768xf32, #tpu.memory_space<vmem_shared>>) dst(%arg14 : memref<768xf32, #tpu.memory_space<vmem>>)
      %scan3A_192 = arith.constant 0 : i32
      %scan3A_193 = arith.constant 0 : i32
      %scan3A_194 = arith.constant 48 : i32
      %scan3A_195 = arith.addi %scan3A_193, %scan3A_194 : i32
      %scan3A_196 = arith.constant 2 : i32
      scf.for %scan3A_242 = %scan3A_193 to %scan3A_195 step %scan3A_196  : i32 {
        %mul3A_243 = arith.constant 16 : i32
        %mul3A_244 = arith.muli %scan3A_242, %mul3A_243 : i32
        %get3A = arith.index_cast %mul3A_244 : i32 to index
        %get3A_245 = tpu.vector_load %arg14[%get3A] {strides = array<i32>} : memref<768xf32, #tpu.memory_space<vmem>>, vector<16xf32>,
        %get3A_246 = vector.shape_cast %get3A_245 : vector<16xf32> to vector<16xf32>
        %mul3A_247 = arith.constant 16 : i32
        %mul3A_248 = arith.muli %scan3A_242, %mul3A_247 : i32
        %swap3A = arith.constant 0 : i32
        %swap3A_249 = arith.index_cast %swap3A : i32 to index
        %swap3A_250 = arith.index_cast %mul3A_248 : i32 to index
        %swap3A_251 = tpu.vector_load %arg10[%swap3A_249, %swap3A_250] {strides = array<i32>} : memref<32x768xf32, #tpu.memory_space<vmem>>, vector<1x16xf32>,
        %swap3A_252 = vector.shape_cast %swap3A_251 : vector<1x16xf32> to vector<16xf32>
        %swap3A_253 = vector.shape_cast %get3A_246 : vector<16xf32> to vector<1x16xf32>
        tpu.vector_store %arg10[%swap3A_249, %swap3A_250], %swap3A_253 {add = true, strides = array<i32>} : memref<32x768xf32, #tpu.memory_space<vmem>>, vector<1x16xf32>,
        %mul3A_254 = arith.constant 16 : i32
        %mul3A_255 = arith.muli %scan3A_242, %mul3A_254 : i32
        %swap3A_256 = arith.constant 1 : i32
        %swap3A_257 = arith.index_cast %swap3A_256 : i32 to index
        %swap3A_258 = arith.index_cast %mul3A_255 : i32 to index
        %swap3A_259 = tpu.vector_load %arg10[%swap3A_257, %swap3A_258] {strides = array<i32>} : memref<32x768xf32, #tpu.memory_space<vmem>>, vector<1x16xf32>,
        %swap3A_260 = vector.shape_cast %swap3A_259 : vector<1x16xf32> to vector<16xf32>
        %swap3A_261 = vector.shape_cast %get3A_246 : vector<16xf32> to vector<1x16xf32>
        tpu.vector_store %arg10[%swap3A_257, %swap3A_258], %swap3A_261 {add = true, strides = array<i32>} : memref<32x768xf32, #tpu.memory_space<vmem>>, vector<1x16xf32>,
        %mul3A_262 = arith.constant 16 : i32
        %mul3A_263 = arith.muli %scan3A_242, %mul3A_262 : i32
        %swap3A_264 = arith.constant 2 : i32
        %swap3A_265 = arith.index_cast %swap3A_264 : i32 to index
        %swap3A_266 = arith.index_cast %mul3A_263 : i32 to index
        %swap3A_267 = tpu.vector_load %arg10[%swap3A_265, %swap3A_266] {strides = array<i32>} : memref<32x768xf32, #tpu.memory_space<vmem>>, vector<1x16xf32>,
        %swap3A_268 = vector.shape_cast %swap3A_267 : vector<1x16xf32> to vector<16xf32>
        %swap3A_269 = vector.shape_cast %get3A_246 : vector<16xf32> to vector<1x16xf32>
        tpu.vector_store %arg10[%swap3A_265, %swap3A_266], %swap3A_269 {add = true, strides = array<i32>} : memref<32x768xf32, #tpu.memory_space<vmem>>, vector<1x16xf32>,
        %mul3A_270 = arith.constant 16 : i32
        %mul3A_271 = arith.muli %scan3A_242, %mul3A_270 : i32
        %swap3A_272 = arith.constant 3 : i32
        %swap3A_273 = arith.index_cast %swap3A_272 : i32 to index
        %swap3A_274 = arith.index_cast %mul3A_271 : i32 to index
        %swap3A_275 = tpu.vector_load %arg10[%swap3A_273, %swap3A_274] {strides = array<i32>} : memref<32x768xf32, #tpu.memory_space<vmem>>, vector<1x16xf32>,
        %swap3A_276 = vector.shape_cast %swap3A_275 : vector<1x16xf32> to vector<16xf32>
        %swap3A_277 = vector.shape_cast %get3A_246 : vector<16xf32> to vector<1x16xf32>
        tpu.vector_store %arg10[%swap3A_273, %swap3A_274], %swap3A_277 {add = true, strides = array<i32>} : memref<32x768xf32, #tpu.memory_space<vmem>>, vector<1x16xf32>,
        %mul3A_278 = arith.constant 16 : i32
        %mul3A_279 = arith.muli %scan3A_242, %mul3A_278 : i32
        %swap3A_280 = arith.constant 4 : i32
        %swap3A_281 = arith.index_cast %swap3A_280 : i32 to index
        %swap3A_282 = arith.index_cast %mul3A_279 : i32 to index
        %swap3A_283 = tpu.vector_load %arg10[%swap3A_281, %swap3A_282] {strides = array<i32>} : memref<32x768xf32, #tpu.memory_space<vmem>>, vector<1x16xf32>,
        %swap3A_284 = vector.shape_cast %swap3A_283 : vector<1x16xf32> to vector<16xf32>
        %swap3A_285 = vector.shape_cast %get3A_246 : vector<16xf32> to vector<1x16xf32>
        tpu.vector_store %arg10[%swap3A_281, %swap3A_282], %swap3A_285 {add = true, strides = array<i32>} : memref<32x768xf32, #tpu.memory_space<vmem>>, vector<1x16xf32>,
        %mul3A_286 = arith.constant 16 : i32
        %mul3A_287 = arith.muli %scan3A_242, %mul3A_286 : i32
        %swap3A_288 = arith.constant 5 : i32
        %swap3A_289 = arith.index_cast %swap3A_288 : i32 to index
        %swap3A_290 = arith.index_cast %mul3A_287 : i32 to index
        %swap3A_291 = tpu.vector_load %arg10[%swap3A_289, %swap3A_290] {strides = array<i32>} : memref<32x768xf32, #tpu.memory_space<vmem>>, vector<1x16xf32>,
        %swap3A_292 = vector.shape_cast %swap3A_291 : vector<1x16xf32> to vector<16xf32>
        %swap3A_293 = vector.shape_cast %get3A_246 : vector<16xf32> to vector<1x16xf32>
        tpu.vector_store %arg10[%swap3A_289, %swap3A_290], %swap3A_293 {add = true, strides = array<i32>} : memref<32x768xf32, #tpu.memory_space<vmem>>, vector<1x16xf32>,
        %mul3A_294 = arith.constant 16 : i32
        %mul3A_295 = arith.muli %scan3A_242, %mul3A_294 : i32
        %swap3A_296 = arith.constant 6 : i32
        %swap3A_297 = arith.index_cast %swap3A_296 : i32 to index
        %swap3A_298 = arith.index_cast %mul3A_295 : i32 to index
        %swap3A_299 = tpu.vector_load %arg10[%swap3A_297, %swap3A_298] {strides = array<i32>} : memref<32x768xf32, #tpu.memory_space<vmem>>, vector<1x16xf32>,
        %swap3A_300 = vector.shape_cast %swap3A_299 : vector<1x16xf32> to vector<16xf32>
        %swap3A_301 = vector.shape_cast %get3A_246 : vector<16xf32> to vector<1x16xf32>
        tpu.vector_store %arg10[%swap3A_297, %swap3A_298], %swap3A_301 {add = true, strides = array<i32>} : memref<32x768xf32, #tpu.memory_space<vmem>>, vector<1x16xf32>,
        %mul3A_302 = arith.constant 16 : i32
        %mul3A_303 = arith.muli %scan3A_242, %mul3A_302 : i32
        %swap3A_304 = arith.constant 7 : i32
        %swap3A_305 = arith.index_cast %swap3A_304 : i32 to index
        %swap3A_306 = arith.index_cast %mul3A_303 : i32 to index
        %swap3A_307 = tpu.vector_load %arg10[%swap3A_305, %swap3A_306] {strides = array<i32>} : memref<32x768xf32, #tpu.memory_space<vmem>>, vector<1x16xf32>,
        %swap3A_308 = vector.shape_cast %swap3A_307 : vector<1x16xf32> to vector<16xf32>
        %swap3A_309 = vector.shape_cast %get3A_246 : vector<16xf32> to vector<1x16xf32>
        tpu.vector_store %arg10[%swap3A_305, %swap3A_306], %swap3A_309 {add = true, strides = array<i32>} : memref<32x768xf32, #tpu.memory_space<vmem>>, vector<1x16xf32>,
        %mul3A_310 = arith.constant 16 : i32
        %mul3A_311 = arith.muli %scan3A_242, %mul3A_310 : i32
        %swap3A_312 = arith.constant 8 : i32
        %swap3A_313 = arith.index_cast %swap3A_312 : i32 to index
        %swap3A_314 = arith.index_cast %mul3A_311 : i32 to index
        %swap3A_315 = tpu.vector_load %arg10[%swap3A_313, %swap3A_314] {strides = array<i32>} : memref<32x768xf32, #tpu.memory_space<vmem>>, vector<1x16xf32>,
        %swap3A_316 = vector.shape_cast %swap3A_315 : vector<1x16xf32> to vector<16xf32>
        %swap3A_317 = vector.shape_cast %get3A_246 : vector<16xf32> to vector<1x16xf32>
        tpu.vector_store %arg10[%swap3A_313, %swap3A_314], %swap3A_317 {add = true, strides = array<i32>} : memref<32x768xf32, #tpu.memory_space<vmem>>, vector<1x16xf32>,
        %mul3A_318 = arith.constant 16 : i32
        %mul3A_319 = arith.muli %scan3A_242, %mul3A_318 : i32
        %swap3A_320 = arith.constant 9 : i32
        %swap3A_321 = arith.index_cast %swap3A_320 : i32 to index
        %swap3A_322 = arith.index_cast %mul3A_319 : i32 to index
        %swap3A_323 = tpu.vector_load %arg10[%swap3A_321, %swap3A_322] {strides = array<i32>} : memref<32x768xf32, #tpu.memory_space<vmem>>, vector<1x16xf32>,
        %swap3A_324 = vector.shape_cast %swap3A_323 : vector<1x16xf32> to vector<16xf32>
        %swap3A_325 = vector.shape_cast %get3A_246 : vector<16xf32> to vector<1x16xf32>
        tpu.vector_store %arg10[%swap3A_321, %swap3A_322], %swap3A_325 {add = true, strides = array<i32>} : memref<32x768xf32, #tpu.memory_space<vmem>>, vector<1x16xf32>,
        %mul3A_326 = arith.constant 16 : i32
        %mul3A_327 = arith.muli %scan3A_242, %mul3A_326 : i32
        %swap3A_328 = arith.constant 10 : i32
        %swap3A_329 = arith.index_cast %swap3A_328 : i32 to index
        %swap3A_330 = arith.index_cast %mul3A_327 : i32 to index
        %swap3A_331 = tpu.vector_load %arg10[%swap3A_329, %swap3A_330] {strides = array<i32>} : memref<32x768xf32, #tpu.memory_space<vmem>>, vector<1x16xf32>,
        %swap3A_332 = vector.shape_cast %swap3A_331 : vector<1x16xf32> to vector<16xf32>
        %swap3A_333 = vector.shape_cast %get3A_246 : vector<16xf32> to vector<1x16xf32>
        tpu.vector_store %arg10[%swap3A_329, %swap3A_330], %swap3A_333 {add = true, strides = array<i32>} : memref<32x768xf32, #tpu.memory_space<vmem>>, vector<1x16xf32>,
        %mul3A_334 = arith.constant 16 : i32
        %mul3A_335 = arith.muli %scan3A_242, %mul3A_334 : i32
        %swap3A_336 = arith.constant 11 : i32
        %swap3A_337 = arith.index_cast %swap3A_336 : i32 to index
        %swap3A_338 = arith.index_cast %mul3A_335 : i32 to index
        %swap3A_339 = tpu.vector_load %arg10[%swap3A_337, %swap3A_338] {strides = array<i32>} : memref<32x768xf32, #tpu.memory_space<vmem>>, vector<1x16xf32>,
        %swap3A_340 = vector.shape_cast %swap3A_339 : vector<1x16xf32> to vector<16xf32>
        %swap3A_341 = vector.shape_cast %get3A_246 : vector<16xf32> to vector<1x16xf32>
        tpu.vector_store %arg10[%swap3A_337, %swap3A_338], %swap3A_341 {add = true, strides = array<i32>} : memref<32x768xf32, #tpu.memory_space<vmem>>, vector<1x16xf32>,
        %mul3A_342 = arith.constant 16 : i32
        %mul3A_343 = arith.muli %scan3A_242, %mul3A_342 : i32
        %swap3A_344 = arith.constant 12 : i32
        %swap3A_345 = arith.index_cast %swap3A_344 : i32 to index
        %swap3A_346 = arith.index_cast %mul3A_343 : i32 to index
        %swap3A_347 = tpu.vector_load %arg10[%swap3A_345, %swap3A_346] {strides = array<i32>} : memref<32x768xf32, #tpu.memory_space<vmem>>, vector<1x16xf32>,
        %swap3A_348 = vector.shape_cast %swap3A_347 : vector<1x16xf32> to vector<16xf32>
        %swap3A_349 = vector.shape_cast %get3A_246 : vector<16xf32> to vector<1x16xf32>
        tpu.vector_store %arg10[%swap3A_345, %swap3A_346], %swap3A_349 {add = true, strides = array<i32>} : memref<32x768xf32, #tpu.memory_space<vmem>>, vector<1x16xf32>,
        %mul3A_350 = arith.constant 16 : i32
        %mul3A_351 = arith.muli %scan3A_242, %mul3A_350 : i32
        %swap3A_352 = arith.constant 13 : i32
        %swap3A_353 = arith.index_cast %swap3A_352 : i32 to index
        %swap3A_354 = arith.index_cast %mul3A_351 : i32 to index
        %swap3A_355 = tpu.vector_load %arg10[%swap3A_353, %swap3A_354] {strides = array<i32>} : memref<32x768xf32, #tpu.memory_space<vmem>>, vector<1x16xf32>,
        %swap3A_356 = vector.shape_cast %swap3A_355 : vector<1x16xf32> to vector<16xf32>
        %swap3A_357 = vector.shape_cast %get3A_246 : vector<16xf32> to vector<1x16xf32>
        tpu.vector_store %arg10[%swap3A_353, %swap3A_354], %swap3A_357 {add = true, strides = array<i32>} : memref<32x768xf32, #tpu.memory_space<vmem>>, vector<1x16xf32>,
        %mul3A_358 = arith.constant 16 : i32
        %mul3A_359 = arith.muli %scan3A_242, %mul3A_358 : i32
        %swap3A_360 = arith.constant 14 : i32
        %swap3A_361 = arith.index_cast %swap3A_360 : i32 to index
        %swap3A_362 = arith.index_cast %mul3A_359 : i32 to index
        %swap3A_363 = tpu.vector_load %arg10[%swap3A_361, %swap3A_362] {strides = array<i32>} : memref<32x768xf32, #tpu.memory_space<vmem>>, vector<1x16xf32>,
        %swap3A_364 = vector.shape_cast %swap3A_363 : vector<1x16xf32> to vector<16xf32>
        %swap3A_365 = vector.shape_cast %get3A_246 : vector<16xf32> to vector<1x16xf32>
        tpu.vector_store %arg10[%swap3A_361, %swap3A_362], %swap3A_365 {add = true, strides = array<i32>} : memref<32x768xf32, #tpu.memory_space<vmem>>, vector<1x16xf32>,
        %mul3A_366 = arith.constant 16 : i32
        %mul3A_367 = arith.muli %scan3A_242, %mul3A_366 : i32
        %swap3A_368 = arith.constant 15 : i32
        %swap3A_369 = arith.index_cast %swap3A_368 : i32 to index
        %swap3A_370 = arith.index_cast %mul3A_367 : i32 to index
        %swap3A_371 = tpu.vector_load %arg10[%swap3A_369, %swap3A_370] {strides = array<i32>} : memref<32x768xf32, #tpu.memory_space<vmem>>, vector<1x16xf32>,
        %swap3A_372 = vector.shape_cast %swap3A_371 : vector<1x16xf32> to vector<16xf32>
        %swap3A_373 = vector.shape_cast %get3A_246 : vector<16xf32> to vector<1x16xf32>
        tpu.vector_store %arg10[%swap3A_369, %swap3A_370], %swap3A_373 {add = true, strides = array<i32>} : memref<32x768xf32, #tpu.memory_space<vmem>>, vector<1x16xf32>,
        %mul3A_374 = arith.constant 16 : i32
        %mul3A_375 = arith.muli %scan3A_242, %mul3A_374 : i32
        %swap3A_376 = arith.constant 16 : i32
        %swap3A_377 = arith.index_cast %swap3A_376 : i32 to index
        %swap3A_378 = arith.index_cast %mul3A_375 : i32 to index
        %swap3A_379 = tpu.vector_load %arg10[%swap3A_377, %swap3A_378] {strides = array<i32>} : memref<32x768xf32, #tpu.memory_space<vmem>>, vector<1x16xf32>,
        %swap3A_380 = vector.shape_cast %swap3A_379 : vector<1x16xf32> to vector<16xf32>
        %swap3A_381 = vector.shape_cast %get3A_246 : vector<16xf32> to vector<1x16xf32>
        tpu.vector_store %arg10[%swap3A_377, %swap3A_378], %swap3A_381 {add = true, strides = array<i32>} : memref<32x768xf32, #tpu.memory_space<vmem>>, vector<1x16xf32>,
        %mul3A_382 = arith.constant 16 : i32
        %mul3A_383 = arith.muli %scan3A_242, %mul3A_382 : i32
        %swap3A_384 = arith.constant 17 : i32
        %swap3A_385 = arith.index_cast %swap3A_384 : i32 to index
        %swap3A_386 = arith.index_cast %mul3A_383 : i32 to index
        %swap3A_387 = tpu.vector_load %arg10[%swap3A_385, %swap3A_386] {strides = array<i32>} : memref<32x768xf32, #tpu.memory_space<vmem>>, vector<1x16xf32>,
        %swap3A_388 = vector.shape_cast %swap3A_387 : vector<1x16xf32> to vector<16xf32>
        %swap3A_389 = vector.shape_cast %get3A_246 : vector<16xf32> to vector<1x16xf32>
        tpu.vector_store %arg10[%swap3A_385, %swap3A_386], %swap3A_389 {add = true, strides = array<i32>} : memref<32x768xf32, #tpu.memory_space<vmem>>, vector<1x16xf32>,
        %mul3A_390 = arith.constant 16 : i32
        %mul3A_391 = arith.muli %scan3A_242, %mul3A_390 : i32
        %swap3A_392 = arith.constant 18 : i32
        %swap3A_393 = arith.index_cast %swap3A_392 : i32 to index
        %swap3A_394 = arith.index_cast %mul3A_391 : i32 to index
        %swap3A_395 = tpu.vector_load %arg10[%swap3A_393, %swap3A_394] {strides = array<i32>} : memref<32x768xf32, #tpu.memory_space<vmem>>, vector<1x16xf32>,
        %swap3A_396 = vector.shape_cast %swap3A_395 : vector<1x16xf32> to vector<16xf32>
        %swap3A_397 = vector.shape_cast %get3A_246 : vector<16xf32> to vector<1x16xf32>
        tpu.vector_store %arg10[%swap3A_393, %swap3A_394], %swap3A_397 {add = true, strides = array<i32>} : memref<32x768xf32, #tpu.memory_space<vmem>>, vector<1x16xf32>,
        %mul3A_398 = arith.constant 16 : i32
        %mul3A_399 = arith.muli %scan3A_242, %mul3A_398 : i32
        %swap3A_400 = arith.constant 19 : i32
        %swap3A_401 = arith.index_cast %swap3A_400 : i32 to index
        %swap3A_402 = arith.index_cast %mul3A_399 : i32 to index
        %swap3A_403 = tpu.vector_load %arg10[%swap3A_401, %swap3A_402] {strides = array<i32>} : memref<32x768xf32, #tpu.memory_space<vmem>>, vector<1x16xf32>,
        %swap3A_404 = vector.shape_cast %swap3A_403 : vector<1x16xf32> to vector<16xf32>
        %swap3A_405 = vector.shape_cast %get3A_246 : vector<16xf32> to vector<1x16xf32>
        tpu.vector_store %arg10[%swap3A_401, %swap3A_402], %swap3A_405 {add = true, strides = array<i32>} : memref<32x768xf32, #tpu.memory_space<vmem>>, vector<1x16xf32>,
        %mul3A_406 = arith.constant 16 : i32
        %mul3A_407 = arith.muli %scan3A_242, %mul3A_406 : i32
        %swap3A_408 = arith.constant 20 : i32
        %swap3A_409 = arith.index_cast %swap3A_408 : i32 to index
        %swap3A_410 = arith.index_cast %mul3A_407 : i32 to index
        %swap3A_411 = tpu.vector_load %arg10[%swap3A_409, %swap3A_410] {strides = array<i32>} : memref<32x768xf32, #tpu.memory_space<vmem>>, vector<1x16xf32>,
        %swap3A_412 = vector.shape_cast %swap3A_411 : vector<1x16xf32> to vector<16xf32>
        %swap3A_413 = vector.shape_cast %get3A_246 : vector<16xf32> to vector<1x16xf32>
        tpu.vector_store %arg10[%swap3A_409, %swap3A_410], %swap3A_413 {add = true, strides = array<i32>} : memref<32x768xf32, #tpu.memory_space<vmem>>, vector<1x16xf32>,
        %mul3A_414 = arith.constant 16 : i32
        %mul3A_415 = arith.muli %scan3A_242, %mul3A_414 : i32
        %swap3A_416 = arith.constant 21 : i32
        %swap3A_417 = arith.index_cast %swap3A_416 : i32 to index
        %swap3A_418 = arith.index_cast %mul3A_415 : i32 to index
        %swap3A_419 = tpu.vector_load %arg10[%swap3A_417, %swap3A_418] {strides = array<i32>} : memref<32x768xf32, #tpu.memory_space<vmem>>, vector<1x16xf32>,
        %swap3A_420 = vector.shape_cast %swap3A_419 : vector<1x16xf32> to vector<16xf32>
        %swap3A_421 = vector.shape_cast %get3A_246 : vector<16xf32> to vector<1x16xf32>
        tpu.vector_store %arg10[%swap3A_417, %swap3A_418], %swap3A_421 {add = true, strides = array<i32>} : memref<32x768xf32, #tpu.memory_space<vmem>>, vector<1x16xf32>,
        %mul3A_422 = arith.constant 16 : i32
        %mul3A_423 = arith.muli %scan3A_242, %mul3A_422 : i32
        %swap3A_424 = arith.constant 22 : i32
        %swap3A_425 = arith.index_cast %swap3A_424 : i32 to index
        %swap3A_426 = arith.index_cast %mul3A_423 : i32 to index
        %swap3A_427 = tpu.vector_load %arg10[%swap3A_425, %swap3A_426] {strides = array<i32>} : memref<32x768xf32, #tpu.memory_space<vmem>>, vector<1x16xf32>,
        %swap3A_428 = vector.shape_cast %swap3A_427 : vector<1x16xf32> to vector<16xf32>
        %swap3A_429 = vector.shape_cast %get3A_246 : vector<16xf32> to vector<1x16xf32>
        tpu.vector_store %arg10[%swap3A_425, %swap3A_426], %swap3A_429 {add = true, strides = array<i32>} : memref<32x768xf32, #tpu.memory_space<vmem>>, vector<1x16xf32>,
        %mul3A_430 = arith.constant 16 : i32
        %mul3A_431 = arith.muli %scan3A_242, %mul3A_430 : i32
        %swap3A_432 = arith.constant 23 : i32
        %swap3A_433 = arith.index_cast %swap3A_432 : i32 to index
        %swap3A_434 = arith.index_cast %mul3A_431 : i32 to index
        %swap3A_435 = tpu.vector_load %arg10[%swap3A_433, %swap3A_434] {strides = array<i32>} : memref<32x768xf32, #tpu.memory_space<vmem>>, vector<1x16xf32>,
        %swap3A_436 = vector.shape_cast %swap3A_435 : vector<1x16xf32> to vector<16xf32>
        %swap3A_437 = vector.shape_cast %get3A_246 : vector<16xf32> to vector<1x16xf32>
        tpu.vector_store %arg10[%swap3A_433, %swap3A_434], %swap3A_437 {add = true, strides = array<i32>} : memref<32x768xf32, #tpu.memory_space<vmem>>, vector<1x16xf32>,
        %mul3A_438 = arith.constant 16 : i32
        %mul3A_439 = arith.muli %scan3A_242, %mul3A_438 : i32
        %swap3A_440 = arith.constant 24 : i32
        %swap3A_441 = arith.index_cast %swap3A_440 : i32 to index
        %swap3A_442 = arith.index_cast %mul3A_439 : i32 to index
        %swap3A_443 = tpu.vector_load %arg10[%swap3A_441, %swap3A_442] {strides = array<i32>} : memref<32x768xf32, #tpu.memory_space<vmem>>, vector<1x16xf32>,
        %swap3A_444 = vector.shape_cast %swap3A_443 : vector<1x16xf32> to vector<16xf32>
        %swap3A_445 = vector.shape_cast %get3A_246 : vector<16xf32> to vector<1x16xf32>
        tpu.vector_store %arg10[%swap3A_441, %swap3A_442], %swap3A_445 {add = true, strides = array<i32>} : memref<32x768xf32, #tpu.memory_space<vmem>>, vector<1x16xf32>,
        %mul3A_446 = arith.constant 16 : i32
        %mul3A_447 = arith.muli %scan3A_242, %mul3A_446 : i32
        %swap3A_448 = arith.constant 25 : i32
        %swap3A_449 = arith.index_cast %swap3A_448 : i32 to index
        %swap3A_450 = arith.index_cast %mul3A_447 : i32 to index
        %swap3A_451 = tpu.vector_load %arg10[%swap3A_449, %swap3A_450] {strides = array<i32>} : memref<32x768xf32, #tpu.memory_space<vmem>>, vector<1x16xf32>,
        %swap3A_452 = vector.shape_cast %swap3A_451 : vector<1x16xf32> to vector<16xf32>
        %swap3A_453 = vector.shape_cast %get3A_246 : vector<16xf32> to vector<1x16xf32>
        tpu.vector_store %arg10[%swap3A_449, %swap3A_450], %swap3A_453 {add = true, strides = array<i32>} : memref<32x768xf32, #tpu.memory_space<vmem>>, vector<1x16xf32>,
        %mul3A_454 = arith.constant 16 : i32
        %mul3A_455 = arith.muli %scan3A_242, %mul3A_454 : i32
        %swap3A_456 = arith.constant 26 : i32
        %swap3A_457 = arith.index_cast %swap3A_456 : i32 to index
        %swap3A_458 = arith.index_cast %mul3A_455 : i32 to index
        %swap3A_459 = tpu.vector_load %arg10[%swap3A_457, %swap3A_458] {strides = array<i32>} : memref<32x768xf32, #tpu.memory_space<vmem>>, vector<1x16xf32>,
        %swap3A_460 = vector.shape_cast %swap3A_459 : vector<1x16xf32> to vector<16xf32>
        %swap3A_461 = vector.shape_cast %get3A_246 : vector<16xf32> to vector<1x16xf32>
        tpu.vector_store %arg10[%swap3A_457, %swap3A_458], %swap3A_461 {add = true, strides = array<i32>} : memref<32x768xf32, #tpu.memory_space<vmem>>, vector<1x16xf32>,
        %mul3A_462 = arith.constant 16 : i32
        %mul3A_463 = arith.muli %scan3A_242, %mul3A_462 : i32
        %swap3A_464 = arith.constant 27 : i32
        %swap3A_465 = arith.index_cast %swap3A_464 : i32 to index
        %swap3A_466 = arith.index_cast %mul3A_463 : i32 to index
        %swap3A_467 = tpu.vector_load %arg10[%swap3A_465, %swap3A_466] {strides = array<i32>} : memref<32x768xf32, #tpu.memory_space<vmem>>, vector<1x16xf32>,
        %swap3A_468 = vector.shape_cast %swap3A_467 : vector<1x16xf32> to vector<16xf32>
        %swap3A_469 = vector.shape_cast %get3A_246 : vector<16xf32> to vector<1x16xf32>
        tpu.vector_store %arg10[%swap3A_465, %swap3A_466], %swap3A_469 {add = true, strides = array<i32>} : memref<32x768xf32, #tpu.memory_space<vmem>>, vector<1x16xf32>,
        %mul3A_470 = arith.constant 16 : i32
        %mul3A_471 = arith.muli %scan3A_242, %mul3A_470 : i32
        %swap3A_472 = arith.constant 28 : i32
        %swap3A_473 = arith.index_cast %swap3A_472 : i32 to index
        %swap3A_474 = arith.index_cast %mul3A_471 : i32 to index
        %swap3A_475 = tpu.vector_load %arg10[%swap3A_473, %swap3A_474] {strides = array<i32>} : memref<32x768xf32, #tpu.memory_space<vmem>>, vector<1x16xf32>,
        %swap3A_476 = vector.shape_cast %swap3A_475 : vector<1x16xf32> to vector<16xf32>
        %swap3A_477 = vector.shape_cast %get3A_246 : vector<16xf32> to vector<1x16xf32>
        tpu.vector_store %arg10[%swap3A_473, %swap3A_474], %swap3A_477 {add = true, strides = array<i32>} : memref<32x768xf32, #tpu.memory_space<vmem>>, vector<1x16xf32>,
        %mul3A_478 = arith.constant 16 : i32
        %mul3A_479 = arith.muli %scan3A_242, %mul3A_478 : i32
        %swap3A_480 = arith.constant 29 : i32
        %swap3A_481 = arith.index_cast %swap3A_480 : i32 to index
        %swap3A_482 = arith.index_cast %mul3A_479 : i32 to index
        %swap3A_483 = tpu.vector_load %arg10[%swap3A_481, %swap3A_482] {strides = array<i32>} : memref<32x768xf32, #tpu.memory_space<vmem>>, vector<1x16xf32>,
        %swap3A_484 = vector.shape_cast %swap3A_483 : vector<1x16xf32> to vector<16xf32>
        %swap3A_485 = vector.shape_cast %get3A_246 : vector<16xf32> to vector<1x16xf32>
        tpu.vector_store %arg10[%swap3A_481, %swap3A_482], %swap3A_485 {add = true, strides = array<i32>} : memref<32x768xf32, #tpu.memory_space<vmem>>, vector<1x16xf32>,
        %mul3A_486 = arith.constant 16 : i32
        %mul3A_487 = arith.muli %scan3A_242, %mul3A_486 : i32
        %swap3A_488 = arith.constant 30 : i32
        %swap3A_489 = arith.index_cast %swap3A_488 : i32 to index
        %swap3A_490 = arith.index_cast %mul3A_487 : i32 to index
        %swap3A_491 = tpu.vector_load %arg10[%swap3A_489, %swap3A_490] {strides = array<i32>} : memref<32x768xf32, #tpu.memory_space<vmem>>, vector<1x16xf32>,
        %swap3A_492 = vector.shape_cast %swap3A_491 : vector<1x16xf32> to vector<16xf32>
        %swap3A_493 = vector.shape_cast %get3A_246 : vector<16xf32> to vector<1x16xf32>
        tpu.vector_store %arg10[%swap3A_489, %swap3A_490], %swap3A_493 {add = true, strides = array<i32>} : memref<32x768xf32, #tpu.memory_space<vmem>>, vector<1x16xf32>,
        %mul3A_494 = arith.constant 16 : i32
        %mul3A_495 = arith.muli %scan3A_242, %mul3A_494 : i32
        %swap3A_496 = arith.constant 31 : i32
        %swap3A_497 = arith.index_cast %swap3A_496 : i32 to index
        %swap3A_498 = arith.index_cast %mul3A_495 : i32 to index
        %swap3A_499 = tpu.vector_load %arg10[%swap3A_497, %swap3A_498] {strides = array<i32>} : memref<32x768xf32, #tpu.memory_space<vmem>>, vector<1x16xf32>,
        %swap3A_500 = vector.shape_cast %swap3A_499 : vector<1x16xf32> to vector<16xf32>
        %swap3A_501 = vector.shape_cast %get3A_246 : vector<16xf32> to vector<1x16xf32>
        tpu.vector_store %arg10[%swap3A_497, %swap3A_498], %swap3A_501 {add = true, strides = array<i32>} : memref<32x768xf32, #tpu.memory_space<vmem>>, vector<1x16xf32>,
        %scan3A_502 = arith.constant 1 : i32
        %scan3A_503 = arith.addi %scan3A_242, %scan3A_502 : i32
        %mul3A_504 = arith.constant 16 : i32
        %mul3A_505 = arith.muli %scan3A_503, %mul3A_504 : i32
        %get3A_506 = arith.index_cast %mul3A_505 : i32 to index
        %get3A_507 = tpu.vector_load %arg14[%get3A_506] {strides = array<i32>} : memref<768xf32, #tpu.memory_space<vmem>>, vector<16xf32>,
        %get3A_508 = vector.shape_cast %get3A_507 : vector<16xf32> to vector<16xf32>
        %mul3A_509 = arith.constant 16 : i32
        %mul3A_510 = arith.muli %scan3A_503, %mul3A_509 : i32
        %swap3A_511 = arith.constant 0 : i32
        %swap3A_512 = arith.index_cast %swap3A_511 : i32 to index
        %swap3A_513 = arith.index_cast %mul3A_510 : i32 to index
        %swap3A_514 = tpu.vector_load %arg10[%swap3A_512, %swap3A_513] {strides = array<i32>} : memref<32x768xf32, #tpu.memory_space<vmem>>, vector<1x16xf32>,
        %swap3A_515 = vector.shape_cast %swap3A_514 : vector<1x16xf32> to vector<16xf32>
        %swap3A_516 = vector.shape_cast %get3A_508 : vector<16xf32> to vector<1x16xf32>
        tpu.vector_store %arg10[%swap3A_512, %swap3A_513], %swap3A_516 {add = true, strides = array<i32>} : memref<32x768xf32, #tpu.memory_space<vmem>>, vector<1x16xf32>,
        %mul3A_517 = arith.constant 16 : i32
        %mul3A_518 = arith.muli %scan3A_503, %mul3A_517 : i32
        %swap3A_519 = arith.constant 1 : i32
        %swap3A_520 = arith.index_cast %swap3A_519 : i32 to index
        %swap3A_521 = arith.index_cast %mul3A_518 : i32 to index
        %swap3A_522 = tpu.vector_load %arg10[%swap3A_520, %swap3A_521] {strides = array<i32>} : memref<32x768xf32, #tpu.memory_space<vmem>>, vector<1x16xf32>,
        %swap3A_523 = vector.shape_cast %swap3A_522 : vector<1x16xf32> to vector<16xf32>
        %swap3A_524 = vector.shape_cast %get3A_508 : vector<16xf32> to vector<1x16xf32>
        tpu.vector_store %arg10[%swap3A_520, %swap3A_521], %swap3A_524 {add = true, strides = array<i32>} : memref<32x768xf32, #tpu.memory_space<vmem>>, vector<1x16xf32>,
        %mul3A_525 = arith.constant 16 : i32
        %mul3A_526 = arith.muli %scan3A_503, %mul3A_525 : i32
        %swap3A_527 = arith.constant 2 : i32
        %swap3A_528 = arith.index_cast %swap3A_527 : i32 to index
        %swap3A_529 = arith.index_cast %mul3A_526 : i32 to index
        %swap3A_530 = tpu.vector_load %arg10[%swap3A_528, %swap3A_529] {strides = array<i32>} : memref<32x768xf32, #tpu.memory_space<vmem>>, vector<1x16xf32>,
        %swap3A_531 = vector.shape_cast %swap3A_530 : vector<1x16xf32> to vector<16xf32>
        %swap3A_532 = vector.shape_cast %get3A_508 : vector<16xf32> to vector<1x16xf32>
        tpu.vector_store %arg10[%swap3A_528, %swap3A_529], %swap3A_532 {add = true, strides = array<i32>} : memref<32x768xf32, #tpu.memory_space<vmem>>, vector<1x16xf32>,
        %mul3A_533 = arith.constant 16 : i32
        %mul3A_534 = arith.muli %scan3A_503, %mul3A_533 : i32
        %swap3A_535 = arith.constant 3 : i32
        %swap3A_536 = arith.index_cast %swap3A_535 : i32 to index
        %swap3A_537 = arith.index_cast %mul3A_534 : i32 to index
        %swap3A_538 = tpu.vector_load %arg10[%swap3A_536, %swap3A_537] {strides = array<i32>} : memref<32x768xf32, #tpu.memory_space<vmem>>, vector<1x16xf32>,
        %swap3A_539 = vector.shape_cast %swap3A_538 : vector<1x16xf32> to vector<16xf32>
        %swap3A_540 = vector.shape_cast %get3A_508 : vector<16xf32> to vector<1x16xf32>
        tpu.vector_store %arg10[%swap3A_536, %swap3A_537], %swap3A_540 {add = true, strides = array<i32>} : memref<32x768xf32, #tpu.memory_space<vmem>>, vector<1x16xf32>,
        %mul3A_541 = arith.constant 16 : i32
        %mul3A_542 = arith.muli %scan3A_503, %mul3A_541 : i32
        %swap3A_543 = arith.constant 4 : i32
        %swap3A_544 = arith.index_cast %swap3A_543 : i32 to index
        %swap3A_545 = arith.index_cast %mul3A_542 : i32 to index
        %swap3A_546 = tpu.vector_load %arg10[%swap3A_544, %swap3A_545] {strides = array<i32>} : memref<32x768xf32, #tpu.memory_space<vmem>>, vector<1x16xf32>,
        %swap3A_547 = vector.shape_cast %swap3A_546 : vector<1x16xf32> to vector<16xf32>
        %swap3A_548 = vector.shape_cast %get3A_508 : vector<16xf32> to vector<1x16xf32>
        tpu.vector_store %arg10[%swap3A_544, %swap3A_545], %swap3A_548 {add = true, strides = array<i32>} : memref<32x768xf32, #tpu.memory_space<vmem>>, vector<1x16xf32>,
        %mul3A_549 = arith.constant 16 : i32
        %mul3A_550 = arith.muli %scan3A_503, %mul3A_549 : i32
        %swap3A_551 = arith.constant 5 : i32
        %swap3A_552 = arith.index_cast %swap3A_551 : i32 to index
        %swap3A_553 = arith.index_cast %mul3A_550 : i32 to index
        %swap3A_554 = tpu.vector_load %arg10[%swap3A_552, %swap3A_553] {strides = array<i32>} : memref<32x768xf32, #tpu.memory_space<vmem>>, vector<1x16xf32>,
        %swap3A_555 = vector.shape_cast %swap3A_554 : vector<1x16xf32> to vector<16xf32>
        %swap3A_556 = vector.shape_cast %get3A_508 : vector<16xf32> to vector<1x16xf32>
        tpu.vector_store %arg10[%swap3A_552, %swap3A_553], %swap3A_556 {add = true, strides = array<i32>} : memref<32x768xf32, #tpu.memory_space<vmem>>, vector<1x16xf32>,
        %mul3A_557 = arith.constant 16 : i32
        %mul3A_558 = arith.muli %scan3A_503, %mul3A_557 : i32
        %swap3A_559 = arith.constant 6 : i32
        %swap3A_560 = arith.index_cast %swap3A_559 : i32 to index
        %swap3A_561 = arith.index_cast %mul3A_558 : i32 to index
        %swap3A_562 = tpu.vector_load %arg10[%swap3A_560, %swap3A_561] {strides = array<i32>} : memref<32x768xf32, #tpu.memory_space<vmem>>, vector<1x16xf32>,
        %swap3A_563 = vector.shape_cast %swap3A_562 : vector<1x16xf32> to vector<16xf32>
        %swap3A_564 = vector.shape_cast %get3A_508 : vector<16xf32> to vector<1x16xf32>
        tpu.vector_store %arg10[%swap3A_560, %swap3A_561], %swap3A_564 {add = true, strides = array<i32>} : memref<32x768xf32, #tpu.memory_space<vmem>>, vector<1x16xf32>,
        %mul3A_565 = arith.constant 16 : i32
        %mul3A_566 = arith.muli %scan3A_503, %mul3A_565 : i32
        %swap3A_567 = arith.constant 7 : i32
        %swap3A_568 = arith.index_cast %swap3A_567 : i32 to index
        %swap3A_569 = arith.index_cast %mul3A_566 : i32 to index
        %swap3A_570 = tpu.vector_load %arg10[%swap3A_568, %swap3A_569] {strides = array<i32>} : memref<32x768xf32, #tpu.memory_space<vmem>>, vector<1x16xf32>,
        %swap3A_571 = vector.shape_cast %swap3A_570 : vector<1x16xf32> to vector<16xf32>
        %swap3A_572 = vector.shape_cast %get3A_508 : vector<16xf32> to vector<1x16xf32>
        tpu.vector_store %arg10[%swap3A_568, %swap3A_569], %swap3A_572 {add = true, strides = array<i32>} : memref<32x768xf32, #tpu.memory_space<vmem>>, vector<1x16xf32>,
        %mul3A_573 = arith.constant 16 : i32
        %mul3A_574 = arith.muli %scan3A_503, %mul3A_573 : i32
        %swap3A_575 = arith.constant 8 : i32
        %swap3A_576 = arith.index_cast %swap3A_575 : i32 to index
        %swap3A_577 = arith.index_cast %mul3A_574 : i32 to index
        %swap3A_578 = tpu.vector_load %arg10[%swap3A_576, %swap3A_577] {strides = array<i32>} : memref<32x768xf32, #tpu.memory_space<vmem>>, vector<1x16xf32>,
        %swap3A_579 = vector.shape_cast %swap3A_578 : vector<1x16xf32> to vector<16xf32>
        %swap3A_580 = vector.shape_cast %get3A_508 : vector<16xf32> to vector<1x16xf32>
        tpu.vector_store %arg10[%swap3A_576, %swap3A_577], %swap3A_580 {add = true, strides = array<i32>} : memref<32x768xf32, #tpu.memory_space<vmem>>, vector<1x16xf32>,
        %mul3A_581 = arith.constant 16 : i32
        %mul3A_582 = arith.muli %scan3A_503, %mul3A_581 : i32
        %swap3A_583 = arith.constant 9 : i32
        %swap3A_584 = arith.index_cast %swap3A_583 : i32 to index
        %swap3A_585 = arith.index_cast %mul3A_582 : i32 to index
        %swap3A_586 = tpu.vector_load %arg10[%swap3A_584, %swap3A_585] {strides = array<i32>} : memref<32x768xf32, #tpu.memory_space<vmem>>, vector<1x16xf32>,
        %swap3A_587 = vector.shape_cast %swap3A_586 : vector<1x16xf32> to vector<16xf32>
        %swap3A_588 = vector.shape_cast %get3A_508 : vector<16xf32> to vector<1x16xf32>
        tpu.vector_store %arg10[%swap3A_584, %swap3A_585], %swap3A_588 {add = true, strides = array<i32>} : memref<32x768xf32, #tpu.memory_space<vmem>>, vector<1x16xf32>,
        %mul3A_589 = arith.constant 16 : i32
        %mul3A_590 = arith.muli %scan3A_503, %mul3A_589 : i32
        %swap3A_591 = arith.constant 10 : i32
        %swap3A_592 = arith.index_cast %swap3A_591 : i32 to index
        %swap3A_593 = arith.index_cast %mul3A_590 : i32 to index
        %swap3A_594 = tpu.vector_load %arg10[%swap3A_592, %swap3A_593] {strides = array<i32>} : memref<32x768xf32, #tpu.memory_space<vmem>>, vector<1x16xf32>,
        %swap3A_595 = vector.shape_cast %swap3A_594 : vector<1x16xf32> to vector<16xf32>
        %swap3A_596 = vector.shape_cast %get3A_508 : vector<16xf32> to vector<1x16xf32>
        tpu.vector_store %arg10[%swap3A_592, %swap3A_593], %swap3A_596 {add = true, strides = array<i32>} : memref<32x768xf32, #tpu.memory_space<vmem>>, vector<1x16xf32>,
        %mul3A_597 = arith.constant 16 : i32
        %mul3A_598 = arith.muli %scan3A_503, %mul3A_597 : i32
        %swap3A_599 = arith.constant 11 : i32
        %swap3A_600 = arith.index_cast %swap3A_599 : i32 to index
        %swap3A_601 = arith.index_cast %mul3A_598 : i32 to index
        %swap3A_602 = tpu.vector_load %arg10[%swap3A_600, %swap3A_601] {strides = array<i32>} : memref<32x768xf32, #tpu.memory_space<vmem>>, vector<1x16xf32>,
        %swap3A_603 = vector.shape_cast %swap3A_602 : vector<1x16xf32> to vector<16xf32>
        %swap3A_604 = vector.shape_cast %get3A_508 : vector<16xf32> to vector<1x16xf32>
        tpu.vector_store %arg10[%swap3A_600, %swap3A_601], %swap3A_604 {add = true, strides = array<i32>} : memref<32x768xf32, #tpu.memory_space<vmem>>, vector<1x16xf32>,
        %mul3A_605 = arith.constant 16 : i32
        %mul3A_606 = arith.muli %scan3A_503, %mul3A_605 : i32
        %swap3A_607 = arith.constant 12 : i32
        %swap3A_608 = arith.index_cast %swap3A_607 : i32 to index
        %swap3A_609 = arith.index_cast %mul3A_606 : i32 to index
        %swap3A_610 = tpu.vector_load %arg10[%swap3A_608, %swap3A_609] {strides = array<i32>} : memref<32x768xf32, #tpu.memory_space<vmem>>, vector<1x16xf32>,
        %swap3A_611 = vector.shape_cast %swap3A_610 : vector<1x16xf32> to vector<16xf32>
        %swap3A_612 = vector.shape_cast %get3A_508 : vector<16xf32> to vector<1x16xf32>
        tpu.vector_store %arg10[%swap3A_608, %swap3A_609], %swap3A_612 {add = true, strides = array<i32>} : memref<32x768xf32, #tpu.memory_space<vmem>>, vector<1x16xf32>,
        %mul3A_613 = arith.constant 16 : i32
        %mul3A_614 = arith.muli %scan3A_503, %mul3A_613 : i32
        %swap3A_615 = arith.constant 13 : i32
        %swap3A_616 = arith.index_cast %swap3A_615 : i32 to index
        %swap3A_617 = arith.index_cast %mul3A_614 : i32 to index
        %swap3A_618 = tpu.vector_load %arg10[%swap3A_616, %swap3A_617] {strides = array<i32>} : memref<32x768xf32, #tpu.memory_space<vmem>>, vector<1x16xf32>,
        %swap3A_619 = vector.shape_cast %swap3A_618 : vector<1x16xf32> to vector<16xf32>
        %swap3A_620 = vector.shape_cast %get3A_508 : vector<16xf32> to vector<1x16xf32>
        tpu.vector_store %arg10[%swap3A_616, %swap3A_617], %swap3A_620 {add = true, strides = array<i32>} : memref<32x768xf32, #tpu.memory_space<vmem>>, vector<1x16xf32>,
        %mul3A_621 = arith.constant 16 : i32
        %mul3A_622 = arith.muli %scan3A_503, %mul3A_621 : i32
        %swap3A_623 = arith.constant 14 : i32
        %swap3A_624 = arith.index_cast %swap3A_623 : i32 to index
        %swap3A_625 = arith.index_cast %mul3A_622 : i32 to index
        %swap3A_626 = tpu.vector_load %arg10[%swap3A_624, %swap3A_625] {strides = array<i32>} : memref<32x768xf32, #tpu.memory_space<vmem>>, vector<1x16xf32>,
        %swap3A_627 = vector.shape_cast %swap3A_626 : vector<1x16xf32> to vector<16xf32>
        %swap3A_628 = vector.shape_cast %get3A_508 : vector<16xf32> to vector<1x16xf32>
        tpu.vector_store %arg10[%swap3A_624, %swap3A_625], %swap3A_628 {add = true, strides = array<i32>} : memref<32x768xf32, #tpu.memory_space<vmem>>, vector<1x16xf32>,
        %mul3A_629 = arith.constant 16 : i32
        %mul3A_630 = arith.muli %scan3A_503, %mul3A_629 : i32
        %swap3A_631 = arith.constant 15 : i32
        %swap3A_632 = arith.index_cast %swap3A_631 : i32 to index
        %swap3A_633 = arith.index_cast %mul3A_630 : i32 to index
        %swap3A_634 = tpu.vector_load %arg10[%swap3A_632, %swap3A_633] {strides = array<i32>} : memref<32x768xf32, #tpu.memory_space<vmem>>, vector<1x16xf32>,
        %swap3A_635 = vector.shape_cast %swap3A_634 : vector<1x16xf32> to vector<16xf32>
        %swap3A_636 = vector.shape_cast %get3A_508 : vector<16xf32> to vector<1x16xf32>
        tpu.vector_store %arg10[%swap3A_632, %swap3A_633], %swap3A_636 {add = true, strides = array<i32>} : memref<32x768xf32, #tpu.memory_space<vmem>>, vector<1x16xf32>,
        %mul3A_637 = arith.constant 16 : i32
        %mul3A_638 = arith.muli %scan3A_503, %mul3A_637 : i32
        %swap3A_639 = arith.constant 16 : i32
        %swap3A_640 = arith.index_cast %swap3A_639 : i32 to index
        %swap3A_641 = arith.index_cast %mul3A_638 : i32 to index
        %swap3A_642 = tpu.vector_load %arg10[%swap3A_640, %swap3A_641] {strides = array<i32>} : memref<32x768xf32, #tpu.memory_space<vmem>>, vector<1x16xf32>,
        %swap3A_643 = vector.shape_cast %swap3A_642 : vector<1x16xf32> to vector<16xf32>
        %swap3A_644 = vector.shape_cast %get3A_508 : vector<16xf32> to vector<1x16xf32>
        tpu.vector_store %arg10[%swap3A_640, %swap3A_641], %swap3A_644 {add = true, strides = array<i32>} : memref<32x768xf32, #tpu.memory_space<vmem>>, vector<1x16xf32>,
        %mul3A_645 = arith.constant 16 : i32
        %mul3A_646 = arith.muli %scan3A_503, %mul3A_645 : i32
        %swap3A_647 = arith.constant 17 : i32
        %swap3A_648 = arith.index_cast %swap3A_647 : i32 to index
        %swap3A_649 = arith.index_cast %mul3A_646 : i32 to index
        %swap3A_650 = tpu.vector_load %arg10[%swap3A_648, %swap3A_649] {strides = array<i32>} : memref<32x768xf32, #tpu.memory_space<vmem>>, vector<1x16xf32>,
        %swap3A_651 = vector.shape_cast %swap3A_650 : vector<1x16xf32> to vector<16xf32>
        %swap3A_652 = vector.shape_cast %get3A_508 : vector<16xf32> to vector<1x16xf32>
        tpu.vector_store %arg10[%swap3A_648, %swap3A_649], %swap3A_652 {add = true, strides = array<i32>} : memref<32x768xf32, #tpu.memory_space<vmem>>, vector<1x16xf32>,
        %mul3A_653 = arith.constant 16 : i32
        %mul3A_654 = arith.muli %scan3A_503, %mul3A_653 : i32
        %swap3A_655 = arith.constant 18 : i32
        %swap3A_656 = arith.index_cast %swap3A_655 : i32 to index
        %swap3A_657 = arith.index_cast %mul3A_654 : i32 to index
        %swap3A_658 = tpu.vector_load %arg10[%swap3A_656, %swap3A_657] {strides = array<i32>} : memref<32x768xf32, #tpu.memory_space<vmem>>, vector<1x16xf32>,
        %swap3A_659 = vector.shape_cast %swap3A_658 : vector<1x16xf32> to vector<16xf32>
        %swap3A_660 = vector.shape_cast %get3A_508 : vector<16xf32> to vector<1x16xf32>
        tpu.vector_store %arg10[%swap3A_656, %swap3A_657], %swap3A_660 {add = true, strides = array<i32>} : memref<32x768xf32, #tpu.memory_space<vmem>>, vector<1x16xf32>,
        %mul3A_661 = arith.constant 16 : i32
        %mul3A_662 = arith.muli %scan3A_503, %mul3A_661 : i32
        %swap3A_663 = arith.constant 19 : i32
        %swap3A_664 = arith.index_cast %swap3A_663 : i32 to index
        %swap3A_665 = arith.index_cast %mul3A_662 : i32 to index
        %swap3A_666 = tpu.vector_load %arg10[%swap3A_664, %swap3A_665] {strides = array<i32>} : memref<32x768xf32, #tpu.memory_space<vmem>>, vector<1x16xf32>,
        %swap3A_667 = vector.shape_cast %swap3A_666 : vector<1x16xf32> to vector<16xf32>
        %swap3A_668 = vector.shape_cast %get3A_508 : vector<16xf32> to vector<1x16xf32>
        tpu.vector_store %arg10[%swap3A_664, %swap3A_665], %swap3A_668 {add = true, strides = array<i32>} : memref<32x768xf32, #tpu.memory_space<vmem>>, vector<1x16xf32>,
        %mul3A_669 = arith.constant 16 : i32
        %mul3A_670 = arith.muli %scan3A_503, %mul3A_669 : i32
        %swap3A_671 = arith.constant 20 : i32
        %swap3A_672 = arith.index_cast %swap3A_671 : i32 to index
        %swap3A_673 = arith.index_cast %mul3A_670 : i32 to index
        %swap3A_674 = tpu.vector_load %arg10[%swap3A_672, %swap3A_673] {strides = array<i32>} : memref<32x768xf32, #tpu.memory_space<vmem>>, vector<1x16xf32>,
        %swap3A_675 = vector.shape_cast %swap3A_674 : vector<1x16xf32> to vector<16xf32>
        %swap3A_676 = vector.shape_cast %get3A_508 : vector<16xf32> to vector<1x16xf32>
        tpu.vector_store %arg10[%swap3A_672, %swap3A_673], %swap3A_676 {add = true, strides = array<i32>} : memref<32x768xf32, #tpu.memory_space<vmem>>, vector<1x16xf32>,
        %mul3A_677 = arith.constant 16 : i32
        %mul3A_678 = arith.muli %scan3A_503, %mul3A_677 : i32
        %swap3A_679 = arith.constant 21 : i32
        %swap3A_680 = arith.index_cast %swap3A_679 : i32 to index
        %swap3A_681 = arith.index_cast %mul3A_678 : i32 to index
        %swap3A_682 = tpu.vector_load %arg10[%swap3A_680, %swap3A_681] {strides = array<i32>} : memref<32x768xf32, #tpu.memory_space<vmem>>, vector<1x16xf32>,
        %swap3A_683 = vector.shape_cast %swap3A_682 : vector<1x16xf32> to vector<16xf32>
        %swap3A_684 = vector.shape_cast %get3A_508 : vector<16xf32> to vector<1x16xf32>
        tpu.vector_store %arg10[%swap3A_680, %swap3A_681], %swap3A_684 {add = true, strides = array<i32>} : memref<32x768xf32, #tpu.memory_space<vmem>>, vector<1x16xf32>,
        %mul3A_685 = arith.constant 16 : i32
        %mul3A_686 = arith.muli %scan3A_503, %mul3A_685 : i32
        %swap3A_687 = arith.constant 22 : i32
        %swap3A_688 = arith.index_cast %swap3A_687 : i32 to index
        %swap3A_689 = arith.index_cast %mul3A_686 : i32 to index
        %swap3A_690 = tpu.vector_load %arg10[%swap3A_688, %swap3A_689] {strides = array<i32>} : memref<32x768xf32, #tpu.memory_space<vmem>>, vector<1x16xf32>,
        %swap3A_691 = vector.shape_cast %swap3A_690 : vector<1x16xf32> to vector<16xf32>
        %swap3A_692 = vector.shape_cast %get3A_508 : vector<16xf32> to vector<1x16xf32>
        tpu.vector_store %arg10[%swap3A_688, %swap3A_689], %swap3A_692 {add = true, strides = array<i32>} : memref<32x768xf32, #tpu.memory_space<vmem>>, vector<1x16xf32>,
        %mul3A_693 = arith.constant 16 : i32
        %mul3A_694 = arith.muli %scan3A_503, %mul3A_693 : i32
        %swap3A_695 = arith.constant 23 : i32
        %swap3A_696 = arith.index_cast %swap3A_695 : i32 to index
        %swap3A_697 = arith.index_cast %mul3A_694 : i32 to index
        %swap3A_698 = tpu.vector_load %arg10[%swap3A_696, %swap3A_697] {strides = array<i32>} : memref<32x768xf32, #tpu.memory_space<vmem>>, vector<1x16xf32>,
        %swap3A_699 = vector.shape_cast %swap3A_698 : vector<1x16xf32> to vector<16xf32>
        %swap3A_700 = vector.shape_cast %get3A_508 : vector<16xf32> to vector<1x16xf32>
        tpu.vector_store %arg10[%swap3A_696, %swap3A_697], %swap3A_700 {add = true, strides = array<i32>} : memref<32x768xf32, #tpu.memory_space<vmem>>, vector<1x16xf32>,
        %mul3A_701 = arith.constant 16 : i32
        %mul3A_702 = arith.muli %scan3A_503, %mul3A_701 : i32
        %swap3A_703 = arith.constant 24 : i32
        %swap3A_704 = arith.index_cast %swap3A_703 : i32 to index
        %swap3A_705 = arith.index_cast %mul3A_702 : i32 to index
        %swap3A_706 = tpu.vector_load %arg10[%swap3A_704, %swap3A_705] {strides = array<i32>} : memref<32x768xf32, #tpu.memory_space<vmem>>, vector<1x16xf32>,
        %swap3A_707 = vector.shape_cast %swap3A_706 : vector<1x16xf32> to vector<16xf32>
        %swap3A_708 = vector.shape_cast %get3A_508 : vector<16xf32> to vector<1x16xf32>
        tpu.vector_store %arg10[%swap3A_704, %swap3A_705], %swap3A_708 {add = true, strides = array<i32>} : memref<32x768xf32, #tpu.memory_space<vmem>>, vector<1x16xf32>,
        %mul3A_709 = arith.constant 16 : i32
        %mul3A_710 = arith.muli %scan3A_503, %mul3A_709 : i32
        %swap3A_711 = arith.constant 25 : i32
        %swap3A_712 = arith.index_cast %swap3A_711 : i32 to index
        %swap3A_713 = arith.index_cast %mul3A_710 : i32 to index
        %swap3A_714 = tpu.vector_load %arg10[%swap3A_712, %swap3A_713] {strides = array<i32>} : memref<32x768xf32, #tpu.memory_space<vmem>>, vector<1x16xf32>,
        %swap3A_715 = vector.shape_cast %swap3A_714 : vector<1x16xf32> to vector<16xf32>
        %swap3A_716 = vector.shape_cast %get3A_508 : vector<16xf32> to vector<1x16xf32>
        tpu.vector_store %arg10[%swap3A_712, %swap3A_713], %swap3A_716 {add = true, strides = array<i32>} : memref<32x768xf32, #tpu.memory_space<vmem>>, vector<1x16xf32>,
        %mul3A_717 = arith.constant 16 : i32
        %mul3A_718 = arith.muli %scan3A_503, %mul3A_717 : i32
        %swap3A_719 = arith.constant 26 : i32
        %swap3A_720 = arith.index_cast %swap3A_719 : i32 to index
        %swap3A_721 = arith.index_cast %mul3A_718 : i32 to index
        %swap3A_722 = tpu.vector_load %arg10[%swap3A_720, %swap3A_721] {strides = array<i32>} : memref<32x768xf32, #tpu.memory_space<vmem>>, vector<1x16xf32>,
        %swap3A_723 = vector.shape_cast %swap3A_722 : vector<1x16xf32> to vector<16xf32>
        %swap3A_724 = vector.shape_cast %get3A_508 : vector<16xf32> to vector<1x16xf32>
        tpu.vector_store %arg10[%swap3A_720, %swap3A_721], %swap3A_724 {add = true, strides = array<i32>} : memref<32x768xf32, #tpu.memory_space<vmem>>, vector<1x16xf32>,
        %mul3A_725 = arith.constant 16 : i32
        %mul3A_726 = arith.muli %scan3A_503, %mul3A_725 : i32
        %swap3A_727 = arith.constant 27 : i32
        %swap3A_728 = arith.index_cast %swap3A_727 : i32 to index
        %swap3A_729 = arith.index_cast %mul3A_726 : i32 to index
        %swap3A_730 = tpu.vector_load %arg10[%swap3A_728, %swap3A_729] {strides = array<i32>} : memref<32x768xf32, #tpu.memory_space<vmem>>, vector<1x16xf32>,
        %swap3A_731 = vector.shape_cast %swap3A_730 : vector<1x16xf32> to vector<16xf32>
        %swap3A_732 = vector.shape_cast %get3A_508 : vector<16xf32> to vector<1x16xf32>
        tpu.vector_store %arg10[%swap3A_728, %swap3A_729], %swap3A_732 {add = true, strides = array<i32>} : memref<32x768xf32, #tpu.memory_space<vmem>>, vector<1x16xf32>,
        %mul3A_733 = arith.constant 16 : i32
        %mul3A_734 = arith.muli %scan3A_503, %mul3A_733 : i32
        %swap3A_735 = arith.constant 28 : i32
        %swap3A_736 = arith.index_cast %swap3A_735 : i32 to index
        %swap3A_737 = arith.index_cast %mul3A_734 : i32 to index
        %swap3A_738 = tpu.vector_load %arg10[%swap3A_736, %swap3A_737] {strides = array<i32>} : memref<32x768xf32, #tpu.memory_space<vmem>>, vector<1x16xf32>,
        %swap3A_739 = vector.shape_cast %swap3A_738 : vector<1x16xf32> to vector<16xf32>
        %swap3A_740 = vector.shape_cast %get3A_508 : vector<16xf32> to vector<1x16xf32>
        tpu.vector_store %arg10[%swap3A_736, %swap3A_737], %swap3A_740 {add = true, strides = array<i32>} : memref<32x768xf32, #tpu.memory_space<vmem>>, vector<1x16xf32>,
        %mul3A_741 = arith.constant 16 : i32
        %mul3A_742 = arith.muli %scan3A_503, %mul3A_741 : i32
        %swap3A_743 = arith.constant 29 : i32
        %swap3A_744 = arith.index_cast %swap3A_743 : i32 to index
        %swap3A_745 = arith.index_cast %mul3A_742 : i32 to index
        %swap3A_746 = tpu.vector_load %arg10[%swap3A_744, %swap3A_745] {strides = array<i32>} : memref<32x768xf32, #tpu.memory_space<vmem>>, vector<1x16xf32>,
        %swap3A_747 = vector.shape_cast %swap3A_746 : vector<1x16xf32> to vector<16xf32>
        %swap3A_748 = vector.shape_cast %get3A_508 : vector<16xf32> to vector<1x16xf32>
        tpu.vector_store %arg10[%swap3A_744, %swap3A_745], %swap3A_748 {add = true, strides = array<i32>} : memref<32x768xf32, #tpu.memory_space<vmem>>, vector<1x16xf32>,
        %mul3A_749 = arith.constant 16 : i32
        %mul3A_750 = arith.muli %scan3A_503, %mul3A_749 : i32
        %swap3A_751 = arith.constant 30 : i32
        %swap3A_752 = arith.index_cast %swap3A_751 : i32 to index
        %swap3A_753 = arith.index_cast %mul3A_750 : i32 to index
        %swap3A_754 = tpu.vector_load %arg10[%swap3A_752, %swap3A_753] {strides = array<i32>} : memref<32x768xf32, #tpu.memory_space<vmem>>, vector<1x16xf32>,
        %swap3A_755 = vector.shape_cast %swap3A_754 : vector<1x16xf32> to vector<16xf32>
        %swap3A_756 = vector.shape_cast %get3A_508 : vector<16xf32> to vector<1x16xf32>
        tpu.vector_store %arg10[%swap3A_752, %swap3A_753], %swap3A_756 {add = true, strides = array<i32>} : memref<32x768xf32, #tpu.memory_space<vmem>>, vector<1x16xf32>,
        %mul3A_757 = arith.constant 16 : i32
        %mul3A_758 = arith.muli %scan3A_503, %mul3A_757 : i32
        %swap3A_759 = arith.constant 31 : i32
        %swap3A_760 = arith.index_cast %swap3A_759 : i32 to index
        %swap3A_761 = arith.index_cast %mul3A_758 : i32 to index
        %swap3A_762 = tpu.vector_load %arg10[%swap3A_760, %swap3A_761] {strides = array<i32>} : memref<32x768xf32, #tpu.memory_space<vmem>>, vector<1x16xf32>,
        %swap3A_763 = vector.shape_cast %swap3A_762 : vector<1x16xf32> to vector<16xf32>
        %swap3A_764 = vector.shape_cast %get3A_508 : vector<16xf32> to vector<1x16xf32>
        tpu.vector_store %arg10[%swap3A_760, %swap3A_761], %swap3A_764 {add = true, strides = array<i32>} : memref<32x768xf32, #tpu.memory_space<vmem>>, vector<1x16xf32>,
      }
      %scan3A_197 = arith.constant 48 : i32
      %dma_start3A_198 = arith.constant 0 : i32
      %dma_start3A_199 = tpu.memref_slice %arg5[%add3A_162, %mul3A_2, %dma_start3A_198] : memref<77x1024x768xf32, #tpu.memory_space<hbm>> -> memref<1x32x768xf32, #tpu.memory_space<hbm>>
      %dma_start3A_200 = tpu.memref_squeeze %dma_start3A_199 : memref<1x32x768xf32, #tpu.memory_space<hbm>> -> memref<32x768xf32, #tpu.memory_space<hbm>>
      %dma_start3A_201 = arith.constant 0 : i32
      %dma_start3A_202 = tpu.memref_slice %arg5[%add3A_162, %mul3A_2, %dma_start3A_201] : memref<77x1024x768xf32, #tpu.memory_space<hbm>> -> memref<1x32x768xf32, #tpu.memory_space<hbm>>
      %dma_start3A_203 = tpu.memref_squeeze %dma_start3A_202 : memref<1x32x768xf32, #tpu.memory_space<hbm>> -> memref<32x768xf32, #tpu.memory_space<hbm>>
      tpu.enqueue_dma source(%arg10 : memref<32x768xf32, #tpu.memory_space<vmem>>) target(%dma_start3A_203 : memref<32x768xf32, #tpu.memory_space<hbm>>) target_semaphore(%arg22 : memref<!tpu.dma_semaphore, #tpu.memory_space<semaphore_mem>>)
      %mul3A_204 = arith.constant 4 : i32
      %mul3A_205 = arith.muli %scan3A_73, %mul3A_204 : i32
      %add3A_206 = arith.constant 3 : i32
      %add3A_207 = arith.addi %mul3A_205, %add3A_206 : i32
      %sub3A_208 = arith.constant 2 : i32
      %sub3A_209 = arith.subi %add3A_207, %sub3A_208 : i32
      %dma_wait3A_210 = arith.constant 0 : i32
      %dma_wait3A_211 = tpu.memref_slice %arg5[%sub3A_209, %mul3A_2, %dma_wait3A_210] : memref<77x1024x768xf32, #tpu.memory_space<hbm>> -> memref<1x32x768xf32, #tpu.memory_space<hbm>>
      %dma_wait3A_212 = tpu.memref_squeeze %dma_wait3A_211 : memref<1x32x768xf32, #tpu.memory_space<hbm>> -> memref<32x768xf32, #tpu.memory_space<hbm>>
      %dma_wait3A_213 = arith.constant 0 : i32
      %dma_wait3A_214 = tpu.memref_slice %arg5[%sub3A_209, %mul3A_2, %dma_wait3A_213] : memref<77x1024x768xf32, #tpu.memory_space<hbm>> -> memref<1x32x768xf32, #tpu.memory_space<hbm>>
      %dma_wait3A_215 = tpu.memref_squeeze %dma_wait3A_214 : memref<1x32x768xf32, #tpu.memory_space<hbm>> -> memref<32x768xf32, #tpu.memory_space<hbm>>
      tpu.wait_dma2 semaphore(%arg21 : memref<!tpu.dma_semaphore, #tpu.memory_space<semaphore_mem>>) src(%arg9 : memref<32x768xf32, #tpu.memory_space<vmem>>) dst(%dma_wait3A_215 : memref<32x768xf32, #tpu.memory_space<hbm>>)
      %lt3A = arith.constant 18 : i32
      %lt3A_216 = arith.cmpi slt, %scan3A_73, %lt3A : i32
      %convert_element_type3A_217 = arith.extui %lt3A_216 : i1 to i32
      %cond3A_218 = arith.constant 0 : i32
      %cond3A_219 = arith.cmpi ne, %convert_element_type3A_217, %cond3A_218 : i32
      scf.if %cond3A_219 {
        %add3A_242 = arith.constant 2 : i32
        %add3A_243 = arith.addi %add3A_207, %add3A_242 : i32
        %mul3A_244 = arith.constant 32 : i32
        %mul3A_245 = arith.muli %add3A_243, %mul3A_244 : i32
        %dma_start3A_246 = tpu.memref_slice %arg6[%mul3A_245] : memref<2464xi32, #tpu.memory_space<vmem>> -> memref<32xi32, #tpu.memory_space<vmem>>
        %dma_start3A_247 = arith.constant 0 : i32
        %dma_start3A_248 = arith.constant 0 : i32
        %dma_start3A_249 = tpu.memref_slice %arg2[%dma_start3A_247, %dma_start3A_248] : memref<49408x768xf32, #tpu.memory_space<hbm>> -> memref<49408x768xf32, #tpu.memory_space<hbm>>
        tpu.enqueue_indirect_dma source(%dma_start3A_249 : memref<49408x768xf32, #tpu.memory_space<hbm>>) target(%arg9 : memref<32x768xf32, #tpu.memory_space<vmem>>) offsets(%dma_start3A_246 : memref<32xi32, #tpu.memory_space<vmem>>) semaphore(%arg17 : memref<!tpu.dma_semaphore, #tpu.memory_space<semaphore_mem>>)
        %mul3A_250 = arith.constant 768 : i32
        %mul3A_251 = arith.muli %add3A_243, %mul3A_250 : i32
        %dma_start3A_252 = tpu.memref_slice %arg7[%mul3A_251] : memref<59136xf32, #tpu.memory_space<vmem_shared>> -> memref<768xf32, #tpu.memory_space<vmem_shared>>
        %dma_start3A_253 = tpu.memref_slice %arg7[%mul3A_251] : memref<59136xf32, #tpu.memory_space<vmem_shared>> -> memref<768xf32, #tpu.memory_space<vmem_shared>>
        tpu.enqueue_dma source(%dma_start3A_253 : memref<768xf32, #tpu.memory_space<vmem_shared>>) target(%arg13 : memref<768xf32, #tpu.memory_space<vmem>>) target_semaphore(%arg25 : memref<!tpu.dma_semaphore, #tpu.memory_space<semaphore_mem>>)
      } else {
      }
      %mul3A_220 = arith.constant 32 : i32
      %mul3A_221 = arith.muli %add3A_207, %mul3A_220 : i32
      %dma_wait3A_222 = tpu.memref_slice %arg6[%mul3A_221] : memref<2464xi32, #tpu.memory_space<vmem>> -> memref<32xi32, #tpu.memory_space<vmem>>
      %dma_wait3A_223 = arith.constant 0 : i32
      %dma_wait3A_224 = arith.constant 0 : i32
      %dma_wait3A_225 = tpu.memref_slice %arg2[%dma_wait3A_223, %dma_wait3A_224] : memref<49408x768xf32, #tpu.memory_space<hbm>> -> memref<49408x768xf32, #tpu.memory_space<hbm>>
      tpu.wait_indirect_dma semaphore(%arg19 : memref<!tpu.dma_semaphore, #tpu.memory_space<semaphore_mem>>) src(%dma_wait3A_225 : memref<49408x768xf32, #tpu.memory_space<hbm>>) dst(%arg11 : memref<32x768xf32, #tpu.memory_space<vmem>>)
      %mul3A_226 = arith.constant 768 : i32
      %mul3A_227 = arith.muli %add3A_207, %mul3A_226 : i32
      %dma_wait3A_228 = tpu.memref_slice %arg7[%mul3A_227] : memref<59136xf32, #tpu.memory_space<vmem_shared>> -> memref<768xf32, #tpu.memory_space<vmem_shared>>
      %dma_wait3A_229 = tpu.memref_slice %arg7[%mul3A_227] : memref<59136xf32, #tpu.memory_space<vmem_shared>> -> memref<768xf32, #tpu.memory_space<vmem_shared>>
      tpu.wait_dma2 semaphore(%arg27 : memref<!tpu.dma_semaphore, #tpu.memory_space<semaphore_mem>>) src(%dma_wait3A_229 : memref<768xf32, #tpu.memory_space<vmem_shared>>) dst(%arg15 : memref<768xf32, #tpu.memory_space<vmem>>)
      %scan3A_230 = arith.constant 0 : i32
      %scan3A_231 = arith.constant 0 : i32
      %scan3A_232 = arith.constant 48 : i32
      %scan3A_233 = arith.addi %scan3A_231, %scan3A_232 : i32
      %scan3A_234 = arith.constant 2 : i32
      scf.for %scan3A_242 = %scan3A_231 to %scan3A_233 step %scan3A_234  : i32 {
        %mul3A_243 = arith.constant 16 : i32
        %mul3A_244 = arith.muli %scan3A_242, %mul3A_243 : i32
        %get3A = arith.index_cast %mul3A_244 : i32 to index
        %get3A_245 = tpu.vector_load %arg15[%get3A] {strides = array<i32>} : memref<768xf32, #tpu.memory_space<vmem>>, vector<16xf32>,
        %get3A_246 = vector.shape_cast %get3A_245 : vector<16xf32> to vector<16xf32>
        %mul3A_247 = arith.constant 16 : i32
        %mul3A_248 = arith.muli %scan3A_242, %mul3A_247 : i32
        %swap3A = arith.constant 0 : i32
        %swap3A_249 = arith.index_cast %swap3A : i32 to index
        %swap3A_250 = arith.index_cast %mul3A_248 : i32 to index
        %swap3A_251 = tpu.vector_load %arg11[%swap3A_249, %swap3A_250] {strides = array<i32>} : memref<32x768xf32, #tpu.memory_space<vmem>>, vector<1x16xf32>,
        %swap3A_252 = vector.shape_cast %swap3A_251 : vector<1x16xf32> to vector<16xf32>
        %swap3A_253 = vector.shape_cast %get3A_246 : vector<16xf32> to vector<1x16xf32>
        tpu.vector_store %arg11[%swap3A_249, %swap3A_250], %swap3A_253 {add = true, strides = array<i32>} : memref<32x768xf32, #tpu.memory_space<vmem>>, vector<1x16xf32>,
        %mul3A_254 = arith.constant 16 : i32
        %mul3A_255 = arith.muli %scan3A_242, %mul3A_254 : i32
        %swap3A_256 = arith.constant 1 : i32
        %swap3A_257 = arith.index_cast %swap3A_256 : i32 to index
        %swap3A_258 = arith.index_cast %mul3A_255 : i32 to index
        %swap3A_259 = tpu.vector_load %arg11[%swap3A_257, %swap3A_258] {strides = array<i32>} : memref<32x768xf32, #tpu.memory_space<vmem>>, vector<1x16xf32>,
        %swap3A_260 = vector.shape_cast %swap3A_259 : vector<1x16xf32> to vector<16xf32>
        %swap3A_261 = vector.shape_cast %get3A_246 : vector<16xf32> to vector<1x16xf32>
        tpu.vector_store %arg11[%swap3A_257, %swap3A_258], %swap3A_261 {add = true, strides = array<i32>} : memref<32x768xf32, #tpu.memory_space<vmem>>, vector<1x16xf32>,
        %mul3A_262 = arith.constant 16 : i32
        %mul3A_263 = arith.muli %scan3A_242, %mul3A_262 : i32
        %swap3A_264 = arith.constant 2 : i32
        %swap3A_265 = arith.index_cast %swap3A_264 : i32 to index
        %swap3A_266 = arith.index_cast %mul3A_263 : i32 to index
        %swap3A_267 = tpu.vector_load %arg11[%swap3A_265, %swap3A_266] {strides = array<i32>} : memref<32x768xf32, #tpu.memory_space<vmem>>, vector<1x16xf32>,
        %swap3A_268 = vector.shape_cast %swap3A_267 : vector<1x16xf32> to vector<16xf32>
        %swap3A_269 = vector.shape_cast %get3A_246 : vector<16xf32> to vector<1x16xf32>
        tpu.vector_store %arg11[%swap3A_265, %swap3A_266], %swap3A_269 {add = true, strides = array<i32>} : memref<32x768xf32, #tpu.memory_space<vmem>>, vector<1x16xf32>,
        %mul3A_270 = arith.constant 16 : i32
        %mul3A_271 = arith.muli %scan3A_242, %mul3A_270 : i32
        %swap3A_272 = arith.constant 3 : i32
        %swap3A_273 = arith.index_cast %swap3A_272 : i32 to index
        %swap3A_274 = arith.index_cast %mul3A_271 : i32 to index
        %swap3A_275 = tpu.vector_load %arg11[%swap3A_273, %swap3A_274] {strides = array<i32>} : memref<32x768xf32, #tpu.memory_space<vmem>>, vector<1x16xf32>,
        %swap3A_276 = vector.shape_cast %swap3A_275 : vector<1x16xf32> to vector<16xf32>
        %swap3A_277 = vector.shape_cast %get3A_246 : vector<16xf32> to vector<1x16xf32>
        tpu.vector_store %arg11[%swap3A_273, %swap3A_274], %swap3A_277 {add = true, strides = array<i32>} : memref<32x768xf32, #tpu.memory_space<vmem>>, vector<1x16xf32>,
        %mul3A_278 = arith.constant 16 : i32
        %mul3A_279 = arith.muli %scan3A_242, %mul3A_278 : i32
        %swap3A_280 = arith.constant 4 : i32
        %swap3A_281 = arith.index_cast %swap3A_280 : i32 to index
        %swap3A_282 = arith.index_cast %mul3A_279 : i32 to index
        %swap3A_283 = tpu.vector_load %arg11[%swap3A_281, %swap3A_282] {strides = array<i32>} : memref<32x768xf32, #tpu.memory_space<vmem>>, vector<1x16xf32>,
        %swap3A_284 = vector.shape_cast %swap3A_283 : vector<1x16xf32> to vector<16xf32>
        %swap3A_285 = vector.shape_cast %get3A_246 : vector<16xf32> to vector<1x16xf32>
        tpu.vector_store %arg11[%swap3A_281, %swap3A_282], %swap3A_285 {add = true, strides = array<i32>} : memref<32x768xf32, #tpu.memory_space<vmem>>, vector<1x16xf32>,
        %mul3A_286 = arith.constant 16 : i32
        %mul3A_287 = arith.muli %scan3A_242, %mul3A_286 : i32
        %swap3A_288 = arith.constant 5 : i32
        %swap3A_289 = arith.index_cast %swap3A_288 : i32 to index
        %swap3A_290 = arith.index_cast %mul3A_287 : i32 to index
        %swap3A_291 = tpu.vector_load %arg11[%swap3A_289, %swap3A_290] {strides = array<i32>} : memref<32x768xf32, #tpu.memory_space<vmem>>, vector<1x16xf32>,
        %swap3A_292 = vector.shape_cast %swap3A_291 : vector<1x16xf32> to vector<16xf32>
        %swap3A_293 = vector.shape_cast %get3A_246 : vector<16xf32> to vector<1x16xf32>
        tpu.vector_store %arg11[%swap3A_289, %swap3A_290], %swap3A_293 {add = true, strides = array<i32>} : memref<32x768xf32, #tpu.memory_space<vmem>>, vector<1x16xf32>,
        %mul3A_294 = arith.constant 16 : i32
        %mul3A_295 = arith.muli %scan3A_242, %mul3A_294 : i32
        %swap3A_296 = arith.constant 6 : i32
        %swap3A_297 = arith.index_cast %swap3A_296 : i32 to index
        %swap3A_298 = arith.index_cast %mul3A_295 : i32 to index
        %swap3A_299 = tpu.vector_load %arg11[%swap3A_297, %swap3A_298] {strides = array<i32>} : memref<32x768xf32, #tpu.memory_space<vmem>>, vector<1x16xf32>,
        %swap3A_300 = vector.shape_cast %swap3A_299 : vector<1x16xf32> to vector<16xf32>
        %swap3A_301 = vector.shape_cast %get3A_246 : vector<16xf32> to vector<1x16xf32>
        tpu.vector_store %arg11[%swap3A_297, %swap3A_298], %swap3A_301 {add = true, strides = array<i32>} : memref<32x768xf32, #tpu.memory_space<vmem>>, vector<1x16xf32>,
        %mul3A_302 = arith.constant 16 : i32
        %mul3A_303 = arith.muli %scan3A_242, %mul3A_302 : i32
        %swap3A_304 = arith.constant 7 : i32
        %swap3A_305 = arith.index_cast %swap3A_304 : i32 to index
        %swap3A_306 = arith.index_cast %mul3A_303 : i32 to index
        %swap3A_307 = tpu.vector_load %arg11[%swap3A_305, %swap3A_306] {strides = array<i32>} : memref<32x768xf32, #tpu.memory_space<vmem>>, vector<1x16xf32>,
        %swap3A_308 = vector.shape_cast %swap3A_307 : vector<1x16xf32> to vector<16xf32>
        %swap3A_309 = vector.shape_cast %get3A_246 : vector<16xf32> to vector<1x16xf32>
        tpu.vector_store %arg11[%swap3A_305, %swap3A_306], %swap3A_309 {add = true, strides = array<i32>} : memref<32x768xf32, #tpu.memory_space<vmem>>, vector<1x16xf32>,
        %mul3A_310 = arith.constant 16 : i32
        %mul3A_311 = arith.muli %scan3A_242, %mul3A_310 : i32
        %swap3A_312 = arith.constant 8 : i32
        %swap3A_313 = arith.index_cast %swap3A_312 : i32 to index
        %swap3A_314 = arith.index_cast %mul3A_311 : i32 to index
        %swap3A_315 = tpu.vector_load %arg11[%swap3A_313, %swap3A_314] {strides = array<i32>} : memref<32x768xf32, #tpu.memory_space<vmem>>, vector<1x16xf32>,
        %swap3A_316 = vector.shape_cast %swap3A_315 : vector<1x16xf32> to vector<16xf32>
        %swap3A_317 = vector.shape_cast %get3A_246 : vector<16xf32> to vector<1x16xf32>
        tpu.vector_store %arg11[%swap3A_313, %swap3A_314], %swap3A_317 {add = true, strides = array<i32>} : memref<32x768xf32, #tpu.memory_space<vmem>>, vector<1x16xf32>,
        %mul3A_318 = arith.constant 16 : i32
        %mul3A_319 = arith.muli %scan3A_242, %mul3A_318 : i32
        %swap3A_320 = arith.constant 9 : i32
        %swap3A_321 = arith.index_cast %swap3A_320 : i32 to index
        %swap3A_322 = arith.index_cast %mul3A_319 : i32 to index
        %swap3A_323 = tpu.vector_load %arg11[%swap3A_321, %swap3A_322] {strides = array<i32>} : memref<32x768xf32, #tpu.memory_space<vmem>>, vector<1x16xf32>,
        %swap3A_324 = vector.shape_cast %swap3A_323 : vector<1x16xf32> to vector<16xf32>
        %swap3A_325 = vector.shape_cast %get3A_246 : vector<16xf32> to vector<1x16xf32>
        tpu.vector_store %arg11[%swap3A_321, %swap3A_322], %swap3A_325 {add = true, strides = array<i32>} : memref<32x768xf32, #tpu.memory_space<vmem>>, vector<1x16xf32>,
        %mul3A_326 = arith.constant 16 : i32
        %mul3A_327 = arith.muli %scan3A_242, %mul3A_326 : i32
        %swap3A_328 = arith.constant 10 : i32
        %swap3A_329 = arith.index_cast %swap3A_328 : i32 to index
        %swap3A_330 = arith.index_cast %mul3A_327 : i32 to index
        %swap3A_331 = tpu.vector_load %arg11[%swap3A_329, %swap3A_330] {strides = array<i32>} : memref<32x768xf32, #tpu.memory_space<vmem>>, vector<1x16xf32>,
        %swap3A_332 = vector.shape_cast %swap3A_331 : vector<1x16xf32> to vector<16xf32>
        %swap3A_333 = vector.shape_cast %get3A_246 : vector<16xf32> to vector<1x16xf32>
        tpu.vector_store %arg11[%swap3A_329, %swap3A_330], %swap3A_333 {add = true, strides = array<i32>} : memref<32x768xf32, #tpu.memory_space<vmem>>, vector<1x16xf32>,
        %mul3A_334 = arith.constant 16 : i32
        %mul3A_335 = arith.muli %scan3A_242, %mul3A_334 : i32
        %swap3A_336 = arith.constant 11 : i32
        %swap3A_337 = arith.index_cast %swap3A_336 : i32 to index
        %swap3A_338 = arith.index_cast %mul3A_335 : i32 to index
        %swap3A_339 = tpu.vector_load %arg11[%swap3A_337, %swap3A_338] {strides = array<i32>} : memref<32x768xf32, #tpu.memory_space<vmem>>, vector<1x16xf32>,
        %swap3A_340 = vector.shape_cast %swap3A_339 : vector<1x16xf32> to vector<16xf32>
        %swap3A_341 = vector.shape_cast %get3A_246 : vector<16xf32> to vector<1x16xf32>
        tpu.vector_store %arg11[%swap3A_337, %swap3A_338], %swap3A_341 {add = true, strides = array<i32>} : memref<32x768xf32, #tpu.memory_space<vmem>>, vector<1x16xf32>,
        %mul3A_342 = arith.constant 16 : i32
        %mul3A_343 = arith.muli %scan3A_242, %mul3A_342 : i32
        %swap3A_344 = arith.constant 12 : i32
        %swap3A_345 = arith.index_cast %swap3A_344 : i32 to index
        %swap3A_346 = arith.index_cast %mul3A_343 : i32 to index
        %swap3A_347 = tpu.vector_load %arg11[%swap3A_345, %swap3A_346] {strides = array<i32>} : memref<32x768xf32, #tpu.memory_space<vmem>>, vector<1x16xf32>,
        %swap3A_348 = vector.shape_cast %swap3A_347 : vector<1x16xf32> to vector<16xf32>
        %swap3A_349 = vector.shape_cast %get3A_246 : vector<16xf32> to vector<1x16xf32>
        tpu.vector_store %arg11[%swap3A_345, %swap3A_346], %swap3A_349 {add = true, strides = array<i32>} : memref<32x768xf32, #tpu.memory_space<vmem>>, vector<1x16xf32>,
        %mul3A_350 = arith.constant 16 : i32
        %mul3A_351 = arith.muli %scan3A_242, %mul3A_350 : i32
        %swap3A_352 = arith.constant 13 : i32
        %swap3A_353 = arith.index_cast %swap3A_352 : i32 to index
        %swap3A_354 = arith.index_cast %mul3A_351 : i32 to index
        %swap3A_355 = tpu.vector_load %arg11[%swap3A_353, %swap3A_354] {strides = array<i32>} : memref<32x768xf32, #tpu.memory_space<vmem>>, vector<1x16xf32>,
        %swap3A_356 = vector.shape_cast %swap3A_355 : vector<1x16xf32> to vector<16xf32>
        %swap3A_357 = vector.shape_cast %get3A_246 : vector<16xf32> to vector<1x16xf32>
        tpu.vector_store %arg11[%swap3A_353, %swap3A_354], %swap3A_357 {add = true, strides = array<i32>} : memref<32x768xf32, #tpu.memory_space<vmem>>, vector<1x16xf32>,
        %mul3A_358 = arith.constant 16 : i32
        %mul3A_359 = arith.muli %scan3A_242, %mul3A_358 : i32
        %swap3A_360 = arith.constant 14 : i32
        %swap3A_361 = arith.index_cast %swap3A_360 : i32 to index
        %swap3A_362 = arith.index_cast %mul3A_359 : i32 to index
        %swap3A_363 = tpu.vector_load %arg11[%swap3A_361, %swap3A_362] {strides = array<i32>} : memref<32x768xf32, #tpu.memory_space<vmem>>, vector<1x16xf32>,
        %swap3A_364 = vector.shape_cast %swap3A_363 : vector<1x16xf32> to vector<16xf32>
        %swap3A_365 = vector.shape_cast %get3A_246 : vector<16xf32> to vector<1x16xf32>
        tpu.vector_store %arg11[%swap3A_361, %swap3A_362], %swap3A_365 {add = true, strides = array<i32>} : memref<32x768xf32, #tpu.memory_space<vmem>>, vector<1x16xf32>,
        %mul3A_366 = arith.constant 16 : i32
        %mul3A_367 = arith.muli %scan3A_242, %mul3A_366 : i32
        %swap3A_368 = arith.constant 15 : i32
        %swap3A_369 = arith.index_cast %swap3A_368 : i32 to index
        %swap3A_370 = arith.index_cast %mul3A_367 : i32 to index
        %swap3A_371 = tpu.vector_load %arg11[%swap3A_369, %swap3A_370] {strides = array<i32>} : memref<32x768xf32, #tpu.memory_space<vmem>>, vector<1x16xf32>,
        %swap3A_372 = vector.shape_cast %swap3A_371 : vector<1x16xf32> to vector<16xf32>
        %swap3A_373 = vector.shape_cast %get3A_246 : vector<16xf32> to vector<1x16xf32>
        tpu.vector_store %arg11[%swap3A_369, %swap3A_370], %swap3A_373 {add = true, strides = array<i32>} : memref<32x768xf32, #tpu.memory_space<vmem>>, vector<1x16xf32>,
        %mul3A_374 = arith.constant 16 : i32
        %mul3A_375 = arith.muli %scan3A_242, %mul3A_374 : i32
        %swap3A_376 = arith.constant 16 : i32
        %swap3A_377 = arith.index_cast %swap3A_376 : i32 to index
        %swap3A_378 = arith.index_cast %mul3A_375 : i32 to index
        %swap3A_379 = tpu.vector_load %arg11[%swap3A_377, %swap3A_378] {strides = array<i32>} : memref<32x768xf32, #tpu.memory_space<vmem>>, vector<1x16xf32>,
        %swap3A_380 = vector.shape_cast %swap3A_379 : vector<1x16xf32> to vector<16xf32>
        %swap3A_381 = vector.shape_cast %get3A_246 : vector<16xf32> to vector<1x16xf32>
        tpu.vector_store %arg11[%swap3A_377, %swap3A_378], %swap3A_381 {add = true, strides = array<i32>} : memref<32x768xf32, #tpu.memory_space<vmem>>, vector<1x16xf32>,
        %mul3A_382 = arith.constant 16 : i32
        %mul3A_383 = arith.muli %scan3A_242, %mul3A_382 : i32
        %swap3A_384 = arith.constant 17 : i32
        %swap3A_385 = arith.index_cast %swap3A_384 : i32 to index
        %swap3A_386 = arith.index_cast %mul3A_383 : i32 to index
        %swap3A_387 = tpu.vector_load %arg11[%swap3A_385, %swap3A_386] {strides = array<i32>} : memref<32x768xf32, #tpu.memory_space<vmem>>, vector<1x16xf32>,
        %swap3A_388 = vector.shape_cast %swap3A_387 : vector<1x16xf32> to vector<16xf32>
        %swap3A_389 = vector.shape_cast %get3A_246 : vector<16xf32> to vector<1x16xf32>
        tpu.vector_store %arg11[%swap3A_385, %swap3A_386], %swap3A_389 {add = true, strides = array<i32>} : memref<32x768xf32, #tpu.memory_space<vmem>>, vector<1x16xf32>,
        %mul3A_390 = arith.constant 16 : i32
        %mul3A_391 = arith.muli %scan3A_242, %mul3A_390 : i32
        %swap3A_392 = arith.constant 18 : i32
        %swap3A_393 = arith.index_cast %swap3A_392 : i32 to index
        %swap3A_394 = arith.index_cast %mul3A_391 : i32 to index
        %swap3A_395 = tpu.vector_load %arg11[%swap3A_393, %swap3A_394] {strides = array<i32>} : memref<32x768xf32, #tpu.memory_space<vmem>>, vector<1x16xf32>,
        %swap3A_396 = vector.shape_cast %swap3A_395 : vector<1x16xf32> to vector<16xf32>
        %swap3A_397 = vector.shape_cast %get3A_246 : vector<16xf32> to vector<1x16xf32>
        tpu.vector_store %arg11[%swap3A_393, %swap3A_394], %swap3A_397 {add = true, strides = array<i32>} : memref<32x768xf32, #tpu.memory_space<vmem>>, vector<1x16xf32>,
        %mul3A_398 = arith.constant 16 : i32
        %mul3A_399 = arith.muli %scan3A_242, %mul3A_398 : i32
        %swap3A_400 = arith.constant 19 : i32
        %swap3A_401 = arith.index_cast %swap3A_400 : i32 to index
        %swap3A_402 = arith.index_cast %mul3A_399 : i32 to index
        %swap3A_403 = tpu.vector_load %arg11[%swap3A_401, %swap3A_402] {strides = array<i32>} : memref<32x768xf32, #tpu.memory_space<vmem>>, vector<1x16xf32>,
        %swap3A_404 = vector.shape_cast %swap3A_403 : vector<1x16xf32> to vector<16xf32>
        %swap3A_405 = vector.shape_cast %get3A_246 : vector<16xf32> to vector<1x16xf32>
        tpu.vector_store %arg11[%swap3A_401, %swap3A_402], %swap3A_405 {add = true, strides = array<i32>} : memref<32x768xf32, #tpu.memory_space<vmem>>, vector<1x16xf32>,
        %mul3A_406 = arith.constant 16 : i32
        %mul3A_407 = arith.muli %scan3A_242, %mul3A_406 : i32
        %swap3A_408 = arith.constant 20 : i32
        %swap3A_409 = arith.index_cast %swap3A_408 : i32 to index
        %swap3A_410 = arith.index_cast %mul3A_407 : i32 to index
        %swap3A_411 = tpu.vector_load %arg11[%swap3A_409, %swap3A_410] {strides = array<i32>} : memref<32x768xf32, #tpu.memory_space<vmem>>, vector<1x16xf32>,
        %swap3A_412 = vector.shape_cast %swap3A_411 : vector<1x16xf32> to vector<16xf32>
        %swap3A_413 = vector.shape_cast %get3A_246 : vector<16xf32> to vector<1x16xf32>
        tpu.vector_store %arg11[%swap3A_409, %swap3A_410], %swap3A_413 {add = true, strides = array<i32>} : memref<32x768xf32, #tpu.memory_space<vmem>>, vector<1x16xf32>,
        %mul3A_414 = arith.constant 16 : i32
        %mul3A_415 = arith.muli %scan3A_242, %mul3A_414 : i32
        %swap3A_416 = arith.constant 21 : i32
        %swap3A_417 = arith.index_cast %swap3A_416 : i32 to index
        %swap3A_418 = arith.index_cast %mul3A_415 : i32 to index
        %swap3A_419 = tpu.vector_load %arg11[%swap3A_417, %swap3A_418] {strides = array<i32>} : memref<32x768xf32, #tpu.memory_space<vmem>>, vector<1x16xf32>,
        %swap3A_420 = vector.shape_cast %swap3A_419 : vector<1x16xf32> to vector<16xf32>
        %swap3A_421 = vector.shape_cast %get3A_246 : vector<16xf32> to vector<1x16xf32>
        tpu.vector_store %arg11[%swap3A_417, %swap3A_418], %swap3A_421 {add = true, strides = array<i32>} : memref<32x768xf32, #tpu.memory_space<vmem>>, vector<1x16xf32>,
        %mul3A_422 = arith.constant 16 : i32
        %mul3A_423 = arith.muli %scan3A_242, %mul3A_422 : i32
        %swap3A_424 = arith.constant 22 : i32
        %swap3A_425 = arith.index_cast %swap3A_424 : i32 to index
        %swap3A_426 = arith.index_cast %mul3A_423 : i32 to index
        %swap3A_427 = tpu.vector_load %arg11[%swap3A_425, %swap3A_426] {strides = array<i32>} : memref<32x768xf32, #tpu.memory_space<vmem>>, vector<1x16xf32>,
        %swap3A_428 = vector.shape_cast %swap3A_427 : vector<1x16xf32> to vector<16xf32>
        %swap3A_429 = vector.shape_cast %get3A_246 : vector<16xf32> to vector<1x16xf32>
        tpu.vector_store %arg11[%swap3A_425, %swap3A_426], %swap3A_429 {add = true, strides = array<i32>} : memref<32x768xf32, #tpu.memory_space<vmem>>, vector<1x16xf32>,
        %mul3A_430 = arith.constant 16 : i32
        %mul3A_431 = arith.muli %scan3A_242, %mul3A_430 : i32
        %swap3A_432 = arith.constant 23 : i32
        %swap3A_433 = arith.index_cast %swap3A_432 : i32 to index
        %swap3A_434 = arith.index_cast %mul3A_431 : i32 to index
        %swap3A_435 = tpu.vector_load %arg11[%swap3A_433, %swap3A_434] {strides = array<i32>} : memref<32x768xf32, #tpu.memory_space<vmem>>, vector<1x16xf32>,
        %swap3A_436 = vector.shape_cast %swap3A_435 : vector<1x16xf32> to vector<16xf32>
        %swap3A_437 = vector.shape_cast %get3A_246 : vector<16xf32> to vector<1x16xf32>
        tpu.vector_store %arg11[%swap3A_433, %swap3A_434], %swap3A_437 {add = true, strides = array<i32>} : memref<32x768xf32, #tpu.memory_space<vmem>>, vector<1x16xf32>,
        %mul3A_438 = arith.constant 16 : i32
        %mul3A_439 = arith.muli %scan3A_242, %mul3A_438 : i32
        %swap3A_440 = arith.constant 24 : i32
        %swap3A_441 = arith.index_cast %swap3A_440 : i32 to index
        %swap3A_442 = arith.index_cast %mul3A_439 : i32 to index
        %swap3A_443 = tpu.vector_load %arg11[%swap3A_441, %swap3A_442] {strides = array<i32>} : memref<32x768xf32, #tpu.memory_space<vmem>>, vector<1x16xf32>,
        %swap3A_444 = vector.shape_cast %swap3A_443 : vector<1x16xf32> to vector<16xf32>
        %swap3A_445 = vector.shape_cast %get3A_246 : vector<16xf32> to vector<1x16xf32>
        tpu.vector_store %arg11[%swap3A_441, %swap3A_442], %swap3A_445 {add = true, strides = array<i32>} : memref<32x768xf32, #tpu.memory_space<vmem>>, vector<1x16xf32>,
        %mul3A_446 = arith.constant 16 : i32
        %mul3A_447 = arith.muli %scan3A_242, %mul3A_446 : i32
        %swap3A_448 = arith.constant 25 : i32
        %swap3A_449 = arith.index_cast %swap3A_448 : i32 to index
        %swap3A_450 = arith.index_cast %mul3A_447 : i32 to index
        %swap3A_451 = tpu.vector_load %arg11[%swap3A_449, %swap3A_450] {strides = array<i32>} : memref<32x768xf32, #tpu.memory_space<vmem>>, vector<1x16xf32>,
        %swap3A_452 = vector.shape_cast %swap3A_451 : vector<1x16xf32> to vector<16xf32>
        %swap3A_453 = vector.shape_cast %get3A_246 : vector<16xf32> to vector<1x16xf32>
        tpu.vector_store %arg11[%swap3A_449, %swap3A_450], %swap3A_453 {add = true, strides = array<i32>} : memref<32x768xf32, #tpu.memory_space<vmem>>, vector<1x16xf32>,
        %mul3A_454 = arith.constant 16 : i32
        %mul3A_455 = arith.muli %scan3A_242, %mul3A_454 : i32
        %swap3A_456 = arith.constant 26 : i32
        %swap3A_457 = arith.index_cast %swap3A_456 : i32 to index
        %swap3A_458 = arith.index_cast %mul3A_455 : i32 to index
        %swap3A_459 = tpu.vector_load %arg11[%swap3A_457, %swap3A_458] {strides = array<i32>} : memref<32x768xf32, #tpu.memory_space<vmem>>, vector<1x16xf32>,
        %swap3A_460 = vector.shape_cast %swap3A_459 : vector<1x16xf32> to vector<16xf32>
        %swap3A_461 = vector.shape_cast %get3A_246 : vector<16xf32> to vector<1x16xf32>
        tpu.vector_store %arg11[%swap3A_457, %swap3A_458], %swap3A_461 {add = true, strides = array<i32>} : memref<32x768xf32, #tpu.memory_space<vmem>>, vector<1x16xf32>,
        %mul3A_462 = arith.constant 16 : i32
        %mul3A_463 = arith.muli %scan3A_242, %mul3A_462 : i32
        %swap3A_464 = arith.constant 27 : i32
        %swap3A_465 = arith.index_cast %swap3A_464 : i32 to index
        %swap3A_466 = arith.index_cast %mul3A_463 : i32 to index
        %swap3A_467 = tpu.vector_load %arg11[%swap3A_465, %swap3A_466] {strides = array<i32>} : memref<32x768xf32, #tpu.memory_space<vmem>>, vector<1x16xf32>,
        %swap3A_468 = vector.shape_cast %swap3A_467 : vector<1x16xf32> to vector<16xf32>
        %swap3A_469 = vector.shape_cast %get3A_246 : vector<16xf32> to vector<1x16xf32>
        tpu.vector_store %arg11[%swap3A_465, %swap3A_466], %swap3A_469 {add = true, strides = array<i32>} : memref<32x768xf32, #tpu.memory_space<vmem>>, vector<1x16xf32>,
        %mul3A_470 = arith.constant 16 : i32
        %mul3A_471 = arith.muli %scan3A_242, %mul3A_470 : i32
        %swap3A_472 = arith.constant 28 : i32
        %swap3A_473 = arith.index_cast %swap3A_472 : i32 to index
        %swap3A_474 = arith.index_cast %mul3A_471 : i32 to index
        %swap3A_475 = tpu.vector_load %arg11[%swap3A_473, %swap3A_474] {strides = array<i32>} : memref<32x768xf32, #tpu.memory_space<vmem>>, vector<1x16xf32>,
        %swap3A_476 = vector.shape_cast %swap3A_475 : vector<1x16xf32> to vector<16xf32>
        %swap3A_477 = vector.shape_cast %get3A_246 : vector<16xf32> to vector<1x16xf32>
        tpu.vector_store %arg11[%swap3A_473, %swap3A_474], %swap3A_477 {add = true, strides = array<i32>} : memref<32x768xf32, #tpu.memory_space<vmem>>, vector<1x16xf32>,
        %mul3A_478 = arith.constant 16 : i32
        %mul3A_479 = arith.muli %scan3A_242, %mul3A_478 : i32
        %swap3A_480 = arith.constant 29 : i32
        %swap3A_481 = arith.index_cast %swap3A_480 : i32 to index
        %swap3A_482 = arith.index_cast %mul3A_479 : i32 to index
        %swap3A_483 = tpu.vector_load %arg11[%swap3A_481, %swap3A_482] {strides = array<i32>} : memref<32x768xf32, #tpu.memory_space<vmem>>, vector<1x16xf32>,
        %swap3A_484 = vector.shape_cast %swap3A_483 : vector<1x16xf32> to vector<16xf32>
        %swap3A_485 = vector.shape_cast %get3A_246 : vector<16xf32> to vector<1x16xf32>
        tpu.vector_store %arg11[%swap3A_481, %swap3A_482], %swap3A_485 {add = true, strides = array<i32>} : memref<32x768xf32, #tpu.memory_space<vmem>>, vector<1x16xf32>,
        %mul3A_486 = arith.constant 16 : i32
        %mul3A_487 = arith.muli %scan3A_242, %mul3A_486 : i32
        %swap3A_488 = arith.constant 30 : i32
        %swap3A_489 = arith.index_cast %swap3A_488 : i32 to index
        %swap3A_490 = arith.index_cast %mul3A_487 : i32 to index
        %swap3A_491 = tpu.vector_load %arg11[%swap3A_489, %swap3A_490] {strides = array<i32>} : memref<32x768xf32, #tpu.memory_space<vmem>>, vector<1x16xf32>,
        %swap3A_492 = vector.shape_cast %swap3A_491 : vector<1x16xf32> to vector<16xf32>
        %swap3A_493 = vector.shape_cast %get3A_246 : vector<16xf32> to vector<1x16xf32>
        tpu.vector_store %arg11[%swap3A_489, %swap3A_490], %swap3A_493 {add = true, strides = array<i32>} : memref<32x768xf32, #tpu.memory_space<vmem>>, vector<1x16xf32>,
        %mul3A_494 = arith.constant 16 : i32
        %mul3A_495 = arith.muli %scan3A_242, %mul3A_494 : i32
        %swap3A_496 = arith.constant 31 : i32
        %swap3A_497 = arith.index_cast %swap3A_496 : i32 to index
        %swap3A_498 = arith.index_cast %mul3A_495 : i32 to index
        %swap3A_499 = tpu.vector_load %arg11[%swap3A_497, %swap3A_498] {strides = array<i32>} : memref<32x768xf32, #tpu.memory_space<vmem>>, vector<1x16xf32>,
        %swap3A_500 = vector.shape_cast %swap3A_499 : vector<1x16xf32> to vector<16xf32>
        %swap3A_501 = vector.shape_cast %get3A_246 : vector<16xf32> to vector<1x16xf32>
        tpu.vector_store %arg11[%swap3A_497, %swap3A_498], %swap3A_501 {add = true, strides = array<i32>} : memref<32x768xf32, #tpu.memory_space<vmem>>, vector<1x16xf32>,
        %scan3A_502 = arith.constant 1 : i32
        %scan3A_503 = arith.addi %scan3A_242, %scan3A_502 : i32
        %mul3A_504 = arith.constant 16 : i32
        %mul3A_505 = arith.muli %scan3A_503, %mul3A_504 : i32
        %get3A_506 = arith.index_cast %mul3A_505 : i32 to index
        %get3A_507 = tpu.vector_load %arg15[%get3A_506] {strides = array<i32>} : memref<768xf32, #tpu.memory_space<vmem>>, vector<16xf32>,
        %get3A_508 = vector.shape_cast %get3A_507 : vector<16xf32> to vector<16xf32>
        %mul3A_509 = arith.constant 16 : i32
        %mul3A_510 = arith.muli %scan3A_503, %mul3A_509 : i32
        %swap3A_511 = arith.constant 0 : i32
        %swap3A_512 = arith.index_cast %swap3A_511 : i32 to index
        %swap3A_513 = arith.index_cast %mul3A_510 : i32 to index
        %swap3A_514 = tpu.vector_load %arg11[%swap3A_512, %swap3A_513] {strides = array<i32>} : memref<32x768xf32, #tpu.memory_space<vmem>>, vector<1x16xf32>,
        %swap3A_515 = vector.shape_cast %swap3A_514 : vector<1x16xf32> to vector<16xf32>
        %swap3A_516 = vector.shape_cast %get3A_508 : vector<16xf32> to vector<1x16xf32>
        tpu.vector_store %arg11[%swap3A_512, %swap3A_513], %swap3A_516 {add = true, strides = array<i32>} : memref<32x768xf32, #tpu.memory_space<vmem>>, vector<1x16xf32>,
        %mul3A_517 = arith.constant 16 : i32
        %mul3A_518 = arith.muli %scan3A_503, %mul3A_517 : i32
        %swap3A_519 = arith.constant 1 : i32
        %swap3A_520 = arith.index_cast %swap3A_519 : i32 to index
        %swap3A_521 = arith.index_cast %mul3A_518 : i32 to index
        %swap3A_522 = tpu.vector_load %arg11[%swap3A_520, %swap3A_521] {strides = array<i32>} : memref<32x768xf32, #tpu.memory_space<vmem>>, vector<1x16xf32>,
        %swap3A_523 = vector.shape_cast %swap3A_522 : vector<1x16xf32> to vector<16xf32>
        %swap3A_524 = vector.shape_cast %get3A_508 : vector<16xf32> to vector<1x16xf32>
        tpu.vector_store %arg11[%swap3A_520, %swap3A_521], %swap3A_524 {add = true, strides = array<i32>} : memref<32x768xf32, #tpu.memory_space<vmem>>, vector<1x16xf32>,
        %mul3A_525 = arith.constant 16 : i32
        %mul3A_526 = arith.muli %scan3A_503, %mul3A_525 : i32
        %swap3A_527 = arith.constant 2 : i32
        %swap3A_528 = arith.index_cast %swap3A_527 : i32 to index
        %swap3A_529 = arith.index_cast %mul3A_526 : i32 to index
        %swap3A_530 = tpu.vector_load %arg11[%swap3A_528, %swap3A_529] {strides = array<i32>} : memref<32x768xf32, #tpu.memory_space<vmem>>, vector<1x16xf32>,
        %swap3A_531 = vector.shape_cast %swap3A_530 : vector<1x16xf32> to vector<16xf32>
        %swap3A_532 = vector.shape_cast %get3A_508 : vector<16xf32> to vector<1x16xf32>
        tpu.vector_store %arg11[%swap3A_528, %swap3A_529], %swap3A_532 {add = true, strides = array<i32>} : memref<32x768xf32, #tpu.memory_space<vmem>>, vector<1x16xf32>,
        %mul3A_533 = arith.constant 16 : i32
        %mul3A_534 = arith.muli %scan3A_503, %mul3A_533 : i32
        %swap3A_535 = arith.constant 3 : i32
        %swap3A_536 = arith.index_cast %swap3A_535 : i32 to index
        %swap3A_537 = arith.index_cast %mul3A_534 : i32 to index
        %swap3A_538 = tpu.vector_load %arg11[%swap3A_536, %swap3A_537] {strides = array<i32>} : memref<32x768xf32, #tpu.memory_space<vmem>>, vector<1x16xf32>,
        %swap3A_539 = vector.shape_cast %swap3A_538 : vector<1x16xf32> to vector<16xf32>
        %swap3A_540 = vector.shape_cast %get3A_508 : vector<16xf32> to vector<1x16xf32>
        tpu.vector_store %arg11[%swap3A_536, %swap3A_537], %swap3A_540 {add = true, strides = array<i32>} : memref<32x768xf32, #tpu.memory_space<vmem>>, vector<1x16xf32>,
        %mul3A_541 = arith.constant 16 : i32
        %mul3A_542 = arith.muli %scan3A_503, %mul3A_541 : i32
        %swap3A_543 = arith.constant 4 : i32
        %swap3A_544 = arith.index_cast %swap3A_543 : i32 to index
        %swap3A_545 = arith.index_cast %mul3A_542 : i32 to index
        %swap3A_546 = tpu.vector_load %arg11[%swap3A_544, %swap3A_545] {strides = array<i32>} : memref<32x768xf32, #tpu.memory_space<vmem>>, vector<1x16xf32>,
        %swap3A_547 = vector.shape_cast %swap3A_546 : vector<1x16xf32> to vector<16xf32>
        %swap3A_548 = vector.shape_cast %get3A_508 : vector<16xf32> to vector<1x16xf32>
        tpu.vector_store %arg11[%swap3A_544, %swap3A_545], %swap3A_548 {add = true, strides = array<i32>} : memref<32x768xf32, #tpu.memory_space<vmem>>, vector<1x16xf32>,
        %mul3A_549 = arith.constant 16 : i32
        %mul3A_550 = arith.muli %scan3A_503, %mul3A_549 : i32
        %swap3A_551 = arith.constant 5 : i32
        %swap3A_552 = arith.index_cast %swap3A_551 : i32 to index
        %swap3A_553 = arith.index_cast %mul3A_550 : i32 to index
        %swap3A_554 = tpu.vector_load %arg11[%swap3A_552, %swap3A_553] {strides = array<i32>} : memref<32x768xf32, #tpu.memory_space<vmem>>, vector<1x16xf32>,
        %swap3A_555 = vector.shape_cast %swap3A_554 : vector<1x16xf32> to vector<16xf32>
        %swap3A_556 = vector.shape_cast %get3A_508 : vector<16xf32> to vector<1x16xf32>
        tpu.vector_store %arg11[%swap3A_552, %swap3A_553], %swap3A_556 {add = true, strides = array<i32>} : memref<32x768xf32, #tpu.memory_space<vmem>>, vector<1x16xf32>,
        %mul3A_557 = arith.constant 16 : i32
        %mul3A_558 = arith.muli %scan3A_503, %mul3A_557 : i32
        %swap3A_559 = arith.constant 6 : i32
        %swap3A_560 = arith.index_cast %swap3A_559 : i32 to index
        %swap3A_561 = arith.index_cast %mul3A_558 : i32 to index
        %swap3A_562 = tpu.vector_load %arg11[%swap3A_560, %swap3A_561] {strides = array<i32>} : memref<32x768xf32, #tpu.memory_space<vmem>>, vector<1x16xf32>,
        %swap3A_563 = vector.shape_cast %swap3A_562 : vector<1x16xf32> to vector<16xf32>
        %swap3A_564 = vector.shape_cast %get3A_508 : vector<16xf32> to vector<1x16xf32>
        tpu.vector_store %arg11[%swap3A_560, %swap3A_561], %swap3A_564 {add = true, strides = array<i32>} : memref<32x768xf32, #tpu.memory_space<vmem>>, vector<1x16xf32>,
        %mul3A_565 = arith.constant 16 : i32
        %mul3A_566 = arith.muli %scan3A_503, %mul3A_565 : i32
        %swap3A_567 = arith.constant 7 : i32
        %swap3A_568 = arith.index_cast %swap3A_567 : i32 to index
        %swap3A_569 = arith.index_cast %mul3A_566 : i32 to index
        %swap3A_570 = tpu.vector_load %arg11[%swap3A_568, %swap3A_569] {strides = array<i32>} : memref<32x768xf32, #tpu.memory_space<vmem>>, vector<1x16xf32>,
        %swap3A_571 = vector.shape_cast %swap3A_570 : vector<1x16xf32> to vector<16xf32>
        %swap3A_572 = vector.shape_cast %get3A_508 : vector<16xf32> to vector<1x16xf32>
        tpu.vector_store %arg11[%swap3A_568, %swap3A_569], %swap3A_572 {add = true, strides = array<i32>} : memref<32x768xf32, #tpu.memory_space<vmem>>, vector<1x16xf32>,
        %mul3A_573 = arith.constant 16 : i32
        %mul3A_574 = arith.muli %scan3A_503, %mul3A_573 : i32
        %swap3A_575 = arith.constant 8 : i32
        %swap3A_576 = arith.index_cast %swap3A_575 : i32 to index
        %swap3A_577 = arith.index_cast %mul3A_574 : i32 to index
        %swap3A_578 = tpu.vector_load %arg11[%swap3A_576, %swap3A_577] {strides = array<i32>} : memref<32x768xf32, #tpu.memory_space<vmem>>, vector<1x16xf32>,
        %swap3A_579 = vector.shape_cast %swap3A_578 : vector<1x16xf32> to vector<16xf32>
        %swap3A_580 = vector.shape_cast %get3A_508 : vector<16xf32> to vector<1x16xf32>
        tpu.vector_store %arg11[%swap3A_576, %swap3A_577], %swap3A_580 {add = true, strides = array<i32>} : memref<32x768xf32, #tpu.memory_space<vmem>>, vector<1x16xf32>,
        %mul3A_581 = arith.constant 16 : i32
        %mul3A_582 = arith.muli %scan3A_503, %mul3A_581 : i32
        %swap3A_583 = arith.constant 9 : i32
        %swap3A_584 = arith.index_cast %swap3A_583 : i32 to index
        %swap3A_585 = arith.index_cast %mul3A_582 : i32 to index
        %swap3A_586 = tpu.vector_load %arg11[%swap3A_584, %swap3A_585] {strides = array<i32>} : memref<32x768xf32, #tpu.memory_space<vmem>>, vector<1x16xf32>,
        %swap3A_587 = vector.shape_cast %swap3A_586 : vector<1x16xf32> to vector<16xf32>
        %swap3A_588 = vector.shape_cast %get3A_508 : vector<16xf32> to vector<1x16xf32>
        tpu.vector_store %arg11[%swap3A_584, %swap3A_585], %swap3A_588 {add = true, strides = array<i32>} : memref<32x768xf32, #tpu.memory_space<vmem>>, vector<1x16xf32>,
        %mul3A_589 = arith.constant 16 : i32
        %mul3A_590 = arith.muli %scan3A_503, %mul3A_589 : i32
        %swap3A_591 = arith.constant 10 : i32
        %swap3A_592 = arith.index_cast %swap3A_591 : i32 to index
        %swap3A_593 = arith.index_cast %mul3A_590 : i32 to index
        %swap3A_594 = tpu.vector_load %arg11[%swap3A_592, %swap3A_593] {strides = array<i32>} : memref<32x768xf32, #tpu.memory_space<vmem>>, vector<1x16xf32>,
        %swap3A_595 = vector.shape_cast %swap3A_594 : vector<1x16xf32> to vector<16xf32>
        %swap3A_596 = vector.shape_cast %get3A_508 : vector<16xf32> to vector<1x16xf32>
        tpu.vector_store %arg11[%swap3A_592, %swap3A_593], %swap3A_596 {add = true, strides = array<i32>} : memref<32x768xf32, #tpu.memory_space<vmem>>, vector<1x16xf32>,
        %mul3A_597 = arith.constant 16 : i32
        %mul3A_598 = arith.muli %scan3A_503, %mul3A_597 : i32
        %swap3A_599 = arith.constant 11 : i32
        %swap3A_600 = arith.index_cast %swap3A_599 : i32 to index
        %swap3A_601 = arith.index_cast %mul3A_598 : i32 to index
        %swap3A_602 = tpu.vector_load %arg11[%swap3A_600, %swap3A_601] {strides = array<i32>} : memref<32x768xf32, #tpu.memory_space<vmem>>, vector<1x16xf32>,
        %swap3A_603 = vector.shape_cast %swap3A_602 : vector<1x16xf32> to vector<16xf32>
        %swap3A_604 = vector.shape_cast %get3A_508 : vector<16xf32> to vector<1x16xf32>
        tpu.vector_store %arg11[%swap3A_600, %swap3A_601], %swap3A_604 {add = true, strides = array<i32>} : memref<32x768xf32, #tpu.memory_space<vmem>>, vector<1x16xf32>,
        %mul3A_605 = arith.constant 16 : i32
        %mul3A_606 = arith.muli %scan3A_503, %mul3A_605 : i32
        %swap3A_607 = arith.constant 12 : i32
        %swap3A_608 = arith.index_cast %swap3A_607 : i32 to index
        %swap3A_609 = arith.index_cast %mul3A_606 : i32 to index
        %swap3A_610 = tpu.vector_load %arg11[%swap3A_608, %swap3A_609] {strides = array<i32>} : memref<32x768xf32, #tpu.memory_space<vmem>>, vector<1x16xf32>,
        %swap3A_611 = vector.shape_cast %swap3A_610 : vector<1x16xf32> to vector<16xf32>
        %swap3A_612 = vector.shape_cast %get3A_508 : vector<16xf32> to vector<1x16xf32>
        tpu.vector_store %arg11[%swap3A_608, %swap3A_609], %swap3A_612 {add = true, strides = array<i32>} : memref<32x768xf32, #tpu.memory_space<vmem>>, vector<1x16xf32>,
        %mul3A_613 = arith.constant 16 : i32
        %mul3A_614 = arith.muli %scan3A_503, %mul3A_613 : i32
        %swap3A_615 = arith.constant 13 : i32
        %swap3A_616 = arith.index_cast %swap3A_615 : i32 to index
        %swap3A_617 = arith.index_cast %mul3A_614 : i32 to index
        %swap3A_618 = tpu.vector_load %arg11[%swap3A_616, %swap3A_617] {strides = array<i32>} : memref<32x768xf32, #tpu.memory_space<vmem>>, vector<1x16xf32>,
        %swap3A_619 = vector.shape_cast %swap3A_618 : vector<1x16xf32> to vector<16xf32>
        %swap3A_620 = vector.shape_cast %get3A_508 : vector<16xf32> to vector<1x16xf32>
        tpu.vector_store %arg11[%swap3A_616, %swap3A_617], %swap3A_620 {add = true, strides = array<i32>} : memref<32x768xf32, #tpu.memory_space<vmem>>, vector<1x16xf32>,
        %mul3A_621 = arith.constant 16 : i32
        %mul3A_622 = arith.muli %scan3A_503, %mul3A_621 : i32
        %swap3A_623 = arith.constant 14 : i32
        %swap3A_624 = arith.index_cast %swap3A_623 : i32 to index
        %swap3A_625 = arith.index_cast %mul3A_622 : i32 to index
        %swap3A_626 = tpu.vector_load %arg11[%swap3A_624, %swap3A_625] {strides = array<i32>} : memref<32x768xf32, #tpu.memory_space<vmem>>, vector<1x16xf32>,
        %swap3A_627 = vector.shape_cast %swap3A_626 : vector<1x16xf32> to vector<16xf32>
        %swap3A_628 = vector.shape_cast %get3A_508 : vector<16xf32> to vector<1x16xf32>
        tpu.vector_store %arg11[%swap3A_624, %swap3A_625], %swap3A_628 {add = true, strides = array<i32>} : memref<32x768xf32, #tpu.memory_space<vmem>>, vector<1x16xf32>,
        %mul3A_629 = arith.constant 16 : i32
        %mul3A_630 = arith.muli %scan3A_503, %mul3A_629 : i32
        %swap3A_631 = arith.constant 15 : i32
        %swap3A_632 = arith.index_cast %swap3A_631 : i32 to index
        %swap3A_633 = arith.index_cast %mul3A_630 : i32 to index
        %swap3A_634 = tpu.vector_load %arg11[%swap3A_632, %swap3A_633] {strides = array<i32>} : memref<32x768xf32, #tpu.memory_space<vmem>>, vector<1x16xf32>,
        %swap3A_635 = vector.shape_cast %swap3A_634 : vector<1x16xf32> to vector<16xf32>
        %swap3A_636 = vector.shape_cast %get3A_508 : vector<16xf32> to vector<1x16xf32>
        tpu.vector_store %arg11[%swap3A_632, %swap3A_633], %swap3A_636 {add = true, strides = array<i32>} : memref<32x768xf32, #tpu.memory_space<vmem>>, vector<1x16xf32>,
        %mul3A_637 = arith.constant 16 : i32
        %mul3A_638 = arith.muli %scan3A_503, %mul3A_637 : i32
        %swap3A_639 = arith.constant 16 : i32
        %swap3A_640 = arith.index_cast %swap3A_639 : i32 to index
        %swap3A_641 = arith.index_cast %mul3A_638 : i32 to index
        %swap3A_642 = tpu.vector_load %arg11[%swap3A_640, %swap3A_641] {strides = array<i32>} : memref<32x768xf32, #tpu.memory_space<vmem>>, vector<1x16xf32>,
        %swap3A_643 = vector.shape_cast %swap3A_642 : vector<1x16xf32> to vector<16xf32>
        %swap3A_644 = vector.shape_cast %get3A_508 : vector<16xf32> to vector<1x16xf32>
        tpu.vector_store %arg11[%swap3A_640, %swap3A_641], %swap3A_644 {add = true, strides = array<i32>} : memref<32x768xf32, #tpu.memory_space<vmem>>, vector<1x16xf32>,
        %mul3A_645 = arith.constant 16 : i32
        %mul3A_646 = arith.muli %scan3A_503, %mul3A_645 : i32
        %swap3A_647 = arith.constant 17 : i32
        %swap3A_648 = arith.index_cast %swap3A_647 : i32 to index
        %swap3A_649 = arith.index_cast %mul3A_646 : i32 to index
        %swap3A_650 = tpu.vector_load %arg11[%swap3A_648, %swap3A_649] {strides = array<i32>} : memref<32x768xf32, #tpu.memory_space<vmem>>, vector<1x16xf32>,
        %swap3A_651 = vector.shape_cast %swap3A_650 : vector<1x16xf32> to vector<16xf32>
        %swap3A_652 = vector.shape_cast %get3A_508 : vector<16xf32> to vector<1x16xf32>
        tpu.vector_store %arg11[%swap3A_648, %swap3A_649], %swap3A_652 {add = true, strides = array<i32>} : memref<32x768xf32, #tpu.memory_space<vmem>>, vector<1x16xf32>,
        %mul3A_653 = arith.constant 16 : i32
        %mul3A_654 = arith.muli %scan3A_503, %mul3A_653 : i32
        %swap3A_655 = arith.constant 18 : i32
        %swap3A_656 = arith.index_cast %swap3A_655 : i32 to index
        %swap3A_657 = arith.index_cast %mul3A_654 : i32 to index
        %swap3A_658 = tpu.vector_load %arg11[%swap3A_656, %swap3A_657] {strides = array<i32>} : memref<32x768xf32, #tpu.memory_space<vmem>>, vector<1x16xf32>,
        %swap3A_659 = vector.shape_cast %swap3A_658 : vector<1x16xf32> to vector<16xf32>
        %swap3A_660 = vector.shape_cast %get3A_508 : vector<16xf32> to vector<1x16xf32>
        tpu.vector_store %arg11[%swap3A_656, %swap3A_657], %swap3A_660 {add = true, strides = array<i32>} : memref<32x768xf32, #tpu.memory_space<vmem>>, vector<1x16xf32>,
        %mul3A_661 = arith.constant 16 : i32
        %mul3A_662 = arith.muli %scan3A_503, %mul3A_661 : i32
        %swap3A_663 = arith.constant 19 : i32
        %swap3A_664 = arith.index_cast %swap3A_663 : i32 to index
        %swap3A_665 = arith.index_cast %mul3A_662 : i32 to index
        %swap3A_666 = tpu.vector_load %arg11[%swap3A_664, %swap3A_665] {strides = array<i32>} : memref<32x768xf32, #tpu.memory_space<vmem>>, vector<1x16xf32>,
        %swap3A_667 = vector.shape_cast %swap3A_666 : vector<1x16xf32> to vector<16xf32>
        %swap3A_668 = vector.shape_cast %get3A_508 : vector<16xf32> to vector<1x16xf32>
        tpu.vector_store %arg11[%swap3A_664, %swap3A_665], %swap3A_668 {add = true, strides = array<i32>} : memref<32x768xf32, #tpu.memory_space<vmem>>, vector<1x16xf32>,
        %mul3A_669 = arith.constant 16 : i32
        %mul3A_670 = arith.muli %scan3A_503, %mul3A_669 : i32
        %swap3A_671 = arith.constant 20 : i32
        %swap3A_672 = arith.index_cast %swap3A_671 : i32 to index
        %swap3A_673 = arith.index_cast %mul3A_670 : i32 to index
        %swap3A_674 = tpu.vector_load %arg11[%swap3A_672, %swap3A_673] {strides = array<i32>} : memref<32x768xf32, #tpu.memory_space<vmem>>, vector<1x16xf32>,
        %swap3A_675 = vector.shape_cast %swap3A_674 : vector<1x16xf32> to vector<16xf32>
        %swap3A_676 = vector.shape_cast %get3A_508 : vector<16xf32> to vector<1x16xf32>
        tpu.vector_store %arg11[%swap3A_672, %swap3A_673], %swap3A_676 {add = true, strides = array<i32>} : memref<32x768xf32, #tpu.memory_space<vmem>>, vector<1x16xf32>,
        %mul3A_677 = arith.constant 16 : i32
        %mul3A_678 = arith.muli %scan3A_503, %mul3A_677 : i32
        %swap3A_679 = arith.constant 21 : i32
        %swap3A_680 = arith.index_cast %swap3A_679 : i32 to index
        %swap3A_681 = arith.index_cast %mul3A_678 : i32 to index
        %swap3A_682 = tpu.vector_load %arg11[%swap3A_680, %swap3A_681] {strides = array<i32>} : memref<32x768xf32, #tpu.memory_space<vmem>>, vector<1x16xf32>,
        %swap3A_683 = vector.shape_cast %swap3A_682 : vector<1x16xf32> to vector<16xf32>
        %swap3A_684 = vector.shape_cast %get3A_508 : vector<16xf32> to vector<1x16xf32>
        tpu.vector_store %arg11[%swap3A_680, %swap3A_681], %swap3A_684 {add = true, strides = array<i32>} : memref<32x768xf32, #tpu.memory_space<vmem>>, vector<1x16xf32>,
        %mul3A_685 = arith.constant 16 : i32
        %mul3A_686 = arith.muli %scan3A_503, %mul3A_685 : i32
        %swap3A_687 = arith.constant 22 : i32
        %swap3A_688 = arith.index_cast %swap3A_687 : i32 to index
        %swap3A_689 = arith.index_cast %mul3A_686 : i32 to index
        %swap3A_690 = tpu.vector_load %arg11[%swap3A_688, %swap3A_689] {strides = array<i32>} : memref<32x768xf32, #tpu.memory_space<vmem>>, vector<1x16xf32>,
        %swap3A_691 = vector.shape_cast %swap3A_690 : vector<1x16xf32> to vector<16xf32>
        %swap3A_692 = vector.shape_cast %get3A_508 : vector<16xf32> to vector<1x16xf32>
        tpu.vector_store %arg11[%swap3A_688, %swap3A_689], %swap3A_692 {add = true, strides = array<i32>} : memref<32x768xf32, #tpu.memory_space<vmem>>, vector<1x16xf32>,
        %mul3A_693 = arith.constant 16 : i32
        %mul3A_694 = arith.muli %scan3A_503, %mul3A_693 : i32
        %swap3A_695 = arith.constant 23 : i32
        %swap3A_696 = arith.index_cast %swap3A_695 : i32 to index
        %swap3A_697 = arith.index_cast %mul3A_694 : i32 to index
        %swap3A_698 = tpu.vector_load %arg11[%swap3A_696, %swap3A_697] {strides = array<i32>} : memref<32x768xf32, #tpu.memory_space<vmem>>, vector<1x16xf32>,
        %swap3A_699 = vector.shape_cast %swap3A_698 : vector<1x16xf32> to vector<16xf32>
        %swap3A_700 = vector.shape_cast %get3A_508 : vector<16xf32> to vector<1x16xf32>
        tpu.vector_store %arg11[%swap3A_696, %swap3A_697], %swap3A_700 {add = true, strides = array<i32>} : memref<32x768xf32, #tpu.memory_space<vmem>>, vector<1x16xf32>,
        %mul3A_701 = arith.constant 16 : i32
        %mul3A_702 = arith.muli %scan3A_503, %mul3A_701 : i32
        %swap3A_703 = arith.constant 24 : i32
        %swap3A_704 = arith.index_cast %swap3A_703 : i32 to index
        %swap3A_705 = arith.index_cast %mul3A_702 : i32 to index
        %swap3A_706 = tpu.vector_load %arg11[%swap3A_704, %swap3A_705] {strides = array<i32>} : memref<32x768xf32, #tpu.memory_space<vmem>>, vector<1x16xf32>,
        %swap3A_707 = vector.shape_cast %swap3A_706 : vector<1x16xf32> to vector<16xf32>
        %swap3A_708 = vector.shape_cast %get3A_508 : vector<16xf32> to vector<1x16xf32>
        tpu.vector_store %arg11[%swap3A_704, %swap3A_705], %swap3A_708 {add = true, strides = array<i32>} : memref<32x768xf32, #tpu.memory_space<vmem>>, vector<1x16xf32>,
        %mul3A_709 = arith.constant 16 : i32
        %mul3A_710 = arith.muli %scan3A_503, %mul3A_709 : i32
        %swap3A_711 = arith.constant 25 : i32
        %swap3A_712 = arith.index_cast %swap3A_711 : i32 to index
        %swap3A_713 = arith.index_cast %mul3A_710 : i32 to index
        %swap3A_714 = tpu.vector_load %arg11[%swap3A_712, %swap3A_713] {strides = array<i32>} : memref<32x768xf32, #tpu.memory_space<vmem>>, vector<1x16xf32>,
        %swap3A_715 = vector.shape_cast %swap3A_714 : vector<1x16xf32> to vector<16xf32>
        %swap3A_716 = vector.shape_cast %get3A_508 : vector<16xf32> to vector<1x16xf32>
        tpu.vector_store %arg11[%swap3A_712, %swap3A_713], %swap3A_716 {add = true, strides = array<i32>} : memref<32x768xf32, #tpu.memory_space<vmem>>, vector<1x16xf32>,
        %mul3A_717 = arith.constant 16 : i32
        %mul3A_718 = arith.muli %scan3A_503, %mul3A_717 : i32
        %swap3A_719 = arith.constant 26 : i32
        %swap3A_720 = arith.index_cast %swap3A_719 : i32 to index
        %swap3A_721 = arith.index_cast %mul3A_718 : i32 to index
        %swap3A_722 = tpu.vector_load %arg11[%swap3A_720, %swap3A_721] {strides = array<i32>} : memref<32x768xf32, #tpu.memory_space<vmem>>, vector<1x16xf32>,
        %swap3A_723 = vector.shape_cast %swap3A_722 : vector<1x16xf32> to vector<16xf32>
        %swap3A_724 = vector.shape_cast %get3A_508 : vector<16xf32> to vector<1x16xf32>
        tpu.vector_store %arg11[%swap3A_720, %swap3A_721], %swap3A_724 {add = true, strides = array<i32>} : memref<32x768xf32, #tpu.memory_space<vmem>>, vector<1x16xf32>,
        %mul3A_725 = arith.constant 16 : i32
        %mul3A_726 = arith.muli %scan3A_503, %mul3A_725 : i32
        %swap3A_727 = arith.constant 27 : i32
        %swap3A_728 = arith.index_cast %swap3A_727 : i32 to index
        %swap3A_729 = arith.index_cast %mul3A_726 : i32 to index
        %swap3A_730 = tpu.vector_load %arg11[%swap3A_728, %swap3A_729] {strides = array<i32>} : memref<32x768xf32, #tpu.memory_space<vmem>>, vector<1x16xf32>,
        %swap3A_731 = vector.shape_cast %swap3A_730 : vector<1x16xf32> to vector<16xf32>
        %swap3A_732 = vector.shape_cast %get3A_508 : vector<16xf32> to vector<1x16xf32>
        tpu.vector_store %arg11[%swap3A_728, %swap3A_729], %swap3A_732 {add = true, strides = array<i32>} : memref<32x768xf32, #tpu.memory_space<vmem>>, vector<1x16xf32>,
        %mul3A_733 = arith.constant 16 : i32
        %mul3A_734 = arith.muli %scan3A_503, %mul3A_733 : i32
        %swap3A_735 = arith.constant 28 : i32
        %swap3A_736 = arith.index_cast %swap3A_735 : i32 to index
        %swap3A_737 = arith.index_cast %mul3A_734 : i32 to index
        %swap3A_738 = tpu.vector_load %arg11[%swap3A_736, %swap3A_737] {strides = array<i32>} : memref<32x768xf32, #tpu.memory_space<vmem>>, vector<1x16xf32>,
        %swap3A_739 = vector.shape_cast %swap3A_738 : vector<1x16xf32> to vector<16xf32>
        %swap3A_740 = vector.shape_cast %get3A_508 : vector<16xf32> to vector<1x16xf32>
        tpu.vector_store %arg11[%swap3A_736, %swap3A_737], %swap3A_740 {add = true, strides = array<i32>} : memref<32x768xf32, #tpu.memory_space<vmem>>, vector<1x16xf32>,
        %mul3A_741 = arith.constant 16 : i32
        %mul3A_742 = arith.muli %scan3A_503, %mul3A_741 : i32
        %swap3A_743 = arith.constant 29 : i32
        %swap3A_744 = arith.index_cast %swap3A_743 : i32 to index
        %swap3A_745 = arith.index_cast %mul3A_742 : i32 to index
        %swap3A_746 = tpu.vector_load %arg11[%swap3A_744, %swap3A_745] {strides = array<i32>} : memref<32x768xf32, #tpu.memory_space<vmem>>, vector<1x16xf32>,
        %swap3A_747 = vector.shape_cast %swap3A_746 : vector<1x16xf32> to vector<16xf32>
        %swap3A_748 = vector.shape_cast %get3A_508 : vector<16xf32> to vector<1x16xf32>
        tpu.vector_store %arg11[%swap3A_744, %swap3A_745], %swap3A_748 {add = true, strides = array<i32>} : memref<32x768xf32, #tpu.memory_space<vmem>>, vector<1x16xf32>,
        %mul3A_749 = arith.constant 16 : i32
        %mul3A_750 = arith.muli %scan3A_503, %mul3A_749 : i32
        %swap3A_751 = arith.constant 30 : i32
        %swap3A_752 = arith.index_cast %swap3A_751 : i32 to index
        %swap3A_753 = arith.index_cast %mul3A_750 : i32 to index
        %swap3A_754 = tpu.vector_load %arg11[%swap3A_752, %swap3A_753] {strides = array<i32>} : memref<32x768xf32, #tpu.memory_space<vmem>>, vector<1x16xf32>,
        %swap3A_755 = vector.shape_cast %swap3A_754 : vector<1x16xf32> to vector<16xf32>
        %swap3A_756 = vector.shape_cast %get3A_508 : vector<16xf32> to vector<1x16xf32>
        tpu.vector_store %arg11[%swap3A_752, %swap3A_753], %swap3A_756 {add = true, strides = array<i32>} : memref<32x768xf32, #tpu.memory_space<vmem>>, vector<1x16xf32>,
        %mul3A_757 = arith.constant 16 : i32
        %mul3A_758 = arith.muli %scan3A_503, %mul3A_757 : i32
        %swap3A_759 = arith.constant 31 : i32
        %swap3A_760 = arith.index_cast %swap3A_759 : i32 to index
        %swap3A_761 = arith.index_cast %mul3A_758 : i32 to index
        %swap3A_762 = tpu.vector_load %arg11[%swap3A_760, %swap3A_761] {strides = array<i32>} : memref<32x768xf32, #tpu.memory_space<vmem>>, vector<1x16xf32>,
        %swap3A_763 = vector.shape_cast %swap3A_762 : vector<1x16xf32> to vector<16xf32>
        %swap3A_764 = vector.shape_cast %get3A_508 : vector<16xf32> to vector<1x16xf32>
        tpu.vector_store %arg11[%swap3A_760, %swap3A_761], %swap3A_764 {add = true, strides = array<i32>} : memref<32x768xf32, #tpu.memory_space<vmem>>, vector<1x16xf32>,
      }
      %scan3A_235 = arith.constant 48 : i32
      %dma_start3A_236 = arith.constant 0 : i32
      %dma_start3A_237 = tpu.memref_slice %arg5[%add3A_207, %mul3A_2, %dma_start3A_236] : memref<77x1024x768xf32, #tpu.memory_space<hbm>> -> memref<1x32x768xf32, #tpu.memory_space<hbm>>
      %dma_start3A_238 = tpu.memref_squeeze %dma_start3A_237 : memref<1x32x768xf32, #tpu.memory_space<hbm>> -> memref<32x768xf32, #tpu.memory_space<hbm>>
      %dma_start3A_239 = arith.constant 0 : i32
      %dma_start3A_240 = tpu.memref_slice %arg5[%add3A_207, %mul3A_2, %dma_start3A_239] : memref<77x1024x768xf32, #tpu.memory_space<hbm>> -> memref<1x32x768xf32, #tpu.memory_space<hbm>>
      %dma_start3A_241 = tpu.memref_squeeze %dma_start3A_240 : memref<1x32x768xf32, #tpu.memory_space<hbm>> -> memref<32x768xf32, #tpu.memory_space<hbm>>
      tpu.enqueue_dma source(%arg11 : memref<32x768xf32, #tpu.memory_space<vmem>>) target(%dma_start3A_241 : memref<32x768xf32, #tpu.memory_space<hbm>>) target_semaphore(%arg23 : memref<!tpu.dma_semaphore, #tpu.memory_space<semaphore_mem>>)
    }
    %scan3A_30 = arith.constant 19 : i32
    %dma_wait3A = arith.constant 74 : i32
    %dma_wait3A_31 = arith.constant 0 : i32
    %dma_wait3A_32 = tpu.memref_slice %arg5[%dma_wait3A, %mul3A_2, %dma_wait3A_31] : memref<77x1024x768xf32, #tpu.memory_space<hbm>> -> memref<1x32x768xf32, #tpu.memory_space<hbm>>
    %dma_wait3A_33 = tpu.memref_squeeze %dma_wait3A_32 : memref<1x32x768xf32, #tpu.memory_space<hbm>> -> memref<32x768xf32, #tpu.memory_space<hbm>>
    %dma_wait3A_34 = arith.constant 0 : i32
    %dma_wait3A_35 = tpu.memref_slice %arg5[%dma_wait3A, %mul3A_2, %dma_wait3A_34] : memref<77x1024x768xf32, #tpu.memory_space<hbm>> -> memref<1x32x768xf32, #tpu.memory_space<hbm>>
    %dma_wait3A_36 = tpu.memref_squeeze %dma_wait3A_35 : memref<1x32x768xf32, #tpu.memory_space<hbm>> -> memref<32x768xf32, #tpu.memory_space<hbm>>
    tpu.wait_dma2 semaphore(%arg22 : memref<!tpu.dma_semaphore, #tpu.memory_space<semaphore_mem>>) src(%arg10 : memref<32x768xf32, #tpu.memory_space<vmem>>) dst(%dma_wait3A_36 : memref<32x768xf32, #tpu.memory_space<hbm>>)
    %dma_wait3A_37 = arith.constant 2432 : i32
    %dma_wait3A_38 = tpu.memref_slice %arg6[%dma_wait3A_37] : memref<2464xi32, #tpu.memory_space<vmem>> -> memref<32xi32, #tpu.memory_space<vmem>>
    %dma_wait3A_39 = arith.constant 0 : i32
    %dma_wait3A_40 = arith.constant 0 : i32
    %dma_wait3A_41 = tpu.memref_slice %arg2[%dma_wait3A_39, %dma_wait3A_40] : memref<49408x768xf32, #tpu.memory_space<hbm>> -> memref<49408x768xf32, #tpu.memory_space<hbm>>
    tpu.wait_indirect_dma semaphore(%arg16 : memref<!tpu.dma_semaphore, #tpu.memory_space<semaphore_mem>>) src(%dma_wait3A_41 : memref<49408x768xf32, #tpu.memory_space<hbm>>) dst(%arg8 : memref<32x768xf32, #tpu.memory_space<vmem>>)
    %dma_wait3A_42 = arith.constant 58368 : i32
    %dma_wait3A_43 = tpu.memref_slice %arg7[%dma_wait3A_42] : memref<59136xf32, #tpu.memory_space<vmem_shared>> -> memref<768xf32, #tpu.memory_space<vmem_shared>>
    %dma_wait3A_44 = arith.constant 58368 : i32
    %dma_wait3A_45 = tpu.memref_slice %arg7[%dma_wait3A_44] : memref<59136xf32, #tpu.memory_space<vmem_shared>> -> memref<768xf32, #tpu.memory_space<vmem_shared>>
    tpu.wait_dma2 semaphore(%arg24 : memref<!tpu.dma_semaphore, #tpu.memory_space<semaphore_mem>>) src(%dma_wait3A_45 : memref<768xf32, #tpu.memory_space<vmem_shared>>) dst(%arg12 : memref<768xf32, #tpu.memory_space<vmem>>)
    %scan3A_46 = arith.constant 0 : i32
    %scan3A_47 = arith.constant 0 : i32
    %scan3A_48 = arith.constant 48 : i32
    %scan3A_49 = arith.addi %scan3A_47, %scan3A_48 : i32
    %scan3A_50 = arith.constant 2 : i32
    scf.for %scan3A_73 = %scan3A_47 to %scan3A_49 step %scan3A_50  : i32 {
      %mul3A_74 = arith.constant 16 : i32
      %mul3A_75 = arith.muli %scan3A_73, %mul3A_74 : i32
      %get3A = arith.index_cast %mul3A_75 : i32 to index
      %get3A_76 = tpu.vector_load %arg12[%get3A] {strides = array<i32>} : memref<768xf32, #tpu.memory_space<vmem>>, vector<16xf32>,
      %get3A_77 = vector.shape_cast %get3A_76 : vector<16xf32> to vector<16xf32>
      %mul3A_78 = arith.constant 16 : i32
      %mul3A_79 = arith.muli %scan3A_73, %mul3A_78 : i32
      %swap3A = arith.constant 0 : i32
      %swap3A_80 = arith.index_cast %swap3A : i32 to index
      %swap3A_81 = arith.index_cast %mul3A_79 : i32 to index
      %swap3A_82 = tpu.vector_load %arg8[%swap3A_80, %swap3A_81] {strides = array<i32>} : memref<32x768xf32, #tpu.memory_space<vmem>>, vector<1x16xf32>,
      %swap3A_83 = vector.shape_cast %swap3A_82 : vector<1x16xf32> to vector<16xf32>
      %swap3A_84 = vector.shape_cast %get3A_77 : vector<16xf32> to vector<1x16xf32>
      tpu.vector_store %arg8[%swap3A_80, %swap3A_81], %swap3A_84 {add = true, strides = array<i32>} : memref<32x768xf32, #tpu.memory_space<vmem>>, vector<1x16xf32>,
      %mul3A_85 = arith.constant 16 : i32
      %mul3A_86 = arith.muli %scan3A_73, %mul3A_85 : i32
      %swap3A_87 = arith.constant 1 : i32
      %swap3A_88 = arith.index_cast %swap3A_87 : i32 to index
      %swap3A_89 = arith.index_cast %mul3A_86 : i32 to index
      %swap3A_90 = tpu.vector_load %arg8[%swap3A_88, %swap3A_89] {strides = array<i32>} : memref<32x768xf32, #tpu.memory_space<vmem>>, vector<1x16xf32>,
      %swap3A_91 = vector.shape_cast %swap3A_90 : vector<1x16xf32> to vector<16xf32>
      %swap3A_92 = vector.shape_cast %get3A_77 : vector<16xf32> to vector<1x16xf32>
      tpu.vector_store %arg8[%swap3A_88, %swap3A_89], %swap3A_92 {add = true, strides = array<i32>} : memref<32x768xf32, #tpu.memory_space<vmem>>, vector<1x16xf32>,
      %mul3A_93 = arith.constant 16 : i32
      %mul3A_94 = arith.muli %scan3A_73, %mul3A_93 : i32
      %swap3A_95 = arith.constant 2 : i32
      %swap3A_96 = arith.index_cast %swap3A_95 : i32 to index
      %swap3A_97 = arith.index_cast %mul3A_94 : i32 to index
      %swap3A_98 = tpu.vector_load %arg8[%swap3A_96, %swap3A_97] {strides = array<i32>} : memref<32x768xf32, #tpu.memory_space<vmem>>, vector<1x16xf32>,
      %swap3A_99 = vector.shape_cast %swap3A_98 : vector<1x16xf32> to vector<16xf32>
      %swap3A_100 = vector.shape_cast %get3A_77 : vector<16xf32> to vector<1x16xf32>
      tpu.vector_store %arg8[%swap3A_96, %swap3A_97], %swap3A_100 {add = true, strides = array<i32>} : memref<32x768xf32, #tpu.memory_space<vmem>>, vector<1x16xf32>,
      %mul3A_101 = arith.constant 16 : i32
      %mul3A_102 = arith.muli %scan3A_73, %mul3A_101 : i32
      %swap3A_103 = arith.constant 3 : i32
      %swap3A_104 = arith.index_cast %swap3A_103 : i32 to index
      %swap3A_105 = arith.index_cast %mul3A_102 : i32 to index
      %swap3A_106 = tpu.vector_load %arg8[%swap3A_104, %swap3A_105] {strides = array<i32>} : memref<32x768xf32, #tpu.memory_space<vmem>>, vector<1x16xf32>,
      %swap3A_107 = vector.shape_cast %swap3A_106 : vector<1x16xf32> to vector<16xf32>
      %swap3A_108 = vector.shape_cast %get3A_77 : vector<16xf32> to vector<1x16xf32>
      tpu.vector_store %arg8[%swap3A_104, %swap3A_105], %swap3A_108 {add = true, strides = array<i32>} : memref<32x768xf32, #tpu.memory_space<vmem>>, vector<1x16xf32>,
      %mul3A_109 = arith.constant 16 : i32
      %mul3A_110 = arith.muli %scan3A_73, %mul3A_109 : i32
      %swap3A_111 = arith.constant 4 : i32
      %swap3A_112 = arith.index_cast %swap3A_111 : i32 to index
      %swap3A_113 = arith.index_cast %mul3A_110 : i32 to index
      %swap3A_114 = tpu.vector_load %arg8[%swap3A_112, %swap3A_113] {strides = array<i32>} : memref<32x768xf32, #tpu.memory_space<vmem>>, vector<1x16xf32>,
      %swap3A_115 = vector.shape_cast %swap3A_114 : vector<1x16xf32> to vector<16xf32>
      %swap3A_116 = vector.shape_cast %get3A_77 : vector<16xf32> to vector<1x16xf32>
      tpu.vector_store %arg8[%swap3A_112, %swap3A_113], %swap3A_116 {add = true, strides = array<i32>} : memref<32x768xf32, #tpu.memory_space<vmem>>, vector<1x16xf32>,
      %mul3A_117 = arith.constant 16 : i32
      %mul3A_118 = arith.muli %scan3A_73, %mul3A_117 : i32
      %swap3A_119 = arith.constant 5 : i32
      %swap3A_120 = arith.index_cast %swap3A_119 : i32 to index
      %swap3A_121 = arith.index_cast %mul3A_118 : i32 to index
      %swap3A_122 = tpu.vector_load %arg8[%swap3A_120, %swap3A_121] {strides = array<i32>} : memref<32x768xf32, #tpu.memory_space<vmem>>, vector<1x16xf32>,
      %swap3A_123 = vector.shape_cast %swap3A_122 : vector<1x16xf32> to vector<16xf32>
      %swap3A_124 = vector.shape_cast %get3A_77 : vector<16xf32> to vector<1x16xf32>
      tpu.vector_store %arg8[%swap3A_120, %swap3A_121], %swap3A_124 {add = true, strides = array<i32>} : memref<32x768xf32, #tpu.memory_space<vmem>>, vector<1x16xf32>,
      %mul3A_125 = arith.constant 16 : i32
      %mul3A_126 = arith.muli %scan3A_73, %mul3A_125 : i32
      %swap3A_127 = arith.constant 6 : i32
      %swap3A_128 = arith.index_cast %swap3A_127 : i32 to index
      %swap3A_129 = arith.index_cast %mul3A_126 : i32 to index
      %swap3A_130 = tpu.vector_load %arg8[%swap3A_128, %swap3A_129] {strides = array<i32>} : memref<32x768xf32, #tpu.memory_space<vmem>>, vector<1x16xf32>,
      %swap3A_131 = vector.shape_cast %swap3A_130 : vector<1x16xf32> to vector<16xf32>
      %swap3A_132 = vector.shape_cast %get3A_77 : vector<16xf32> to vector<1x16xf32>
      tpu.vector_store %arg8[%swap3A_128, %swap3A_129], %swap3A_132 {add = true, strides = array<i32>} : memref<32x768xf32, #tpu.memory_space<vmem>>, vector<1x16xf32>,
      %mul3A_133 = arith.constant 16 : i32
      %mul3A_134 = arith.muli %scan3A_73, %mul3A_133 : i32
      %swap3A_135 = arith.constant 7 : i32
      %swap3A_136 = arith.index_cast %swap3A_135 : i32 to index
      %swap3A_137 = arith.index_cast %mul3A_134 : i32 to index
      %swap3A_138 = tpu.vector_load %arg8[%swap3A_136, %swap3A_137] {strides = array<i32>} : memref<32x768xf32, #tpu.memory_space<vmem>>, vector<1x16xf32>,
      %swap3A_139 = vector.shape_cast %swap3A_138 : vector<1x16xf32> to vector<16xf32>
      %swap3A_140 = vector.shape_cast %get3A_77 : vector<16xf32> to vector<1x16xf32>
      tpu.vector_store %arg8[%swap3A_136, %swap3A_137], %swap3A_140 {add = true, strides = array<i32>} : memref<32x768xf32, #tpu.memory_space<vmem>>, vector<1x16xf32>,
      %mul3A_141 = arith.constant 16 : i32
      %mul3A_142 = arith.muli %scan3A_73, %mul3A_141 : i32
      %swap3A_143 = arith.constant 8 : i32
      %swap3A_144 = arith.index_cast %swap3A_143 : i32 to index
      %swap3A_145 = arith.index_cast %mul3A_142 : i32 to index
      %swap3A_146 = tpu.vector_load %arg8[%swap3A_144, %swap3A_145] {strides = array<i32>} : memref<32x768xf32, #tpu.memory_space<vmem>>, vector<1x16xf32>,
      %swap3A_147 = vector.shape_cast %swap3A_146 : vector<1x16xf32> to vector<16xf32>
      %swap3A_148 = vector.shape_cast %get3A_77 : vector<16xf32> to vector<1x16xf32>
      tpu.vector_store %arg8[%swap3A_144, %swap3A_145], %swap3A_148 {add = true, strides = array<i32>} : memref<32x768xf32, #tpu.memory_space<vmem>>, vector<1x16xf32>,
      %mul3A_149 = arith.constant 16 : i32
      %mul3A_150 = arith.muli %scan3A_73, %mul3A_149 : i32
      %swap3A_151 = arith.constant 9 : i32
      %swap3A_152 = arith.index_cast %swap3A_151 : i32 to index
      %swap3A_153 = arith.index_cast %mul3A_150 : i32 to index
      %swap3A_154 = tpu.vector_load %arg8[%swap3A_152, %swap3A_153] {strides = array<i32>} : memref<32x768xf32, #tpu.memory_space<vmem>>, vector<1x16xf32>,
      %swap3A_155 = vector.shape_cast %swap3A_154 : vector<1x16xf32> to vector<16xf32>
      %swap3A_156 = vector.shape_cast %get3A_77 : vector<16xf32> to vector<1x16xf32>
      tpu.vector_store %arg8[%swap3A_152, %swap3A_153], %swap3A_156 {add = true, strides = array<i32>} : memref<32x768xf32, #tpu.memory_space<vmem>>, vector<1x16xf32>,
      %mul3A_157 = arith.constant 16 : i32
      %mul3A_158 = arith.muli %scan3A_73, %mul3A_157 : i32
      %swap3A_159 = arith.constant 10 : i32
      %swap3A_160 = arith.index_cast %swap3A_159 : i32 to index
      %swap3A_161 = arith.index_cast %mul3A_158 : i32 to index
      %swap3A_162 = tpu.vector_load %arg8[%swap3A_160, %swap3A_161] {strides = array<i32>} : memref<32x768xf32, #tpu.memory_space<vmem>>, vector<1x16xf32>,
      %swap3A_163 = vector.shape_cast %swap3A_162 : vector<1x16xf32> to vector<16xf32>
      %swap3A_164 = vector.shape_cast %get3A_77 : vector<16xf32> to vector<1x16xf32>
      tpu.vector_store %arg8[%swap3A_160, %swap3A_161], %swap3A_164 {add = true, strides = array<i32>} : memref<32x768xf32, #tpu.memory_space<vmem>>, vector<1x16xf32>,
      %mul3A_165 = arith.constant 16 : i32
      %mul3A_166 = arith.muli %scan3A_73, %mul3A_165 : i32
      %swap3A_167 = arith.constant 11 : i32
      %swap3A_168 = arith.index_cast %swap3A_167 : i32 to index
      %swap3A_169 = arith.index_cast %mul3A_166 : i32 to index
      %swap3A_170 = tpu.vector_load %arg8[%swap3A_168, %swap3A_169] {strides = array<i32>} : memref<32x768xf32, #tpu.memory_space<vmem>>, vector<1x16xf32>,
      %swap3A_171 = vector.shape_cast %swap3A_170 : vector<1x16xf32> to vector<16xf32>
      %swap3A_172 = vector.shape_cast %get3A_77 : vector<16xf32> to vector<1x16xf32>
      tpu.vector_store %arg8[%swap3A_168, %swap3A_169], %swap3A_172 {add = true, strides = array<i32>} : memref<32x768xf32, #tpu.memory_space<vmem>>, vector<1x16xf32>,
      %mul3A_173 = arith.constant 16 : i32
      %mul3A_174 = arith.muli %scan3A_73, %mul3A_173 : i32
      %swap3A_175 = arith.constant 12 : i32
      %swap3A_176 = arith.index_cast %swap3A_175 : i32 to index
      %swap3A_177 = arith.index_cast %mul3A_174 : i32 to index
      %swap3A_178 = tpu.vector_load %arg8[%swap3A_176, %swap3A_177] {strides = array<i32>} : memref<32x768xf32, #tpu.memory_space<vmem>>, vector<1x16xf32>,
      %swap3A_179 = vector.shape_cast %swap3A_178 : vector<1x16xf32> to vector<16xf32>
      %swap3A_180 = vector.shape_cast %get3A_77 : vector<16xf32> to vector<1x16xf32>
      tpu.vector_store %arg8[%swap3A_176, %swap3A_177], %swap3A_180 {add = true, strides = array<i32>} : memref<32x768xf32, #tpu.memory_space<vmem>>, vector<1x16xf32>,
      %mul3A_181 = arith.constant 16 : i32
      %mul3A_182 = arith.muli %scan3A_73, %mul3A_181 : i32
      %swap3A_183 = arith.constant 13 : i32
      %swap3A_184 = arith.index_cast %swap3A_183 : i32 to index
      %swap3A_185 = arith.index_cast %mul3A_182 : i32 to index
      %swap3A_186 = tpu.vector_load %arg8[%swap3A_184, %swap3A_185] {strides = array<i32>} : memref<32x768xf32, #tpu.memory_space<vmem>>, vector<1x16xf32>,
      %swap3A_187 = vector.shape_cast %swap3A_186 : vector<1x16xf32> to vector<16xf32>
      %swap3A_188 = vector.shape_cast %get3A_77 : vector<16xf32> to vector<1x16xf32>
      tpu.vector_store %arg8[%swap3A_184, %swap3A_185], %swap3A_188 {add = true, strides = array<i32>} : memref<32x768xf32, #tpu.memory_space<vmem>>, vector<1x16xf32>,
      %mul3A_189 = arith.constant 16 : i32
      %mul3A_190 = arith.muli %scan3A_73, %mul3A_189 : i32
      %swap3A_191 = arith.constant 14 : i32
      %swap3A_192 = arith.index_cast %swap3A_191 : i32 to index
      %swap3A_193 = arith.index_cast %mul3A_190 : i32 to index
      %swap3A_194 = tpu.vector_load %arg8[%swap3A_192, %swap3A_193] {strides = array<i32>} : memref<32x768xf32, #tpu.memory_space<vmem>>, vector<1x16xf32>,
      %swap3A_195 = vector.shape_cast %swap3A_194 : vector<1x16xf32> to vector<16xf32>
      %swap3A_196 = vector.shape_cast %get3A_77 : vector<16xf32> to vector<1x16xf32>
      tpu.vector_store %arg8[%swap3A_192, %swap3A_193], %swap3A_196 {add = true, strides = array<i32>} : memref<32x768xf32, #tpu.memory_space<vmem>>, vector<1x16xf32>,
      %mul3A_197 = arith.constant 16 : i32
      %mul3A_198 = arith.muli %scan3A_73, %mul3A_197 : i32
      %swap3A_199 = arith.constant 15 : i32
      %swap3A_200 = arith.index_cast %swap3A_199 : i32 to index
      %swap3A_201 = arith.index_cast %mul3A_198 : i32 to index
      %swap3A_202 = tpu.vector_load %arg8[%swap3A_200, %swap3A_201] {strides = array<i32>} : memref<32x768xf32, #tpu.memory_space<vmem>>, vector<1x16xf32>,
      %swap3A_203 = vector.shape_cast %swap3A_202 : vector<1x16xf32> to vector<16xf32>
      %swap3A_204 = vector.shape_cast %get3A_77 : vector<16xf32> to vector<1x16xf32>
      tpu.vector_store %arg8[%swap3A_200, %swap3A_201], %swap3A_204 {add = true, strides = array<i32>} : memref<32x768xf32, #tpu.memory_space<vmem>>, vector<1x16xf32>,
      %mul3A_205 = arith.constant 16 : i32
      %mul3A_206 = arith.muli %scan3A_73, %mul3A_205 : i32
      %swap3A_207 = arith.constant 16 : i32
      %swap3A_208 = arith.index_cast %swap3A_207 : i32 to index
      %swap3A_209 = arith.index_cast %mul3A_206 : i32 to index
      %swap3A_210 = tpu.vector_load %arg8[%swap3A_208, %swap3A_209] {strides = array<i32>} : memref<32x768xf32, #tpu.memory_space<vmem>>, vector<1x16xf32>,
      %swap3A_211 = vector.shape_cast %swap3A_210 : vector<1x16xf32> to vector<16xf32>
      %swap3A_212 = vector.shape_cast %get3A_77 : vector<16xf32> to vector<1x16xf32>
      tpu.vector_store %arg8[%swap3A_208, %swap3A_209], %swap3A_212 {add = true, strides = array<i32>} : memref<32x768xf32, #tpu.memory_space<vmem>>, vector<1x16xf32>,
      %mul3A_213 = arith.constant 16 : i32
      %mul3A_214 = arith.muli %scan3A_73, %mul3A_213 : i32
      %swap3A_215 = arith.constant 17 : i32
      %swap3A_216 = arith.index_cast %swap3A_215 : i32 to index
      %swap3A_217 = arith.index_cast %mul3A_214 : i32 to index
      %swap3A_218 = tpu.vector_load %arg8[%swap3A_216, %swap3A_217] {strides = array<i32>} : memref<32x768xf32, #tpu.memory_space<vmem>>, vector<1x16xf32>,
      %swap3A_219 = vector.shape_cast %swap3A_218 : vector<1x16xf32> to vector<16xf32>
      %swap3A_220 = vector.shape_cast %get3A_77 : vector<16xf32> to vector<1x16xf32>
      tpu.vector_store %arg8[%swap3A_216, %swap3A_217], %swap3A_220 {add = true, strides = array<i32>} : memref<32x768xf32, #tpu.memory_space<vmem>>, vector<1x16xf32>,
      %mul3A_221 = arith.constant 16 : i32
      %mul3A_222 = arith.muli %scan3A_73, %mul3A_221 : i32
      %swap3A_223 = arith.constant 18 : i32
      %swap3A_224 = arith.index_cast %swap3A_223 : i32 to index
      %swap3A_225 = arith.index_cast %mul3A_222 : i32 to index
      %swap3A_226 = tpu.vector_load %arg8[%swap3A_224, %swap3A_225] {strides = array<i32>} : memref<32x768xf32, #tpu.memory_space<vmem>>, vector<1x16xf32>,
      %swap3A_227 = vector.shape_cast %swap3A_226 : vector<1x16xf32> to vector<16xf32>
      %swap3A_228 = vector.shape_cast %get3A_77 : vector<16xf32> to vector<1x16xf32>
      tpu.vector_store %arg8[%swap3A_224, %swap3A_225], %swap3A_228 {add = true, strides = array<i32>} : memref<32x768xf32, #tpu.memory_space<vmem>>, vector<1x16xf32>,
      %mul3A_229 = arith.constant 16 : i32
      %mul3A_230 = arith.muli %scan3A_73, %mul3A_229 : i32
      %swap3A_231 = arith.constant 19 : i32
      %swap3A_232 = arith.index_cast %swap3A_231 : i32 to index
      %swap3A_233 = arith.index_cast %mul3A_230 : i32 to index
      %swap3A_234 = tpu.vector_load %arg8[%swap3A_232, %swap3A_233] {strides = array<i32>} : memref<32x768xf32, #tpu.memory_space<vmem>>, vector<1x16xf32>,
      %swap3A_235 = vector.shape_cast %swap3A_234 : vector<1x16xf32> to vector<16xf32>
      %swap3A_236 = vector.shape_cast %get3A_77 : vector<16xf32> to vector<1x16xf32>
      tpu.vector_store %arg8[%swap3A_232, %swap3A_233], %swap3A_236 {add = true, strides = array<i32>} : memref<32x768xf32, #tpu.memory_space<vmem>>, vector<1x16xf32>,
      %mul3A_237 = arith.constant 16 : i32
      %mul3A_238 = arith.muli %scan3A_73, %mul3A_237 : i32
      %swap3A_239 = arith.constant 20 : i32
      %swap3A_240 = arith.index_cast %swap3A_239 : i32 to index
      %swap3A_241 = arith.index_cast %mul3A_238 : i32 to index
      %swap3A_242 = tpu.vector_load %arg8[%swap3A_240, %swap3A_241] {strides = array<i32>} : memref<32x768xf32, #tpu.memory_space<vmem>>, vector<1x16xf32>,
      %swap3A_243 = vector.shape_cast %swap3A_242 : vector<1x16xf32> to vector<16xf32>
      %swap3A_244 = vector.shape_cast %get3A_77 : vector<16xf32> to vector<1x16xf32>
      tpu.vector_store %arg8[%swap3A_240, %swap3A_241], %swap3A_244 {add = true, strides = array<i32>} : memref<32x768xf32, #tpu.memory_space<vmem>>, vector<1x16xf32>,
      %mul3A_245 = arith.constant 16 : i32
      %mul3A_246 = arith.muli %scan3A_73, %mul3A_245 : i32
      %swap3A_247 = arith.constant 21 : i32
      %swap3A_248 = arith.index_cast %swap3A_247 : i32 to index
      %swap3A_249 = arith.index_cast %mul3A_246 : i32 to index
      %swap3A_250 = tpu.vector_load %arg8[%swap3A_248, %swap3A_249] {strides = array<i32>} : memref<32x768xf32, #tpu.memory_space<vmem>>, vector<1x16xf32>,
      %swap3A_251 = vector.shape_cast %swap3A_250 : vector<1x16xf32> to vector<16xf32>
      %swap3A_252 = vector.shape_cast %get3A_77 : vector<16xf32> to vector<1x16xf32>
      tpu.vector_store %arg8[%swap3A_248, %swap3A_249], %swap3A_252 {add = true, strides = array<i32>} : memref<32x768xf32, #tpu.memory_space<vmem>>, vector<1x16xf32>,
      %mul3A_253 = arith.constant 16 : i32
      %mul3A_254 = arith.muli %scan3A_73, %mul3A_253 : i32
      %swap3A_255 = arith.constant 22 : i32
      %swap3A_256 = arith.index_cast %swap3A_255 : i32 to index
      %swap3A_257 = arith.index_cast %mul3A_254 : i32 to index
      %swap3A_258 = tpu.vector_load %arg8[%swap3A_256, %swap3A_257] {strides = array<i32>} : memref<32x768xf32, #tpu.memory_space<vmem>>, vector<1x16xf32>,
      %swap3A_259 = vector.shape_cast %swap3A_258 : vector<1x16xf32> to vector<16xf32>
      %swap3A_260 = vector.shape_cast %get3A_77 : vector<16xf32> to vector<1x16xf32>
      tpu.vector_store %arg8[%swap3A_256, %swap3A_257], %swap3A_260 {add = true, strides = array<i32>} : memref<32x768xf32, #tpu.memory_space<vmem>>, vector<1x16xf32>,
      %mul3A_261 = arith.constant 16 : i32
      %mul3A_262 = arith.muli %scan3A_73, %mul3A_261 : i32
      %swap3A_263 = arith.constant 23 : i32
      %swap3A_264 = arith.index_cast %swap3A_263 : i32 to index
      %swap3A_265 = arith.index_cast %mul3A_262 : i32 to index
      %swap3A_266 = tpu.vector_load %arg8[%swap3A_264, %swap3A_265] {strides = array<i32>} : memref<32x768xf32, #tpu.memory_space<vmem>>, vector<1x16xf32>,
      %swap3A_267 = vector.shape_cast %swap3A_266 : vector<1x16xf32> to vector<16xf32>
      %swap3A_268 = vector.shape_cast %get3A_77 : vector<16xf32> to vector<1x16xf32>
      tpu.vector_store %arg8[%swap3A_264, %swap3A_265], %swap3A_268 {add = true, strides = array<i32>} : memref<32x768xf32, #tpu.memory_space<vmem>>, vector<1x16xf32>,
      %mul3A_269 = arith.constant 16 : i32
      %mul3A_270 = arith.muli %scan3A_73, %mul3A_269 : i32
      %swap3A_271 = arith.constant 24 : i32
      %swap3A_272 = arith.index_cast %swap3A_271 : i32 to index
      %swap3A_273 = arith.index_cast %mul3A_270 : i32 to index
      %swap3A_274 = tpu.vector_load %arg8[%swap3A_272, %swap3A_273] {strides = array<i32>} : memref<32x768xf32, #tpu.memory_space<vmem>>, vector<1x16xf32>,
      %swap3A_275 = vector.shape_cast %swap3A_274 : vector<1x16xf32> to vector<16xf32>
      %swap3A_276 = vector.shape_cast %get3A_77 : vector<16xf32> to vector<1x16xf32>
      tpu.vector_store %arg8[%swap3A_272, %swap3A_273], %swap3A_276 {add = true, strides = array<i32>} : memref<32x768xf32, #tpu.memory_space<vmem>>, vector<1x16xf32>,
      %mul3A_277 = arith.constant 16 : i32
      %mul3A_278 = arith.muli %scan3A_73, %mul3A_277 : i32
      %swap3A_279 = arith.constant 25 : i32
      %swap3A_280 = arith.index_cast %swap3A_279 : i32 to index
      %swap3A_281 = arith.index_cast %mul3A_278 : i32 to index
      %swap3A_282 = tpu.vector_load %arg8[%swap3A_280, %swap3A_281] {strides = array<i32>} : memref<32x768xf32, #tpu.memory_space<vmem>>, vector<1x16xf32>,
      %swap3A_283 = vector.shape_cast %swap3A_282 : vector<1x16xf32> to vector<16xf32>
      %swap3A_284 = vector.shape_cast %get3A_77 : vector<16xf32> to vector<1x16xf32>
      tpu.vector_store %arg8[%swap3A_280, %swap3A_281], %swap3A_284 {add = true, strides = array<i32>} : memref<32x768xf32, #tpu.memory_space<vmem>>, vector<1x16xf32>,
      %mul3A_285 = arith.constant 16 : i32
      %mul3A_286 = arith.muli %scan3A_73, %mul3A_285 : i32
      %swap3A_287 = arith.constant 26 : i32
      %swap3A_288 = arith.index_cast %swap3A_287 : i32 to index
      %swap3A_289 = arith.index_cast %mul3A_286 : i32 to index
      %swap3A_290 = tpu.vector_load %arg8[%swap3A_288, %swap3A_289] {strides = array<i32>} : memref<32x768xf32, #tpu.memory_space<vmem>>, vector<1x16xf32>,
      %swap3A_291 = vector.shape_cast %swap3A_290 : vector<1x16xf32> to vector<16xf32>
      %swap3A_292 = vector.shape_cast %get3A_77 : vector<16xf32> to vector<1x16xf32>
      tpu.vector_store %arg8[%swap3A_288, %swap3A_289], %swap3A_292 {add = true, strides = array<i32>} : memref<32x768xf32, #tpu.memory_space<vmem>>, vector<1x16xf32>,
      %mul3A_293 = arith.constant 16 : i32
      %mul3A_294 = arith.muli %scan3A_73, %mul3A_293 : i32
      %swap3A_295 = arith.constant 27 : i32
      %swap3A_296 = arith.index_cast %swap3A_295 : i32 to index
      %swap3A_297 = arith.index_cast %mul3A_294 : i32 to index
      %swap3A_298 = tpu.vector_load %arg8[%swap3A_296, %swap3A_297] {strides = array<i32>} : memref<32x768xf32, #tpu.memory_space<vmem>>, vector<1x16xf32>,
      %swap3A_299 = vector.shape_cast %swap3A_298 : vector<1x16xf32> to vector<16xf32>
      %swap3A_300 = vector.shape_cast %get3A_77 : vector<16xf32> to vector<1x16xf32>
      tpu.vector_store %arg8[%swap3A_296, %swap3A_297], %swap3A_300 {add = true, strides = array<i32>} : memref<32x768xf32, #tpu.memory_space<vmem>>, vector<1x16xf32>,
      %mul3A_301 = arith.constant 16 : i32
      %mul3A_302 = arith.muli %scan3A_73, %mul3A_301 : i32
      %swap3A_303 = arith.constant 28 : i32
      %swap3A_304 = arith.index_cast %swap3A_303 : i32 to index
      %swap3A_305 = arith.index_cast %mul3A_302 : i32 to index
      %swap3A_306 = tpu.vector_load %arg8[%swap3A_304, %swap3A_305] {strides = array<i32>} : memref<32x768xf32, #tpu.memory_space<vmem>>, vector<1x16xf32>,
      %swap3A_307 = vector.shape_cast %swap3A_306 : vector<1x16xf32> to vector<16xf32>
      %swap3A_308 = vector.shape_cast %get3A_77 : vector<16xf32> to vector<1x16xf32>
      tpu.vector_store %arg8[%swap3A_304, %swap3A_305], %swap3A_308 {add = true, strides = array<i32>} : memref<32x768xf32, #tpu.memory_space<vmem>>, vector<1x16xf32>,
      %mul3A_309 = arith.constant 16 : i32
      %mul3A_310 = arith.muli %scan3A_73, %mul3A_309 : i32
      %swap3A_311 = arith.constant 29 : i32
      %swap3A_312 = arith.index_cast %swap3A_311 : i32 to index
      %swap3A_313 = arith.index_cast %mul3A_310 : i32 to index
      %swap3A_314 = tpu.vector_load %arg8[%swap3A_312, %swap3A_313] {strides = array<i32>} : memref<32x768xf32, #tpu.memory_space<vmem>>, vector<1x16xf32>,
      %swap3A_315 = vector.shape_cast %swap3A_314 : vector<1x16xf32> to vector<16xf32>
      %swap3A_316 = vector.shape_cast %get3A_77 : vector<16xf32> to vector<1x16xf32>
      tpu.vector_store %arg8[%swap3A_312, %swap3A_313], %swap3A_316 {add = true, strides = array<i32>} : memref<32x768xf32, #tpu.memory_space<vmem>>, vector<1x16xf32>,
      %mul3A_317 = arith.constant 16 : i32
      %mul3A_318 = arith.muli %scan3A_73, %mul3A_317 : i32
      %swap3A_319 = arith.constant 30 : i32
      %swap3A_320 = arith.index_cast %swap3A_319 : i32 to index
      %swap3A_321 = arith.index_cast %mul3A_318 : i32 to index
      %swap3A_322 = tpu.vector_load %arg8[%swap3A_320, %swap3A_321] {strides = array<i32>} : memref<32x768xf32, #tpu.memory_space<vmem>>, vector<1x16xf32>,
      %swap3A_323 = vector.shape_cast %swap3A_322 : vector<1x16xf32> to vector<16xf32>
      %swap3A_324 = vector.shape_cast %get3A_77 : vector<16xf32> to vector<1x16xf32>
      tpu.vector_store %arg8[%swap3A_320, %swap3A_321], %swap3A_324 {add = true, strides = array<i32>} : memref<32x768xf32, #tpu.memory_space<vmem>>, vector<1x16xf32>,
      %mul3A_325 = arith.constant 16 : i32
      %mul3A_326 = arith.muli %scan3A_73, %mul3A_325 : i32
      %swap3A_327 = arith.constant 31 : i32
      %swap3A_328 = arith.index_cast %swap3A_327 : i32 to index
      %swap3A_329 = arith.index_cast %mul3A_326 : i32 to index
      %swap3A_330 = tpu.vector_load %arg8[%swap3A_328, %swap3A_329] {strides = array<i32>} : memref<32x768xf32, #tpu.memory_space<vmem>>, vector<1x16xf32>,
      %swap3A_331 = vector.shape_cast %swap3A_330 : vector<1x16xf32> to vector<16xf32>
      %swap3A_332 = vector.shape_cast %get3A_77 : vector<16xf32> to vector<1x16xf32>
      tpu.vector_store %arg8[%swap3A_328, %swap3A_329], %swap3A_332 {add = true, strides = array<i32>} : memref<32x768xf32, #tpu.memory_space<vmem>>, vector<1x16xf32>,
      %scan3A_333 = arith.constant 1 : i32
      %scan3A_334 = arith.addi %scan3A_73, %scan3A_333 : i32
      %mul3A_335 = arith.constant 16 : i32
      %mul3A_336 = arith.muli %scan3A_334, %mul3A_335 : i32
      %get3A_337 = arith.index_cast %mul3A_336 : i32 to index
      %get3A_338 = tpu.vector_load %arg12[%get3A_337] {strides = array<i32>} : memref<768xf32, #tpu.memory_space<vmem>>, vector<16xf32>,
      %get3A_339 = vector.shape_cast %get3A_338 : vector<16xf32> to vector<16xf32>
      %mul3A_340 = arith.constant 16 : i32
      %mul3A_341 = arith.muli %scan3A_334, %mul3A_340 : i32
      %swap3A_342 = arith.constant 0 : i32
      %swap3A_343 = arith.index_cast %swap3A_342 : i32 to index
      %swap3A_344 = arith.index_cast %mul3A_341 : i32 to index
      %swap3A_345 = tpu.vector_load %arg8[%swap3A_343, %swap3A_344] {strides = array<i32>} : memref<32x768xf32, #tpu.memory_space<vmem>>, vector<1x16xf32>,
      %swap3A_346 = vector.shape_cast %swap3A_345 : vector<1x16xf32> to vector<16xf32>
      %swap3A_347 = vector.shape_cast %get3A_339 : vector<16xf32> to vector<1x16xf32>
      tpu.vector_store %arg8[%swap3A_343, %swap3A_344], %swap3A_347 {add = true, strides = array<i32>} : memref<32x768xf32, #tpu.memory_space<vmem>>, vector<1x16xf32>,
      %mul3A_348 = arith.constant 16 : i32
      %mul3A_349 = arith.muli %scan3A_334, %mul3A_348 : i32
      %swap3A_350 = arith.constant 1 : i32
      %swap3A_351 = arith.index_cast %swap3A_350 : i32 to index
      %swap3A_352 = arith.index_cast %mul3A_349 : i32 to index
      %swap3A_353 = tpu.vector_load %arg8[%swap3A_351, %swap3A_352] {strides = array<i32>} : memref<32x768xf32, #tpu.memory_space<vmem>>, vector<1x16xf32>,
      %swap3A_354 = vector.shape_cast %swap3A_353 : vector<1x16xf32> to vector<16xf32>
      %swap3A_355 = vector.shape_cast %get3A_339 : vector<16xf32> to vector<1x16xf32>
      tpu.vector_store %arg8[%swap3A_351, %swap3A_352], %swap3A_355 {add = true, strides = array<i32>} : memref<32x768xf32, #tpu.memory_space<vmem>>, vector<1x16xf32>,
      %mul3A_356 = arith.constant 16 : i32
      %mul3A_357 = arith.muli %scan3A_334, %mul3A_356 : i32
      %swap3A_358 = arith.constant 2 : i32
      %swap3A_359 = arith.index_cast %swap3A_358 : i32 to index
      %swap3A_360 = arith.index_cast %mul3A_357 : i32 to index
      %swap3A_361 = tpu.vector_load %arg8[%swap3A_359, %swap3A_360] {strides = array<i32>} : memref<32x768xf32, #tpu.memory_space<vmem>>, vector<1x16xf32>,
      %swap3A_362 = vector.shape_cast %swap3A_361 : vector<1x16xf32> to vector<16xf32>
      %swap3A_363 = vector.shape_cast %get3A_339 : vector<16xf32> to vector<1x16xf32>
      tpu.vector_store %arg8[%swap3A_359, %swap3A_360], %swap3A_363 {add = true, strides = array<i32>} : memref<32x768xf32, #tpu.memory_space<vmem>>, vector<1x16xf32>,
      %mul3A_364 = arith.constant 16 : i32
      %mul3A_365 = arith.muli %scan3A_334, %mul3A_364 : i32
      %swap3A_366 = arith.constant 3 : i32
      %swap3A_367 = arith.index_cast %swap3A_366 : i32 to index
      %swap3A_368 = arith.index_cast %mul3A_365 : i32 to index
      %swap3A_369 = tpu.vector_load %arg8[%swap3A_367, %swap3A_368] {strides = array<i32>} : memref<32x768xf32, #tpu.memory_space<vmem>>, vector<1x16xf32>,
      %swap3A_370 = vector.shape_cast %swap3A_369 : vector<1x16xf32> to vector<16xf32>
      %swap3A_371 = vector.shape_cast %get3A_339 : vector<16xf32> to vector<1x16xf32>
      tpu.vector_store %arg8[%swap3A_367, %swap3A_368], %swap3A_371 {add = true, strides = array<i32>} : memref<32x768xf32, #tpu.memory_space<vmem>>, vector<1x16xf32>,
      %mul3A_372 = arith.constant 16 : i32
      %mul3A_373 = arith.muli %scan3A_334, %mul3A_372 : i32
      %swap3A_374 = arith.constant 4 : i32
      %swap3A_375 = arith.index_cast %swap3A_374 : i32 to index
      %swap3A_376 = arith.index_cast %mul3A_373 : i32 to index
      %swap3A_377 = tpu.vector_load %arg8[%swap3A_375, %swap3A_376] {strides = array<i32>} : memref<32x768xf32, #tpu.memory_space<vmem>>, vector<1x16xf32>,
      %swap3A_378 = vector.shape_cast %swap3A_377 : vector<1x16xf32> to vector<16xf32>
      %swap3A_379 = vector.shape_cast %get3A_339 : vector<16xf32> to vector<1x16xf32>
      tpu.vector_store %arg8[%swap3A_375, %swap3A_376], %swap3A_379 {add = true, strides = array<i32>} : memref<32x768xf32, #tpu.memory_space<vmem>>, vector<1x16xf32>,
      %mul3A_380 = arith.constant 16 : i32
      %mul3A_381 = arith.muli %scan3A_334, %mul3A_380 : i32
      %swap3A_382 = arith.constant 5 : i32
      %swap3A_383 = arith.index_cast %swap3A_382 : i32 to index
      %swap3A_384 = arith.index_cast %mul3A_381 : i32 to index
      %swap3A_385 = tpu.vector_load %arg8[%swap3A_383, %swap3A_384] {strides = array<i32>} : memref<32x768xf32, #tpu.memory_space<vmem>>, vector<1x16xf32>,
      %swap3A_386 = vector.shape_cast %swap3A_385 : vector<1x16xf32> to vector<16xf32>
      %swap3A_387 = vector.shape_cast %get3A_339 : vector<16xf32> to vector<1x16xf32>
      tpu.vector_store %arg8[%swap3A_383, %swap3A_384], %swap3A_387 {add = true, strides = array<i32>} : memref<32x768xf32, #tpu.memory_space<vmem>>, vector<1x16xf32>,
      %mul3A_388 = arith.constant 16 : i32
      %mul3A_389 = arith.muli %scan3A_334, %mul3A_388 : i32
      %swap3A_390 = arith.constant 6 : i32
      %swap3A_391 = arith.index_cast %swap3A_390 : i32 to index
      %swap3A_392 = arith.index_cast %mul3A_389 : i32 to index
      %swap3A_393 = tpu.vector_load %arg8[%swap3A_391, %swap3A_392] {strides = array<i32>} : memref<32x768xf32, #tpu.memory_space<vmem>>, vector<1x16xf32>,
      %swap3A_394 = vector.shape_cast %swap3A_393 : vector<1x16xf32> to vector<16xf32>
      %swap3A_395 = vector.shape_cast %get3A_339 : vector<16xf32> to vector<1x16xf32>
      tpu.vector_store %arg8[%swap3A_391, %swap3A_392], %swap3A_395 {add = true, strides = array<i32>} : memref<32x768xf32, #tpu.memory_space<vmem>>, vector<1x16xf32>,
      %mul3A_396 = arith.constant 16 : i32
      %mul3A_397 = arith.muli %scan3A_334, %mul3A_396 : i32
      %swap3A_398 = arith.constant 7 : i32
      %swap3A_399 = arith.index_cast %swap3A_398 : i32 to index
      %swap3A_400 = arith.index_cast %mul3A_397 : i32 to index
      %swap3A_401 = tpu.vector_load %arg8[%swap3A_399, %swap3A_400] {strides = array<i32>} : memref<32x768xf32, #tpu.memory_space<vmem>>, vector<1x16xf32>,
      %swap3A_402 = vector.shape_cast %swap3A_401 : vector<1x16xf32> to vector<16xf32>
      %swap3A_403 = vector.shape_cast %get3A_339 : vector<16xf32> to vector<1x16xf32>
      tpu.vector_store %arg8[%swap3A_399, %swap3A_400], %swap3A_403 {add = true, strides = array<i32>} : memref<32x768xf32, #tpu.memory_space<vmem>>, vector<1x16xf32>,
      %mul3A_404 = arith.constant 16 : i32
      %mul3A_405 = arith.muli %scan3A_334, %mul3A_404 : i32
      %swap3A_406 = arith.constant 8 : i32
      %swap3A_407 = arith.index_cast %swap3A_406 : i32 to index
      %swap3A_408 = arith.index_cast %mul3A_405 : i32 to index
      %swap3A_409 = tpu.vector_load %arg8[%swap3A_407, %swap3A_408] {strides = array<i32>} : memref<32x768xf32, #tpu.memory_space<vmem>>, vector<1x16xf32>,
      %swap3A_410 = vector.shape_cast %swap3A_409 : vector<1x16xf32> to vector<16xf32>
      %swap3A_411 = vector.shape_cast %get3A_339 : vector<16xf32> to vector<1x16xf32>
      tpu.vector_store %arg8[%swap3A_407, %swap3A_408], %swap3A_411 {add = true, strides = array<i32>} : memref<32x768xf32, #tpu.memory_space<vmem>>, vector<1x16xf32>,
      %mul3A_412 = arith.constant 16 : i32
      %mul3A_413 = arith.muli %scan3A_334, %mul3A_412 : i32
      %swap3A_414 = arith.constant 9 : i32
      %swap3A_415 = arith.index_cast %swap3A_414 : i32 to index
      %swap3A_416 = arith.index_cast %mul3A_413 : i32 to index
      %swap3A_417 = tpu.vector_load %arg8[%swap3A_415, %swap3A_416] {strides = array<i32>} : memref<32x768xf32, #tpu.memory_space<vmem>>, vector<1x16xf32>,
      %swap3A_418 = vector.shape_cast %swap3A_417 : vector<1x16xf32> to vector<16xf32>
      %swap3A_419 = vector.shape_cast %get3A_339 : vector<16xf32> to vector<1x16xf32>
      tpu.vector_store %arg8[%swap3A_415, %swap3A_416], %swap3A_419 {add = true, strides = array<i32>} : memref<32x768xf32, #tpu.memory_space<vmem>>, vector<1x16xf32>,
      %mul3A_420 = arith.constant 16 : i32
      %mul3A_421 = arith.muli %scan3A_334, %mul3A_420 : i32
      %swap3A_422 = arith.constant 10 : i32
      %swap3A_423 = arith.index_cast %swap3A_422 : i32 to index
      %swap3A_424 = arith.index_cast %mul3A_421 : i32 to index
      %swap3A_425 = tpu.vector_load %arg8[%swap3A_423, %swap3A_424] {strides = array<i32>} : memref<32x768xf32, #tpu.memory_space<vmem>>, vector<1x16xf32>,
      %swap3A_426 = vector.shape_cast %swap3A_425 : vector<1x16xf32> to vector<16xf32>
      %swap3A_427 = vector.shape_cast %get3A_339 : vector<16xf32> to vector<1x16xf32>
      tpu.vector_store %arg8[%swap3A_423, %swap3A_424], %swap3A_427 {add = true, strides = array<i32>} : memref<32x768xf32, #tpu.memory_space<vmem>>, vector<1x16xf32>,
      %mul3A_428 = arith.constant 16 : i32
      %mul3A_429 = arith.muli %scan3A_334, %mul3A_428 : i32
      %swap3A_430 = arith.constant 11 : i32
      %swap3A_431 = arith.index_cast %swap3A_430 : i32 to index
      %swap3A_432 = arith.index_cast %mul3A_429 : i32 to index
      %swap3A_433 = tpu.vector_load %arg8[%swap3A_431, %swap3A_432] {strides = array<i32>} : memref<32x768xf32, #tpu.memory_space<vmem>>, vector<1x16xf32>,
      %swap3A_434 = vector.shape_cast %swap3A_433 : vector<1x16xf32> to vector<16xf32>
      %swap3A_435 = vector.shape_cast %get3A_339 : vector<16xf32> to vector<1x16xf32>
      tpu.vector_store %arg8[%swap3A_431, %swap3A_432], %swap3A_435 {add = true, strides = array<i32>} : memref<32x768xf32, #tpu.memory_space<vmem>>, vector<1x16xf32>,
      %mul3A_436 = arith.constant 16 : i32
      %mul3A_437 = arith.muli %scan3A_334, %mul3A_436 : i32
      %swap3A_438 = arith.constant 12 : i32
      %swap3A_439 = arith.index_cast %swap3A_438 : i32 to index
      %swap3A_440 = arith.index_cast %mul3A_437 : i32 to index
      %swap3A_441 = tpu.vector_load %arg8[%swap3A_439, %swap3A_440] {strides = array<i32>} : memref<32x768xf32, #tpu.memory_space<vmem>>, vector<1x16xf32>,
      %swap3A_442 = vector.shape_cast %swap3A_441 : vector<1x16xf32> to vector<16xf32>
      %swap3A_443 = vector.shape_cast %get3A_339 : vector<16xf32> to vector<1x16xf32>
      tpu.vector_store %arg8[%swap3A_439, %swap3A_440], %swap3A_443 {add = true, strides = array<i32>} : memref<32x768xf32, #tpu.memory_space<vmem>>, vector<1x16xf32>,
      %mul3A_444 = arith.constant 16 : i32
      %mul3A_445 = arith.muli %scan3A_334, %mul3A_444 : i32
      %swap3A_446 = arith.constant 13 : i32
      %swap3A_447 = arith.index_cast %swap3A_446 : i32 to index
      %swap3A_448 = arith.index_cast %mul3A_445 : i32 to index
      %swap3A_449 = tpu.vector_load %arg8[%swap3A_447, %swap3A_448] {strides = array<i32>} : memref<32x768xf32, #tpu.memory_space<vmem>>, vector<1x16xf32>,
      %swap3A_450 = vector.shape_cast %swap3A_449 : vector<1x16xf32> to vector<16xf32>
      %swap3A_451 = vector.shape_cast %get3A_339 : vector<16xf32> to vector<1x16xf32>
      tpu.vector_store %arg8[%swap3A_447, %swap3A_448], %swap3A_451 {add = true, strides = array<i32>} : memref<32x768xf32, #tpu.memory_space<vmem>>, vector<1x16xf32>,
      %mul3A_452 = arith.constant 16 : i32
      %mul3A_453 = arith.muli %scan3A_334, %mul3A_452 : i32
      %swap3A_454 = arith.constant 14 : i32
      %swap3A_455 = arith.index_cast %swap3A_454 : i32 to index
      %swap3A_456 = arith.index_cast %mul3A_453 : i32 to index
      %swap3A_457 = tpu.vector_load %arg8[%swap3A_455, %swap3A_456] {strides = array<i32>} : memref<32x768xf32, #tpu.memory_space<vmem>>, vector<1x16xf32>,
      %swap3A_458 = vector.shape_cast %swap3A_457 : vector<1x16xf32> to vector<16xf32>
      %swap3A_459 = vector.shape_cast %get3A_339 : vector<16xf32> to vector<1x16xf32>
      tpu.vector_store %arg8[%swap3A_455, %swap3A_456], %swap3A_459 {add = true, strides = array<i32>} : memref<32x768xf32, #tpu.memory_space<vmem>>, vector<1x16xf32>,
      %mul3A_460 = arith.constant 16 : i32
      %mul3A_461 = arith.muli %scan3A_334, %mul3A_460 : i32
      %swap3A_462 = arith.constant 15 : i32
      %swap3A_463 = arith.index_cast %swap3A_462 : i32 to index
      %swap3A_464 = arith.index_cast %mul3A_461 : i32 to index
      %swap3A_465 = tpu.vector_load %arg8[%swap3A_463, %swap3A_464] {strides = array<i32>} : memref<32x768xf32, #tpu.memory_space<vmem>>, vector<1x16xf32>,
      %swap3A_466 = vector.shape_cast %swap3A_465 : vector<1x16xf32> to vector<16xf32>
      %swap3A_467 = vector.shape_cast %get3A_339 : vector<16xf32> to vector<1x16xf32>
      tpu.vector_store %arg8[%swap3A_463, %swap3A_464], %swap3A_467 {add = true, strides = array<i32>} : memref<32x768xf32, #tpu.memory_space<vmem>>, vector<1x16xf32>,
      %mul3A_468 = arith.constant 16 : i32
      %mul3A_469 = arith.muli %scan3A_334, %mul3A_468 : i32
      %swap3A_470 = arith.constant 16 : i32
      %swap3A_471 = arith.index_cast %swap3A_470 : i32 to index
      %swap3A_472 = arith.index_cast %mul3A_469 : i32 to index
      %swap3A_473 = tpu.vector_load %arg8[%swap3A_471, %swap3A_472] {strides = array<i32>} : memref<32x768xf32, #tpu.memory_space<vmem>>, vector<1x16xf32>,
      %swap3A_474 = vector.shape_cast %swap3A_473 : vector<1x16xf32> to vector<16xf32>
      %swap3A_475 = vector.shape_cast %get3A_339 : vector<16xf32> to vector<1x16xf32>
      tpu.vector_store %arg8[%swap3A_471, %swap3A_472], %swap3A_475 {add = true, strides = array<i32>} : memref<32x768xf32, #tpu.memory_space<vmem>>, vector<1x16xf32>,
      %mul3A_476 = arith.constant 16 : i32
      %mul3A_477 = arith.muli %scan3A_334, %mul3A_476 : i32
      %swap3A_478 = arith.constant 17 : i32
      %swap3A_479 = arith.index_cast %swap3A_478 : i32 to index
      %swap3A_480 = arith.index_cast %mul3A_477 : i32 to index
      %swap3A_481 = tpu.vector_load %arg8[%swap3A_479, %swap3A_480] {strides = array<i32>} : memref<32x768xf32, #tpu.memory_space<vmem>>, vector<1x16xf32>,
      %swap3A_482 = vector.shape_cast %swap3A_481 : vector<1x16xf32> to vector<16xf32>
      %swap3A_483 = vector.shape_cast %get3A_339 : vector<16xf32> to vector<1x16xf32>
      tpu.vector_store %arg8[%swap3A_479, %swap3A_480], %swap3A_483 {add = true, strides = array<i32>} : memref<32x768xf32, #tpu.memory_space<vmem>>, vector<1x16xf32>,
      %mul3A_484 = arith.constant 16 : i32
      %mul3A_485 = arith.muli %scan3A_334, %mul3A_484 : i32
      %swap3A_486 = arith.constant 18 : i32
      %swap3A_487 = arith.index_cast %swap3A_486 : i32 to index
      %swap3A_488 = arith.index_cast %mul3A_485 : i32 to index
      %swap3A_489 = tpu.vector_load %arg8[%swap3A_487, %swap3A_488] {strides = array<i32>} : memref<32x768xf32, #tpu.memory_space<vmem>>, vector<1x16xf32>,
      %swap3A_490 = vector.shape_cast %swap3A_489 : vector<1x16xf32> to vector<16xf32>
      %swap3A_491 = vector.shape_cast %get3A_339 : vector<16xf32> to vector<1x16xf32>
      tpu.vector_store %arg8[%swap3A_487, %swap3A_488], %swap3A_491 {add = true, strides = array<i32>} : memref<32x768xf32, #tpu.memory_space<vmem>>, vector<1x16xf32>,
      %mul3A_492 = arith.constant 16 : i32
      %mul3A_493 = arith.muli %scan3A_334, %mul3A_492 : i32
      %swap3A_494 = arith.constant 19 : i32
      %swap3A_495 = arith.index_cast %swap3A_494 : i32 to index
      %swap3A_496 = arith.index_cast %mul3A_493 : i32 to index
      %swap3A_497 = tpu.vector_load %arg8[%swap3A_495, %swap3A_496] {strides = array<i32>} : memref<32x768xf32, #tpu.memory_space<vmem>>, vector<1x16xf32>,
      %swap3A_498 = vector.shape_cast %swap3A_497 : vector<1x16xf32> to vector<16xf32>
      %swap3A_499 = vector.shape_cast %get3A_339 : vector<16xf32> to vector<1x16xf32>
      tpu.vector_store %arg8[%swap3A_495, %swap3A_496], %swap3A_499 {add = true, strides = array<i32>} : memref<32x768xf32, #tpu.memory_space<vmem>>, vector<1x16xf32>,
      %mul3A_500 = arith.constant 16 : i32
      %mul3A_501 = arith.muli %scan3A_334, %mul3A_500 : i32
      %swap3A_502 = arith.constant 20 : i32
      %swap3A_503 = arith.index_cast %swap3A_502 : i32 to index
      %swap3A_504 = arith.index_cast %mul3A_501 : i32 to index
      %swap3A_505 = tpu.vector_load %arg8[%swap3A_503, %swap3A_504] {strides = array<i32>} : memref<32x768xf32, #tpu.memory_space<vmem>>, vector<1x16xf32>,
      %swap3A_506 = vector.shape_cast %swap3A_505 : vector<1x16xf32> to vector<16xf32>
      %swap3A_507 = vector.shape_cast %get3A_339 : vector<16xf32> to vector<1x16xf32>
      tpu.vector_store %arg8[%swap3A_503, %swap3A_504], %swap3A_507 {add = true, strides = array<i32>} : memref<32x768xf32, #tpu.memory_space<vmem>>, vector<1x16xf32>,
      %mul3A_508 = arith.constant 16 : i32
      %mul3A_509 = arith.muli %scan3A_334, %mul3A_508 : i32
      %swap3A_510 = arith.constant 21 : i32
      %swap3A_511 = arith.index_cast %swap3A_510 : i32 to index
      %swap3A_512 = arith.index_cast %mul3A_509 : i32 to index
      %swap3A_513 = tpu.vector_load %arg8[%swap3A_511, %swap3A_512] {strides = array<i32>} : memref<32x768xf32, #tpu.memory_space<vmem>>, vector<1x16xf32>,
      %swap3A_514 = vector.shape_cast %swap3A_513 : vector<1x16xf32> to vector<16xf32>
      %swap3A_515 = vector.shape_cast %get3A_339 : vector<16xf32> to vector<1x16xf32>
      tpu.vector_store %arg8[%swap3A_511, %swap3A_512], %swap3A_515 {add = true, strides = array<i32>} : memref<32x768xf32, #tpu.memory_space<vmem>>, vector<1x16xf32>,
      %mul3A_516 = arith.constant 16 : i32
      %mul3A_517 = arith.muli %scan3A_334, %mul3A_516 : i32
      %swap3A_518 = arith.constant 22 : i32
      %swap3A_519 = arith.index_cast %swap3A_518 : i32 to index
      %swap3A_520 = arith.index_cast %mul3A_517 : i32 to index
      %swap3A_521 = tpu.vector_load %arg8[%swap3A_519, %swap3A_520] {strides = array<i32>} : memref<32x768xf32, #tpu.memory_space<vmem>>, vector<1x16xf32>,
      %swap3A_522 = vector.shape_cast %swap3A_521 : vector<1x16xf32> to vector<16xf32>
      %swap3A_523 = vector.shape_cast %get3A_339 : vector<16xf32> to vector<1x16xf32>
      tpu.vector_store %arg8[%swap3A_519, %swap3A_520], %swap3A_523 {add = true, strides = array<i32>} : memref<32x768xf32, #tpu.memory_space<vmem>>, vector<1x16xf32>,
      %mul3A_524 = arith.constant 16 : i32
      %mul3A_525 = arith.muli %scan3A_334, %mul3A_524 : i32
      %swap3A_526 = arith.constant 23 : i32
      %swap3A_527 = arith.index_cast %swap3A_526 : i32 to index
      %swap3A_528 = arith.index_cast %mul3A_525 : i32 to index
      %swap3A_529 = tpu.vector_load %arg8[%swap3A_527, %swap3A_528] {strides = array<i32>} : memref<32x768xf32, #tpu.memory_space<vmem>>, vector<1x16xf32>,
      %swap3A_530 = vector.shape_cast %swap3A_529 : vector<1x16xf32> to vector<16xf32>
      %swap3A_531 = vector.shape_cast %get3A_339 : vector<16xf32> to vector<1x16xf32>
      tpu.vector_store %arg8[%swap3A_527, %swap3A_528], %swap3A_531 {add = true, strides = array<i32>} : memref<32x768xf32, #tpu.memory_space<vmem>>, vector<1x16xf32>,
      %mul3A_532 = arith.constant 16 : i32
      %mul3A_533 = arith.muli %scan3A_334, %mul3A_532 : i32
      %swap3A_534 = arith.constant 24 : i32
      %swap3A_535 = arith.index_cast %swap3A_534 : i32 to index
      %swap3A_536 = arith.index_cast %mul3A_533 : i32 to index
      %swap3A_537 = tpu.vector_load %arg8[%swap3A_535, %swap3A_536] {strides = array<i32>} : memref<32x768xf32, #tpu.memory_space<vmem>>, vector<1x16xf32>,
      %swap3A_538 = vector.shape_cast %swap3A_537 : vector<1x16xf32> to vector<16xf32>
      %swap3A_539 = vector.shape_cast %get3A_339 : vector<16xf32> to vector<1x16xf32>
      tpu.vector_store %arg8[%swap3A_535, %swap3A_536], %swap3A_539 {add = true, strides = array<i32>} : memref<32x768xf32, #tpu.memory_space<vmem>>, vector<1x16xf32>,
      %mul3A_540 = arith.constant 16 : i32
      %mul3A_541 = arith.muli %scan3A_334, %mul3A_540 : i32
      %swap3A_542 = arith.constant 25 : i32
      %swap3A_543 = arith.index_cast %swap3A_542 : i32 to index
      %swap3A_544 = arith.index_cast %mul3A_541 : i32 to index
      %swap3A_545 = tpu.vector_load %arg8[%swap3A_543, %swap3A_544] {strides = array<i32>} : memref<32x768xf32, #tpu.memory_space<vmem>>, vector<1x16xf32>,
      %swap3A_546 = vector.shape_cast %swap3A_545 : vector<1x16xf32> to vector<16xf32>
      %swap3A_547 = vector.shape_cast %get3A_339 : vector<16xf32> to vector<1x16xf32>
      tpu.vector_store %arg8[%swap3A_543, %swap3A_544], %swap3A_547 {add = true, strides = array<i32>} : memref<32x768xf32, #tpu.memory_space<vmem>>, vector<1x16xf32>,
      %mul3A_548 = arith.constant 16 : i32
      %mul3A_549 = arith.muli %scan3A_334, %mul3A_548 : i32
      %swap3A_550 = arith.constant 26 : i32
      %swap3A_551 = arith.index_cast %swap3A_550 : i32 to index
      %swap3A_552 = arith.index_cast %mul3A_549 : i32 to index
      %swap3A_553 = tpu.vector_load %arg8[%swap3A_551, %swap3A_552] {strides = array<i32>} : memref<32x768xf32, #tpu.memory_space<vmem>>, vector<1x16xf32>,
      %swap3A_554 = vector.shape_cast %swap3A_553 : vector<1x16xf32> to vector<16xf32>
      %swap3A_555 = vector.shape_cast %get3A_339 : vector<16xf32> to vector<1x16xf32>
      tpu.vector_store %arg8[%swap3A_551, %swap3A_552], %swap3A_555 {add = true, strides = array<i32>} : memref<32x768xf32, #tpu.memory_space<vmem>>, vector<1x16xf32>,
      %mul3A_556 = arith.constant 16 : i32
      %mul3A_557 = arith.muli %scan3A_334, %mul3A_556 : i32
      %swap3A_558 = arith.constant 27 : i32
      %swap3A_559 = arith.index_cast %swap3A_558 : i32 to index
      %swap3A_560 = arith.index_cast %mul3A_557 : i32 to index
      %swap3A_561 = tpu.vector_load %arg8[%swap3A_559, %swap3A_560] {strides = array<i32>} : memref<32x768xf32, #tpu.memory_space<vmem>>, vector<1x16xf32>,
      %swap3A_562 = vector.shape_cast %swap3A_561 : vector<1x16xf32> to vector<16xf32>
      %swap3A_563 = vector.shape_cast %get3A_339 : vector<16xf32> to vector<1x16xf32>
      tpu.vector_store %arg8[%swap3A_559, %swap3A_560], %swap3A_563 {add = true, strides = array<i32>} : memref<32x768xf32, #tpu.memory_space<vmem>>, vector<1x16xf32>,
      %mul3A_564 = arith.constant 16 : i32
      %mul3A_565 = arith.muli %scan3A_334, %mul3A_564 : i32
      %swap3A_566 = arith.constant 28 : i32
      %swap3A_567 = arith.index_cast %swap3A_566 : i32 to index
      %swap3A_568 = arith.index_cast %mul3A_565 : i32 to index
      %swap3A_569 = tpu.vector_load %arg8[%swap3A_567, %swap3A_568] {strides = array<i32>} : memref<32x768xf32, #tpu.memory_space<vmem>>, vector<1x16xf32>,
      %swap3A_570 = vector.shape_cast %swap3A_569 : vector<1x16xf32> to vector<16xf32>
      %swap3A_571 = vector.shape_cast %get3A_339 : vector<16xf32> to vector<1x16xf32>
      tpu.vector_store %arg8[%swap3A_567, %swap3A_568], %swap3A_571 {add = true, strides = array<i32>} : memref<32x768xf32, #tpu.memory_space<vmem>>, vector<1x16xf32>,
      %mul3A_572 = arith.constant 16 : i32
      %mul3A_573 = arith.muli %scan3A_334, %mul3A_572 : i32
      %swap3A_574 = arith.constant 29 : i32
      %swap3A_575 = arith.index_cast %swap3A_574 : i32 to index
      %swap3A_576 = arith.index_cast %mul3A_573 : i32 to index
      %swap3A_577 = tpu.vector_load %arg8[%swap3A_575, %swap3A_576] {strides = array<i32>} : memref<32x768xf32, #tpu.memory_space<vmem>>, vector<1x16xf32>,
      %swap3A_578 = vector.shape_cast %swap3A_577 : vector<1x16xf32> to vector<16xf32>
      %swap3A_579 = vector.shape_cast %get3A_339 : vector<16xf32> to vector<1x16xf32>
      tpu.vector_store %arg8[%swap3A_575, %swap3A_576], %swap3A_579 {add = true, strides = array<i32>} : memref<32x768xf32, #tpu.memory_space<vmem>>, vector<1x16xf32>,
      %mul3A_580 = arith.constant 16 : i32
      %mul3A_581 = arith.muli %scan3A_334, %mul3A_580 : i32
      %swap3A_582 = arith.constant 30 : i32
      %swap3A_583 = arith.index_cast %swap3A_582 : i32 to index
      %swap3A_584 = arith.index_cast %mul3A_581 : i32 to index
      %swap3A_585 = tpu.vector_load %arg8[%swap3A_583, %swap3A_584] {strides = array<i32>} : memref<32x768xf32, #tpu.memory_space<vmem>>, vector<1x16xf32>,
      %swap3A_586 = vector.shape_cast %swap3A_585 : vector<1x16xf32> to vector<16xf32>
      %swap3A_587 = vector.shape_cast %get3A_339 : vector<16xf32> to vector<1x16xf32>
      tpu.vector_store %arg8[%swap3A_583, %swap3A_584], %swap3A_587 {add = true, strides = array<i32>} : memref<32x768xf32, #tpu.memory_space<vmem>>, vector<1x16xf32>,
      %mul3A_588 = arith.constant 16 : i32
      %mul3A_589 = arith.muli %scan3A_334, %mul3A_588 : i32
      %swap3A_590 = arith.constant 31 : i32
      %swap3A_591 = arith.index_cast %swap3A_590 : i32 to index
      %swap3A_592 = arith.index_cast %mul3A_589 : i32 to index
      %swap3A_593 = tpu.vector_load %arg8[%swap3A_591, %swap3A_592] {strides = array<i32>} : memref<32x768xf32, #tpu.memory_space<vmem>>, vector<1x16xf32>,
      %swap3A_594 = vector.shape_cast %swap3A_593 : vector<1x16xf32> to vector<16xf32>
      %swap3A_595 = vector.shape_cast %get3A_339 : vector<16xf32> to vector<1x16xf32>
      tpu.vector_store %arg8[%swap3A_591, %swap3A_592], %swap3A_595 {add = true, strides = array<i32>} : memref<32x768xf32, #tpu.memory_space<vmem>>, vector<1x16xf32>,
    }
    %scan3A_51 = arith.constant 48 : i32
    %dma_start3A_52 = arith.constant 76 : i32
    %dma_start3A_53 = arith.constant 0 : i32
    %dma_start3A_54 = tpu.memref_slice %arg5[%dma_start3A_52, %mul3A_2, %dma_start3A_53] : memref<77x1024x768xf32, #tpu.memory_space<hbm>> -> memref<1x32x768xf32, #tpu.memory_space<hbm>>
    %dma_start3A_55 = tpu.memref_squeeze %dma_start3A_54 : memref<1x32x768xf32, #tpu.memory_space<hbm>> -> memref<32x768xf32, #tpu.memory_space<hbm>>
    %dma_start3A_56 = arith.constant 0 : i32
    %dma_start3A_57 = tpu.memref_slice %arg5[%dma_start3A_52, %mul3A_2, %dma_start3A_56] : memref<77x1024x768xf32, #tpu.memory_space<hbm>> -> memref<1x32x768xf32, #tpu.memory_space<hbm>>
    %dma_start3A_58 = tpu.memref_squeeze %dma_start3A_57 : memref<1x32x768xf32, #tpu.memory_space<hbm>> -> memref<32x768xf32, #tpu.memory_space<hbm>>
    tpu.enqueue_dma source(%arg8 : memref<32x768xf32, #tpu.memory_space<vmem>>) target(%dma_start3A_58 : memref<32x768xf32, #tpu.memory_space<hbm>>) target_semaphore(%arg20 : memref<!tpu.dma_semaphore, #tpu.memory_space<semaphore_mem>>)
    %dma_wait3A_59 = arith.constant 75 : i32
    %dma_wait3A_60 = arith.constant 0 : i32
    %dma_wait3A_61 = tpu.memref_slice %arg5[%dma_wait3A_59, %mul3A_2, %dma_wait3A_60] : memref<77x1024x768xf32, #tpu.memory_space<hbm>> -> memref<1x32x768xf32, #tpu.memory_space<hbm>>
    %dma_wait3A_62 = tpu.memref_squeeze %dma_wait3A_61 : memref<1x32x768xf32, #tpu.memory_space<hbm>> -> memref<32x768xf32, #tpu.memory_space<hbm>>
    %dma_wait3A_63 = arith.constant 0 : i32
    %dma_wait3A_64 = tpu.memref_slice %arg5[%dma_wait3A_59, %mul3A_2, %dma_wait3A_63] : memref<77x1024x768xf32, #tpu.memory_space<hbm>> -> memref<1x32x768xf32, #tpu.memory_space<hbm>>
    %dma_wait3A_65 = tpu.memref_squeeze %dma_wait3A_64 : memref<1x32x768xf32, #tpu.memory_space<hbm>> -> memref<32x768xf32, #tpu.memory_space<hbm>>
    tpu.wait_dma2 semaphore(%arg23 : memref<!tpu.dma_semaphore, #tpu.memory_space<semaphore_mem>>) src(%arg11 : memref<32x768xf32, #tpu.memory_space<vmem>>) dst(%dma_wait3A_65 : memref<32x768xf32, #tpu.memory_space<hbm>>)
    %dma_wait3A_66 = arith.constant 76 : i32
    %dma_wait3A_67 = arith.constant 0 : i32
    %dma_wait3A_68 = tpu.memref_slice %arg5[%dma_wait3A_66, %mul3A_2, %dma_wait3A_67] : memref<77x1024x768xf32, #tpu.memory_space<hbm>> -> memref<1x32x768xf32, #tpu.memory_space<hbm>>
    %dma_wait3A_69 = tpu.memref_squeeze %dma_wait3A_68 : memref<1x32x768xf32, #tpu.memory_space<hbm>> -> memref<32x768xf32, #tpu.memory_space<hbm>>
    %dma_wait3A_70 = arith.constant 0 : i32
    %dma_wait3A_71 = tpu.memref_slice %arg5[%dma_wait3A_66, %mul3A_2, %dma_wait3A_70] : memref<77x1024x768xf32, #tpu.memory_space<hbm>> -> memref<1x32x768xf32, #tpu.memory_space<hbm>>
    %dma_wait3A_72 = tpu.memref_squeeze %dma_wait3A_71 : memref<1x32x768xf32, #tpu.memory_space<hbm>> -> memref<32x768xf32, #tpu.memory_space<hbm>>
    tpu.wait_dma2 semaphore(%arg20 : memref<!tpu.dma_semaphore, #tpu.memory_space<semaphore_mem>>) src(%arg8 : memref<32x768xf32, #tpu.memory_space<vmem>>) dst(%dma_wait3A_72 : memref<32x768xf32, #tpu.memory_space<hbm>>)
    return
  }
}

</mosaic_0001>

<sc_bundles>
// kernel: kernel.3.cloned.1.call-start
scs
__scs_entry_jumppad:
0x0: {  	(pc) =	sbr.rel $0x88, $3  }
0x1: {  	(tag) =	ssettag $0x0;
	lr =	simm.s32 $0x1  }
0x2: {  	[smem:$0x3F9E] =	sst lr;
	_ =	strace $0xD0000000  }
0x3: {  	_ = 	snop  }
0x4: {  	_ = 	snop  }
0x5: {  	_ = 	snop  }
0x6: {  	_ = 	snop  }
0x7: {  	_ = 	snop  }
__scs_overlays_trampoline_lowered:
0x8: {  	[smem:$0x3FAD] =	sst s0  }
0x9: {  	[smem:$0x3FAE] =	sst s1  }
0xa: {  	[smem:$0x3FAF] =	sst s2  }
0xb: {  	[smem:$0x3FB0] =	sst s3  }
0xc: {  	[smem:$0x3FB1] =	sst s4  }
0xd: {  	[smem:$0x3FB2] =	sst s5  }
0xe: {  	[smem:$0x3FB3] =	sst s6  }
0xf: {  	[smem:$0x3FB4] =	sst s7  }
0x10: {  	[smem:$0x3FB5] =	sst s8  }
0x11: {  	[smem:$0x3FB6] =	sst s9;
	s0 =	simm.s32 @!p0 $0x0  }
0x12: {  	s1 =	sld [smem:$0x3F9C];
	s0 =	simm.s32 @p0 $0x1  }
0x13: {  	[smem:$0x3FB7] =	sst s0;
	s0 =	simm.s32 @!p1 $0x0  }
0x14: {  	s2 =	sld [smem:$0x3F9B];
	s0 =	simm.s32 @p1 $0x1  }
0x15: {  	[smem:$0x3FB8] =	sst s0;
	s0 =	simm.s32 @!p2 $0x0  }
0x16: {  	s3 =	sld [smem:$0x3FDB];
	s0 =	simm.s32 @p2 $0x1  }
0x17: {  	s4 =	simm.s32 $0x1BF5;
	[smem:$0x3FBA] =	sst s0  }
0x18: {  	s0 =	sld [smem:$0x3F9D];
	_ =	swait.ge [sflag:s4], $0x0  }
0x19: {  	s7 =	sld [smem:$0x3F9E]  }
0x1a: {  	s8 =	sadd.s32 $0xFFFFE003, lr  }
0x1b: {  	s9 =	sadd.s32 $0xFFFFFEF7, lr;
	s5 =	simm.s32 $0xFFFFFFFF;
	p2 =	slt.u32 s8, $0xFFFFF086  }
0x1c: {  	p1 =	slt.u32 s9, $0xF7A;
	s5 =	simm.s32 @!p2 $0x0  }
0x1d: {  	s5 =	simm.s32 @p1 $0x1;
	p0 =	seq.s32 s7, s2  }
0x1e: {  	s7 =	smul.u32 @!p0 $0xF7A, s2;
	p2 =	seq.s32 @!p0 s5, $0x0  }
0x1f: {  	s9 =	smul.u32 $0xF7A, s1;
	s8 =	simm.s32 @!p0 $0x1BF5;
	p2 =	por !p2, p0  }
0x20: {  	[sflag:s8] =	ssyncset.s32 @!p0 $0xFFFFF086;
	s6 =	sadd.s32 @!p0 s3, s7;
	s7 =	simm.s32 @!p0 $0x108  }
0x21: {  	s3 =	sadd.s32 s3, s9;
	s6 =	sadd.s32 @!p0 $0x88, s6;
	s7 =	simm.s32 @p2 $0x1082  }
0x22: {  	[simem:s7], [sflag:s8] =	dma.local @!p0 [hbm:s6], $0xF7A  }
0x23: {  	s9 =	sor.u32 $0xD0000000, s2;
	s6 =	simm.s32 $0x108;
	_ =	swait.ge @!p0 [sflag:s8], $0x0  }
0x24: {  	s3 =	sadd.s32 $0x88, s3;
	s6 =	simm.s32 @!p1 $0x1082;
	[sflag:s4] =	ssyncset.s32 $0xFFFFF086  }
0x25: {  	[simem:s6], [sflag:s4] =	dma.local [hbm:s3], $0xF7A  }
0x26: {  	[smem:$0x3F9E] =	sst s1;
	(tag) =	ssettag s2;
	_ =	strace s9  }
0x27: {  	s1 =	sld [smem:$0x3FAE]  }
0x28: {  	s2 =	sld [smem:$0x3FAF]  }
0x29: {  	s4 =	sld [smem:$0x3FB1]  }
0x2a: {  	p0 =	seq.s32 s5, $0x0;
	s5 =	sld [smem:$0x3FB2]  }
0x2b: {  	s6 =	sld [smem:$0x3FB3]  }
0x2c: {  	s7 =	sld [smem:$0x3FB4]  }
0x2d: {  	s3 =	simm.s32 $0x108;
	s8 =	sld [smem:$0x3FB5]  }
0x2e: {  	s3 =	simm.s32 @!p0 $0x1082;
	s9 =	sld [smem:$0x3FB6]  }
0x2f: {  	lr =	sadd.s32 s0, s3;
	s0 =	sld [smem:$0x3FAD]  }
0x30: {  	s3 =	sld [smem:$0x3FB0]  }
0x31: {  	[smem:$0x3FB9] =	sst s10  }
0x32: {  	s10 =	sld [smem:$0x3FB7];
	_ =	sdelay $0x3  }
0x33: {  	p0 =	seq.s32 s10, $0x1;
	s10 =	sld [smem:$0x3FB9];
	_ =	sdelay $0x3  }
0x34: {  	[smem:$0x3FB9] =	sst s10  }
0x35: {  	s10 =	sld [smem:$0x3FB8];
	_ =	sdelay $0x3  }
0x36: {  	p1 =	seq.s32 s10, $0x1;
	s10 =	sld [smem:$0x3FB9];
	_ =	sdelay $0x3  }
0x37: {  	[smem:$0x3FB9] =	sst s10  }
0x38: {  	s10 =	sld [smem:$0x3FBA]  }
0x39: {  	_ = 	snop;
	(pc) =	sbr.ind lr, $3  }
0x3a: {  	_ = 	snop  }
0x3b: {  	_ = 	snop  }
0x3c: {  	p2 =	seq.s32 s10, $0x1;
	s10 =	sld [smem:$0x3FB9]  }
0x3d: {  	_ =	shalt  }
0x3e: {  	_ =	shalt  }
0x3f: {  	_ =	shalt  }
0x40: {  	_ =	shalt  }
0x41: {  	_ =	shalt  }
0x42: {  	_ =	shalt  }
0x43: {  	_ =	shalt  }
0x44: {  	_ =	shalt  }
0x45: {  	_ =	shalt  }
0x46: {  	_ =	shalt  }
0x47: {  	_ =	shalt  }
0x48: {  	_ =	shalt  }
0x49: {  	_ =	shalt  }
0x4a: {  	_ =	shalt  }
0x4b: {  	_ =	shalt  }
0x4c: {  	_ =	shalt  }
0x4d: {  	_ =	shalt  }
0x4e: {  	_ =	shalt  }
0x4f: {  	_ =	shalt  }
0x50: {  	_ =	shalt  }
0x51: {  	_ =	shalt  }
0x52: {  	_ =	shalt  }
0x53: {  	_ =	shalt  }
0x54: {  	_ =	shalt  }
0x55: {  	_ =	shalt  }
0x56: {  	_ =	shalt  }
0x57: {  	_ =	shalt  }
0x58: {  	_ =	shalt  }
0x59: {  	_ =	shalt  }
0x5a: {  	_ =	shalt  }
0x5b: {  	_ =	shalt  }
0x5c: {  	_ =	shalt  }
0x5d: {  	_ =	shalt  }
0x5e: {  	_ =	shalt  }
0x5f: {  	_ =	shalt  }
0x60: {  	_ =	shalt  }
0x61: {  	_ =	shalt  }
0x62: {  	_ =	shalt  }
0x63: {  	_ =	shalt  }
0x64: {  	_ =	shalt  }
0x65: {  	_ =	shalt  }
0x66: {  	_ =	shalt  }
0x67: {  	_ =	shalt  }
0x68: {  	_ =	shalt  }
0x69: {  	_ =	shalt  }
0x6a: {  	_ =	shalt  }
0x6b: {  	_ =	shalt  }
0x6c: {  	_ =	shalt  }
0x6d: {  	_ =	shalt  }
0x6e: {  	_ =	shalt  }
0x6f: {  	_ =	shalt  }
0x70: {  	_ =	shalt  }
0x71: {  	_ =	shalt  }
0x72: {  	_ =	shalt  }
0x73: {  	_ =	shalt  }
0x74: {  	_ =	shalt  }
0x75: {  	_ =	shalt  }
0x76: {  	_ =	shalt  }
0x77: {  	_ =	shalt  }
0x78: {  	_ =	shalt  }
0x79: {  	_ =	shalt  }
0x7a: {  	_ =	shalt  }
0x7b: {  	_ =	shalt  }
0x7c: {  	_ =	shalt  }
0x7d: {  	_ =	shalt  }
0x7e: {  	_ =	shalt  }
0x7f: {  	_ =	shalt  }
0x80: {  	_ =	shalt  }
0x81: {  	_ =	shalt  }
0x82: {  	_ =	shalt  }
0x83: {  	_ =	shalt  }
0x84: {  	_ =	shalt  }
0x85: {  	_ =	shalt  }
0x86: {  	_ =	shalt  }
0x87: {  	_ =	shalt  }
.Lfunc_end0:
.L_simem_size_0:
called_computation_lowered:
.L_overlay_start_0:
0x88: {  	s2 =	sld [smem:$0x3FD9]  }
0x89: {  	s3 =	sld [smem:$0x3FFE];
	_ =	sdelay $0x1  }
0x8a: {  	s1 =	srdreg.scid  }
0x8b: {  	s0 =	sand.u32 $0x1, s1  }
0x8c: {  	s17 =	sshll.u32 s0, $0xA;
	s2 =	sadd.s32 s3, s2  }
0x8d: {  	s2 =	sadd.s32 s2, s17  }
0x8e: {  	[smem:$0x3FC5] =	sst s2  }
0x8f: {  	_ = 	snop  }
0x90: {  	s2 =	sld [smem:$0x3FC8]  }
0x91: {  	s18 =	sld [smem:$0x3FD0];
	(tm) =	ssettm $0x1  }
0x92: {  	s4 =	sld [smem:$0x3FFB];
	_ =	sdelay $0x3  }
0x93: {  	_ =	strace s4  }
0x94: {  	s4 =	sld [smem:$0x3FFC];
	_ =	sdelay $0x3  }
0x95: {  	_ =	strace s4  }
0x96: {  	s4 =	sld [smem:$0x3FFD];
	_ =	sdelay $0x3  }
0x97: {  	_ =	strace s4  }
0x98: {  	_ =	strace $0x8FFFFFFF  }
0x99: {  	s19 =	sld [smem:$0x3FDB];
	_ =	sdelay $0x1  }
0x9a: {  	s5 =	simm.s32 $_scs_section_size  }
0x9b: {  	s6 =	simm.s32 $_size__tile_overlayer_lowered;
	s7 =	simm.s32 $_tile_overlayer_lowered  }
0x9c: {  	s22 =	simm.s32 $0x1BFF;
	s21 =	sshll.u32 s7, $0x1;
	s4 =	sadd.s32 s5, s19  }
0x9d: {  	s8 =	simm.s32 $0x0;
	s20 =	sshll.u32 s6, $0x1;
	s6 =	sadd.s32 s21, s4  }
0x9e: {  	[timem:s8], [sflag:s22] =	dma.local [hbm:s6], s20  }
0x9f: {  	_ =	swait.ge [sflag:s22], s20  }
0xa0: {  	s5 =	ssub.s32 $0x0, s20;
	[sflag:s22] =	ssyncset.done $0x0  }
0xa1: {  	[sflag:s22] =	ssyncadd.s32 s5;
	_ =	sdelay $0x1  }
0xa2: {  	s23 =	simm.s32 $0x1B8B  }
0xa3: {  	_ =	swait.ge [sflag:s23], $0x1  }
0xa4: {  	[sflag:s23] =	ssyncset.done $0x0  }
0xa5: {  	s25 =	simm.s32 $0x1B8E;
	s24 =	sld [smem:$0x3FFE];
	[sflag:s23] =	ssyncadd.s32 $0xFFFFFFFF  }
0xa6: {  	s26 =	simm.s32 $execute0_lowered;
	[smem:$0x3FD2] =	sst s25  }
0xa7: {  	s6 =	sshll.u32 s26, $0x1;
	_ =	strace $0x80000046;
	[dreg:$0x1] =	wrdreg $0xFFFFFFFF  }
0xa8: {  	s28 =	simm.s32 $_size_execute0_lowered;
	s4 =	sadd.s32 s4, s6;
	[dreg:$0x0] =	wrdreg $0x0  }
0xa9: {  	s6 =	sshll.u32 s28, $0x1;
	[dreg:$0x2] =	wrdreg s4  }
0xaa: {  	[dreg:$0x3] =	wrdreg s6  }
0xab: {  	[dreg:$0x4] =	wrdreg $0xC0  }
0xac: {  	_ =	task [dreg:s8], $0x5FFFF  }
0xad: {  	[dreg:$0x1] =	wrdreg $0xFFFFFFFF  }
0xae: {  	[dreg:$0x0] =	wrdreg $0x60  }
0xaf: {  	[dreg:$0x2] =	wrdreg s2  }
0xb0: {  	[dreg:$0x3] =	wrdreg s24  }
0xb1: {  	[dreg:$0x4] =	wrdreg s18  }
0xb2: {  	[dreg:$0x5] =	wrdreg $0xA000  }
0xb3: {  	[dreg:$0x6] =	wrdreg $0x9  }
0xb4: {  	_ =	task.clear_ibuf [dreg:s8], $0x7FFFF;
	_ =	strace $0x90000046  }
0xb5: {  	s29 =	simm.s32 $0x9;
	_ =	strace $0x80000048  }
0xb6: {  	_ =	swait.ge [sflag:s29], $0x1  }
0xb7: {  	[sflag:s29] =	ssyncadd.s32 $0xFFFFFFFF  }
0xb8: {  	_ =	strace $0x90000048  }
0xb9: {  	_ =	sfence  }
0xba: {  	s30 =	sld [smem:$0x0];
	_ =	sdelay $0x2  }
0xbb: {  	s31 =	sshll.u32 s1, $0xD;
	s1 =	sshrl.u32 s1, $0x2  }
0xbc: {  	s3 =	sand.u32 $0x4000, s31;
	s1 =	sadd.s32 s1, s30  }
0xbd: {  	s0 =	sor.u32 s3, s0;
	s1 =	sshll.u32 s1, $0x11  }
0xbe: {  	s0 =	sor.u32 s1, s0  }
0xbf: {  	s0 =	sadd.s32 $0x8F2B, s0  }
0xc0: {  	[sflag:s0] =	ssyncadd.remote.s32 $0x1  }
0xc1: {  	_ =	sfence.sel $0xFFFF  }
0xc2: {  	[dreg:$0x0] =	wrdreg $0xFFFFFFFF;
	(pc) =	sbr.abs _section_cstart, $3  }
0xc3: {  	[dreg:$0x1] =	wrdreg $0xFFFFFFFF  }
0xc4: {  	_ =	task.clear_ibuf [dreg:s8], $0x2FFFF;
	_ =	strace $0x9FFFFFFF  }
0xc5: {  	(tm) =	ssettm $0x7FFFFFFF  }
tec
execute0_lowered:
.L_overlay_start_1:
0x0: {  	(tag) =	ssettag $0x1  }
0x1: {  	s6 =	rddreg [dreg:$0x0]  }
0x2: {  	s0 =	rddreg [dreg:$0x1]  }
0x3: {  	s1 =	srdreg.scid;
	s7 =	rddreg [dreg:$0x2]  }
0x4: {  	s2 =	stileid.u32;
	s8 =	rddreg [dreg:$0x3]  }
0x5: {  	s9 =	simm.s32 $0x0;
	s1 =	sand.u32 $0x1, s1;
	s3 =	sshll.u32 s2, $0x1  }
0x6: {  	[smem:$0x7FF] =	sst s9;
	s3 =	sor.u32 s1, s3  }
0x7: {  	s28 =	sadd.s32 $0x100, s6;
	s29 =	sadd.s32 $0x200, s6;
	s4 =	smul.u32 $0x134, s3  }
0x8: {  	_ =	strace $0x80000047;
	[smem:$0x7F6] =	sst s28;
	s5 =	smul.u32 $0xC00, s3  }
0x9: {  	s31 =	sadd.s32 $0x300, s8;
	[smem:$0x7F7] =	sst s29;
	s3 =	smul.u32 $0x6000, s3  }
0xa: {  	s1 =	ssub.s32 $0x2, s1;
	[smem:$0x7F8] =	sst s31  }
0xb: {  	s4 =	sadd.s32 s4, s0;
	s0 =	sadd.s32 $0x400, s0;
	[smem:$0x7F9] =	sst s3  }
0xc: {  	s25 =	sshrl.u32 s1, $0x1;
	s3 =	sadd.s32 $0xC0000, s3;
	[smem:$0x7F4] =	sst s0  }
0xd: {  	s30 =	sadd.s32 s5, s7;
	s26 =	sadd.s32 $0x2200, s4;
	[smem:$0x7FA] =	sst s3  }
0xe: {  	s0 =	ssub.s32 s1, s25;
	s1 =	sadd.s32 $0x720000, s30;
	[smem:$0x7F5] =	sst s26  }
0xf: {  	v2 =	vlaneseq.u32;
	p0 =	sne.s32 s2, $0x0;
	[smem:$0x7FB] =	sst s1;
	s0 =	smax.u32 s0, $0x1  }
0x10: {  	vm0 =	vmmov $0xffff;
	v1 =	vshrl.u32 v2, $0x3;
	[smem:$0x7FC] =	sst s0;
	s0 =	sshrl.u32 @!p0 s8, $0x3  }
0x11: {  	v0 =	vand.u32 $0x7, v2;
	v2 =	vor.u32 $0x8, v2;
	s2 =	simm.s32 $0x0;
	v1 =	vmul.u32 $0x8, v1;
	s3 =	simm.s32 $0x1870;
	[smem:$0x7FD] =	sst s0  }
.LBB2_1:
0x12: {  	s0 =	sld [smem:$0x7F5];
	_ =	sdelay $0x1  }
0x13: {  	[smem:$0x7F3] =	sst s2;
	s26 =	simm.s32 $0xD  }
0x14: {  	[tilespmem:s9], [sflag:$0xD] =	stream.linear.gather [hbm4b:s0+s9], $0x9A0, $0x38;
	[tilespmem:$0x1A470] =	vst v63  }
0x15: {  	_ =	swait.ge [sflag:s26], $0x9A0  }
0x16: {  	s1 =	sld [smem:$0x7F4]  }
0x17: {  	s2 =	sld [smem:$0x7FD]  }
0x18: {  	[sflag:s26] =	ssyncset.done $0x0  }
0x19: {  	s0 =	simm.s32 @!p0 $0x1C0D;
	[sflag:s26] =	ssyncadd.s32 $0xFFFFF660  }
0x1a: {  	[spmem:s2], [sflag:s0] =	dma.local @!p0 [hbm:s1], $0x1CE0  }
0x1b: {  	s0 =	simm.s32 @!p0 $0xD  }
0x1c: {  	_ =	swait.ge @!p0 [sflag:s0], $0x1CE0  }
0x1d: {  	[sflag:s0] =	ssyncset.done @!p0 $0x0  }
0x1e: {  	[sflag:s0] =	ssyncadd.s32 @!p0 $0xFFFFE320  }
0x1f: {  	[bflag:$0x0] =	sbarrier.arrive $0xFFFF  }
0x20: {  	v3 =	vld [tilespmem:$0x0];
	_ =	sdelay $0x4  }
0x21: {  	v4 =	vshrl.u32 v3, $0x3  }
0x22: {  	v4 =	vmul.u32 $0x30, v4  }
0x23: {  	v3 =	vand.u32 $0x7, v3  }
0x24: {  	v3 =	vor.u32 v3, v4  }
0x25: {  	v4 =	vperm.xlane v3, v0;
	_ =	sdelay $0x1  }
0x26: {  	v4 =	vadd.s32 v1, v4;
	_ =	sdelay $0x2  }
0x27: {  	s28 =	rddreg [dreg:$0x0]  }
0x28: {  	s29 =	sld [smem:$0x7F6];
	v3 =	vperm.xlane v3, v2  }
0x29: {  	[tilespmem:s3], [sflag:$0x1] =	stream.indirect_vreg.gather [hbm4b:s28+s9], $0x80, v4, vm0, $0xb8;
	[tilespmem:$0x1A470] =	vst v63  }
0x2a: {  	s30 =	simm.s32 $0x2070;
	s31 =	sld [smem:$0x7F7];
	v3 =	vadd.s32 v1, v3  }
0x2b: {  	[tilespmem:s30], [sflag:$0x1] =	stream.indirect_vreg.gather [hbm4b:s29+s9], $0x80, v4, vm0, $0xb8;
	[tilespmem:$0x1A470] =	vst v63  }
0x2c: {  	s5 =	simm.s32 $0x2870  }
0x2d: {  	[tilespmem:s5], [sflag:$0x1] =	stream.indirect_vreg.gather [hbm4b:s31+s9], $0x80, v4, vm0, $0xb8;
	[tilespmem:$0x1A470] =	vst v63  }
0x2e: {  	s6 =	simm.s32 $0x3070  }
0x2f: {  	[tilespmem:s6], [sflag:$0x1] =	stream.indirect_vreg.gather [hbm4b:s28+s9], $0x80, v3, vm0, $0xb8;
	[tilespmem:$0x1A470] =	vst v63  }
0x30: {  	s7 =	simm.s32 $0x3870  }
0x31: {  	[tilespmem:s7], [sflag:$0x1] =	stream.indirect_vreg.gather [hbm4b:s29+s9], $0x80, v3, vm0, $0xb8;
	[tilespmem:$0x1A470] =	vst v63  }
0x32: {  	s8 =	simm.s32 $0x4070  }
0x33: {  	[tilespmem:s8], [sflag:$0x1] =	stream.indirect_vreg.gather [hbm4b:s31+s9], $0x80, v3, vm0, $0xb8;
	[tilespmem:$0x1A470] =	vst v63  }
0x34: {  	v3 =	vld [tilespmem:$0x10];
	_ =	sdelay $0x4  }
0x35: {  	v61 =	vshrl.u32 v3, $0x3  }
0x36: {  	v4 =	vmul.u32 $0x30, v61  }
0x37: {  	v3 =	vand.u32 $0x7, v3  }
0x38: {  	v3 =	vor.u32 v3, v4  }
0x39: {  	v4 =	vperm.xlane v3, v0;
	_ =	sdelay $0x1  }
0x3a: {  	v4 =	vadd.s32 v1, v4;
	_ =	sdelay $0x3  }
0x3b: {  	s10 =	simm.s32 $0x4870;
	v3 =	vperm.xlane v3, v2  }
0x3c: {  	[tilespmem:s10], [sflag:$0x1] =	stream.indirect_vreg.gather [hbm4b:s28+s9], $0x80, v4, vm0, $0xb8;
	[tilespmem:$0x1A470] =	vst v63  }
0x3d: {  	s11 =	simm.s32 $0x5070;
	v3 =	vadd.s32 v1, v3  }
0x3e: {  	[tilespmem:s11], [sflag:$0x1] =	stream.indirect_vreg.gather [hbm4b:s29+s9], $0x80, v4, vm0, $0xb8;
	[tilespmem:$0x1A470] =	vst v63  }
0x3f: {  	s12 =	simm.s32 $0x5870  }
0x40: {  	[tilespmem:s12], [sflag:$0x1] =	stream.indirect_vreg.gather [hbm4b:s31+s9], $0x80, v4, vm0, $0xb8;
	[tilespmem:$0x1A470] =	vst v63  }
0x41: {  	s13 =	simm.s32 $0x6070  }
0x42: {  	[tilespmem:s13], [sflag:$0x1] =	stream.indirect_vreg.gather [hbm4b:s28+s9], $0x80, v3, vm0, $0xb8;
	[tilespmem:$0x1A470] =	vst v63  }
0x43: {  	s14 =	simm.s32 $0x6870  }
0x44: {  	[tilespmem:s14], [sflag:$0x1] =	stream.indirect_vreg.gather [hbm4b:s29+s9], $0x80, v3, vm0, $0xb8;
	[tilespmem:$0x1A470] =	vst v63  }
0x45: {  	s15 =	simm.s32 $0x7070  }
0x46: {  	[tilespmem:s15], [sflag:$0x1] =	stream.indirect_vreg.gather [hbm4b:s31+s9], $0x80, v3, vm0, $0xb8;
	[tilespmem:$0x1A470] =	vst v63  }
0x47: {  	s4 =	simm.s32 $0x19870;
	s16 =	rddreg [dreg:$0x3]  }
0x48: {  	[tilespmem:s4], [sflag:$0x9] =	stream.linear.gather [spmem:s16], $0x300, $0x38;
	[tilespmem:$0x1A470] =	vst v63  }
0x49: {  	v3 =	vld [tilespmem:$0x20];
	_ =	sdelay $0x4  }
0x4a: {  	v62 =	vshrl.u32 v3, $0x3  }
0x4b: {  	v4 =	vmul.u32 $0x30, v62  }
0x4c: {  	v3 =	vand.u32 $0x7, v3  }
0x4d: {  	v3 =	vor.u32 v3, v4  }
0x4e: {  	v4 =	vperm.xlane v3, v0;
	_ =	sdelay $0x1  }
0x4f: {  	v4 =	vadd.s32 v1, v4;
	_ =	sdelay $0x3  }
0x50: {  	s17 =	simm.s32 $0x7870;
	v3 =	vperm.xlane v3, v2  }
0x51: {  	[tilespmem:s17], [sflag:$0x2] =	stream.indirect_vreg.gather [hbm4b:s28+s9], $0x80, v4, vm0, $0xb8;
	[tilespmem:$0x1A470] =	vst v63  }
0x52: {  	s18 =	simm.s32 $0x8070;
	v3 =	vadd.s32 v1, v3  }
0x53: {  	[tilespmem:s18], [sflag:$0x2] =	stream.indirect_vreg.gather [hbm4b:s29+s9], $0x80, v4, vm0, $0xb8;
	[tilespmem:$0x1A470] =	vst v63  }
0x54: {  	s19 =	simm.s32 $0x8870  }
0x55: {  	[tilespmem:s19], [sflag:$0x2] =	stream.indirect_vreg.gather [hbm4b:s31+s9], $0x80, v4, vm0, $0xb8;
	[tilespmem:$0x1A470] =	vst v63  }
0x56: {  	s20 =	simm.s32 $0x9070  }
0x57: {  	[tilespmem:s20], [sflag:$0x2] =	stream.indirect_vreg.gather [hbm4b:s28+s9], $0x80, v3, vm0, $0xb8;
	[tilespmem:$0x1A470] =	vst v63  }
0x58: {  	s21 =	simm.s32 $0x9870  }
0x59: {  	[tilespmem:s21], [sflag:$0x2] =	stream.indirect_vreg.gather [hbm4b:s29+s9], $0x80, v3, vm0, $0xb8;
	[tilespmem:$0x1A470] =	vst v63  }
0x5a: {  	s22 =	simm.s32 $0xA070  }
0x5b: {  	[tilespmem:s22], [sflag:$0x2] =	stream.indirect_vreg.gather [hbm4b:s31+s9], $0x80, v3, vm0, $0xb8;
	[tilespmem:$0x1A470] =	vst v63  }
0x5c: {  	v3 =	vld [tilespmem:$0x30];
	_ =	sdelay $0x4  }
0x5d: {  	v63 =	vshrl.u32 v3, $0x3  }
0x5e: {  	v4 =	vmul.u32 $0x30, v63  }
0x5f: {  	v3 =	vand.u32 $0x7, v3  }
0x60: {  	v3 =	vor.u32 v3, v4  }
0x61: {  	v4 =	vperm.xlane v3, v0;
	_ =	sdelay $0x1  }
0x62: {  	v4 =	vadd.s32 v1, v4;
	_ =	sdelay $0x3  }
0x63: {  	s23 =	simm.s32 $0xA870;
	v3 =	vperm.xlane v3, v2  }
0x64: {  	[tilespmem:s23], [sflag:$0x2] =	stream.indirect_vreg.gather [hbm4b:s28+s9], $0x80, v4, vm0, $0xb8;
	[tilespmem:$0x1A470] =	vst v63  }
0x65: {  	s24 =	simm.s32 $0xB070;
	v3 =	vadd.s32 v1, v3  }
0x66: {  	[tilespmem:s24], [sflag:$0x2] =	stream.indirect_vreg.gather [hbm4b:s29+s9], $0x80, v4, vm0, $0xb8;
	[tilespmem:$0x1A470] =	vst v63  }
0x67: {  	s25 =	simm.s32 $0xB870  }
0x68: {  	[tilespmem:s25], [sflag:$0x2] =	stream.indirect_vreg.gather [hbm4b:s31+s9], $0x80, v4, vm0, $0xb8;
	[tilespmem:$0x1A470] =	vst v63  }
0x69: {  	s26 =	simm.s32 $0xC070  }
0x6a: {  	[tilespmem:s26], [sflag:$0x2] =	stream.indirect_vreg.gather [hbm4b:s28+s9], $0x80, v3, vm0, $0xb8;
	[tilespmem:$0x1A470] =	vst v63  }
0x6b: {  	s28 =	simm.s32 $0xC870  }
0x6c: {  	[tilespmem:s28], [sflag:$0x2] =	stream.indirect_vreg.gather [hbm4b:s29+s9], $0x80, v3, vm0, $0xb8;
	[tilespmem:$0x1A470] =	vst v63  }
0x6d: {  	s30 =	sld [smem:$0x7F8];
	s29 =	simm.s32 $0xD070  }
0x6e: {  	[tilespmem:s29], [sflag:$0x2] =	stream.indirect_vreg.gather [hbm4b:s31+s9], $0x80, v3, vm0, $0xb8;
	[tilespmem:$0x1A470] =	vst v63  }
0x6f: {  	s0 =	simm.s32 $0x0;
	s31 =	simm.s32 $0x19B70  }
0x70: {  	[tilespmem:s31], [sflag:$0xA] =	stream.linear.gather [spmem:s30], $0x300, $0x38;
	[tilespmem:$0x1A470] =	vst v63  }
.LBB2_2:
0x71: {  	p1 =	seq.s32 s0, $0x0  }
0x72: {  	[smem:$0x7F0] =	sst s0;
	s1 =	sshll.u32 s0, $0x2;
	s0 =	simm.s32 @!p1 $0x7  }
0x73: {  	s5 =	sor.u32 $0x2, s1;
	_ =	swait.ge @!p1 [sflag:s0], $0x6000  }
0x74: {  	[smem:$0x7F1] =	sst s1;
	[sflag:s0] =	ssyncset.done @!p1 $0x0;
	s1 =	sshll.u32 s5, $0x5  }
0x75: {  	[sflag:s0] =	ssyncadd.s32 @!p1 $0xFFFFA000;
	s16 =	sand.u32 $0x3FFFFFE0, s1  }
0x76: {  	v3 =	vld [tilespmem:s16+$0x0];
	_ =	sdelay $0x4  }
0x77: {  	v4 =	vshrl.u32 v3, $0x3  }
0x78: {  	v4 =	vmul.u32 $0x30, v4  }
0x79: {  	v3 =	vand.u32 $0x7, v3  }
0x7a: {  	v3 =	vor.u32 v3, v4  }
0x7b: {  	v4 =	vperm.xlane v3, v0;
	_ =	sdelay $0x1  }
0x7c: {  	v4 =	vadd.s32 v1, v4;
	_ =	sdelay $0x2  }
0x7d: {  	s18 =	sld [smem:$0x7F6]  }
0x7e: {  	s31 =	simm.s32 $0x0;
	s2 =	simm.s32 $0xD870;
	s17 =	rddreg [dreg:$0x0];
	v3 =	vperm.xlane v3, v2  }
0x7f: {  	[tilespmem:s2], [sflag:$0x3] =	stream.indirect_vreg.gather [hbm4b:s17+s31], $0x80, v4, vm0, $0xb8;
	[tilespmem:$0x1A470] =	vst v63  }
0x80: {  	s3 =	simm.s32 $0xE070;
	s19 =	sld [smem:$0x7F7];
	v3 =	vadd.s32 v1, v3  }
0x81: {  	[tilespmem:s3], [sflag:$0x3] =	stream.indirect_vreg.gather [hbm4b:s18+s31], $0x80, v4, vm0, $0xb8;
	[tilespmem:$0x1A470] =	vst v63  }
0x82: {  	s4 =	simm.s32 $0xE870  }
0x83: {  	[tilespmem:s4], [sflag:$0x3] =	stream.indirect_vreg.gather [hbm4b:s19+s31], $0x80, v4, vm0, $0xb8;
	[tilespmem:$0x1A470] =	vst v63  }
0x84: {  	s20 =	simm.s32 $0xF070  }
0x85: {  	[tilespmem:s20], [sflag:$0x3] =	stream.indirect_vreg.gather [hbm4b:s17+s31], $0x80, v3, vm0, $0xb8;
	[tilespmem:$0x1A470] =	vst v63  }
0x86: {  	s21 =	simm.s32 $0xF870  }
0x87: {  	[tilespmem:s21], [sflag:$0x3] =	stream.indirect_vreg.gather [hbm4b:s18+s31], $0x80, v3, vm0, $0xb8;
	[tilespmem:$0x1A470] =	vst v63  }
0x88: {  	s22 =	simm.s32 $0x10070  }
0x89: {  	[tilespmem:s22], [sflag:$0x3] =	stream.indirect_vreg.gather [hbm4b:s19+s31], $0x80, v3, vm0, $0xb8;
	[tilespmem:$0x1A470] =	vst v63  }
0x8a: {  	v3 =	vld [tilespmem:s16+$0x10];
	_ =	sdelay $0x4  }
0x8b: {  	v4 =	vshrl.u32 v3, $0x3  }
0x8c: {  	v4 =	vmul.u32 $0x30, v4  }
0x8d: {  	v3 =	vand.u32 $0x7, v3  }
0x8e: {  	v3 =	vor.u32 v3, v4  }
0x8f: {  	v4 =	vperm.xlane v3, v0;
	_ =	sdelay $0x1  }
0x90: {  	v4 =	vadd.s32 v1, v4;
	_ =	sdelay $0x3  }
0x91: {  	s23 =	simm.s32 $0x10870;
	v3 =	vperm.xlane v3, v2  }
0x92: {  	[tilespmem:s23], [sflag:$0x3] =	stream.indirect_vreg.gather [hbm4b:s17+s31], $0x80, v4, vm0, $0xb8;
	[tilespmem:$0x1A470] =	vst v63  }
0x93: {  	s24 =	simm.s32 $0x11070;
	v3 =	vadd.s32 v1, v3  }
0x94: {  	[tilespmem:s24], [sflag:$0x3] =	stream.indirect_vreg.gather [hbm4b:s18+s31], $0x80, v4, vm0, $0xb8;
	[tilespmem:$0x1A470] =	vst v63  }
0x95: {  	s25 =	simm.s32 $0x11870  }
0x96: {  	[tilespmem:s25], [sflag:$0x3] =	stream.indirect_vreg.gather [hbm4b:s19+s31], $0x80, v4, vm0, $0xb8;
	[tilespmem:$0x1A470] =	vst v63  }
0x97: {  	s26 =	simm.s32 $0x12070  }
0x98: {  	[tilespmem:s26], [sflag:$0x3] =	stream.indirect_vreg.gather [hbm4b:s17+s31], $0x80, v3, vm0, $0xb8;
	[tilespmem:$0x1A470] =	vst v63  }
0x99: {  	s29 =	simm.s32 $0x12870;
	s6 =	simm.s32 $0x1;
	s30 =	smul.u32 $0xC00, s5  }
0x9a: {  	[tilespmem:s29], [sflag:$0x3] =	stream.indirect_vreg.gather [hbm4b:s18+s31], $0x80, v3, vm0, $0xb8;
	[tilespmem:$0x1A470] =	vst v63  }
0x9b: {  	s0 =	sshra.s32 s30, $0x2;
	s2 =	simm.s32 $0x13070;
	s4 =	rddreg [dreg:$0x3]  }
0x9c: {  	[tilespmem:s2], [sflag:$0x3] =	stream.indirect_vreg.gather [hbm4b:s19+s31], $0x80, v3, vm0, $0xb8;
	[tilespmem:$0x1A470] =	vst v63  }
0x9d: {  	[smem:$0x7F2] =	sst s5;
	s5 =	simm.s32 $0x19E70;
	s0 =	sadd.s32 s0, s4  }
0x9e: {  	[tilespmem:s5], [sflag:$0xB] =	stream.linear.gather [spmem:s0], $0x300, $0x38;
	[tilespmem:$0x1A470] =	vst v63  }
0x9f: {  	_ =	swait.ge [sflag:s6], $0x6000  }
0xa0: {  	[sflag:s6] =	ssyncset.done $0x0  }
0xa1: {  	s7 =	simm.s32 $0x9;
	[sflag:s6] =	ssyncadd.s32 $0xFFFFA000  }
0xa2: {  	_ =	swait.ge [sflag:s7], $0x300  }
0xa3: {  	[sflag:s7] =	ssyncset.done $0x0  }
0xa4: {  	s8 =	simm.s32 $0x19870;
	[sflag:s7] =	ssyncadd.s32 $0xFFFFFD00  }
0xa5: {  	v3 =	vld [tilespmem:s8+$0x0];
	_ =	sdelay $0x1  }
0xa6: {  	s14 =	sand.u32 $0x1C00, s31  }
0xa7: {  	s1 =	sadd.s32 $0x1870, s14;
	s21 =	sand.u32 $0x60, s31  }
0xa8: {  	s9 =	sadd.s32 s21, s1  }
0xa9: {  	[tilespmem:s9+$0x0] =	vst.add.f32.msk $0xffff, v3  }
0xaa: {  	s10 =	sor.u32 $0x100, s9;
	[tilespmem:s9+$0x80] =	vst.add.f32.msk $0xffff, v3  }
0xab: {  	s11 =	sand.u32 $0x3, s31;
	[tilespmem:s10+$0x0] =	vst.add.f32.msk $0xffff, v3  }
0xac: {  	s12 =	sshll.u32 s11, $0x5;
	s13 =	sor.u32 $0x200, s9;
	[tilespmem:s9+$0x180] =	vst.add.f32.msk $0xffff, v3  }
0xad: {  	s6 =	sadd.s32 $0x0, s12;
	[tilespmem:s13+$0x0] =	vst.add.f32.msk $0xffff, v3  }
0xae: {  	s15 =	sor.u32 s31, s31;
	s2 =	sor.u32 $0x300, s6;
	[tilespmem:s9+$0x280] =	vst.add.f32.msk $0xffff, v3  }
0xaf: {  	s16 =	sor.u32 $0x380, s15;
	s10 =	sadd.s32 $0x3070, s14;
	[tilespmem:s2+$0x1870] =	vst.add.f32.msk $0xffff, v3  }
0xb0: {  	s5 =	sadd.s32 $0x30F0, s14;
	s17 =	sadd.s32 s21, s10;
	[tilespmem:s16+$0x1870] =	vst.add.f32.msk $0xffff, v3  }
0xb1: {  	s18 =	sadd.s32 s21, s5;
	s12 =	sadd.s32 $0x3170, s14;
	[tilespmem:s17+$0x0] =	vst.add.f32.msk $0xffff, v3  }
0xb2: {  	s4 =	sadd.s32 $0x31F0, s14;
	s19 =	sadd.s32 s21, s12;
	[tilespmem:s18+$0x0] =	vst.add.f32.msk $0xffff, v3  }
0xb3: {  	s20 =	sadd.s32 s21, s4;
	s13 =	sadd.s32 $0x3270, s14;
	[tilespmem:s19+$0x0] =	vst.add.f32.msk $0xffff, v3  }
0xb4: {  	s15 =	sadd.s32 $0x32F0, s14;
	s22 =	sadd.s32 s21, s13;
	[tilespmem:s20+$0x0] =	vst.add.f32.msk $0xffff, v3  }
0xb5: {  	s23 =	sadd.s32 s21, s15;
	s16 =	sadd.s32 $0x3370, s14;
	[tilespmem:s22+$0x0] =	vst.add.f32.msk $0xffff, v3  }
0xb6: {  	s2 =	sadd.s32 $0x33F0, s14;
	s24 =	sadd.s32 s21, s16;
	[tilespmem:s23+$0x0] =	vst.add.f32.msk $0xffff, v3  }
0xb7: {  	s25 =	sadd.s32 s21, s2;
	s17 =	sadd.s32 $0x4870, s14;
	[tilespmem:s24+$0x0] =	vst.add.f32.msk $0xffff, v3  }
0xb8: {  	s26 =	sadd.s32 s21, s17;
	s18 =	sadd.s32 $0x48F0, s14;
	[tilespmem:s25+$0x0] =	vst.add.f32.msk $0xffff, v3  }
0xb9: {  	s29 =	sadd.s32 s21, s18;
	s19 =	sadd.s32 $0x4970, s14;
	[tilespmem:s26+$0x0] =	vst.add.f32.msk $0xffff, v3  }
0xba: {  	s7 =	sadd.s32 s21, s19;
	s24 =	sadd.s32 $0x49F0, s14;
	[tilespmem:s29+$0x0] =	vst.add.f32.msk $0xffff, v3  }
0xbb: {  	s3 =	sadd.s32 $0x4A70, s14;
	s30 =	sadd.s32 s21, s24;
	[tilespmem:s7+$0x0] =	vst.add.f32.msk $0xffff, v3  }
0xbc: {  	s8 =	sadd.s32 s21, s3;
	s25 =	sadd.s32 $0x4AF0, s14;
	[tilespmem:s30+$0x0] =	vst.add.f32.msk $0xffff, v3  }
0xbd: {  	s26 =	sadd.s32 $0x4B70, s14;
	s9 =	sadd.s32 s21, s25;
	[tilespmem:s8+$0x0] =	vst.add.f32.msk $0xffff, v3  }
0xbe: {  	s7 =	sadd.s32 $0x4BF0, s14;
	s8 =	sadd.s32 s21, s26;
	[tilespmem:s9+$0x0] =	vst.add.f32.msk $0xffff, v3  }
0xbf: {  	s28 =	sor.u32 $0x6070, s14;
	s11 =	sadd.s32 s21, s7;
	[tilespmem:s8+$0x0] =	vst.add.f32.msk $0xffff, v3  }
0xc0: {  	s20 =	sadd.s32 s21, s28;
	s9 =	sor.u32 $0x60F0, s14;
	[tilespmem:s11+$0x0] =	vst.add.f32.msk $0xffff, v3  }
0xc1: {  	s0 =	sor.u32 $0x6170, s14;
	s22 =	sadd.s32 s21, s9;
	[tilespmem:s20+$0x0] =	vst.add.f32.msk $0xffff, v3  }
0xc2: {  	s23 =	sadd.s32 s21, s0;
	[tilespmem:s22+$0x0] =	vst.add.f32.msk $0xffff, v3;
	s22 =	sor.u32 $0x61F0, s14  }
0xc3: {  	s20 =	sor.u32 $0x6270, s14;
	[tilespmem:s23+$0x0] =	vst.add.f32.msk $0xffff, v3;
	s29 =	sadd.s32 s21, s22  }
0xc4: {  	s30 =	sadd.s32 s21, s20;
	s23 =	sor.u32 $0x62F0, s14;
	[tilespmem:s29+$0x0] =	vst.add.f32.msk $0xffff, v3  }
0xc5: {  	s8 =	sor.u32 $0x6370, s14;
	s29 =	sadd.s32 s21, s23;
	[tilespmem:s30+$0x0] =	vst.add.f32.msk $0xffff, v3  }
0xc6: {  	s11 =	sadd.s32 s21, s8;
	s30 =	sor.u32 $0x63F0, s14;
	[tilespmem:s29+$0x0] =	vst.add.f32.msk $0xffff, v3  }
0xc7: {  	s14 =	sadd.s32 s21, s30;
	s21 =	sor.u32 $0x10, s21;
	[tilespmem:s11+$0x0] =	vst.add.f32.msk $0xffff, v3;
	s11 =	sand.u32 $0x380, s31  }
0xc8: {  	[tilespmem:s14+$0x0] =	vst.add.f32.msk $0xffff, v3;
	s14 =	sor.u32 s21, s11  }
0xc9: {  	v3 =	vld [tilespmem:s14+$0x19870];
	_ =	sdelay $0x3  }
0xca: {  	s1 =	sadd.s32 s21, s1  }
0xcb: {  	[tilespmem:s1+$0x0] =	vst.add.f32.msk $0xffff, v3  }
0xcc: {  	s11 =	sor.u32 $0x100, s1;
	[tilespmem:s1+$0x80] =	vst.add.f32.msk $0xffff, v3  }
0xcd: {  	[tilespmem:s11+$0x0] =	vst.add.f32.msk $0xffff, v3  }
0xce: {  	s14 =	sor.u32 $0x200, s1;
	[tilespmem:s1+$0x180] =	vst.add.f32.msk $0xffff, v3  }
0xcf: {  	s6 =	sadd.s32 $0x10, s6;
	[tilespmem:s14+$0x0] =	vst.add.f32.msk $0xffff, v3  }
0xd0: {  	s29 =	sor.u32 $0x300, s6;
	[tilespmem:s1+$0x280] =	vst.add.f32.msk $0xffff, v3  }
0xd1: {  	s6 =	sor.u32 $0x380, s6;
	[tilespmem:s29+$0x1870] =	vst.add.f32.msk $0xffff, v3  }
0xd2: {  	s11 =	sadd.s32 s21, s10;
	[tilespmem:s6+$0x1870] =	vst.add.f32.msk $0xffff, v3  }
0xd3: {  	s14 =	sadd.s32 s21, s5;
	[tilespmem:s11+$0x0] =	vst.add.f32.msk $0xffff, v3  }
0xd4: {  	s29 =	sadd.s32 s21, s12;
	[tilespmem:s14+$0x0] =	vst.add.f32.msk $0xffff, v3  }
0xd5: {  	s4 =	sadd.s32 s21, s4;
	[tilespmem:s29+$0x0] =	vst.add.f32.msk $0xffff, v3  }
0xd6: {  	s5 =	sadd.s32 s21, s13;
	[tilespmem:s4+$0x0] =	vst.add.f32.msk $0xffff, v3  }
0xd7: {  	s6 =	sadd.s32 s21, s15;
	[tilespmem:s5+$0x0] =	vst.add.f32.msk $0xffff, v3  }
0xd8: {  	s10 =	sadd.s32 s21, s16;
	[tilespmem:s6+$0x0] =	vst.add.f32.msk $0xffff, v3  }
0xd9: {  	s11 =	sadd.s32 s21, s2;
	[tilespmem:s10+$0x0] =	vst.add.f32.msk $0xffff, v3  }
0xda: {  	s12 =	sadd.s32 s21, s17;
	[tilespmem:s11+$0x0] =	vst.add.f32.msk $0xffff, v3  }
0xdb: {  	s13 =	sadd.s32 s21, s18;
	[tilespmem:s12+$0x0] =	vst.add.f32.msk $0xffff, v3  }
0xdc: {  	s14 =	sadd.s32 s21, s19;
	[tilespmem:s13+$0x0] =	vst.add.f32.msk $0xffff, v3  }
0xdd: {  	s15 =	sadd.s32 s21, s24;
	[tilespmem:s14+$0x0] =	vst.add.f32.msk $0xffff, v3  }
0xde: {  	s16 =	sadd.s32 s21, s3;
	[tilespmem:s15+$0x0] =	vst.add.f32.msk $0xffff, v3  }
0xdf: {  	s17 =	sadd.s32 s21, s25;
	[tilespmem:s16+$0x0] =	vst.add.f32.msk $0xffff, v3  }
0xe0: {  	s18 =	sadd.s32 s21, s26;
	[tilespmem:s17+$0x0] =	vst.add.f32.msk $0xffff, v3  }
0xe1: {  	s19 =	sadd.s32 s21, s7;
	[tilespmem:s18+$0x0] =	vst.add.f32.msk $0xffff, v3  }
0xe2: {  	s24 =	sadd.s32 s21, s28;
	[tilespmem:s19+$0x0] =	vst.add.f32.msk $0xffff, v3  }
0xe3: {  	s25 =	sadd.s32 s21, s9;
	[tilespmem:s24+$0x0] =	vst.add.f32.msk $0xffff, v3  }
0xe4: {  	s0 =	sadd.s32 s21, s0;
	[tilespmem:s25+$0x0] =	vst.add.f32.msk $0xffff, v3  }
0xe5: {  	s26 =	sadd.s32 s21, s22;
	s1 =	sadd.s32 s21, s8;
	s28 =	simm.s32 $0x0;
	[tilespmem:s0+$0x0] =	vst.add.f32.msk $0xffff, v3  }
0xe6: {  	s2 =	sadd.s32 s21, s23;
	s29 =	sadd.s32 s21, s20;
	s4 =	sadd.s32 s21, s30;
	[tilespmem:s26+$0x0] =	vst.add.f32.msk $0xffff, v3  }
0xe7: {  	s5 =	simm.s32 $0x0;
	s25 =	simm.s32 $0x20;
	s0 =	simm.s32 $0x19890;
	[tilespmem:s29+$0x0] =	vst.add.f32.msk $0xffff, v3  }
.LBB2_3:
0xe8: {  	[tilespmem:s2+$0x0] =	vst.add.f32.msk $0xffff, v3  }
0xe9: {  	[tilespmem:s1+$0x0] =	vst.add.f32.msk $0xffff, v3  }
0xea: {  	[tilespmem:s4+$0x0] =	vst.add.f32.msk $0xffff, v3  }
0xeb: {  	v3 =	vld [tilespmem:s0+$0x0]  }
0xec: {  	s31 =	sadd.s32 $0x100, s31  }
0xed: {  	s19 =	sand.u32 $0x1C00, s31  }
0xee: {  	s6 =	sand.u32 $0x60, s25;
	s16 =	sadd.s32 $0x1870, s19  }
0xef: {  	[dreg:$0xf] =	wrdreg s0;
	s0 =	sadd.s32 s6, s16  }
0xf0: {  	[tilespmem:s0+$0x0] =	vst.add.f32.msk $0xffff, v3  }
0xf1: {  	s28 =	sadd.s32 $0x1, s28;
	s3 =	sor.u32 $0x100, s0;
	[tilespmem:s0+$0x80] =	vst.add.f32.msk $0xffff, v3  }
0xf2: {  	s22 =	sand.u32 $0x3, s28;
	[tilespmem:s3+$0x0] =	vst.add.f32.msk $0xffff, v3  }
0xf3: {  	s4 =	sshll.u32 s22, $0x5;
	s24 =	sor.u32 $0x200, s0;
	[tilespmem:s0+$0x180] =	vst.add.f32.msk $0xffff, v3  }
0xf4: {  	s7 =	sadd.s32 s4, s31;
	[tilespmem:s24+$0x0] =	vst.add.f32.msk $0xffff, v3  }
0xf5: {  	s10 =	sor.u32 s31, s25;
	s30 =	sor.u32 $0x300, s7;
	[tilespmem:s0+$0x280] =	vst.add.f32.msk $0xffff, v3  }
0xf6: {  	s11 =	sor.u32 $0x380, s10;
	s12 =	sadd.s32 $0x3070, s19;
	[tilespmem:s30+$0x1870] =	vst.add.f32.msk $0xffff, v3  }
0xf7: {  	s17 =	sadd.s32 $0x30F0, s19;
	s13 =	sadd.s32 s6, s12;
	[tilespmem:s11+$0x1870] =	vst.add.f32.msk $0xffff, v3  }
0xf8: {  	s20 =	sadd.s32 $0x3170, s19;
	s18 =	sadd.s32 s6, s17;
	[tilespmem:s13+$0x0] =	vst.add.f32.msk $0xffff, v3  }
0xf9: {  	s21 =	sadd.s32 $0x31F0, s19;
	s8 =	sadd.s32 s6, s20;
	[tilespmem:s18+$0x0] =	vst.add.f32.msk $0xffff, v3  }
0xfa: {  	s23 =	sadd.s32 $0x3270, s19;
	s9 =	sadd.s32 s6, s21;
	[tilespmem:s8+$0x0] =	vst.add.f32.msk $0xffff, v3  }
0xfb: {  	s26 =	sadd.s32 $0x32F0, s19;
	[smem:$0x7E8] =	sst s20;
	s20 =	sadd.s32 s6, s23;
	[tilespmem:s9+$0x0] =	vst.add.f32.msk $0xffff, v3  }
0xfc: {  	s29 =	sadd.s32 $0x3370, s19;
	[smem:$0x7E9] =	sst s21;
	s21 =	sadd.s32 s6, s26;
	[tilespmem:s20+$0x0] =	vst.add.f32.msk $0xffff, v3  }
0xfd: {  	s14 =	sadd.s32 $0x33F0, s19;
	s22 =	sadd.s32 s6, s29;
	[tilespmem:s21+$0x0] =	vst.add.f32.msk $0xffff, v3  }
0xfe: {  	s15 =	sadd.s32 $0x4870, s19;
	[smem:$0x7ED] =	sst s29;
	s29 =	sadd.s32 s6, s14;
	[tilespmem:s22+$0x0] =	vst.add.f32.msk $0xffff, v3  }
0xff: {  	[smem:$0x7E6] =	sst s16;
	s16 =	sadd.s32 $0x48F0, s19;
	s11 =	sadd.s32 s6, s15;
	[tilespmem:s29+$0x0] =	vst.add.f32.msk $0xffff, v3  }
0x100: {  	s5 =	sadd.s32 $0x2, s5;
	s4 =	sadd.s32 $0x4970, s19;
	s30 =	sadd.s32 s6, s16;
	[tilespmem:s11+$0x0] =	vst.add.f32.msk $0xffff, v3  }
0x101: {  	[dreg:$0xa] =	wrdreg s5;
	s10 =	sadd.s32 $0x49F0, s19;
	s1 =	sadd.s32 s6, s4;
	[tilespmem:s30+$0x0] =	vst.add.f32.msk $0xffff, v3  }
0x102: {  	[dreg:$0x18] =	wrdreg s17;
	s17 =	sadd.s32 $0x4A70, s19;
	s24 =	sadd.s32 s6, s10;
	[tilespmem:s1+$0x0] =	vst.add.f32.msk $0xffff, v3  }
0x103: {  	[smem:$0x7EC] =	sst s16;
	s3 =	sadd.s32 $0x4AF0, s19;
	s16 =	sadd.s32 s6, s17;
	[tilespmem:s24+$0x0] =	vst.add.f32.msk $0xffff, v3  }
0x104: {  	p2 =	slt.u32 s5, $0x2E;
	s2 =	sadd.s32 $0x4B70, s19;
	s9 =	sadd.s32 s6, s3;
	[tilespmem:s16+$0x0] =	vst.add.f32.msk $0xffff, v3  }
0x105: {  	[smem:$0x7EA] =	sst s23;
	s5 =	sadd.s32 s6, s2;
	s13 =	sadd.s32 $0x4BF0, s19;
	[tilespmem:s9+$0x0] =	vst.add.f32.msk $0xffff, v3  }
0x106: {  	[smem:$0x7EE] =	sst s14;
	s23 =	sor.u32 $0x6070, s19;
	s14 =	sadd.s32 s6, s13;
	[tilespmem:s5+$0x0] =	vst.add.f32.msk $0xffff, v3  }
0x107: {  	[smem:$0x7EB] =	sst s15;
	s0 =	sor.u32 $0x60F0, s19;
	s15 =	sadd.s32 s6, s23;
	[tilespmem:s14+$0x0] =	vst.add.f32.msk $0xffff, v3  }
0x108: {  	[smem:$0x7EF] =	sst s17;
	s17 =	sadd.s32 s6, s0;
	s20 =	sor.u32 $0x6170, s19;
	[tilespmem:s15+$0x0] =	vst.add.f32.msk $0xffff, v3  }
0x109: {  	[dreg:$0x1d] =	wrdreg s26;
	s26 =	sadd.s32 s6, s20;
	s22 =	sor.u32 $0x61F0, s19;
	[tilespmem:s17+$0x0] =	vst.add.f32.msk $0xffff, v3  }
0x10a: {  	s8 =	sor.u32 $0x6270, s19;
	s18 =	sadd.s32 s6, s22;
	[tilespmem:s26+$0x0] =	vst.add.f32.msk $0xffff, v3  }
0x10b: {  	[dreg:$0x6] =	wrdreg s31;
	s31 =	sadd.s32 s6, s8;
	s21 =	sor.u32 $0x62F0, s19;
	[tilespmem:s18+$0x0] =	vst.add.f32.msk $0xffff, v3  }
0x10c: {  	s29 =	sor.u32 $0x6370, s19;
	s19 =	sor.u32 $0x63F0, s19;
	s11 =	sadd.s32 s6, s21;
	[tilespmem:s31+$0x0] =	vst.add.f32.msk $0xffff, v3  }
0x10d: {  	[smem:$0x7E7] =	sst s12;
	s12 =	sadd.s32 s6, s19;
	s30 =	sadd.s32 s6, s29;
	[tilespmem:s11+$0x0] =	vst.add.f32.msk $0xffff, v3  }
0x10e: {  	s24 =	sld [smem:$0x7E6];
	s15 =	sor.u32 $0x10, s6;
	s18 =	sand.u32 $0x380, s25;
	[tilespmem:s30+$0x0] =	vst.add.f32.msk $0xffff, v3  }
0x10f: {  	s9 =	sld [smem:$0x7EA];
	s1 =	sor.u32 s15, s18;
	[tilespmem:s12+$0x0] =	vst.add.f32.msk $0xffff, v3  }
0x110: {  	s14 =	sld [smem:$0x7EC];
	v3 =	vld [tilespmem:s1+$0x19870]  }
0x111: {  	s6 =	sld [smem:$0x7E9]  }
0x112: {  	s26 =	sld [smem:$0x7E7]  }
0x113: {  	s11 =	sld [smem:$0x7EB]  }
0x114: {  	s16 =	sadd.s32 s15, s24;
	s18 =	sadd.s32 s15, s6;
	s30 =	sld [smem:$0x7E8]  }
0x115: {  	s6 =	sadd.s32 s15, s3;
	s3 =	sadd.s32 s15, s22;
	s17 =	sadd.s32 s15, s26;
	[tilespmem:s16+$0x0] =	vst.add.f32.msk $0xffff, v3  }
0x116: {  	s26 =	sadd.s32 s15, s11;
	s11 =	sadd.s32 s15, s4;
	s4 =	sor.u32 $0x100, s16;
	[tilespmem:s16+$0x80] =	vst.add.f32.msk $0xffff, v3  }
0x117: {  	s22 =	rddreg [dreg:$0x1d];
	s12 =	sadd.s32 s15, s30;
	s30 =	sadd.s32 s15, s14;
	[tilespmem:s4+$0x0] =	vst.add.f32.msk $0xffff, v3  }
0x118: {  	s14 =	sadd.s32 s15, s20;
	s20 =	sadd.s32 s15, s22;
	s22 =	sor.u32 $0x200, s16;
	[tilespmem:s16+$0x180] =	vst.add.f32.msk $0xffff, v3  }
0x119: {  	s7 =	sadd.s32 $0x10, s7;
	[tilespmem:s22+$0x0] =	vst.add.f32.msk $0xffff, v3  }
0x11a: {  	s4 =	sadd.s32 s15, s19;
	s19 =	sor.u32 $0x300, s7;
	[tilespmem:s16+$0x280] =	vst.add.f32.msk $0xffff, v3  }
0x11b: {  	s24 =	sadd.s32 s15, s9;
	s9 =	sadd.s32 s15, s2;
	s7 =	sor.u32 $0x380, s7;
	[tilespmem:s19+$0x1870] =	vst.add.f32.msk $0xffff, v3  }
0x11c: {  	s2 =	sadd.s32 s15, s21;
	s21 =	rddreg [dreg:$0x18];
	s31 =	sadd.s32 s15, s10;
	[tilespmem:s7+$0x1870] =	vst.add.f32.msk $0xffff, v3  }
0x11d: {  	s10 =	sadd.s32 s15, s0;
	s0 =	sadd.s32 s15, s8;
	s8 =	sadd.s32 s15, s21;
	[tilespmem:s17+$0x0] =	vst.add.f32.msk $0xffff, v3  }
0x11e: {  	[tilespmem:s8+$0x0] =	vst.add.f32.msk $0xffff, v3  }
0x11f: {  	s5 =	sadd.s32 s15, s13;
	s13 =	sadd.s32 s15, s23;
	s23 =	sld [smem:$0x7ED];
	[tilespmem:s12+$0x0] =	vst.add.f32.msk $0xffff, v3  }
0x120: {  	s1 =	sadd.s32 s15, s29;
	s29 =	sld [smem:$0x7EE];
	[tilespmem:s18+$0x0] =	vst.add.f32.msk $0xffff, v3  }
0x121: {  	[tilespmem:s24+$0x0] =	vst.add.f32.msk $0xffff, v3  }
0x122: {  	s21 =	sadd.s32 s15, s23;
	[tilespmem:s20+$0x0] =	vst.add.f32.msk $0xffff, v3  }
0x123: {  	s23 =	sadd.s32 s15, s29;
	[tilespmem:s21+$0x0] =	vst.add.f32.msk $0xffff, v3  }
0x124: {  	[tilespmem:s23+$0x0] =	vst.add.f32.msk $0xffff, v3  }
0x125: {  	s29 =	sld [smem:$0x7EF];
	[tilespmem:s26+$0x0] =	vst.add.f32.msk $0xffff, v3  }
0x126: {  	[tilespmem:s30+$0x0] =	vst.add.f32.msk $0xffff, v3  }
0x127: {  	[tilespmem:s11+$0x0] =	vst.add.f32.msk $0xffff, v3  }
0x128: {  	s29 =	sadd.s32 s15, s29;
	[tilespmem:s31+$0x0] =	vst.add.f32.msk $0xffff, v3  }
0x129: {  	[tilespmem:s29+$0x0] =	vst.add.f32.msk $0xffff, v3  }
0x12a: {  	[tilespmem:s6+$0x0] =	vst.add.f32.msk $0xffff, v3  }
0x12b: {  	[tilespmem:s9+$0x0] =	vst.add.f32.msk $0xffff, v3  }
0x12c: {  	[tilespmem:s5+$0x0] =	vst.add.f32.msk $0xffff, v3  }
.Ltmp0:
0x12d: {  	[tilespmem:s13+$0x0] =	vst.add.f32.msk $0xffff, v3;
	(pc) =	sbr.rel @p2 .LBB2_3-.Ltmp0, $4  }
0x12e: {  	[tilespmem:s10+$0x0] =	vst.add.f32.msk $0xffff, v3  }
0x12f: {  	s30 =	rddreg [dreg:$0xf];
	[tilespmem:s14+$0x0] =	vst.add.f32.msk $0xffff, v3  }
0x130: {  	s31 =	rddreg [dreg:$0x6];
	[tilespmem:s3+$0x0] =	vst.add.f32.msk $0xffff, v3  }
0x131: {  	s25 =	sadd.s32 $0x20, s25;
	s5 =	rddreg [dreg:$0xa];
	[tilespmem:s0+$0x0] =	vst.add.f32.msk $0xffff, v3;
	s0 =	sadd.s32 $0x20, s30  }
0x132: {  	s0 =	sld [smem:$0x7F0];
	_ =	sdelay $0x1  }
0x133: {  	s13 =	sld [smem:$0x7F9]  }
0x134: {  	s3 =	smul.u32 $0x300000, s0;
	_ =	sdelay $0x1  }
0x135: {  	[tilespmem:s2+$0x0] =	vst.add.f32.msk $0xffff, v3;
	s0 =	sor.u32 s13, s3  }
0x136: {  	s14 =	rddreg [dreg:$0x2];
	[tilespmem:s1+$0x0] =	vst.add.f32.msk $0xffff, v3;
	s0 =	sshrl.u32 s0, $0x3  }
0x137: {  	s15 =	simm.s32 $0x0;
	s16 =	simm.s32 $0x1870;
	[tilespmem:s4+$0x0] =	vst.add.f32.msk $0xffff, v3;
	s0 =	sadd.s32 s14, s0  }
0x138: {  	[hbm4b:s0+s15] =	stream.linear.scatter [tilespmem:s16], [sflag:$0x5], $0x6000, $0x38;
	[tilespmem:$0x1A470] =	vst v63  }
0x139: {  	[smem:$0x7E4] =	sst s3;
	s0 =	simm.s32 @!p1 $0x8  }
0x13a: {  	_ =	swait.ge @!p1 [sflag:s0], $0x6000  }
0x13b: {  	s17 =	sld [smem:$0x7F1];
	_ =	sdelay $0x2  }
0x13c: {  	s5 =	sor.u32 $0x3, s17  }
0x13d: {  	[sflag:s0] =	ssyncset.done @!p1 $0x0;
	s1 =	sshll.u32 s5, $0x5  }
0x13e: {  	[sflag:s0] =	ssyncadd.s32 @!p1 $0xFFFFA000;
	s18 =	sand.u32 $0x3FFFFFE0, s1  }
0x13f: {  	v3 =	vld [tilespmem:s18+$0x0];
	_ =	sdelay $0x4  }
0x140: {  	v4 =	vshrl.u32 v3, $0x3  }
0x141: {  	v4 =	vmul.u32 $0x30, v4  }
0x142: {  	v3 =	vand.u32 $0x7, v3  }
0x143: {  	v3 =	vor.u32 v3, v4  }
0x144: {  	v4 =	vperm.xlane v3, v0;
	_ =	sdelay $0x1  }
0x145: {  	v4 =	vadd.s32 v1, v4;
	_ =	sdelay $0x2  }
0x146: {  	s21 =	sld [smem:$0x7F6]  }
0x147: {  	s20 =	simm.s32 $0x13870;
	s15 =	simm.s32 $0x0;
	s19 =	rddreg [dreg:$0x0];
	v3 =	vperm.xlane v3, v2  }
0x148: {  	[tilespmem:s20], [sflag:$0x4] =	stream.indirect_vreg.gather [hbm4b:s19+s15], $0x80, v4, vm0, $0xb8;
	[tilespmem:$0x1A470] =	vst v63  }
0x149: {  	s22 =	simm.s32 $0x14070;
	s23 =	sld [smem:$0x7F7];
	v3 =	vadd.s32 v1, v3  }
0x14a: {  	[tilespmem:s22], [sflag:$0x4] =	stream.indirect_vreg.gather [hbm4b:s21+s15], $0x80, v4, vm0, $0xb8;
	[tilespmem:$0x1A470] =	vst v63  }
0x14b: {  	s24 =	simm.s32 $0x14870  }
0x14c: {  	[tilespmem:s24], [sflag:$0x4] =	stream.indirect_vreg.gather [hbm4b:s23+s15], $0x80, v4, vm0, $0xb8;
	[tilespmem:$0x1A470] =	vst v63  }
0x14d: {  	s25 =	simm.s32 $0x15070  }
0x14e: {  	[tilespmem:s25], [sflag:$0x4] =	stream.indirect_vreg.gather [hbm4b:s19+s15], $0x80, v3, vm0, $0xb8;
	[tilespmem:$0x1A470] =	vst v63  }
0x14f: {  	s26 =	simm.s32 $0x15870  }
0x150: {  	[tilespmem:s26], [sflag:$0x4] =	stream.indirect_vreg.gather [hbm4b:s21+s15], $0x80, v3, vm0, $0xb8;
	[tilespmem:$0x1A470] =	vst v63  }
0x151: {  	s29 =	simm.s32 $0x16070  }
0x152: {  	[tilespmem:s29], [sflag:$0x4] =	stream.indirect_vreg.gather [hbm4b:s23+s15], $0x80, v3, vm0, $0xb8;
	[tilespmem:$0x1A470] =	vst v63  }
0x153: {  	v3 =	vld [tilespmem:s18+$0x10];
	_ =	sdelay $0x4  }
0x154: {  	v4 =	vshrl.u32 v3, $0x3  }
0x155: {  	v4 =	vmul.u32 $0x30, v4  }
0x156: {  	v3 =	vand.u32 $0x7, v3  }
0x157: {  	v3 =	vor.u32 v3, v4  }
0x158: {  	v4 =	vperm.xlane v3, v0;
	_ =	sdelay $0x1  }
0x159: {  	v4 =	vadd.s32 v1, v4;
	_ =	sdelay $0x3  }
0x15a: {  	s30 =	simm.s32 $0x16870;
	v3 =	vperm.xlane v3, v2  }
0x15b: {  	[tilespmem:s30], [sflag:$0x4] =	stream.indirect_vreg.gather [hbm4b:s19+s15], $0x80, v4, vm0, $0xb8;
	[tilespmem:$0x1A470] =	vst v63  }
0x15c: {  	s31 =	simm.s32 $0x17070;
	v3 =	vadd.s32 v1, v3  }
0x15d: {  	[tilespmem:s31], [sflag:$0x4] =	stream.indirect_vreg.gather [hbm4b:s21+s15], $0x80, v4, vm0, $0xb8;
	[tilespmem:$0x1A470] =	vst v63  }
0x15e: {  	s4 =	simm.s32 $0x17870  }
0x15f: {  	[tilespmem:s4], [sflag:$0x4] =	stream.indirect_vreg.gather [hbm4b:s23+s15], $0x80, v4, vm0, $0xb8;
	[tilespmem:$0x1A470] =	vst v63  }
0x160: {  	s6 =	simm.s32 $0x18070  }
0x161: {  	[tilespmem:s6], [sflag:$0x4] =	stream.indirect_vreg.gather [hbm4b:s19+s15], $0x80, v3, vm0, $0xb8;
	[tilespmem:$0x1A470] =	vst v63  }
0x162: {  	s7 =	simm.s32 $0x18870;
	s9 =	simm.s32 $0x19070;
	s8 =	smul.u32 $0xC00, s5  }
0x163: {  	[tilespmem:s7], [sflag:$0x4] =	stream.indirect_vreg.gather [hbm4b:s21+s15], $0x80, v3, vm0, $0xb8;
	[tilespmem:$0x1A470] =	vst v63  }
0x164: {  	s11 =	simm.s32 $0x1A170;
	s10 =	rddreg [dreg:$0x3];
	s0 =	sshra.s32 s8, $0x2  }
0x165: {  	[tilespmem:s9], [sflag:$0x4] =	stream.indirect_vreg.gather [hbm4b:s23+s15], $0x80, v3, vm0, $0xb8;
	[tilespmem:$0x1A470] =	vst v63  }
0x166: {  	s12 =	simm.s32 $0x2;
	[smem:$0x7E5] =	sst s5;
	s0 =	sadd.s32 s0, s10  }
0x167: {  	[tilespmem:s11], [sflag:$0xC] =	stream.linear.gather [spmem:s0], $0x300, $0x38;
	[tilespmem:$0x1A470] =	vst v63  }
0x168: {  	_ =	swait.ge [sflag:s12], $0x6000  }
0x169: {  	[sflag:s12] =	ssyncset.done $0x0  }
0x16a: {  	s13 =	simm.s32 $0xA;
	[sflag:s12] =	ssyncadd.s32 $0xFFFFA000  }
0x16b: {  	_ =	swait.ge [sflag:s13], $0x300  }
0x16c: {  	[sflag:s13] =	ssyncset.done $0x0  }
0x16d: {  	s14 =	simm.s32 $0x19B70;
	[sflag:s13] =	ssyncadd.s32 $0xFFFFFD00  }
0x16e: {  	v3 =	vld [tilespmem:s14+$0x0];
	_ =	sdelay $0x1  }
0x16f: {  	s14 =	sand.u32 $0x1C00, s15  }
0x170: {  	s9 =	sand.u32 $0x60, s15;
	s1 =	sadd.s32 $0x7870, s14  }
0x171: {  	s16 =	sadd.s32 s9, s1  }
0x172: {  	[tilespmem:s16+$0x0] =	vst.add.f32.msk $0xffff, v3  }
0x173: {  	s17 =	sor.u32 $0x100, s16;
	[tilespmem:s16+$0x80] =	vst.add.f32.msk $0xffff, v3  }
0x174: {  	s18 =	sand.u32 $0x3, s15;
	[tilespmem:s17+$0x0] =	vst.add.f32.msk $0xffff, v3  }
0x175: {  	s19 =	sshll.u32 s18, $0x5;
	s20 =	sor.u32 $0x200, s16;
	[tilespmem:s16+$0x180] =	vst.add.f32.msk $0xffff, v3  }
0x176: {  	s6 =	sadd.s32 $0x0, s19;
	[tilespmem:s20+$0x0] =	vst.add.f32.msk $0xffff, v3  }
0x177: {  	s2 =	sor.u32 $0x300, s6;
	s21 =	sor.u32 s15, s15;
	[tilespmem:s16+$0x280] =	vst.add.f32.msk $0xffff, v3  }
0x178: {  	s22 =	sor.u32 $0x380, s21;
	s10 =	sadd.s32 $0x9070, s14;
	[tilespmem:s2+$0x7870] =	vst.add.f32.msk $0xffff, v3  }
0x179: {  	s5 =	sadd.s32 $0x90F0, s14;
	s23 =	sadd.s32 s9, s10;
	[tilespmem:s22+$0x7870] =	vst.add.f32.msk $0xffff, v3  }
0x17a: {  	s12 =	sadd.s32 $0x9170, s14;
	s24 =	sadd.s32 s9, s5;
	[tilespmem:s23+$0x0] =	vst.add.f32.msk $0xffff, v3  }
0x17b: {  	s4 =	sadd.s32 $0x91F0, s14;
	s25 =	sadd.s32 s9, s12;
	[tilespmem:s24+$0x0] =	vst.add.f32.msk $0xffff, v3  }
0x17c: {  	s13 =	sadd.s32 $0x9270, s14;
	s26 =	sadd.s32 s9, s4;
	[tilespmem:s25+$0x0] =	vst.add.f32.msk $0xffff, v3  }
0x17d: {  	s11 =	sadd.s32 $0x92F0, s14;
	s29 =	sadd.s32 s9, s13;
	[tilespmem:s26+$0x0] =	vst.add.f32.msk $0xffff, v3  }
0x17e: {  	s30 =	sadd.s32 s9, s11;
	s16 =	sadd.s32 $0x9370, s14;
	[tilespmem:s29+$0x0] =	vst.add.f32.msk $0xffff, v3  }
0x17f: {  	s31 =	sadd.s32 s9, s16;
	s2 =	sadd.s32 $0x93F0, s14;
	[tilespmem:s30+$0x0] =	vst.add.f32.msk $0xffff, v3  }
0x180: {  	s17 =	sadd.s32 $0xA870, s14;
	s7 =	sadd.s32 s9, s2;
	[tilespmem:s31+$0x0] =	vst.add.f32.msk $0xffff, v3  }
0x181: {  	s18 =	sadd.s32 $0xA8F0, s14;
	s8 =	sadd.s32 s9, s17;
	[tilespmem:s7+$0x0] =	vst.add.f32.msk $0xffff, v3  }
0x182: {  	s19 =	sadd.s32 $0xA970, s14;
	s20 =	sadd.s32 s9, s18;
	[tilespmem:s8+$0x0] =	vst.add.f32.msk $0xffff, v3  }
0x183: {  	s26 =	sadd.s32 $0xA9F0, s14;
	s7 =	sadd.s32 s9, s19;
	[tilespmem:s20+$0x0] =	vst.add.f32.msk $0xffff, v3  }
0x184: {  	s3 =	sadd.s32 $0xAA70, s14;
	s21 =	sadd.s32 s9, s26;
	[tilespmem:s7+$0x0] =	vst.add.f32.msk $0xffff, v3  }
0x185: {  	s28 =	sadd.s32 $0xAAF0, s14;
	s22 =	sadd.s32 s9, s3;
	[tilespmem:s21+$0x0] =	vst.add.f32.msk $0xffff, v3  }
0x186: {  	s23 =	sadd.s32 s9, s28;
	s29 =	sadd.s32 $0xAB70, s14;
	[tilespmem:s22+$0x0] =	vst.add.f32.msk $0xffff, v3  }
0x187: {  	s8 =	sadd.s32 s9, s29;
	s7 =	sadd.s32 $0xABF0, s14;
	[tilespmem:s23+$0x0] =	vst.add.f32.msk $0xffff, v3  }
0x188: {  	s24 =	sadd.s32 s9, s7;
	s21 =	sor.u32 $0xC070, s14;
	[tilespmem:s8+$0x0] =	vst.add.f32.msk $0xffff, v3  }
0x189: {  	s30 =	sor.u32 $0xC0F0, s14;
	s25 =	sadd.s32 s9, s21;
	[tilespmem:s24+$0x0] =	vst.add.f32.msk $0xffff, v3  }
0x18a: {  	s0 =	sor.u32 $0xC170, s14;
	s31 =	sadd.s32 s9, s30;
	[tilespmem:s25+$0x0] =	vst.add.f32.msk $0xffff, v3  }
0x18b: {  	s20 =	sadd.s32 s9, s0;
	s22 =	sor.u32 $0xC1F0, s14;
	[tilespmem:s31+$0x0] =	vst.add.f32.msk $0xffff, v3  }
0x18c: {  	s23 =	sadd.s32 s9, s22;
	[tilespmem:s20+$0x0] =	vst.add.f32.msk $0xffff, v3;
	s20 =	sor.u32 $0xC270, s14  }
0x18d: {  	[tilespmem:s23+$0x0] =	vst.add.f32.msk $0xffff, v3;
	s24 =	sadd.s32 s9, s20;
	s23 =	sor.u32 $0xC2F0, s14  }
0x18e: {  	s8 =	sor.u32 $0xC370, s14;
	[tilespmem:s24+$0x0] =	vst.add.f32.msk $0xffff, v3;
	s24 =	sadd.s32 s9, s23  }
0x18f: {  	s25 =	sadd.s32 s9, s8;
	s14 =	sor.u32 $0xC3F0, s14;
	[tilespmem:s24+$0x0] =	vst.add.f32.msk $0xffff, v3  }
0x190: {  	s31 =	sadd.s32 s9, s14;
	s9 =	sor.u32 $0x10, s9;
	[tilespmem:s25+$0x0] =	vst.add.f32.msk $0xffff, v3;
	s25 =	sand.u32 $0x380, s15  }
0x191: {  	[tilespmem:s31+$0x0] =	vst.add.f32.msk $0xffff, v3;
	s25 =	sor.u32 s9, s25  }
0x192: {  	v3 =	vld [tilespmem:s25+$0x19B70];
	_ =	sdelay $0x3  }
0x193: {  	s1 =	sadd.s32 s9, s1  }
0x194: {  	[tilespmem:s1+$0x0] =	vst.add.f32.msk $0xffff, v3  }
0x195: {  	s31 =	sor.u32 $0x100, s1;
	[tilespmem:s1+$0x80] =	vst.add.f32.msk $0xffff, v3  }
0x196: {  	[tilespmem:s31+$0x0] =	vst.add.f32.msk $0xffff, v3  }
0x197: {  	s25 =	sor.u32 $0x200, s1;
	[tilespmem:s1+$0x180] =	vst.add.f32.msk $0xffff, v3  }
0x198: {  	s6 =	sadd.s32 $0x10, s6;
	[tilespmem:s25+$0x0] =	vst.add.f32.msk $0xffff, v3  }
0x199: {  	s31 =	sor.u32 $0x300, s6;
	[tilespmem:s1+$0x280] =	vst.add.f32.msk $0xffff, v3  }
0x19a: {  	s6 =	sor.u32 $0x380, s6;
	[tilespmem:s31+$0x7870] =	vst.add.f32.msk $0xffff, v3  }
0x19b: {  	s24 =	sadd.s32 s9, s10;
	[tilespmem:s6+$0x7870] =	vst.add.f32.msk $0xffff, v3  }
0x19c: {  	s25 =	sadd.s32 s9, s5;
	[tilespmem:s24+$0x0] =	vst.add.f32.msk $0xffff, v3  }
0x19d: {  	s31 =	sadd.s32 s9, s12;
	[tilespmem:s25+$0x0] =	vst.add.f32.msk $0xffff, v3  }
0x19e: {  	s4 =	sadd.s32 s9, s4;
	[tilespmem:s31+$0x0] =	vst.add.f32.msk $0xffff, v3  }
0x19f: {  	s5 =	sadd.s32 s9, s13;
	[tilespmem:s4+$0x0] =	vst.add.f32.msk $0xffff, v3  }
0x1a0: {  	s6 =	sadd.s32 s9, s11;
	[tilespmem:s5+$0x0] =	vst.add.f32.msk $0xffff, v3  }
0x1a1: {  	s10 =	sadd.s32 s9, s16;
	[tilespmem:s6+$0x0] =	vst.add.f32.msk $0xffff, v3  }
0x1a2: {  	s11 =	sadd.s32 s9, s2;
	[tilespmem:s10+$0x0] =	vst.add.f32.msk $0xffff, v3  }
0x1a3: {  	s12 =	sadd.s32 s9, s17;
	[tilespmem:s11+$0x0] =	vst.add.f32.msk $0xffff, v3  }
0x1a4: {  	s13 =	sadd.s32 s9, s18;
	[tilespmem:s12+$0x0] =	vst.add.f32.msk $0xffff, v3  }
0x1a5: {  	s16 =	sadd.s32 s9, s19;
	[tilespmem:s13+$0x0] =	vst.add.f32.msk $0xffff, v3  }
0x1a6: {  	s17 =	sadd.s32 s9, s26;
	[tilespmem:s16+$0x0] =	vst.add.f32.msk $0xffff, v3  }
0x1a7: {  	s18 =	sadd.s32 s9, s3;
	[tilespmem:s17+$0x0] =	vst.add.f32.msk $0xffff, v3  }
0x1a8: {  	s19 =	sadd.s32 s9, s28;
	[tilespmem:s18+$0x0] =	vst.add.f32.msk $0xffff, v3  }
0x1a9: {  	s24 =	sadd.s32 s9, s29;
	[tilespmem:s19+$0x0] =	vst.add.f32.msk $0xffff, v3  }
0x1aa: {  	s25 =	sadd.s32 s9, s7;
	[tilespmem:s24+$0x0] =	vst.add.f32.msk $0xffff, v3  }
0x1ab: {  	s26 =	sadd.s32 s9, s21;
	[tilespmem:s25+$0x0] =	vst.add.f32.msk $0xffff, v3  }
0x1ac: {  	s29 =	sadd.s32 s9, s30;
	[tilespmem:s26+$0x0] =	vst.add.f32.msk $0xffff, v3  }
0x1ad: {  	s0 =	sadd.s32 s9, s0;
	[tilespmem:s29+$0x0] =	vst.add.f32.msk $0xffff, v3  }
0x1ae: {  	s28 =	simm.s32 $0x20;
	s3 =	sadd.s32 s9, s14;
	s30 =	sadd.s32 s9, s22;
	[tilespmem:s0+$0x0] =	vst.add.f32.msk $0xffff, v3  }
0x1af: {  	s1 =	sadd.s32 s9, s8;
	s2 =	sadd.s32 s9, s23;
	s31 =	sadd.s32 s9, s20;
	[tilespmem:s30+$0x0] =	vst.add.f32.msk $0xffff, v3  }
0x1b0: {  	s4 =	simm.s32 $0x0;
	s5 =	simm.s32 $0x0;
	s0 =	simm.s32 $0x19B90;
	[tilespmem:s31+$0x0] =	vst.add.f32.msk $0xffff, v3  }
.LBB2_5:
0x1b1: {  	[tilespmem:s2+$0x0] =	vst.add.f32.msk $0xffff, v3  }
0x1b2: {  	[tilespmem:s1+$0x0] =	vst.add.f32.msk $0xffff, v3  }
0x1b3: {  	[tilespmem:s3+$0x0] =	vst.add.f32.msk $0xffff, v3  }
0x1b4: {  	v3 =	vld [tilespmem:s0+$0x0]  }
0x1b5: {  	s15 =	sadd.s32 $0x100, s15  }
0x1b6: {  	[dreg:$0x10] =	wrdreg s0;
	s12 =	sand.u32 $0x1C00, s15  }
0x1b7: {  	s4 =	sadd.s32 $0x1, s4;
	s14 =	sand.u32 $0x60, s28;
	s3 =	sadd.s32 $0x7870, s12  }
0x1b8: {  	[dreg:$0x14] =	wrdreg s4;
	s0 =	sadd.s32 s14, s3  }
0x1b9: {  	s9 =	rddreg [dreg:$0x14];
	[tilespmem:s0+$0x0] =	vst.add.f32.msk $0xffff, v3  }
0x1ba: {  	s4 =	sadd.s32 $0x90F0, s12;
	[smem:$0x7DA] =	sst s3;
	s6 =	sor.u32 $0x100, s0;
	[tilespmem:s0+$0x80] =	vst.add.f32.msk $0xffff, v3  }
0x1bb: {  	[dreg:$0x19] =	wrdreg s4;
	s10 =	sand.u32 $0x3, s9;
	[tilespmem:s6+$0x0] =	vst.add.f32.msk $0xffff, v3  }
0x1bc: {  	s3 =	sadd.s32 s14, s4;
	s4 =	sshll.u32 s10, $0x5;
	s13 =	sor.u32 $0x200, s0;
	[tilespmem:s0+$0x180] =	vst.add.f32.msk $0xffff, v3  }
0x1bd: {  	s20 =	sadd.s32 s4, s15;
	[tilespmem:s13+$0x0] =	vst.add.f32.msk $0xffff, v3  }
0x1be: {  	s19 =	sor.u32 s15, s28;
	s18 =	sor.u32 $0x300, s20;
	[tilespmem:s0+$0x280] =	vst.add.f32.msk $0xffff, v3  }
0x1bf: {  	s21 =	sor.u32 $0x380, s19;
	s22 =	sadd.s32 $0x9070, s12;
	[tilespmem:s18+$0x7870] =	vst.add.f32.msk $0xffff, v3  }
0x1c0: {  	s5 =	sadd.s32 $0x2, s5;
	s24 =	sadd.s32 s14, s22;
	[tilespmem:s21+$0x7870] =	vst.add.f32.msk $0xffff, v3  }
0x1c1: {  	[dreg:$0xb] =	wrdreg s5;
	p1 =	slt.u32 s5, $0x2E;
	s5 =	sadd.s32 $0x9170, s12;
	[tilespmem:s24+$0x0] =	vst.add.f32.msk $0xffff, v3  }
0x1c2: {  	s8 =	sadd.s32 $0x91F0, s12;
	s7 =	sadd.s32 s14, s5;
	[tilespmem:s3+$0x0] =	vst.add.f32.msk $0xffff, v3  }
0x1c3: {  	s11 =	sadd.s32 $0x9270, s12;
	[smem:$0x7DD] =	sst s8;
	s8 =	sadd.s32 s14, s8;
	[tilespmem:s7+$0x0] =	vst.add.f32.msk $0xffff, v3  }
0x1c4: {  	s16 =	sadd.s32 $0x92F0, s12;
	s9 =	sadd.s32 s14, s11;
	[tilespmem:s8+$0x0] =	vst.add.f32.msk $0xffff, v3  }
0x1c5: {  	s17 =	sadd.s32 $0x9370, s12;
	[smem:$0x7DE] =	sst s11;
	s11 =	sadd.s32 s14, s16;
	[tilespmem:s9+$0x0] =	vst.add.f32.msk $0xffff, v3  }
0x1c6: {  	s26 =	sadd.s32 $0x93F0, s12;
	s23 =	sadd.s32 s14, s17;
	[tilespmem:s11+$0x0] =	vst.add.f32.msk $0xffff, v3  }
0x1c7: {  	s29 =	sadd.s32 $0xA870, s12;
	s25 =	sadd.s32 s14, s26;
	[tilespmem:s23+$0x0] =	vst.add.f32.msk $0xffff, v3  }
0x1c8: {  	[smem:$0x7E1] =	sst s17;
	s30 =	sadd.s32 s14, s29;
	s17 =	sadd.s32 $0xA8F0, s12;
	[tilespmem:s25+$0x0] =	vst.add.f32.msk $0xffff, v3  }
0x1c9: {  	[dreg:$0x7] =	wrdreg s15;
	s2 =	sadd.s32 $0xA970, s12;
	s31 =	sadd.s32 s14, s17;
	[tilespmem:s30+$0x0] =	vst.add.f32.msk $0xffff, v3  }
0x1ca: {  	[smem:$0x7DC] =	sst s5;
	s1 =	sadd.s32 s14, s2;
	s4 =	sadd.s32 $0xA9F0, s12;
	[tilespmem:s31+$0x0] =	vst.add.f32.msk $0xffff, v3  }
0x1cb: {  	[smem:$0x7E2] =	sst s26;
	s26 =	sadd.s32 s14, s4;
	s18 =	sadd.s32 $0xAA70, s12;
	[tilespmem:s1+$0x0] =	vst.add.f32.msk $0xffff, v3  }
0x1cc: {  	[dreg:$0x1e] =	wrdreg s16;
	s6 =	sadd.s32 s14, s18;
	s7 =	sadd.s32 $0xAAF0, s12;
	[tilespmem:s26+$0x0] =	vst.add.f32.msk $0xffff, v3  }
0x1cd: {  	[smem:$0x7DB] =	sst s22;
	s3 =	sadd.s32 $0xAB70, s12;
	s5 =	sadd.s32 s14, s7;
	[tilespmem:s6+$0x0] =	vst.add.f32.msk $0xffff, v3  }
0x1ce: {  	[smem:$0x7DF] =	sst s29;
	s21 =	sadd.s32 $0xABF0, s12;
	s16 =	sadd.s32 s14, s3;
	[tilespmem:s5+$0x0] =	vst.add.f32.msk $0xffff, v3  }
0x1cf: {  	[smem:$0x7E0] =	sst s17;
	s0 =	sor.u32 $0xC070, s12;
	s17 =	sadd.s32 s14, s21;
	[tilespmem:s16+$0x0] =	vst.add.f32.msk $0xffff, v3  }
0x1d0: {  	s22 =	sor.u32 $0xC0F0, s12;
	[smem:$0x7E3] =	sst s18;
	s18 =	sadd.s32 s14, s0;
	[tilespmem:s17+$0x0] =	vst.add.f32.msk $0xffff, v3  }
0x1d1: {  	s29 =	sadd.s32 s14, s22;
	s24 =	sor.u32 $0xC170, s12;
	s8 =	sor.u32 $0xC1F0, s12;
	[tilespmem:s18+$0x0] =	vst.add.f32.msk $0xffff, v3  }
0x1d2: {  	s19 =	sadd.s32 s14, s24;
	s9 =	sor.u32 $0xC270, s12;
	s13 =	sadd.s32 s14, s8;
	[tilespmem:s29+$0x0] =	vst.add.f32.msk $0xffff, v3  }
0x1d3: {  	s10 =	sadd.s32 s14, s9;
	s11 =	sor.u32 $0xC370, s12;
	s23 =	sor.u32 $0xC3F0, s12;
	[tilespmem:s19+$0x0] =	vst.add.f32.msk $0xffff, v3  }
0x1d4: {  	s25 =	sor.u32 $0xC2F0, s12;
	s12 =	sadd.s32 $0x10, s20;
	s20 =	sld [smem:$0x7DA];
	[tilespmem:s13+$0x0] =	vst.add.f32.msk $0xffff, v3  }
0x1d5: {  	s15 =	sadd.s32 s14, s25;
	s29 =	sld [smem:$0x7DC];
	[tilespmem:s10+$0x0] =	vst.add.f32.msk $0xffff, v3  }
0x1d6: {  	s30 =	sadd.s32 s14, s23;
	s31 =	sadd.s32 s14, s11;
	s6 =	sld [smem:$0x7DF];
	[tilespmem:s15+$0x0] =	vst.add.f32.msk $0xffff, v3  }
0x1d7: {  	s26 =	sld [smem:$0x7DB];
	s19 =	sand.u32 $0x380, s28;
	s10 =	sor.u32 $0x10, s14;
	[tilespmem:s31+$0x0] =	vst.add.f32.msk $0xffff, v3  }
0x1d8: {  	s1 =	sor.u32 s10, s19;
	s17 =	sadd.s32 s10, s20;
	s19 =	sadd.s32 s10, s29;
	[tilespmem:s30+$0x0] =	vst.add.f32.msk $0xffff, v3  }
0x1d9: {  	s29 =	sadd.s32 s10, s6;
	s6 =	sadd.s32 s10, s7;
	s7 =	sld [smem:$0x7E0];
	v3 =	vld [tilespmem:s1+$0x19B70]  }
0x1da: {  	s18 =	sadd.s32 s10, s26;
	s5 =	sadd.s32 s10, s21;
	s21 =	rddreg [dreg:$0x1e]  }
0x1db: {  	s15 =	sadd.s32 s10, s2;
	s14 =	sadd.s32 s10, s3;
	s30 =	sld [smem:$0x7DD]  }
0x1dc: {  	s16 =	sadd.s32 s10, s0;
	s13 =	sadd.s32 s10, s24;
	s24 =	sld [smem:$0x7E2]  }
0x1dd: {  	s0 =	sadd.s32 s10, s9;
	s2 =	sadd.s32 s10, s25;
	s25 =	sld [smem:$0x7E3]  }
0x1de: {  	s31 =	sld [smem:$0x7DE];
	s3 =	sor.u32 $0x100, s17;
	s20 =	sadd.s32 s10, s30;
	[tilespmem:s17+$0x0] =	vst.add.f32.msk $0xffff, v3  }
0x1df: {  	s30 =	sadd.s32 s10, s7;
	s7 =	sadd.s32 s10, s22;
	s22 =	sld [smem:$0x7E1];
	[tilespmem:s17+$0x80] =	vst.add.f32.msk $0xffff, v3  }
0x1e0: {  	s9 =	sadd.s32 s10, s21;
	s21 =	sor.u32 $0x200, s17;
	s1 =	sadd.s32 s10, s11;
	[tilespmem:s3+$0x0] =	vst.add.f32.msk $0xffff, v3  }
0x1e1: {  	s11 =	rddreg [dreg:$0x19];
	s26 =	sadd.s32 s10, s31;
	s31 =	sadd.s32 s10, s4;
	[tilespmem:s17+$0x180] =	vst.add.f32.msk $0xffff, v3  }
0x1e2: {  	s4 =	sadd.s32 s10, s8;
	s8 =	sadd.s32 s10, s11;
	s11 =	sadd.s32 s10, s22;
	[tilespmem:s21+$0x0] =	vst.add.f32.msk $0xffff, v3  }
0x1e3: {  	s22 =	sadd.s32 s10, s24;
	s24 =	sadd.s32 s10, s25;
	s25 =	sor.u32 $0x300, s12;
	[tilespmem:s17+$0x280] =	vst.add.f32.msk $0xffff, v3  }
0x1e4: {  	s12 =	sor.u32 $0x380, s12;
	[tilespmem:s25+$0x7870] =	vst.add.f32.msk $0xffff, v3  }
0x1e5: {  	[tilespmem:s12+$0x7870] =	vst.add.f32.msk $0xffff, v3  }
0x1e6: {  	[tilespmem:s18+$0x0] =	vst.add.f32.msk $0xffff, v3  }
0x1e7: {  	[tilespmem:s8+$0x0] =	vst.add.f32.msk $0xffff, v3  }
0x1e8: {  	[tilespmem:s19+$0x0] =	vst.add.f32.msk $0xffff, v3  }
0x1e9: {  	[tilespmem:s20+$0x0] =	vst.add.f32.msk $0xffff, v3  }
0x1ea: {  	[tilespmem:s26+$0x0] =	vst.add.f32.msk $0xffff, v3  }
0x1eb: {  	[tilespmem:s9+$0x0] =	vst.add.f32.msk $0xffff, v3  }
0x1ec: {  	[tilespmem:s11+$0x0] =	vst.add.f32.msk $0xffff, v3  }
0x1ed: {  	[tilespmem:s22+$0x0] =	vst.add.f32.msk $0xffff, v3  }
0x1ee: {  	[tilespmem:s29+$0x0] =	vst.add.f32.msk $0xffff, v3  }
0x1ef: {  	[tilespmem:s30+$0x0] =	vst.add.f32.msk $0xffff, v3  }
0x1f0: {  	[tilespmem:s15+$0x0] =	vst.add.f32.msk $0xffff, v3  }
0x1f1: {  	[tilespmem:s31+$0x0] =	vst.add.f32.msk $0xffff, v3  }
0x1f2: {  	[tilespmem:s24+$0x0] =	vst.add.f32.msk $0xffff, v3  }
0x1f3: {  	[tilespmem:s6+$0x0] =	vst.add.f32.msk $0xffff, v3  }
0x1f4: {  	[tilespmem:s14+$0x0] =	vst.add.f32.msk $0xffff, v3  }
0x1f5: {  	[tilespmem:s5+$0x0] =	vst.add.f32.msk $0xffff, v3  }
.Ltmp1:
0x1f6: {  	[tilespmem:s16+$0x0] =	vst.add.f32.msk $0xffff, v3;
	(pc) =	sbr.rel @p1 .LBB2_5-.Ltmp1, $4  }
0x1f7: {  	s15 =	rddreg [dreg:$0x7];
	[tilespmem:s7+$0x0] =	vst.add.f32.msk $0xffff, v3  }
0x1f8: {  	s31 =	rddreg [dreg:$0x10];
	[tilespmem:s13+$0x0] =	vst.add.f32.msk $0xffff, v3  }
0x1f9: {  	s28 =	sadd.s32 $0x20, s28;
	s5 =	rddreg [dreg:$0xb];
	[tilespmem:s4+$0x0] =	vst.add.f32.msk $0xffff, v3  }
0x1fa: {  	s3 =	sadd.s32 s10, s23;
	s4 =	rddreg [dreg:$0x14];
	[tilespmem:s0+$0x0] =	vst.add.f32.msk $0xffff, v3;
	s0 =	sadd.s32 $0x20, s31  }
0x1fb: {  	s0 =	sld [smem:$0x7FA]  }
0x1fc: {  	s19 =	sld [smem:$0x7E4];
	_ =	sdelay $0x2  }
0x1fd: {  	[tilespmem:s2+$0x0] =	vst.add.f32.msk $0xffff, v3;
	s0 =	sadd.s32 s19, s0  }
0x1fe: {  	s20 =	rddreg [dreg:$0x2];
	s30 =	simm.s32 $0x0;
	[tilespmem:s1+$0x0] =	vst.add.f32.msk $0xffff, v3;
	s0 =	sshrl.u32 s0, $0x3  }
0x1ff: {  	s21 =	simm.s32 $0x7870;
	s22 =	simm.s32 $0x5;
	[tilespmem:s3+$0x0] =	vst.add.f32.msk $0xffff, v3;
	s0 =	sadd.s32 s20, s0  }
0x200: {  	[hbm4b:s0+s30] =	stream.linear.scatter [tilespmem:s21], [sflag:$0x6], $0x6000, $0x38;
	[tilespmem:$0x1A470] =	vst v63  }
0x201: {  	_ =	swait.ge [sflag:s22], $0x6000  }
0x202: {  	s23 =	sld [smem:$0x7F1];
	_ =	sdelay $0x2  }
0x203: {  	s0 =	sadd.s32 $0x4, s23  }
0x204: {  	[sflag:s22] =	ssyncset.done $0x0;
	s24 =	sshll.u32 s0, $0x5  }
0x205: {  	[sflag:s22] =	ssyncadd.s32 $0xFFFFA000;
	s1 =	sand.u32 $0x3FFFFFE0, s24  }
0x206: {  	v3 =	vld [tilespmem:s1+$0x0];
	_ =	sdelay $0x4  }
0x207: {  	v4 =	vshrl.u32 v3, $0x3  }
0x208: {  	v4 =	vmul.u32 $0x30, v4  }
0x209: {  	v3 =	vand.u32 $0x7, v3  }
0x20a: {  	v3 =	vor.u32 v3, v4  }
0x20b: {  	v4 =	vperm.xlane v3, v0;
	_ =	sdelay $0x1  }
0x20c: {  	v4 =	vadd.s32 v1, v4;
	_ =	sdelay $0x2  }
0x20d: {  	s26 =	sld [smem:$0x7F6]  }
0x20e: {  	s25 =	simm.s32 $0x1870;
	s2 =	rddreg [dreg:$0x0];
	v3 =	vperm.xlane v3, v2  }
0x20f: {  	[tilespmem:s25], [sflag:$0x1] =	stream.indirect_vreg.gather [hbm4b:s2+s30], $0x80, v4, vm0, $0xb8;
	[tilespmem:$0x1A470] =	vst v63  }
0x210: {  	s4 =	simm.s32 $0x2070;
	s28 =	sld [smem:$0x7F7];
	v3 =	vadd.s32 v1, v3  }
0x211: {  	[tilespmem:s4], [sflag:$0x1] =	stream.indirect_vreg.gather [hbm4b:s26+s30], $0x80, v4, vm0, $0xb8;
	[tilespmem:$0x1A470] =	vst v63  }
0x212: {  	s5 =	simm.s32 $0x2870  }
0x213: {  	[tilespmem:s5], [sflag:$0x1] =	stream.indirect_vreg.gather [hbm4b:s28+s30], $0x80, v4, vm0, $0xb8;
	[tilespmem:$0x1A470] =	vst v63  }
0x214: {  	s29 =	simm.s32 $0x3070  }
0x215: {  	[tilespmem:s29], [sflag:$0x1] =	stream.indirect_vreg.gather [hbm4b:s2+s30], $0x80, v3, vm0, $0xb8;
	[tilespmem:$0x1A470] =	vst v63  }
0x216: {  	s31 =	simm.s32 $0x3870  }
0x217: {  	[tilespmem:s31], [sflag:$0x1] =	stream.indirect_vreg.gather [hbm4b:s26+s30], $0x80, v3, vm0, $0xb8;
	[tilespmem:$0x1A470] =	vst v63  }
0x218: {  	s6 =	simm.s32 $0x4070  }
0x219: {  	[tilespmem:s6], [sflag:$0x1] =	stream.indirect_vreg.gather [hbm4b:s28+s30], $0x80, v3, vm0, $0xb8;
	[tilespmem:$0x1A470] =	vst v63  }
0x21a: {  	v3 =	vld [tilespmem:s1+$0x10];
	_ =	sdelay $0x4  }
0x21b: {  	v4 =	vshrl.u32 v3, $0x3  }
0x21c: {  	v4 =	vmul.u32 $0x30, v4  }
0x21d: {  	v3 =	vand.u32 $0x7, v3  }
0x21e: {  	v3 =	vor.u32 v3, v4  }
0x21f: {  	v4 =	vperm.xlane v3, v0;
	_ =	sdelay $0x1  }
0x220: {  	v4 =	vadd.s32 v1, v4;
	_ =	sdelay $0x3  }
0x221: {  	s7 =	simm.s32 $0x4870;
	v3 =	vperm.xlane v3, v2  }
0x222: {  	[tilespmem:s7], [sflag:$0x1] =	stream.indirect_vreg.gather [hbm4b:s2+s30], $0x80, v4, vm0, $0xb8;
	[tilespmem:$0x1A470] =	vst v63  }
0x223: {  	s8 =	simm.s32 $0x5070;
	v3 =	vadd.s32 v1, v3  }
0x224: {  	[tilespmem:s8], [sflag:$0x1] =	stream.indirect_vreg.gather [hbm4b:s26+s30], $0x80, v4, vm0, $0xb8;
	[tilespmem:$0x1A470] =	vst v63  }
0x225: {  	s9 =	simm.s32 $0x5870  }
0x226: {  	[tilespmem:s9], [sflag:$0x1] =	stream.indirect_vreg.gather [hbm4b:s28+s30], $0x80, v4, vm0, $0xb8;
	[tilespmem:$0x1A470] =	vst v63  }
0x227: {  	s10 =	simm.s32 $0x6070  }
0x228: {  	[tilespmem:s10], [sflag:$0x1] =	stream.indirect_vreg.gather [hbm4b:s2+s30], $0x80, v3, vm0, $0xb8;
	[tilespmem:$0x1A470] =	vst v63  }
0x229: {  	s11 =	simm.s32 $0x6870;
	s0 =	smul.u32 $0xC00, s0  }
0x22a: {  	[tilespmem:s11], [sflag:$0x1] =	stream.indirect_vreg.gather [hbm4b:s26+s30], $0x80, v3, vm0, $0xb8;
	[tilespmem:$0x1A470] =	vst v63  }
0x22b: {  	s12 =	simm.s32 $0x7070;
	s13 =	rddreg [dreg:$0x3];
	s0 =	sshra.s32 s0, $0x2  }
0x22c: {  	[tilespmem:s12], [sflag:$0x1] =	stream.indirect_vreg.gather [hbm4b:s28+s30], $0x80, v3, vm0, $0xb8;
	[tilespmem:$0x1A470] =	vst v63  }
0x22d: {  	s14 =	simm.s32 $0x19870;
	s15 =	simm.s32 $0x3;
	s0 =	sadd.s32 s0, s13  }
0x22e: {  	[tilespmem:s14], [sflag:$0x9] =	stream.linear.gather [spmem:s0], $0x300, $0x38;
	[tilespmem:$0x1A470] =	vst v63  }
0x22f: {  	_ =	swait.ge [sflag:s15], $0x6000  }
0x230: {  	[sflag:s15] =	ssyncset.done $0x0  }
0x231: {  	s16 =	simm.s32 $0xB;
	[sflag:s15] =	ssyncadd.s32 $0xFFFFA000  }
0x232: {  	_ =	swait.ge [sflag:s16], $0x300  }
0x233: {  	[sflag:s16] =	ssyncset.done $0x0  }
0x234: {  	s17 =	simm.s32 $0x19E70;
	[sflag:s16] =	ssyncadd.s32 $0xFFFFFD00  }
0x235: {  	v3 =	vld [tilespmem:s17+$0x0];
	_ =	sdelay $0x1  }
0x236: {  	s14 =	sand.u32 $0x1C00, s30  }
0x237: {  	s9 =	sand.u32 $0x60, s30;
	s1 =	sadd.s32 $0xD870, s14  }
0x238: {  	s18 =	sadd.s32 s9, s1  }
0x239: {  	[tilespmem:s18+$0x0] =	vst.add.f32.msk $0xffff, v3  }
0x23a: {  	s19 =	sor.u32 $0x100, s18;
	[tilespmem:s18+$0x80] =	vst.add.f32.msk $0xffff, v3  }
0x23b: {  	s20 =	sand.u32 $0x3, s30;
	[tilespmem:s19+$0x0] =	vst.add.f32.msk $0xffff, v3  }
0x23c: {  	s21 =	sshll.u32 s20, $0x5;
	s22 =	sor.u32 $0x200, s18;
	[tilespmem:s18+$0x180] =	vst.add.f32.msk $0xffff, v3  }
0x23d: {  	s6 =	sadd.s32 $0x0, s21;
	[tilespmem:s22+$0x0] =	vst.add.f32.msk $0xffff, v3  }
0x23e: {  	s23 =	sor.u32 s30, s30;
	s2 =	sor.u32 $0x300, s6;
	[tilespmem:s18+$0x280] =	vst.add.f32.msk $0xffff, v3  }
0x23f: {  	s24 =	sor.u32 $0x380, s23;
	s10 =	sadd.s32 $0xF070, s14;
	[tilespmem:s2+$0xD870] =	vst.add.f32.msk $0xffff, v3  }
0x240: {  	s5 =	sadd.s32 $0xF0F0, s14;
	s25 =	sadd.s32 s9, s10;
	[tilespmem:s24+$0xD870] =	vst.add.f32.msk $0xffff, v3  }
0x241: {  	s12 =	sadd.s32 $0xF170, s14;
	s26 =	sadd.s32 s9, s5;
	[tilespmem:s25+$0x0] =	vst.add.f32.msk $0xffff, v3  }
0x242: {  	s4 =	sadd.s32 $0xF1F0, s14;
	s28 =	sadd.s32 s9, s12;
	[tilespmem:s26+$0x0] =	vst.add.f32.msk $0xffff, v3  }
0x243: {  	s13 =	sadd.s32 $0xF270, s14;
	s29 =	sadd.s32 s9, s4;
	[tilespmem:s28+$0x0] =	vst.add.f32.msk $0xffff, v3  }
0x244: {  	s31 =	sadd.s32 s9, s13;
	s15 =	sadd.s32 $0xF2F0, s14;
	[tilespmem:s29+$0x0] =	vst.add.f32.msk $0xffff, v3  }
0x245: {  	s3 =	sadd.s32 s9, s15;
	s16 =	sadd.s32 $0xF370, s14;
	[tilespmem:s31+$0x0] =	vst.add.f32.msk $0xffff, v3  }
0x246: {  	s7 =	sadd.s32 s9, s16;
	s2 =	sadd.s32 $0xF3F0, s14;
	[tilespmem:s3+$0x0] =	vst.add.f32.msk $0xffff, v3  }
0x247: {  	s17 =	sadd.s32 $0x10870, s14;
	s8 =	sadd.s32 s9, s2;
	[tilespmem:s7+$0x0] =	vst.add.f32.msk $0xffff, v3  }
0x248: {  	s11 =	sadd.s32 s9, s17;
	s18 =	sadd.s32 $0x108F0, s14;
	[tilespmem:s8+$0x0] =	vst.add.f32.msk $0xffff, v3  }
0x249: {  	s19 =	sadd.s32 $0x10970, s14;
	s20 =	sadd.s32 s9, s18;
	[tilespmem:s11+$0x0] =	vst.add.f32.msk $0xffff, v3  }
0x24a: {  	s25 =	sadd.s32 $0x109F0, s14;
	s7 =	sadd.s32 s9, s19;
	[tilespmem:s20+$0x0] =	vst.add.f32.msk $0xffff, v3  }
0x24b: {  	s21 =	sadd.s32 s9, s25;
	s3 =	sadd.s32 $0x10A70, s14;
	[tilespmem:s7+$0x0] =	vst.add.f32.msk $0xffff, v3  }
0x24c: {  	s26 =	sadd.s32 $0x10AF0, s14;
	s22 =	sadd.s32 s9, s3;
	[tilespmem:s21+$0x0] =	vst.add.f32.msk $0xffff, v3  }
0x24d: {  	s28 =	sadd.s32 $0x10B70, s14;
	s23 =	sadd.s32 s9, s26;
	[tilespmem:s22+$0x0] =	vst.add.f32.msk $0xffff, v3  }
0x24e: {  	s8 =	sadd.s32 s9, s28;
	s7 =	sadd.s32 $0x10BF0, s14;
	[tilespmem:s23+$0x0] =	vst.add.f32.msk $0xffff, v3  }
0x24f: {  	s24 =	sadd.s32 s9, s7;
	s21 =	sor.u32 $0x12070, s14;
	[tilespmem:s8+$0x0] =	vst.add.f32.msk $0xffff, v3  }
0x250: {  	s29 =	sor.u32 $0x120F0, s14;
	s31 =	sadd.s32 s9, s21;
	[tilespmem:s24+$0x0] =	vst.add.f32.msk $0xffff, v3  }
0x251: {  	s0 =	sor.u32 $0x12170, s14;
	s11 =	sadd.s32 s9, s29;
	[tilespmem:s31+$0x0] =	vst.add.f32.msk $0xffff, v3  }
0x252: {  	s20 =	sadd.s32 s9, s0;
	s22 =	sor.u32 $0x121F0, s14;
	[tilespmem:s11+$0x0] =	vst.add.f32.msk $0xffff, v3  }
0x253: {  	s23 =	sadd.s32 s9, s22;
	[tilespmem:s20+$0x0] =	vst.add.f32.msk $0xffff, v3;
	s20 =	sor.u32 $0x12270, s14  }
0x254: {  	[tilespmem:s23+$0x0] =	vst.add.f32.msk $0xffff, v3;
	s24 =	sadd.s32 s9, s20;
	s23 =	sor.u32 $0x122F0, s14  }
0x255: {  	s8 =	sor.u32 $0x12370, s14;
	[tilespmem:s24+$0x0] =	vst.add.f32.msk $0xffff, v3;
	s31 =	sadd.s32 s9, s23  }
0x256: {  	s14 =	sor.u32 $0x123F0, s14;
	s24 =	sadd.s32 s9, s8;
	[tilespmem:s31+$0x0] =	vst.add.f32.msk $0xffff, v3  }
0x257: {  	s31 =	sadd.s32 s9, s14;
	s9 =	sor.u32 $0x10, s9;
	[tilespmem:s24+$0x0] =	vst.add.f32.msk $0xffff, v3;
	s24 =	sand.u32 $0x380, s30  }
0x258: {  	[tilespmem:s31+$0x0] =	vst.add.f32.msk $0xffff, v3;
	s24 =	sor.u32 s9, s24  }
0x259: {  	v3 =	vld [tilespmem:s24+$0x19E70];
	_ =	sdelay $0x3  }
0x25a: {  	s1 =	sadd.s32 s9, s1  }
0x25b: {  	[tilespmem:s1+$0x0] =	vst.add.f32.msk $0xffff, v3  }
0x25c: {  	s31 =	sor.u32 $0x100, s1;
	[tilespmem:s1+$0x80] =	vst.add.f32.msk $0xffff, v3  }
0x25d: {  	[tilespmem:s31+$0x0] =	vst.add.f32.msk $0xffff, v3  }
0x25e: {  	s24 =	sor.u32 $0x200, s1;
	[tilespmem:s1+$0x180] =	vst.add.f32.msk $0xffff, v3  }
0x25f: {  	s6 =	sadd.s32 $0x10, s6;
	[tilespmem:s24+$0x0] =	vst.add.f32.msk $0xffff, v3  }
0x260: {  	s31 =	sor.u32 $0x300, s6;
	[tilespmem:s1+$0x280] =	vst.add.f32.msk $0xffff, v3  }
0x261: {  	s6 =	sor.u32 $0x380, s6;
	[tilespmem:s31+$0xD870] =	vst.add.f32.msk $0xffff, v3  }
0x262: {  	s11 =	sadd.s32 s9, s10;
	[tilespmem:s6+$0xD870] =	vst.add.f32.msk $0xffff, v3  }
0x263: {  	s24 =	sadd.s32 s9, s5;
	[tilespmem:s11+$0x0] =	vst.add.f32.msk $0xffff, v3  }
0x264: {  	s31 =	sadd.s32 s9, s12;
	[tilespmem:s24+$0x0] =	vst.add.f32.msk $0xffff, v3  }
0x265: {  	s5 =	sadd.s32 s9, s4;
	[tilespmem:s31+$0x0] =	vst.add.f32.msk $0xffff, v3  }
0x266: {  	s6 =	sadd.s32 s9, s13;
	[tilespmem:s5+$0x0] =	vst.add.f32.msk $0xffff, v3  }
0x267: {  	s10 =	sadd.s32 s9, s15;
	[tilespmem:s6+$0x0] =	vst.add.f32.msk $0xffff, v3  }
0x268: {  	s11 =	sadd.s32 s9, s16;
	[tilespmem:s10+$0x0] =	vst.add.f32.msk $0xffff, v3  }
0x269: {  	s12 =	sadd.s32 s9, s2;
	[tilespmem:s11+$0x0] =	vst.add.f32.msk $0xffff, v3  }
0x26a: {  	s13 =	sadd.s32 s9, s17;
	[tilespmem:s12+$0x0] =	vst.add.f32.msk $0xffff, v3  }
0x26b: {  	s15 =	sadd.s32 s9, s18;
	[tilespmem:s13+$0x0] =	vst.add.f32.msk $0xffff, v3  }
0x26c: {  	s16 =	sadd.s32 s9, s19;
	[tilespmem:s15+$0x0] =	vst.add.f32.msk $0xffff, v3  }
0x26d: {  	s17 =	sadd.s32 s9, s25;
	[tilespmem:s16+$0x0] =	vst.add.f32.msk $0xffff, v3  }
0x26e: {  	s18 =	sadd.s32 s9, s3;
	[tilespmem:s17+$0x0] =	vst.add.f32.msk $0xffff, v3  }
0x26f: {  	s19 =	sadd.s32 s9, s26;
	[tilespmem:s18+$0x0] =	vst.add.f32.msk $0xffff, v3  }
0x270: {  	s24 =	sadd.s32 s9, s28;
	[tilespmem:s19+$0x0] =	vst.add.f32.msk $0xffff, v3  }
0x271: {  	s25 =	sadd.s32 s9, s7;
	[tilespmem:s24+$0x0] =	vst.add.f32.msk $0xffff, v3  }
0x272: {  	s26 =	sadd.s32 s9, s21;
	[tilespmem:s25+$0x0] =	vst.add.f32.msk $0xffff, v3  }
0x273: {  	s28 =	sadd.s32 s9, s29;
	[tilespmem:s26+$0x0] =	vst.add.f32.msk $0xffff, v3  }
0x274: {  	s0 =	sadd.s32 s9, s0;
	[tilespmem:s28+$0x0] =	vst.add.f32.msk $0xffff, v3  }
0x275: {  	s4 =	sadd.s32 s9, s14;
	s1 =	sadd.s32 s9, s8;
	s29 =	sadd.s32 s9, s22;
	[tilespmem:s0+$0x0] =	vst.add.f32.msk $0xffff, v3  }
0x276: {  	s2 =	sadd.s32 s9, s23;
	s31 =	sadd.s32 s9, s20;
	s5 =	simm.s32 $0x0;
	[tilespmem:s29+$0x0] =	vst.add.f32.msk $0xffff, v3  }
0x277: {  	s6 =	simm.s32 $0x0;
	s26 =	simm.s32 $0x20;
	s0 =	simm.s32 $0x19E90;
	[tilespmem:s31+$0x0] =	vst.add.f32.msk $0xffff, v3  }
.LBB2_7:
0x278: {  	[tilespmem:s2+$0x0] =	vst.add.f32.msk $0xffff, v3  }
0x279: {  	[tilespmem:s1+$0x0] =	vst.add.f32.msk $0xffff, v3  }
0x27a: {  	[tilespmem:s4+$0x0] =	vst.add.f32.msk $0xffff, v3  }
0x27b: {  	v3 =	vld [tilespmem:s0+$0x0]  }
0x27c: {  	s30 =	sadd.s32 $0x100, s30  }
0x27d: {  	s12 =	sand.u32 $0x1C00, s30  }
0x27e: {  	s14 =	sand.u32 $0x60, s26;
	s2 =	sadd.s32 $0xD870, s12  }
0x27f: {  	[dreg:$0x11] =	wrdreg s0;
	s5 =	sadd.s32 $0x2, s5;
	s0 =	sadd.s32 s14, s2  }
0x280: {  	s6 =	sadd.s32 $0x1, s6;
	[dreg:$0xc] =	wrdreg s5;
	[tilespmem:s0+$0x0] =	vst.add.f32.msk $0xffff, v3  }
0x281: {  	p1 =	slt.u32 s5, $0x2E;
	s4 =	sadd.s32 $0xF170, s12;
	s5 =	sor.u32 $0x100, s0;
	[tilespmem:s0+$0x80] =	vst.add.f32.msk $0xffff, v3  }
0x282: {  	s10 =	sand.u32 $0x3, s6;
	[smem:$0x7D2] =	sst s4;
	[tilespmem:s5+$0x0] =	vst.add.f32.msk $0xffff, v3  }
0x283: {  	s7 =	sadd.s32 s14, s4;
	s4 =	sshll.u32 s10, $0x5;
	s13 =	sor.u32 $0x200, s0;
	[tilespmem:s0+$0x180] =	vst.add.f32.msk $0xffff, v3  }
0x284: {  	s20 =	sadd.s32 s4, s30;
	[tilespmem:s13+$0x0] =	vst.add.f32.msk $0xffff, v3  }
0x285: {  	s18 =	sor.u32 s30, s26;
	s17 =	sor.u32 $0x300, s20;
	[tilespmem:s0+$0x280] =	vst.add.f32.msk $0xffff, v3  }
0x286: {  	s19 =	sor.u32 $0x380, s18;
	s21 =	sadd.s32 $0xF070, s12;
	[tilespmem:s17+$0xD870] =	vst.add.f32.msk $0xffff, v3  }
0x287: {  	s3 =	sadd.s32 $0xF0F0, s12;
	s22 =	sadd.s32 s14, s21;
	[tilespmem:s19+$0xD870] =	vst.add.f32.msk $0xffff, v3  }
0x288: {  	[dreg:$0x1a] =	wrdreg s3;
	s3 =	sadd.s32 s14, s3;
	[tilespmem:s22+$0x0] =	vst.add.f32.msk $0xffff, v3  }
0x289: {  	s9 =	sadd.s32 $0xF1F0, s12;
	[tilespmem:s3+$0x0] =	vst.add.f32.msk $0xffff, v3  }
0x28a: {  	s11 =	sadd.s32 $0xF270, s12;
	s8 =	sadd.s32 s14, s9;
	[tilespmem:s7+$0x0] =	vst.add.f32.msk $0xffff, v3  }
0x28b: {  	s15 =	sadd.s32 $0xF2F0, s12;
	[smem:$0x7D3] =	sst s9;
	s9 =	sadd.s32 s14, s11;
	[tilespmem:s8+$0x0] =	vst.add.f32.msk $0xffff, v3  }
0x28c: {  	s16 =	sadd.s32 $0xF370, s12;
	[smem:$0x7D4] =	sst s11;
	s11 =	sadd.s32 s14, s15;
	[tilespmem:s9+$0x0] =	vst.add.f32.msk $0xffff, v3  }
0x28d: {  	s25 =	sadd.s32 $0xF3F0, s12;
	s23 =	sadd.s32 s14, s16;
	[tilespmem:s11+$0x0] =	vst.add.f32.msk $0xffff, v3  }
0x28e: {  	s28 =	sadd.s32 $0x10870, s12;
	[smem:$0x7D0] =	sst s2;
	s24 =	sadd.s32 s14, s25;
	[tilespmem:s23+$0x0] =	vst.add.f32.msk $0xffff, v3  }
0x28f: {  	[smem:$0x7D7] =	sst s16;
	s29 =	sadd.s32 s14, s28;
	s16 =	sadd.s32 $0x108F0, s12;
	[tilespmem:s24+$0x0] =	vst.add.f32.msk $0xffff, v3  }
0x290: {  	[smem:$0x7D8] =	sst s25;
	s2 =	sadd.s32 $0x10970, s12;
	s25 =	sadd.s32 s14, s16;
	[tilespmem:s29+$0x0] =	vst.add.f32.msk $0xffff, v3  }
0x291: {  	[dreg:$0x5] =	wrdreg s30;
	s4 =	sadd.s32 $0x109F0, s12;
	s30 =	sadd.s32 s14, s2;
	[tilespmem:s25+$0x0] =	vst.add.f32.msk $0xffff, v3  }
0x292: {  	[dreg:$0x1f] =	wrdreg s15;
	s15 =	sadd.s32 s14, s4;
	s17 =	sadd.s32 $0x10A70, s12;
	[tilespmem:s30+$0x0] =	vst.add.f32.msk $0xffff, v3  }
0x293: {  	[dreg:$0x15] =	wrdreg s6;
	s6 =	sadd.s32 s14, s17;
	s7 =	sadd.s32 $0x10AF0, s12;
	[tilespmem:s15+$0x0] =	vst.add.f32.msk $0xffff, v3  }
0x294: {  	[smem:$0x7D1] =	sst s21;
	s3 =	sadd.s32 $0x10B70, s12;
	s5 =	sadd.s32 s14, s7;
	[tilespmem:s6+$0x0] =	vst.add.f32.msk $0xffff, v3  }
0x295: {  	s21 =	sadd.s32 $0x10BF0, s12;
	[smem:$0x7D6] =	sst s16;
	s16 =	sadd.s32 s14, s3;
	[tilespmem:s5+$0x0] =	vst.add.f32.msk $0xffff, v3  }
0x296: {  	s0 =	sor.u32 $0x12070, s12;
	[smem:$0x7D9] =	sst s17;
	s17 =	sadd.s32 s14, s21;
	[tilespmem:s16+$0x0] =	vst.add.f32.msk $0xffff, v3  }
0x297: {  	s18 =	sadd.s32 s14, s0;
	s22 =	sor.u32 $0x120F0, s12;
	[tilespmem:s17+$0x0] =	vst.add.f32.msk $0xffff, v3  }
0x298: {  	s31 =	sor.u32 $0x12170, s12;
	[smem:$0x7D5] =	sst s28;
	s28 =	sadd.s32 s14, s22;
	[tilespmem:s18+$0x0] =	vst.add.f32.msk $0xffff, v3  }
0x299: {  	s19 =	sadd.s32 s14, s31;
	s8 =	sor.u32 $0x121F0, s12;
	[tilespmem:s28+$0x0] =	vst.add.f32.msk $0xffff, v3  }
0x29a: {  	s9 =	sor.u32 $0x12270, s12;
	s13 =	sadd.s32 s14, s8;
	[tilespmem:s19+$0x0] =	vst.add.f32.msk $0xffff, v3  }
0x29b: {  	s10 =	sadd.s32 s14, s9;
	s24 =	sor.u32 $0x122F0, s12;
	[tilespmem:s13+$0x0] =	vst.add.f32.msk $0xffff, v3  }
0x29c: {  	s11 =	sor.u32 $0x12370, s12;
	s1 =	sadd.s32 s14, s24;
	[tilespmem:s10+$0x0] =	vst.add.f32.msk $0xffff, v3  }
0x29d: {  	s23 =	sor.u32 $0x123F0, s12;
	s25 =	sadd.s32 s14, s11;
	[tilespmem:s1+$0x0] =	vst.add.f32.msk $0xffff, v3  }
0x29e: {  	s29 =	sadd.s32 s14, s23;
	s18 =	sand.u32 $0x380, s26;
	s10 =	sor.u32 $0x10, s14;
	[tilespmem:s25+$0x0] =	vst.add.f32.msk $0xffff, v3  }
0x29f: {  	s1 =	sor.u32 s10, s18;
	[tilespmem:s29+$0x0] =	vst.add.f32.msk $0xffff, v3  }
0x2a0: {  	v3 =	vld [tilespmem:s1+$0x19E70]  }
0x2a1: {  	s19 =	sld [smem:$0x7D0]  }
0x2a2: {  	s12 =	sadd.s32 $0x10, s20;
	s20 =	sld [smem:$0x7D1]  }
0x2a3: {  	s28 =	sld [smem:$0x7D3]  }
0x2a4: {  	s17 =	sadd.s32 s10, s19  }
0x2a5: {  	s6 =	sld [smem:$0x7D5];
	s18 =	sadd.s32 s10, s20;
	[tilespmem:s17+$0x0] =	vst.add.f32.msk $0xffff, v3  }
0x2a6: {  	s20 =	sadd.s32 s10, s28;
	s30 =	sadd.s32 s10, s4;
	s4 =	sor.u32 $0x100, s17;
	[tilespmem:s17+$0x80] =	vst.add.f32.msk $0xffff, v3  }
0x2a7: {  	s5 =	sadd.s32 s10, s21;
	s16 =	sadd.s32 s10, s0;
	s21 =	rddreg [dreg:$0x1f];
	[tilespmem:s4+$0x0] =	vst.add.f32.msk $0xffff, v3  }
0x2a8: {  	s0 =	sadd.s32 s10, s9;
	s9 =	sadd.s32 s10, s21;
	s21 =	sor.u32 $0x200, s17;
	[tilespmem:s17+$0x180] =	vst.add.f32.msk $0xffff, v3  }
0x2a9: {  	s28 =	sadd.s32 s10, s6;
	s6 =	sadd.s32 s10, s7;
	s7 =	sld [smem:$0x7D6];
	[tilespmem:s21+$0x0] =	vst.add.f32.msk $0xffff, v3  }
0x2aa: {  	s25 =	sld [smem:$0x7D2];
	s4 =	sadd.s32 s10, s23;
	s23 =	sor.u32 $0x300, s12;
	[tilespmem:s17+$0x280] =	vst.add.f32.msk $0xffff, v3  }
0x2ab: {  	s29 =	sld [smem:$0x7D4];
	s12 =	sor.u32 $0x380, s12;
	[tilespmem:s23+$0xD870] =	vst.add.f32.msk $0xffff, v3  }
0x2ac: {  	s1 =	sadd.s32 s10, s11;
	s11 =	rddreg [dreg:$0x1a];
	[tilespmem:s12+$0xD870] =	vst.add.f32.msk $0xffff, v3  }
0x2ad: {  	s14 =	sadd.s32 s10, s3;
	s3 =	sadd.s32 s10, s8;
	s8 =	sadd.s32 s10, s11;
	[tilespmem:s18+$0x0] =	vst.add.f32.msk $0xffff, v3  }
0x2ae: {  	s19 =	sadd.s32 s10, s25;
	s25 =	sadd.s32 s10, s29;
	[tilespmem:s8+$0x0] =	vst.add.f32.msk $0xffff, v3  }
0x2af: {  	s29 =	sadd.s32 s10, s7;
	s7 =	sadd.s32 s10, s22;
	s22 =	sld [smem:$0x7D7];
	[tilespmem:s19+$0x0] =	vst.add.f32.msk $0xffff, v3  }
0x2b0: {  	s15 =	sadd.s32 s10, s2;
	s2 =	sadd.s32 s10, s24;
	s24 =	sld [smem:$0x7D8];
	[tilespmem:s20+$0x0] =	vst.add.f32.msk $0xffff, v3  }
0x2b1: {  	[tilespmem:s25+$0x0] =	vst.add.f32.msk $0xffff, v3  }
0x2b2: {  	s11 =	sadd.s32 s10, s22;
	[tilespmem:s9+$0x0] =	vst.add.f32.msk $0xffff, v3  }
0x2b3: {  	s22 =	sadd.s32 s10, s24;
	[tilespmem:s11+$0x0] =	vst.add.f32.msk $0xffff, v3  }
0x2b4: {  	[tilespmem:s22+$0x0] =	vst.add.f32.msk $0xffff, v3  }
0x2b5: {  	s13 =	sadd.s32 s10, s31;
	s31 =	sld [smem:$0x7D9];
	[tilespmem:s28+$0x0] =	vst.add.f32.msk $0xffff, v3  }
0x2b6: {  	[tilespmem:s29+$0x0] =	vst.add.f32.msk $0xffff, v3  }
0x2b7: {  	[tilespmem:s15+$0x0] =	vst.add.f32.msk $0xffff, v3  }
0x2b8: {  	s24 =	sadd.s32 s10, s31;
	[tilespmem:s30+$0x0] =	vst.add.f32.msk $0xffff, v3  }
0x2b9: {  	[tilespmem:s24+$0x0] =	vst.add.f32.msk $0xffff, v3  }
0x2ba: {  	[tilespmem:s6+$0x0] =	vst.add.f32.msk $0xffff, v3  }
0x2bb: {  	[tilespmem:s14+$0x0] =	vst.add.f32.msk $0xffff, v3  }
0x2bc: {  	[tilespmem:s5+$0x0] =	vst.add.f32.msk $0xffff, v3  }
.Ltmp2:
0x2bd: {  	[tilespmem:s16+$0x0] =	vst.add.f32.msk $0xffff, v3;
	(pc) =	sbr.rel @p1 .LBB2_7-.Ltmp2, $4  }
0x2be: {  	s31 =	rddreg [dreg:$0x11];
	[tilespmem:s7+$0x0] =	vst.add.f32.msk $0xffff, v3  }
0x2bf: {  	s30 =	rddreg [dreg:$0x5];
	[tilespmem:s13+$0x0] =	vst.add.f32.msk $0xffff, v3  }
0x2c0: {  	s6 =	rddreg [dreg:$0x15];
	[tilespmem:s3+$0x0] =	vst.add.f32.msk $0xffff, v3  }
0x2c1: {  	s26 =	sadd.s32 $0x20, s26;
	s5 =	rddreg [dreg:$0xc];
	[tilespmem:s0+$0x0] =	vst.add.f32.msk $0xffff, v3;
	s0 =	sadd.s32 $0x20, s31  }
0x2c2: {  	s0 =	sld [smem:$0x7F2];
	_ =	sdelay $0x1  }
0x2c3: {  	s6 =	sld [smem:$0x7F9]  }
0x2c4: {  	s0 =	smul.u32 $0xC0000, s0;
	_ =	sdelay $0x1  }
0x2c5: {  	[tilespmem:s2+$0x0] =	vst.add.f32.msk $0xffff, v3;
	s0 =	sadd.s32 s6, s0  }
0x2c6: {  	s7 =	rddreg [dreg:$0x2];
	s8 =	simm.s32 $0x0;
	[tilespmem:s1+$0x0] =	vst.add.f32.msk $0xffff, v3;
	s0 =	sshrl.u32 s0, $0x3  }
0x2c7: {  	s9 =	simm.s32 $0xD870;
	s11 =	simm.s32 $0x6;
	[tilespmem:s4+$0x0] =	vst.add.f32.msk $0xffff, v3;
	s0 =	sadd.s32 s7, s0  }
0x2c8: {  	[hbm4b:s0+s8] =	stream.linear.scatter [tilespmem:s9], [sflag:$0x7], $0x6000, $0x38;
	[tilespmem:$0x1A470] =	vst v63  }
0x2c9: {  	s10 =	sld [smem:$0x7F0];
	_ =	swait.ge [sflag:s11], $0x6000  }
0x2ca: {  	s0 =	sld [smem:$0x7F1];
	_ =	sdelay $0x1  }
0x2cb: {  	p1 =	seq.s32 s10, $0x12  }
0x2cc: {  	s0 =	sadd.s32 @!p1 $0x5, s0  }
0x2cd: {  	[sflag:s11] =	ssyncset.done $0x0;
	s1 =	sshll.u32 @!p1 s0, $0x5  }
0x2ce: {  	[sflag:s11] =	ssyncadd.s32 $0xFFFFA000;
	s1 =	sand.u32 @!p1 $0x3FFFFFE0, s1  }
0x2cf: {  	v3 =	vld @!p1 [tilespmem:s1+$0x0];
	_ =	sdelay $0x4  }
0x2d0: {  	v4 =	vshrl.u32 @!p1 v3, $0x3  }
0x2d1: {  	v4 =	vmul.u32 @!p1 $0x30, v4  }
0x2d2: {  	v5 =	vlaneseq.u32 @!p1;
	v3 =	vand.u32 @!p1 $0x7, v3  }
0x2d3: {  	v6 =	vshrl.u32 @!p1 v5, $0x3;
	v3 =	vor.u32 @!p1 v3, v4;
	v4 =	vand.u32 @!p1 $0x7, v5  }
0x2d4: {  	v6 =	vmul.u32 @!p1 $0x8, v6;
	v7 =	vperm.xlane @!p1 v3, v4;
	_ =	sdelay $0x1  }
0x2d5: {  	v7 =	vadd.s32 @!p1 v6, v7;
	_ =	sdelay $0x2  }
0x2d6: {  	s5 =	sld [smem:$0x7F6];
	v5 =	vor.u32 @!p1 $0x8, v5  }
0x2d7: {  	vm1 =	vmmov @!p1 $0xffff;
	s2 =	simm.s32 @!p1 $0x0;
	s3 =	simm.s32 @!p1 $0x7870;
	s4 =	rddreg [dreg:$0x0];
	v3 =	vperm.xlane @!p1 v3, v5  }
0x2d8: {  	[tilespmem:s3], [sflag:$0x2] =	stream.indirect_vreg.gather @!p1 [hbm4b:s4+s2], $0x80, v7, vm1, $0xb8;
	[tilespmem:$0x1A470] =	vst v63  }
0x2d9: {  	s6 =	sld [smem:$0x7F7];
	v3 =	vadd.s32 @!p1 v6, v3;
	s3 =	simm.s32 @!p1 $0x8070  }
0x2da: {  	[tilespmem:s3], [sflag:$0x2] =	stream.indirect_vreg.gather @!p1 [hbm4b:s5+s2], $0x80, v7, vm1, $0xb8;
	[tilespmem:$0x1A470] =	vst v63  }
0x2db: {  	s3 =	simm.s32 @!p1 $0x8870  }
0x2dc: {  	[tilespmem:s3], [sflag:$0x2] =	stream.indirect_vreg.gather @!p1 [hbm4b:s6+s2], $0x80, v7, vm1, $0xb8;
	[tilespmem:$0x1A470] =	vst v63  }
0x2dd: {  	s3 =	simm.s32 @!p1 $0x9070  }
0x2de: {  	[tilespmem:s3], [sflag:$0x2] =	stream.indirect_vreg.gather @!p1 [hbm4b:s4+s2], $0x80, v3, vm1, $0xb8;
	[tilespmem:$0x1A470] =	vst v63  }
0x2df: {  	s3 =	simm.s32 @!p1 $0x9870  }
0x2e0: {  	[tilespmem:s3], [sflag:$0x2] =	stream.indirect_vreg.gather @!p1 [hbm4b:s5+s2], $0x80, v3, vm1, $0xb8;
	[tilespmem:$0x1A470] =	vst v63  }
0x2e1: {  	s3 =	simm.s32 @!p1 $0xA070  }
0x2e2: {  	[tilespmem:s3], [sflag:$0x2] =	stream.indirect_vreg.gather @!p1 [hbm4b:s6+s2], $0x80, v3, vm1, $0xb8;
	[tilespmem:$0x1A470] =	vst v63  }
0x2e3: {  	v3 =	vld @!p1 [tilespmem:s1+$0x10];
	_ =	sdelay $0x4  }
0x2e4: {  	v7 =	vshrl.u32 @!p1 v3, $0x3  }
0x2e5: {  	v7 =	vmul.u32 @!p1 $0x30, v7  }
0x2e6: {  	v3 =	vand.u32 @!p1 $0x7, v3  }
0x2e7: {  	v3 =	vor.u32 @!p1 v3, v7  }
0x2e8: {  	v4 =	vperm.xlane @!p1 v3, v4;
	_ =	sdelay $0x1  }
0x2e9: {  	v4 =	vadd.s32 @!p1 v6, v4;
	_ =	sdelay $0x3  }
0x2ea: {  	s1 =	simm.s32 @!p1 $0xA870;
	v3 =	vperm.xlane @!p1 v3, v5  }
0x2eb: {  	[tilespmem:s1], [sflag:$0x2] =	stream.indirect_vreg.gather @!p1 [hbm4b:s4+s2], $0x80, v4, vm1, $0xb8;
	[tilespmem:$0x1A470] =	vst v63  }
0x2ec: {  	v3 =	vadd.s32 @!p1 v6, v3;
	s1 =	simm.s32 @!p1 $0xB070  }
0x2ed: {  	[tilespmem:s1], [sflag:$0x2] =	stream.indirect_vreg.gather @!p1 [hbm4b:s5+s2], $0x80, v4, vm1, $0xb8;
	[tilespmem:$0x1A470] =	vst v63  }
0x2ee: {  	s1 =	simm.s32 @!p1 $0xB870  }
0x2ef: {  	[tilespmem:s1], [sflag:$0x2] =	stream.indirect_vreg.gather @!p1 [hbm4b:s6+s2], $0x80, v4, vm1, $0xb8;
	[tilespmem:$0x1A470] =	vst v63  }
0x2f0: {  	s1 =	simm.s32 @!p1 $0xC070  }
0x2f1: {  	[tilespmem:s1], [sflag:$0x2] =	stream.indirect_vreg.gather @!p1 [hbm4b:s4+s2], $0x80, v3, vm1, $0xb8;
	[tilespmem:$0x1A470] =	vst v63  }
0x2f2: {  	s1 =	simm.s32 @!p1 $0xC870  }
0x2f3: {  	[tilespmem:s1], [sflag:$0x2] =	stream.indirect_vreg.gather @!p1 [hbm4b:s5+s2], $0x80, v3, vm1, $0xb8;
	[tilespmem:$0x1A470] =	vst v63  }
0x2f4: {  	s0 =	smul.u32 @!p1 $0xC00, s0;
	s1 =	simm.s32 @!p1 $0xD070  }
0x2f5: {  	[tilespmem:s1], [sflag:$0x2] =	stream.indirect_vreg.gather @!p1 [hbm4b:s6+s2], $0x80, v3, vm1, $0xb8;
	[tilespmem:$0x1A470] =	vst v63  }
0x2f6: {  	s0 =	sshra.s32 @!p1 s0, $0x2;
	s1 =	rddreg [dreg:$0x3]  }
0x2f7: {  	s12 =	simm.s32 $0x4;
	s0 =	sadd.s32 @!p1 s0, s1;
	s1 =	simm.s32 @!p1 $0x19B70  }
0x2f8: {  	[tilespmem:s1], [sflag:$0xA] =	stream.linear.gather @!p1 [spmem:s0], $0x300, $0x38;
	[tilespmem:$0x1A470] =	vst v63  }
0x2f9: {  	_ =	swait.ge [sflag:s12], $0x6000  }
0x2fa: {  	[sflag:s12] =	ssyncset.done $0x0  }
0x2fb: {  	s13 =	simm.s32 $0xC;
	[sflag:s12] =	ssyncadd.s32 $0xFFFFA000  }
0x2fc: {  	_ =	swait.ge [sflag:s13], $0x300  }
0x2fd: {  	[sflag:s13] =	ssyncset.done $0x0  }
0x2fe: {  	s14 =	simm.s32 $0x1A170;
	[sflag:s13] =	ssyncadd.s32 $0xFFFFFD00  }
0x2ff: {  	v3 =	vld [tilespmem:s14+$0x0]  }
0x300: {  	s6 =	simm.s32 $0x0  }
0x301: {  	s14 =	sand.u32 $0x1C00, s6  }
0x302: {  	s9 =	sand.u32 $0x60, s6;
	s1 =	sadd.s32 $0x13870, s14  }
0x303: {  	s15 =	sadd.s32 s9, s1  }
0x304: {  	[tilespmem:s15+$0x0] =	vst.add.f32.msk $0xffff, v3  }
0x305: {  	s16 =	sor.u32 $0x100, s15;
	[tilespmem:s15+$0x80] =	vst.add.f32.msk $0xffff, v3  }
0x306: {  	s17 =	sand.u32 $0x3, s6;
	[tilespmem:s16+$0x0] =	vst.add.f32.msk $0xffff, v3  }
0x307: {  	s18 =	sshll.u32 s17, $0x5;
	s19 =	sor.u32 $0x200, s15;
	[tilespmem:s15+$0x180] =	vst.add.f32.msk $0xffff, v3  }
0x308: {  	s28 =	sadd.s32 $0x0, s18;
	[tilespmem:s19+$0x0] =	vst.add.f32.msk $0xffff, v3  }
0x309: {  	s20 =	sor.u32 s6, s6;
	s2 =	sor.u32 $0x300, s28;
	[tilespmem:s15+$0x280] =	vst.add.f32.msk $0xffff, v3  }
0x30a: {  	s21 =	sor.u32 $0x380, s20;
	s10 =	sadd.s32 $0x15070, s14;
	[tilespmem:s2+$0x13870] =	vst.add.f32.msk $0xffff, v3  }
0x30b: {  	s5 =	sadd.s32 $0x150F0, s14;
	s22 =	sadd.s32 s9, s10;
	[tilespmem:s21+$0x13870] =	vst.add.f32.msk $0xffff, v3  }
0x30c: {  	s12 =	sadd.s32 $0x15170, s14;
	s23 =	sadd.s32 s9, s5;
	[tilespmem:s22+$0x0] =	vst.add.f32.msk $0xffff, v3  }
0x30d: {  	s4 =	sadd.s32 $0x151F0, s14;
	s24 =	sadd.s32 s9, s12;
	[tilespmem:s23+$0x0] =	vst.add.f32.msk $0xffff, v3  }
0x30e: {  	s13 =	sadd.s32 $0x15270, s14;
	s25 =	sadd.s32 s9, s4;
	[tilespmem:s24+$0x0] =	vst.add.f32.msk $0xffff, v3  }
0x30f: {  	s11 =	sadd.s32 $0x152F0, s14;
	s26 =	sadd.s32 s9, s13;
	[tilespmem:s25+$0x0] =	vst.add.f32.msk $0xffff, v3  }
0x310: {  	s29 =	sadd.s32 s9, s11;
	s16 =	sadd.s32 $0x15370, s14;
	[tilespmem:s26+$0x0] =	vst.add.f32.msk $0xffff, v3  }
0x311: {  	s30 =	sadd.s32 s9, s16;
	s2 =	sadd.s32 $0x153F0, s14;
	[tilespmem:s29+$0x0] =	vst.add.f32.msk $0xffff, v3  }
0x312: {  	s17 =	sadd.s32 $0x16870, s14;
	s31 =	sadd.s32 s9, s2;
	[tilespmem:s30+$0x0] =	vst.add.f32.msk $0xffff, v3  }
0x313: {  	s18 =	sadd.s32 $0x168F0, s14;
	s7 =	sadd.s32 s9, s17;
	[tilespmem:s31+$0x0] =	vst.add.f32.msk $0xffff, v3  }
0x314: {  	s8 =	sadd.s32 s9, s18;
	s19 =	sadd.s32 $0x16970, s14;
	[tilespmem:s7+$0x0] =	vst.add.f32.msk $0xffff, v3  }
0x315: {  	s23 =	sadd.s32 $0x169F0, s14;
	s7 =	sadd.s32 s9, s19;
	[tilespmem:s8+$0x0] =	vst.add.f32.msk $0xffff, v3  }
0x316: {  	s3 =	sadd.s32 $0x16A70, s14;
	s15 =	sadd.s32 s9, s23;
	[tilespmem:s7+$0x0] =	vst.add.f32.msk $0xffff, v3  }
0x317: {  	s20 =	sadd.s32 s9, s3;
	s24 =	sadd.s32 $0x16AF0, s14;
	[tilespmem:s15+$0x0] =	vst.add.f32.msk $0xffff, v3  }
0x318: {  	s25 =	sadd.s32 $0x16B70, s14;
	s21 =	sadd.s32 s9, s24;
	[tilespmem:s20+$0x0] =	vst.add.f32.msk $0xffff, v3  }
0x319: {  	s8 =	sadd.s32 s9, s25;
	s7 =	sadd.s32 $0x16BF0, s14;
	[tilespmem:s21+$0x0] =	vst.add.f32.msk $0xffff, v3  }
0x31a: {  	s22 =	sadd.s32 s9, s7;
	s21 =	sor.u32 $0x18070, s14;
	[tilespmem:s8+$0x0] =	vst.add.f32.msk $0xffff, v3  }
0x31b: {  	s26 =	sor.u32 $0x180F0, s14;
	s29 =	sadd.s32 s9, s21;
	[tilespmem:s22+$0x0] =	vst.add.f32.msk $0xffff, v3  }
0x31c: {  	s0 =	sor.u32 $0x18170, s14;
	s20 =	sadd.s32 s9, s26;
	[tilespmem:s29+$0x0] =	vst.add.f32.msk $0xffff, v3  }
0x31d: {  	s30 =	sadd.s32 s9, s0;
	s15 =	sor.u32 $0x181F0, s14;
	[tilespmem:s20+$0x0] =	vst.add.f32.msk $0xffff, v3  }
0x31e: {  	s31 =	sadd.s32 s9, s15;
	s20 =	sor.u32 $0x18270, s14;
	[tilespmem:s30+$0x0] =	vst.add.f32.msk $0xffff, v3  }
0x31f: {  	s29 =	sor.u32 $0x182F0, s14;
	s22 =	sadd.s32 s9, s20;
	[tilespmem:s31+$0x0] =	vst.add.f32.msk $0xffff, v3  }
0x320: {  	s8 =	sor.u32 $0x18370, s14;
	[tilespmem:s22+$0x0] =	vst.add.f32.msk $0xffff, v3;
	s22 =	sadd.s32 s9, s29  }
0x321: {  	s14 =	sor.u32 $0x183F0, s14;
	s30 =	sadd.s32 s9, s8;
	[tilespmem:s22+$0x0] =	vst.add.f32.msk $0xffff, v3  }
0x322: {  	s31 =	sadd.s32 s9, s14;
	s9 =	sor.u32 $0x10, s9;
	[tilespmem:s30+$0x0] =	vst.add.f32.msk $0xffff, v3;
	s30 =	sand.u32 $0x380, s6  }
0x323: {  	[tilespmem:s31+$0x0] =	vst.add.f32.msk $0xffff, v3;
	s31 =	sor.u32 s9, s30  }
0x324: {  	v3 =	vld [tilespmem:s31+$0x1A170];
	_ =	sdelay $0x3  }
0x325: {  	s1 =	sadd.s32 s9, s1  }
0x326: {  	[tilespmem:s1+$0x0] =	vst.add.f32.msk $0xffff, v3  }
0x327: {  	s30 =	sor.u32 $0x100, s1;
	[tilespmem:s1+$0x80] =	vst.add.f32.msk $0xffff, v3  }
0x328: {  	[tilespmem:s30+$0x0] =	vst.add.f32.msk $0xffff, v3  }
0x329: {  	s31 =	sor.u32 $0x200, s1;
	[tilespmem:s1+$0x180] =	vst.add.f32.msk $0xffff, v3  }
0x32a: {  	s30 =	sadd.s32 $0x10, s28;
	[tilespmem:s31+$0x0] =	vst.add.f32.msk $0xffff, v3  }
0x32b: {  	s31 =	sor.u32 $0x300, s30;
	[tilespmem:s1+$0x280] =	vst.add.f32.msk $0xffff, v3  }
0x32c: {  	s22 =	sor.u32 $0x380, s30;
	[tilespmem:s31+$0x13870] =	vst.add.f32.msk $0xffff, v3  }
0x32d: {  	s28 =	sadd.s32 s9, s10;
	[tilespmem:s22+$0x13870] =	vst.add.f32.msk $0xffff, v3  }
0x32e: {  	s30 =	sadd.s32 s9, s5;
	[tilespmem:s28+$0x0] =	vst.add.f32.msk $0xffff, v3  }
0x32f: {  	s31 =	sadd.s32 s9, s12;
	[tilespmem:s30+$0x0] =	vst.add.f32.msk $0xffff, v3  }
0x330: {  	s4 =	sadd.s32 s9, s4;
	[tilespmem:s31+$0x0] =	vst.add.f32.msk $0xffff, v3  }
0x331: {  	s5 =	sadd.s32 s9, s13;
	[tilespmem:s4+$0x0] =	vst.add.f32.msk $0xffff, v3  }
0x332: {  	s10 =	sadd.s32 s9, s11;
	[tilespmem:s5+$0x0] =	vst.add.f32.msk $0xffff, v3  }
0x333: {  	s11 =	sadd.s32 s9, s16;
	[tilespmem:s10+$0x0] =	vst.add.f32.msk $0xffff, v3  }
0x334: {  	s12 =	sadd.s32 s9, s2;
	[tilespmem:s11+$0x0] =	vst.add.f32.msk $0xffff, v3  }
0x335: {  	s13 =	sadd.s32 s9, s17;
	[tilespmem:s12+$0x0] =	vst.add.f32.msk $0xffff, v3  }
0x336: {  	s16 =	sadd.s32 s9, s18;
	[tilespmem:s13+$0x0] =	vst.add.f32.msk $0xffff, v3  }
0x337: {  	s17 =	sadd.s32 s9, s19;
	[tilespmem:s16+$0x0] =	vst.add.f32.msk $0xffff, v3  }
0x338: {  	s18 =	sadd.s32 s9, s23;
	[tilespmem:s17+$0x0] =	vst.add.f32.msk $0xffff, v3  }
0x339: {  	s19 =	sadd.s32 s9, s3;
	[tilespmem:s18+$0x0] =	vst.add.f32.msk $0xffff, v3  }
0x33a: {  	s22 =	sadd.s32 s9, s24;
	[tilespmem:s19+$0x0] =	vst.add.f32.msk $0xffff, v3  }
0x33b: {  	s23 =	sadd.s32 s9, s25;
	[tilespmem:s22+$0x0] =	vst.add.f32.msk $0xffff, v3  }
0x33c: {  	s24 =	sadd.s32 s9, s7;
	[tilespmem:s23+$0x0] =	vst.add.f32.msk $0xffff, v3  }
0x33d: {  	s25 =	sadd.s32 s9, s21;
	[tilespmem:s24+$0x0] =	vst.add.f32.msk $0xffff, v3  }
0x33e: {  	s28 =	sadd.s32 s9, s26;
	[tilespmem:s25+$0x0] =	vst.add.f32.msk $0xffff, v3  }
0x33f: {  	s0 =	sadd.s32 s9, s0;
	[tilespmem:s28+$0x0] =	vst.add.f32.msk $0xffff, v3  }
0x340: {  	s1 =	sadd.s32 s9, s8;
	s8 =	simm.s32 $0x0;
	s30 =	sadd.s32 s9, s15;
	[tilespmem:s0+$0x0] =	vst.add.f32.msk $0xffff, v3  }
0x341: {  	s2 =	sadd.s32 s9, s29;
	s31 =	sadd.s32 s9, s20;
	s4 =	sadd.s32 s9, s14;
	[tilespmem:s30+$0x0] =	vst.add.f32.msk $0xffff, v3  }
0x342: {  	s5 =	simm.s32 $0x0;
	s24 =	simm.s32 $0x20;
	s0 =	simm.s32 $0x1A190;
	[tilespmem:s31+$0x0] =	vst.add.f32.msk $0xffff, v3  }
.LBB2_9:
0x343: {  	[tilespmem:s2+$0x0] =	vst.add.f32.msk $0xffff, v3  }
0x344: {  	[tilespmem:s1+$0x0] =	vst.add.f32.msk $0xffff, v3  }
0x345: {  	[tilespmem:s4+$0x0] =	vst.add.f32.msk $0xffff, v3  }
0x346: {  	v3 =	vld [tilespmem:s0+$0x0]  }
0x347: {  	s6 =	sadd.s32 $0x100, s6  }
0x348: {  	s12 =	sand.u32 $0x1C00, s6  }
0x349: {  	s14 =	sand.u32 $0x60, s24;
	s23 =	sadd.s32 $0x13870, s12  }
0x34a: {  	[dreg:$0x12] =	wrdreg s0;
	s0 =	sadd.s32 s14, s23  }
0x34b: {  	[tilespmem:s0+$0x0] =	vst.add.f32.msk $0xffff, v3  }
0x34c: {  	s8 =	sadd.s32 $0x1, s8;
	s28 =	sor.u32 $0x100, s0;
	[tilespmem:s0+$0x80] =	vst.add.f32.msk $0xffff, v3  }
0x34d: {  	s30 =	sand.u32 $0x3, s8;
	[tilespmem:s28+$0x0] =	vst.add.f32.msk $0xffff, v3  }
0x34e: {  	s4 =	sshll.u32 s30, $0x5;
	s11 =	sor.u32 $0x200, s0;
	[tilespmem:s0+$0x180] =	vst.add.f32.msk $0xffff, v3  }
0x34f: {  	s20 =	sadd.s32 s4, s6;
	[tilespmem:s11+$0x0] =	vst.add.f32.msk $0xffff, v3  }
0x350: {  	s17 =	sor.u32 s6, s24;
	s16 =	sor.u32 $0x300, s20;
	[tilespmem:s0+$0x280] =	vst.add.f32.msk $0xffff, v3  }
0x351: {  	s18 =	sor.u32 $0x380, s17;
	s19 =	sadd.s32 $0x15070, s12;
	[tilespmem:s16+$0x13870] =	vst.add.f32.msk $0xffff, v3  }
0x352: {  	s25 =	sadd.s32 $0x150F0, s12;
	s21 =	sadd.s32 s14, s19;
	[tilespmem:s18+$0x13870] =	vst.add.f32.msk $0xffff, v3  }
0x353: {  	s26 =	sadd.s32 $0x15170, s12;
	s3 =	sadd.s32 s14, s25;
	[tilespmem:s21+$0x0] =	vst.add.f32.msk $0xffff, v3  }
0x354: {  	s29 =	sadd.s32 $0x151F0, s12;
	s7 =	sadd.s32 s14, s26;
	[tilespmem:s3+$0x0] =	vst.add.f32.msk $0xffff, v3  }
0x355: {  	s10 =	sadd.s32 $0x15270, s12;
	s31 =	sadd.s32 s14, s29;
	[tilespmem:s7+$0x0] =	vst.add.f32.msk $0xffff, v3  }
0x356: {  	s5 =	sadd.s32 $0x2, s5;
	s13 =	sadd.s32 $0x152F0, s12;
	s9 =	sadd.s32 s14, s10;
	[tilespmem:s31+$0x0] =	vst.add.f32.msk $0xffff, v3  }
0x357: {  	s15 =	sadd.s32 $0x15370, s12;
	[smem:$0x7C5] =	sst s23;
	s11 =	sadd.s32 s14, s13;
	[tilespmem:s9+$0x0] =	vst.add.f32.msk $0xffff, v3  }
0x358: {  	[dreg:$0x1b] =	wrdreg s25;
	s22 =	sadd.s32 s14, s15;
	s23 =	sadd.s32 $0x153F0, s12;
	[tilespmem:s11+$0x0] =	vst.add.f32.msk $0xffff, v3  }
0x359: {  	[smem:$0x7C8] =	sst s29;
	s25 =	sadd.s32 $0x16870, s12;
	s29 =	sadd.s32 s14, s23;
	[tilespmem:s22+$0x0] =	vst.add.f32.msk $0xffff, v3  }
0x35a: {  	s17 =	sadd.s32 $0x168F0, s12;
	[smem:$0x7C7] =	sst s26;
	s26 =	sadd.s32 s14, s25;
	[tilespmem:s29+$0x0] =	vst.add.f32.msk $0xffff, v3  }
0x35b: {  	s2 =	sadd.s32 $0x16970, s12;
	[smem:$0x7CD] =	sst s15;
	s15 =	sadd.s32 s14, s17;
	[tilespmem:s26+$0x0] =	vst.add.f32.msk $0xffff, v3  }
0x35c: {  	[dreg:$0xd] =	wrdreg s5;
	s4 =	sadd.s32 $0x169F0, s12;
	s28 =	sadd.s32 s14, s2;
	[tilespmem:s15+$0x0] =	vst.add.f32.msk $0xffff, v3  }
0x35d: {  	[dreg:$0x8] =	wrdreg s6;
	s6 =	sadd.s32 s14, s4;
	s18 =	sadd.s32 $0x16A70, s12;
	[tilespmem:s28+$0x0] =	vst.add.f32.msk $0xffff, v3  }
0x35e: {  	[smem:$0x7CE] =	sst s23;
	s23 =	sadd.s32 s14, s18;
	s7 =	sadd.s32 $0x16AF0, s12;
	[tilespmem:s6+$0x0] =	vst.add.f32.msk $0xffff, v3  }
0x35f: {  	p1 =	slt.u32 s5, $0x2E;
	s3 =	sadd.s32 $0x16B70, s12;
	s5 =	sadd.s32 s14, s7;
	[tilespmem:s23+$0x0] =	vst.add.f32.msk $0xffff, v3  }
0x360: {  	[dreg:$0x16] =	wrdreg s8;
	s21 =	sadd.s32 $0x16BF0, s12;
	s16 =	sadd.s32 s14, s3;
	[tilespmem:s5+$0x0] =	vst.add.f32.msk $0xffff, v3  }
0x361: {  	[smem:$0x7CB] =	sst s17;
	s0 =	sor.u32 $0x18070, s12;
	s17 =	sadd.s32 s14, s21;
	[tilespmem:s16+$0x0] =	vst.add.f32.msk $0xffff, v3  }
0x362: {  	s30 =	sor.u32 $0x180F0, s12;
	[smem:$0x7CF] =	sst s18;
	s18 =	sadd.s32 s14, s0;
	[tilespmem:s17+$0x0] =	vst.add.f32.msk $0xffff, v3  }
0x363: {  	[smem:$0x7CA] =	sst s25;
	s25 =	sadd.s32 s14, s30;
	s31 =	sor.u32 $0x18170, s12;
	[tilespmem:s18+$0x0] =	vst.add.f32.msk $0xffff, v3  }
0x364: {  	s8 =	sor.u32 $0x181F0, s12;
	[smem:$0x7C6] =	sst s19;
	s19 =	sadd.s32 s14, s31;
	[tilespmem:s25+$0x0] =	vst.add.f32.msk $0xffff, v3  }
0x365: {  	[smem:$0x7CC] =	sst s13;
	s13 =	sadd.s32 s14, s8;
	s9 =	sor.u32 $0x18270, s12;
	[tilespmem:s19+$0x0] =	vst.add.f32.msk $0xffff, v3  }
0x366: {  	[smem:$0x7C9] =	sst s10;
	s10 =	sadd.s32 s14, s9;
	s22 =	sor.u32 $0x182F0, s12;
	[tilespmem:s13+$0x0] =	vst.add.f32.msk $0xffff, v3  }
0x367: {  	s11 =	sor.u32 $0x18370, s12;
	s1 =	sadd.s32 s14, s22;
	[tilespmem:s10+$0x0] =	vst.add.f32.msk $0xffff, v3  }
0x368: {  	s29 =	sor.u32 $0x183F0, s12;
	s15 =	sadd.s32 s14, s11;
	[tilespmem:s1+$0x0] =	vst.add.f32.msk $0xffff, v3  }
0x369: {  	s26 =	sadd.s32 s14, s29;
	s19 =	sand.u32 $0x380, s24;
	s10 =	sor.u32 $0x10, s14;
	[tilespmem:s15+$0x0] =	vst.add.f32.msk $0xffff, v3  }
0x36a: {  	s1 =	sor.u32 s10, s19;
	[tilespmem:s26+$0x0] =	vst.add.f32.msk $0xffff, v3  }
0x36b: {  	s12 =	sadd.s32 $0x10, s20;
	s20 =	sld [smem:$0x7C5];
	v3 =	vld [tilespmem:s1+$0x1A170]  }
0x36c: {  	s28 =	sld [smem:$0x7C9]  }
0x36d: {  	s23 =	sld [smem:$0x7C6]  }
0x36e: {  	s6 =	sld [smem:$0x7CA]  }
0x36f: {  	s25 =	sld [smem:$0x7C7];
	s17 =	sadd.s32 s10, s20  }
0x370: {  	s18 =	sadd.s32 s10, s23;
	s5 =	sadd.s32 s10, s21;
	s21 =	sld [smem:$0x7CC];
	[tilespmem:s17+$0x0] =	vst.add.f32.msk $0xffff, v3  }
0x371: {  	s23 =	sadd.s32 s10, s28;
	s28 =	sadd.s32 s10, s4;
	s4 =	sor.u32 $0x100, s17;
	[tilespmem:s17+$0x80] =	vst.add.f32.msk $0xffff, v3  }
0x372: {  	s16 =	sadd.s32 s10, s0;
	[tilespmem:s4+$0x0] =	vst.add.f32.msk $0xffff, v3  }
0x373: {  	s0 =	sadd.s32 s10, s9;
	s9 =	sadd.s32 s10, s21;
	s21 =	sor.u32 $0x200, s17;
	[tilespmem:s17+$0x180] =	vst.add.f32.msk $0xffff, v3  }
0x374: {  	s19 =	sadd.s32 s10, s25;
	s25 =	sadd.s32 s10, s6;
	s6 =	sadd.s32 s10, s7;
	[tilespmem:s21+$0x0] =	vst.add.f32.msk $0xffff, v3  }
0x375: {  	s7 =	sld [smem:$0x7CB];
	s4 =	sadd.s32 s10, s29;
	s29 =	sor.u32 $0x300, s12;
	[tilespmem:s17+$0x280] =	vst.add.f32.msk $0xffff, v3  }
0x376: {  	s26 =	sld [smem:$0x7C8];
	s12 =	sor.u32 $0x380, s12;
	[tilespmem:s29+$0x13870] =	vst.add.f32.msk $0xffff, v3  }
0x377: {  	s1 =	sadd.s32 s10, s11;
	s11 =	rddreg [dreg:$0x1b];
	[tilespmem:s12+$0x13870] =	vst.add.f32.msk $0xffff, v3  }
0x378: {  	s14 =	sadd.s32 s10, s3;
	s3 =	sadd.s32 s10, s8;
	s8 =	sadd.s32 s10, s11;
	[tilespmem:s18+$0x0] =	vst.add.f32.msk $0xffff, v3  }
0x379: {  	s15 =	sadd.s32 s10, s2;
	[tilespmem:s8+$0x0] =	vst.add.f32.msk $0xffff, v3  }
0x37a: {  	s2 =	sadd.s32 s10, s22;
	s22 =	sld [smem:$0x7CD];
	s20 =	sadd.s32 s10, s26;
	[tilespmem:s19+$0x0] =	vst.add.f32.msk $0xffff, v3  }
0x37b: {  	s26 =	sadd.s32 s10, s7;
	s7 =	sadd.s32 s10, s30;
	s30 =	sld [smem:$0x7CE];
	[tilespmem:s20+$0x0] =	vst.add.f32.msk $0xffff, v3  }
0x37c: {  	[tilespmem:s23+$0x0] =	vst.add.f32.msk $0xffff, v3  }
0x37d: {  	s11 =	sadd.s32 s10, s22;
	[tilespmem:s9+$0x0] =	vst.add.f32.msk $0xffff, v3  }
0x37e: {  	s22 =	sadd.s32 s10, s30;
	[tilespmem:s11+$0x0] =	vst.add.f32.msk $0xffff, v3  }
0x37f: {  	[tilespmem:s22+$0x0] =	vst.add.f32.msk $0xffff, v3  }
0x380: {  	s13 =	sadd.s32 s10, s31;
	s31 =	sld [smem:$0x7CF];
	[tilespmem:s25+$0x0] =	vst.add.f32.msk $0xffff, v3  }
0x381: {  	[tilespmem:s26+$0x0] =	vst.add.f32.msk $0xffff, v3  }
0x382: {  	[tilespmem:s15+$0x0] =	vst.add.f32.msk $0xffff, v3  }
0x383: {  	s30 =	sadd.s32 s10, s31;
	[tilespmem:s28+$0x0] =	vst.add.f32.msk $0xffff, v3  }
0x384: {  	[tilespmem:s30+$0x0] =	vst.add.f32.msk $0xffff, v3  }
0x385: {  	[tilespmem:s6+$0x0] =	vst.add.f32.msk $0xffff, v3  }
0x386: {  	[tilespmem:s14+$0x0] =	vst.add.f32.msk $0xffff, v3  }
0x387: {  	[tilespmem:s5+$0x0] =	vst.add.f32.msk $0xffff, v3  }
.Ltmp3:
0x388: {  	[tilespmem:s16+$0x0] =	vst.add.f32.msk $0xffff, v3;
	(pc) =	sbr.rel @p1 .LBB2_9-.Ltmp3, $4  }
0x389: {  	s31 =	rddreg [dreg:$0x12];
	[tilespmem:s7+$0x0] =	vst.add.f32.msk $0xffff, v3  }
0x38a: {  	s8 =	rddreg [dreg:$0x16];
	[tilespmem:s13+$0x0] =	vst.add.f32.msk $0xffff, v3  }
0x38b: {  	s6 =	rddreg [dreg:$0x8];
	[tilespmem:s3+$0x0] =	vst.add.f32.msk $0xffff, v3  }
0x38c: {  	s24 =	sadd.s32 $0x20, s24;
	s5 =	rddreg [dreg:$0xd];
	[tilespmem:s0+$0x0] =	vst.add.f32.msk $0xffff, v3;
	s0 =	sadd.s32 $0x20, s31  }
0x38d: {  	s0 =	sld [smem:$0x7E5];
	_ =	sdelay $0x1  }
0x38e: {  	s26 =	sld [smem:$0x7F9]  }
0x38f: {  	s0 =	smul.u32 $0xC0000, s0;
	_ =	sdelay $0x1  }
0x390: {  	[tilespmem:s2+$0x0] =	vst.add.f32.msk $0xffff, v3;
	s28 =	rddreg [dreg:$0x2];
	s0 =	sadd.s32 s26, s0  }
0x391: {  	s31 =	sld [smem:$0x7F0];
	[tilespmem:s1+$0x0] =	vst.add.f32.msk $0xffff, v3;
	s0 =	sshrl.u32 s0, $0x3  }
0x392: {  	s29 =	simm.s32 $0x0;
	s30 =	simm.s32 $0x13870;
	[tilespmem:s4+$0x0] =	vst.add.f32.msk $0xffff, v3;
	s0 =	sadd.s32 s28, s0  }
0x393: {  	[hbm4b:s0+s29] =	stream.linear.scatter [tilespmem:s30], [sflag:$0x8], $0x6000, $0x38;
	[tilespmem:$0x1A470] =	vst v63  }
0x394: {  	s0 =	sadd.s32 $0x1, s31  }
0x395: {  	p1 =	sne.s32 s0, $0x13  }
.Ltmp4:
0x396: {  	_ = 	snop;
	(pc) =	sbr.rel @p1 .LBB2_2-.Ltmp4, $1  }
0x397: {  	_ =	sdelay $0x3  }
0x398: {  	s0 =	simm.s32 $0x7  }
0x399: {  	_ =	swait.ge [sflag:s0], $0x6000  }
0x39a: {  	[sflag:s0] =	ssyncset.done $0x0  }
0x39b: {  	s10 =	simm.s32 $0x1;
	[sflag:s0] =	ssyncadd.s32 $0xFFFFA000  }
0x39c: {  	_ =	swait.ge [sflag:s10], $0x6000  }
0x39d: {  	[sflag:s10] =	ssyncset.done $0x0  }
0x39e: {  	s11 =	simm.s32 $0x9;
	[sflag:s10] =	ssyncadd.s32 $0xFFFFA000  }
0x39f: {  	_ =	swait.ge [sflag:s11], $0x300  }
0x3a0: {  	[sflag:s11] =	ssyncset.done $0x0  }
0x3a1: {  	s12 =	simm.s32 $0x19870;
	[sflag:s11] =	ssyncadd.s32 $0xFFFFFD00  }
0x3a2: {  	v3 =	vld [tilespmem:s12+$0x0]  }
0x3a3: {  	s6 =	simm.s32 $0x0  }
0x3a4: {  	s14 =	sand.u32 $0x1C00, s6  }
0x3a5: {  	s9 =	sand.u32 $0x60, s6;
	s1 =	sadd.s32 $0x1870, s14  }
0x3a6: {  	s13 =	sadd.s32 s9, s1  }
0x3a7: {  	[tilespmem:s13+$0x0] =	vst.add.f32.msk $0xffff, v3  }
0x3a8: {  	s2 =	sor.u32 $0x100, s13;
	[tilespmem:s13+$0x80] =	vst.add.f32.msk $0xffff, v3  }
0x3a9: {  	s3 =	sand.u32 $0x3, s6;
	[tilespmem:s2+$0x0] =	vst.add.f32.msk $0xffff, v3  }
0x3aa: {  	s15 =	sshll.u32 s3, $0x5;
	s16 =	sor.u32 $0x200, s13;
	[tilespmem:s13+$0x180] =	vst.add.f32.msk $0xffff, v3  }
0x3ab: {  	s25 =	sadd.s32 $0x0, s15;
	[tilespmem:s16+$0x0] =	vst.add.f32.msk $0xffff, v3  }
0x3ac: {  	s17 =	sor.u32 s6, s6;
	s2 =	sor.u32 $0x300, s25;
	[tilespmem:s13+$0x280] =	vst.add.f32.msk $0xffff, v3  }
0x3ad: {  	s18 =	sor.u32 $0x380, s17;
	s10 =	sadd.s32 $0x3070, s14;
	[tilespmem:s2+$0x1870] =	vst.add.f32.msk $0xffff, v3  }
0x3ae: {  	s5 =	sadd.s32 $0x30F0, s14;
	s19 =	sadd.s32 s9, s10;
	[tilespmem:s18+$0x1870] =	vst.add.f32.msk $0xffff, v3  }
0x3af: {  	s20 =	sadd.s32 s9, s5;
	s12 =	sadd.s32 $0x3170, s14;
	[tilespmem:s19+$0x0] =	vst.add.f32.msk $0xffff, v3  }
0x3b0: {  	s4 =	sadd.s32 $0x31F0, s14;
	s21 =	sadd.s32 s9, s12;
	[tilespmem:s20+$0x0] =	vst.add.f32.msk $0xffff, v3  }
0x3b1: {  	s22 =	sadd.s32 s9, s4;
	s13 =	sadd.s32 $0x3270, s14;
	[tilespmem:s21+$0x0] =	vst.add.f32.msk $0xffff, v3  }
0x3b2: {  	s11 =	sadd.s32 $0x32F0, s14;
	s23 =	sadd.s32 s9, s13;
	[tilespmem:s22+$0x0] =	vst.add.f32.msk $0xffff, v3  }
0x3b3: {  	s24 =	sadd.s32 s9, s11;
	s16 =	sadd.s32 $0x3370, s14;
	[tilespmem:s23+$0x0] =	vst.add.f32.msk $0xffff, v3  }
0x3b4: {  	s26 =	sadd.s32 s9, s16;
	s2 =	sadd.s32 $0x33F0, s14;
	[tilespmem:s24+$0x0] =	vst.add.f32.msk $0xffff, v3  }
0x3b5: {  	s17 =	sadd.s32 $0x4870, s14;
	s28 =	sadd.s32 s9, s2;
	[tilespmem:s26+$0x0] =	vst.add.f32.msk $0xffff, v3  }
0x3b6: {  	s29 =	sadd.s32 s9, s17;
	s18 =	sadd.s32 $0x48F0, s14;
	[tilespmem:s28+$0x0] =	vst.add.f32.msk $0xffff, v3  }
0x3b7: {  	s30 =	sadd.s32 s9, s18;
	s19 =	sadd.s32 $0x4970, s14;
	[tilespmem:s29+$0x0] =	vst.add.f32.msk $0xffff, v3  }
0x3b8: {  	s7 =	sadd.s32 s9, s19;
	s21 =	sadd.s32 $0x49F0, s14;
	[tilespmem:s30+$0x0] =	vst.add.f32.msk $0xffff, v3  }
0x3b9: {  	s3 =	sadd.s32 $0x4A70, s14;
	s31 =	sadd.s32 s9, s21;
	[tilespmem:s7+$0x0] =	vst.add.f32.msk $0xffff, v3  }
0x3ba: {  	s8 =	sadd.s32 s9, s3;
	s22 =	sadd.s32 $0x4AF0, s14;
	[tilespmem:s31+$0x0] =	vst.add.f32.msk $0xffff, v3  }
0x3bb: {  	s23 =	sadd.s32 $0x4B70, s14;
	s15 =	sadd.s32 s9, s22;
	[tilespmem:s8+$0x0] =	vst.add.f32.msk $0xffff, v3  }
0x3bc: {  	s7 =	sadd.s32 $0x4BF0, s14;
	s8 =	sadd.s32 s9, s23;
	[tilespmem:s15+$0x0] =	vst.add.f32.msk $0xffff, v3  }
0x3bd: {  	s24 =	sor.u32 $0x6070, s14;
	s20 =	sadd.s32 s9, s7;
	[tilespmem:s8+$0x0] =	vst.add.f32.msk $0xffff, v3  }
0x3be: {  	s26 =	sadd.s32 s9, s24;
	s15 =	sor.u32 $0x60F0, s14;
	[tilespmem:s20+$0x0] =	vst.add.f32.msk $0xffff, v3  }
0x3bf: {  	s0 =	sor.u32 $0x6170, s14;
	s20 =	sadd.s32 s9, s15;
	[tilespmem:s26+$0x0] =	vst.add.f32.msk $0xffff, v3  }
0x3c0: {  	s28 =	sadd.s32 s9, s0;
	s26 =	sor.u32 $0x61F0, s14;
	[tilespmem:s20+$0x0] =	vst.add.f32.msk $0xffff, v3  }
0x3c1: {  	s29 =	sadd.s32 s9, s26;
	[tilespmem:s28+$0x0] =	vst.add.f32.msk $0xffff, v3;
	s28 =	sor.u32 $0x6270, s14  }
0x3c2: {  	[tilespmem:s29+$0x0] =	vst.add.f32.msk $0xffff, v3;
	s30 =	sadd.s32 s9, s28;
	s29 =	sor.u32 $0x62F0, s14  }
0x3c3: {  	s8 =	sor.u32 $0x6370, s14;
	[tilespmem:s30+$0x0] =	vst.add.f32.msk $0xffff, v3;
	s31 =	sadd.s32 s9, s29  }
0x3c4: {  	s14 =	sor.u32 $0x63F0, s14;
	s30 =	sadd.s32 s9, s8;
	[tilespmem:s31+$0x0] =	vst.add.f32.msk $0xffff, v3  }
0x3c5: {  	s31 =	sadd.s32 s9, s14;
	s9 =	sor.u32 $0x10, s9;
	[tilespmem:s30+$0x0] =	vst.add.f32.msk $0xffff, v3;
	s30 =	sand.u32 $0x380, s6  }
0x3c6: {  	[tilespmem:s31+$0x0] =	vst.add.f32.msk $0xffff, v3;
	s31 =	sor.u32 s9, s30  }
0x3c7: {  	v3 =	vld [tilespmem:s31+$0x19870];
	_ =	sdelay $0x3  }
0x3c8: {  	s1 =	sadd.s32 s9, s1  }
0x3c9: {  	[tilespmem:s1+$0x0] =	vst.add.f32.msk $0xffff, v3  }
0x3ca: {  	s30 =	sor.u32 $0x100, s1;
	[tilespmem:s1+$0x80] =	vst.add.f32.msk $0xffff, v3  }
0x3cb: {  	[tilespmem:s30+$0x0] =	vst.add.f32.msk $0xffff, v3  }
0x3cc: {  	s31 =	sor.u32 $0x200, s1;
	[tilespmem:s1+$0x180] =	vst.add.f32.msk $0xffff, v3  }
0x3cd: {  	s30 =	sadd.s32 $0x10, s25;
	[tilespmem:s31+$0x0] =	vst.add.f32.msk $0xffff, v3  }
0x3ce: {  	s31 =	sor.u32 $0x300, s30;
	[tilespmem:s1+$0x280] =	vst.add.f32.msk $0xffff, v3  }
0x3cf: {  	s20 =	sor.u32 $0x380, s30;
	[tilespmem:s31+$0x1870] =	vst.add.f32.msk $0xffff, v3  }
0x3d0: {  	s25 =	sadd.s32 s9, s10;
	[tilespmem:s20+$0x1870] =	vst.add.f32.msk $0xffff, v3  }
0x3d1: {  	s30 =	sadd.s32 s9, s5;
	[tilespmem:s25+$0x0] =	vst.add.f32.msk $0xffff, v3  }
0x3d2: {  	s31 =	sadd.s32 s9, s12;
	[tilespmem:s30+$0x0] =	vst.add.f32.msk $0xffff, v3  }
0x3d3: {  	s5 =	sadd.s32 s9, s4;
	[tilespmem:s31+$0x0] =	vst.add.f32.msk $0xffff, v3  }
0x3d4: {  	s10 =	sadd.s32 s9, s13;
	[tilespmem:s5+$0x0] =	vst.add.f32.msk $0xffff, v3  }
0x3d5: {  	s11 =	sadd.s32 s9, s11;
	[tilespmem:s10+$0x0] =	vst.add.f32.msk $0xffff, v3  }
0x3d6: {  	s12 =	sadd.s32 s9, s16;
	[tilespmem:s11+$0x0] =	vst.add.f32.msk $0xffff, v3  }
0x3d7: {  	s13 =	sadd.s32 s9, s2;
	[tilespmem:s12+$0x0] =	vst.add.f32.msk $0xffff, v3  }
0x3d8: {  	s16 =	sadd.s32 s9, s17;
	[tilespmem:s13+$0x0] =	vst.add.f32.msk $0xffff, v3  }
0x3d9: {  	s17 =	sadd.s32 s9, s18;
	[tilespmem:s16+$0x0] =	vst.add.f32.msk $0xffff, v3  }
0x3da: {  	s18 =	sadd.s32 s9, s19;
	[tilespmem:s17+$0x0] =	vst.add.f32.msk $0xffff, v3  }
0x3db: {  	s19 =	sadd.s32 s9, s21;
	[tilespmem:s18+$0x0] =	vst.add.f32.msk $0xffff, v3  }
0x3dc: {  	s20 =	sadd.s32 s9, s3;
	[tilespmem:s19+$0x0] =	vst.add.f32.msk $0xffff, v3  }
0x3dd: {  	s21 =	sadd.s32 s9, s22;
	[tilespmem:s20+$0x0] =	vst.add.f32.msk $0xffff, v3  }
0x3de: {  	s22 =	sadd.s32 s9, s23;
	[tilespmem:s21+$0x0] =	vst.add.f32.msk $0xffff, v3  }
0x3df: {  	s23 =	sadd.s32 s9, s7;
	[tilespmem:s22+$0x0] =	vst.add.f32.msk $0xffff, v3  }
0x3e0: {  	s24 =	sadd.s32 s9, s24;
	[tilespmem:s23+$0x0] =	vst.add.f32.msk $0xffff, v3  }
0x3e1: {  	s25 =	sadd.s32 s9, s15;
	[tilespmem:s24+$0x0] =	vst.add.f32.msk $0xffff, v3  }
0x3e2: {  	s0 =	sadd.s32 s9, s0;
	[tilespmem:s25+$0x0] =	vst.add.f32.msk $0xffff, v3  }
0x3e3: {  	s2 =	sadd.s32 s9, s29;
	s4 =	simm.s32 $0x0;
	s30 =	sadd.s32 s9, s26;
	[tilespmem:s0+$0x0] =	vst.add.f32.msk $0xffff, v3  }
0x3e4: {  	s1 =	sadd.s32 s9, s8;
	s3 =	sadd.s32 s9, s14;
	s31 =	sadd.s32 s9, s28;
	[tilespmem:s30+$0x0] =	vst.add.f32.msk $0xffff, v3  }
0x3e5: {  	s5 =	simm.s32 $0x0;
	s22 =	simm.s32 $0x20;
	s0 =	simm.s32 $0x19890;
	[tilespmem:s31+$0x0] =	vst.add.f32.msk $0xffff, v3  }
.LBB2_12:
0x3e6: {  	[tilespmem:s2+$0x0] =	vst.add.f32.msk $0xffff, v3  }
0x3e7: {  	[tilespmem:s1+$0x0] =	vst.add.f32.msk $0xffff, v3  }
0x3e8: {  	[tilespmem:s3+$0x0] =	vst.add.f32.msk $0xffff, v3  }
0x3e9: {  	v3 =	vld [tilespmem:s0+$0x0]  }
0x3ea: {  	s6 =	sadd.s32 $0x100, s6  }
0x3eb: {  	s12 =	sand.u32 $0x1C00, s6  }
0x3ec: {  	s14 =	sand.u32 $0x60, s22;
	s24 =	sadd.s32 $0x1870, s12  }
0x3ed: {  	[dreg:$0x13] =	wrdreg s0;
	s4 =	sadd.s32 $0x1, s4;
	s0 =	sadd.s32 s14, s24  }
0x3ee: {  	[dreg:$0x17] =	wrdreg s4;
	[tilespmem:s0+$0x0] =	vst.add.f32.msk $0xffff, v3  }
0x3ef: {  	s31 =	rddreg [dreg:$0x17];
	s29 =	sor.u32 $0x100, s0;
	[tilespmem:s0+$0x80] =	vst.add.f32.msk $0xffff, v3  }
0x3f0: {  	s1 =	sand.u32 $0x3, s31;
	[tilespmem:s29+$0x0] =	vst.add.f32.msk $0xffff, v3  }
0x3f1: {  	s30 =	sadd.s32 $0x31F0, s12;
	s4 =	sshll.u32 s1, $0x5;
	s10 =	sor.u32 $0x200, s0;
	[tilespmem:s0+$0x180] =	vst.add.f32.msk $0xffff, v3  }
0x3f2: {  	[smem:$0x7BD] =	sst s30;
	s8 =	sadd.s32 s14, s30;
	s30 =	sadd.s32 s4, s6;
	[tilespmem:s10+$0x0] =	vst.add.f32.msk $0xffff, v3  }
0x3f3: {  	s16 =	sor.u32 s6, s22;
	s15 =	sor.u32 $0x300, s30;
	[tilespmem:s0+$0x280] =	vst.add.f32.msk $0xffff, v3  }
0x3f4: {  	s17 =	sor.u32 $0x380, s16;
	s18 =	sadd.s32 $0x3070, s12;
	[tilespmem:s15+$0x1870] =	vst.add.f32.msk $0xffff, v3  }
0x3f5: {  	s25 =	sadd.s32 $0x30F0, s12;
	s19 =	sadd.s32 s14, s18;
	[tilespmem:s17+$0x1870] =	vst.add.f32.msk $0xffff, v3  }
0x3f6: {  	s28 =	sadd.s32 $0x3170, s12;
	s26 =	sadd.s32 s14, s25;
	[tilespmem:s19+$0x0] =	vst.add.f32.msk $0xffff, v3  }
0x3f7: {  	s7 =	sadd.s32 s14, s28;
	[tilespmem:s26+$0x0] =	vst.add.f32.msk $0xffff, v3  }
0x3f8: {  	s5 =	sadd.s32 $0x2, s5;
	s9 =	sadd.s32 $0x3270, s12;
	[tilespmem:s7+$0x0] =	vst.add.f32.msk $0xffff, v3  }
0x3f9: {  	s11 =	sadd.s32 $0x32F0, s12;
	[smem:$0x7BE] =	sst s9;
	s9 =	sadd.s32 s14, s9;
	[tilespmem:s8+$0x0] =	vst.add.f32.msk $0xffff, v3  }
0x3fa: {  	s13 =	sadd.s32 $0x3370, s12;
	[smem:$0x7C1] =	sst s11;
	s11 =	sadd.s32 s14, s11;
	[tilespmem:s9+$0x0] =	vst.add.f32.msk $0xffff, v3  }
0x3fb: {  	[dreg:$0xe] =	wrdreg s5;
	s21 =	sadd.s32 $0x33F0, s12;
	s20 =	sadd.s32 s14, s13;
	[tilespmem:s11+$0x0] =	vst.add.f32.msk $0xffff, v3  }
0x3fc: {  	s23 =	sadd.s32 $0x4870, s12;
	[smem:$0x7BC] =	sst s28;
	s28 =	sadd.s32 s14, s21;
	[tilespmem:s20+$0x0] =	vst.add.f32.msk $0xffff, v3  }
0x3fd: {  	[smem:$0x7BA] =	sst s24;
	s24 =	sadd.s32 s14, s23;
	s17 =	sadd.s32 $0x48F0, s12;
	[tilespmem:s28+$0x0] =	vst.add.f32.msk $0xffff, v3  }
0x3fe: {  	[dreg:$0x9] =	wrdreg s6;
	s2 =	sadd.s32 $0x4970, s12;
	s15 =	sadd.s32 s14, s17;
	[tilespmem:s24+$0x0] =	vst.add.f32.msk $0xffff, v3  }
0x3ff: {  	[dreg:$0x1c] =	wrdreg s25;
	s25 =	sadd.s32 s14, s2;
	s4 =	sadd.s32 $0x49F0, s12;
	[tilespmem:s15+$0x0] =	vst.add.f32.msk $0xffff, v3  }
0x400: {  	[smem:$0x7BB] =	sst s18;
	s18 =	sadd.s32 $0x4A70, s12;
	s6 =	sadd.s32 s14, s4;
	[tilespmem:s25+$0x0] =	vst.add.f32.msk $0xffff, v3  }
0x401: {  	[smem:$0x7C3] =	sst s21;
	s21 =	sadd.s32 s14, s18;
	s7 =	sadd.s32 $0x4AF0, s12;
	[tilespmem:s6+$0x0] =	vst.add.f32.msk $0xffff, v3  }
0x402: {  	p1 =	slt.u32 s5, $0x2E;
	s3 =	sadd.s32 $0x4B70, s12;
	s5 =	sadd.s32 s14, s7;
	[tilespmem:s21+$0x0] =	vst.add.f32.msk $0xffff, v3  }
0x403: {  	s16 =	sadd.s32 s14, s3;
	s26 =	sadd.s32 $0x4BF0, s12;
	[tilespmem:s5+$0x0] =	vst.add.f32.msk $0xffff, v3  }
0x404: {  	s0 =	sor.u32 $0x6070, s12;
	[smem:$0x7C0] =	sst s17;
	s17 =	sadd.s32 s14, s26;
	[tilespmem:s16+$0x0] =	vst.add.f32.msk $0xffff, v3  }
0x405: {  	[smem:$0x7C4] =	sst s18;
	s29 =	sor.u32 $0x60F0, s12;
	s18 =	sadd.s32 s14, s0;
	[tilespmem:s17+$0x0] =	vst.add.f32.msk $0xffff, v3  }
0x406: {  	[smem:$0x7BF] =	sst s23;
	s31 =	sor.u32 $0x6170, s12;
	s23 =	sadd.s32 s14, s29;
	[tilespmem:s18+$0x0] =	vst.add.f32.msk $0xffff, v3  }
0x407: {  	s19 =	sadd.s32 s14, s31;
	s8 =	sor.u32 $0x61F0, s12;
	[tilespmem:s23+$0x0] =	vst.add.f32.msk $0xffff, v3  }
0x408: {  	[smem:$0x7C2] =	sst s13;
	s9 =	sor.u32 $0x6270, s12;
	s13 =	sadd.s32 s14, s8;
	[tilespmem:s19+$0x0] =	vst.add.f32.msk $0xffff, v3  }
0x409: {  	s10 =	sadd.s32 s14, s9;
	s20 =	sor.u32 $0x62F0, s12;
	[tilespmem:s13+$0x0] =	vst.add.f32.msk $0xffff, v3  }
0x40a: {  	s11 =	sor.u32 $0x6370, s12;
	s1 =	sadd.s32 s14, s20;
	[tilespmem:s10+$0x0] =	vst.add.f32.msk $0xffff, v3  }
0x40b: {  	s28 =	sor.u32 $0x63F0, s12;
	s15 =	sadd.s32 s14, s11;
	[tilespmem:s1+$0x0] =	vst.add.f32.msk $0xffff, v3  }
0x40c: {  	s24 =	sadd.s32 s14, s28;
	s19 =	sand.u32 $0x380, s22;
	s10 =	sor.u32 $0x10, s14;
	[tilespmem:s15+$0x0] =	vst.add.f32.msk $0xffff, v3  }
0x40d: {  	s1 =	sor.u32 s10, s19;
	[tilespmem:s24+$0x0] =	vst.add.f32.msk $0xffff, v3  }
0x40e: {  	v3 =	vld [tilespmem:s1+$0x19870]  }
0x40f: {  	s21 =	sld [smem:$0x7BA];
	_ =	sdelay $0x1  }
0x410: {  	s12 =	sadd.s32 $0x10, s30;
	s30 =	sld [smem:$0x7BE]  }
0x411: {  	s25 =	sld [smem:$0x7BD];
	s17 =	sadd.s32 s10, s21  }
0x412: {  	s15 =	sadd.s32 s10, s2;
	s2 =	sadd.s32 s10, s20;
	s20 =	sld [smem:$0x7C1];
	[tilespmem:s17+$0x0] =	vst.add.f32.msk $0xffff, v3  }
0x413: {  	s23 =	sld [smem:$0x7BB];
	s14 =	sadd.s32 s10, s3;
	s3 =	sor.u32 $0x100, s17;
	[tilespmem:s17+$0x80] =	vst.add.f32.msk $0xffff, v3  }
0x414: {  	s6 =	sld [smem:$0x7BF];
	s16 =	sadd.s32 s10, s0;
	[tilespmem:s3+$0x0] =	vst.add.f32.msk $0xffff, v3  }
0x415: {  	s0 =	sadd.s32 s10, s9;
	s9 =	sadd.s32 s10, s20;
	s20 =	sor.u32 $0x200, s17;
	[tilespmem:s17+$0x180] =	vst.add.f32.msk $0xffff, v3  }
0x416: {  	s18 =	sadd.s32 s10, s23;
	s23 =	sadd.s32 s10, s30;
	s24 =	sld [smem:$0x7BC];
	[tilespmem:s20+$0x0] =	vst.add.f32.msk $0xffff, v3  }
0x417: {  	s30 =	sadd.s32 s10, s4;
	s3 =	sadd.s32 s10, s28;
	s28 =	sor.u32 $0x300, s12;
	[tilespmem:s17+$0x280] =	vst.add.f32.msk $0xffff, v3  }
0x418: {  	s1 =	sadd.s32 s10, s11;
	s11 =	rddreg [dreg:$0x1c];
	s12 =	sor.u32 $0x380, s12;
	[tilespmem:s28+$0x1870] =	vst.add.f32.msk $0xffff, v3  }
0x419: {  	s4 =	sadd.s32 s10, s8;
	s8 =	sadd.s32 s10, s11;
	s19 =	sadd.s32 s10, s24;
	[tilespmem:s12+$0x1870] =	vst.add.f32.msk $0xffff, v3  }
0x41a: {  	s24 =	sadd.s32 s10, s6;
	s6 =	sadd.s32 s10, s7;
	s7 =	sld [smem:$0x7C0];
	[tilespmem:s18+$0x0] =	vst.add.f32.msk $0xffff, v3  }
0x41b: {  	[tilespmem:s8+$0x0] =	vst.add.f32.msk $0xffff, v3  }
0x41c: {  	s21 =	sadd.s32 s10, s25;
	s5 =	sadd.s32 s10, s26;
	s26 =	sld [smem:$0x7C2];
	[tilespmem:s19+$0x0] =	vst.add.f32.msk $0xffff, v3  }
0x41d: {  	s25 =	sadd.s32 s10, s7;
	s7 =	sadd.s32 s10, s29;
	s29 =	sld [smem:$0x7C3];
	[tilespmem:s21+$0x0] =	vst.add.f32.msk $0xffff, v3  }
0x41e: {  	[tilespmem:s23+$0x0] =	vst.add.f32.msk $0xffff, v3  }
0x41f: {  	s11 =	sadd.s32 s10, s26;
	[tilespmem:s9+$0x0] =	vst.add.f32.msk $0xffff, v3  }
0x420: {  	s26 =	sadd.s32 s10, s29;
	[tilespmem:s11+$0x0] =	vst.add.f32.msk $0xffff, v3  }
0x421: {  	[tilespmem:s26+$0x0] =	vst.add.f32.msk $0xffff, v3  }
0x422: {  	s13 =	sadd.s32 s10, s31;
	s31 =	sld [smem:$0x7C4];
	[tilespmem:s24+$0x0] =	vst.add.f32.msk $0xffff, v3  }
0x423: {  	[tilespmem:s25+$0x0] =	vst.add.f32.msk $0xffff, v3  }
0x424: {  	[tilespmem:s15+$0x0] =	vst.add.f32.msk $0xffff, v3  }
0x425: {  	s29 =	sadd.s32 s10, s31;
	[tilespmem:s30+$0x0] =	vst.add.f32.msk $0xffff, v3  }
0x426: {  	[tilespmem:s29+$0x0] =	vst.add.f32.msk $0xffff, v3  }
0x427: {  	[tilespmem:s6+$0x0] =	vst.add.f32.msk $0xffff, v3  }
0x428: {  	[tilespmem:s14+$0x0] =	vst.add.f32.msk $0xffff, v3  }
0x429: {  	[tilespmem:s5+$0x0] =	vst.add.f32.msk $0xffff, v3  }
.Ltmp5:
0x42a: {  	[tilespmem:s16+$0x0] =	vst.add.f32.msk $0xffff, v3;
	(pc) =	sbr.rel @p1 .LBB2_12-.Ltmp5, $4  }
0x42b: {  	s31 =	rddreg [dreg:$0x13];
	[tilespmem:s7+$0x0] =	vst.add.f32.msk $0xffff, v3  }
0x42c: {  	s6 =	rddreg [dreg:$0x9];
	[tilespmem:s13+$0x0] =	vst.add.f32.msk $0xffff, v3  }
0x42d: {  	s5 =	rddreg [dreg:$0xe];
	[tilespmem:s4+$0x0] =	vst.add.f32.msk $0xffff, v3  }
0x42e: {  	s22 =	sadd.s32 $0x20, s22;
	s4 =	rddreg [dreg:$0x17];
	[tilespmem:s0+$0x0] =	vst.add.f32.msk $0xffff, v3;
	s0 =	sadd.s32 $0x20, s31  }
0x42f: {  	[tilespmem:s2+$0x0] =	vst.add.f32.msk $0xffff, v3;
	s0 =	sld [smem:$0x7FB]  }
0x430: {  	[tilespmem:s1+$0x0] =	vst.add.f32.msk $0xffff, v3  }
0x431: {  	s9 =	simm.s32 $0x0;
	s28 =	simm.s32 $0x8;
	[tilespmem:s3+$0x0] =	vst.add.f32.msk $0xffff, v3;
	s3 =	simm.s32 $0x1870  }
0x432: {  	[hbm4b:s0+s9] =	stream.linear.scatter [tilespmem:s3], [sflag:$0x5], $0x6000, $0x38;
	[tilespmem:$0x1A470] =	vst v63  }
0x433: {  	_ =	swait.ge [sflag:s28], $0x6000  }
0x434: {  	[sflag:s28] =	ssyncset.done $0x0  }
0x435: {  	s29 =	simm.s32 $0x5;
	[sflag:s28] =	ssyncadd.s32 $0xFFFFA000  }
0x436: {  	_ =	swait.ge [sflag:s29], $0x6000  }
0x437: {  	s30 =	sld [smem:$0x7F3]  }
0x438: {  	s31 =	sld [smem:$0x7FC];
	_ =	sdelay $0x1  }
0x439: {  	s2 =	sadd.s32 $0x1, s30  }
0x43a: {  	p1 =	sne.s32 s2, s31  }
.Ltmp6:
0x43b: {  	_ = 	snop;
	(pc) =	sbr.rel @p1 .LBB2_1-.Ltmp6, $3  }
0x43c: {  	_ =	sdelay $0x1  }
0x43d: {  	[sflag:s29] =	ssyncset.done $0x0  }
0x43e: {  	[sflag:s29] =	ssyncadd.s32 $0xFFFFA000  }
0x43f: {  	_ =	sfence.sel $0x180000  }
0x440: {  	[bflag:$0x0] =	sbarrier.arrive $0xFFFF  }
0x441: {  	_ =	strace $0x90000047  }
0x442: {  	[bflag:$0x2] =	sbarrier.arrive $0xFFFF  }
0x443: {  	s0 =	rddreg [dreg:$0x4]  }
0x444: {  	s0 =	sadd.s32 @!p0 $0x100000, s0  }
0x445: {  	[sflag:s0] =	ssyncadd.tile.s32 @!p0 $0x1;
	_ =	shalt  }
.Lfunc_end2:
_tile_overlayer_lowered:
.L_overlay_start_2:
0x446: {  	(tag) =	ssettag $0x2  }
0x447: {  	s0 =	rddreg [dreg:$0x0];
	s2 =	stileid.u32  }
0x448: {  	s1 =	rddreg [dreg:$0x1];
	p0 =	sne.s32 s2, $0x0  }
0x449: {  	s3 =	rddreg [dreg:$0x2];
	[bflag:$0x3] =	sbarrier.arrive $0xFFFF;
	s2 =	simm.s32 @!p0 $0x1C0D  }
0x44a: {  	[timem:s3], [sflag:s2] =	dma.local @!p0 [hbm:s0], s1  }
0x44b: {  	s0 =	simm.s32 @!p0 $0xD  }
0x44c: {  	_ =	swait.ge @!p0 [sflag:s0], s1  }
0x44d: {  	s1 =	ssub.s32 @!p0 $0x0, s1;
	[sflag:s0] =	ssyncset.done @!p0 $0x0  }
0x44e: {  	[sflag:s0] =	ssyncadd.s32 @!p0 s1  }
0x44f: {  	[bflag:$0x3] =	sbarrier.arrive $0xFFFF  }
0x450: {  	_ =	shalt  }

</sc_bundles>
